<compile_context>
chip_gen: v7x
topology: tpu7x:2x2x1
jax: 0.10.2.dev20260603
libtpu: 0.0.44.dev20260713+nightly
codegen_flags: <defaults>
</compile_context>

<pallas_src>
import functools

import jax
import jax.numpy as jnp
from jax import lax
from jax.experimental import pallas as pl
from jax.experimental.pallas import tpu as pltpu
from jax.experimental.pallas import tpu_sc as plsc

_NC, _NS, _LANES = 2, 16, 16
_NW = _NC * _NS


def kernel(tokens, pos_emb):
    B, L, D = tokens.shape
    rows_per_w = L // _NW
    C = 16
    n_q = rows_per_w // C
    items = [(q, b) for q in range(n_q) for b in range(B)]
    n_items = len(items)
    NBUF = 5
    LOOK = 3

    tok2d = tokens.reshape(B * L, D)

    mesh = plsc.VectorSubcoreMesh(core_axis_name="c", subcore_axis_name="s")

    @functools.partial(
        pl.kernel,
        out_type=jax.ShapeDtypeStruct((B * L, D), jnp.float32),
        mesh=mesh,
        scratch_types=[
            [pltpu.VMEM((C, D), jnp.float32) for _ in range(2)],
            [pltpu.VMEM((C, D), jnp.float32) for _ in range(NBUF)],
            [pltpu.SemaphoreType.DMA for _ in range(2)],
            [pltpu.SemaphoreType.DMA for _ in range(2 * NBUF)],
        ],
    )
    def sc_add(tok_hbm, pe_hbm, out_hbm, pe_bufs, bufs, pe_sems, sems):
        wid = lax.axis_index("s") * _NC + lax.axis_index("c")
        base = wid * rows_per_w

        def tok_row(k):
            q, b = items[k]
            return b * L + base + q * C

        def pe_fetch(q):
            return pltpu.async_copy(
                pe_hbm.at[pl.ds(base + q * C, C)], pe_bufs[q % 2], pe_sems[q % 2]
            )

        in_d = [None] * (n_items + NBUF)
        out_d = [None] * n_items
        pe_d = [None] * (n_q + 1)
        pe_d[0] = pe_fetch(0)
        for k in range(LOOK):
            in_d[k] = pltpu.async_copy(
                tok_hbm.at[pl.ds(tok_row(k), C)], bufs[k % NBUF], sems[k % NBUF]
            )
        for k in range(n_items):
            p = k % NBUF
            q, b = items[k]
            if b == 0:
                pe_d[q].wait()
                if q + 1 < n_q:
                    pe_d[q + 1] = pe_fetch(q + 1)
            if k + LOOK < n_items:
                if k + LOOK >= NBUF:
                    out_d[k + LOOK - NBUF].wait()
                in_d[k + LOOK] = pltpu.async_copy(
                    tok_hbm.at[pl.ds(tok_row(k + LOOK), C)],
                    bufs[(k + LOOK) % NBUF],
                    sems[(k + LOOK) % NBUF],
                )
            in_d[k].wait()
            pe_buf = pe_bufs[q % 2]

            @plsc.parallel_loop(0, C * D, step=_LANES, unroll=4)
            def _(i):
                r = i // D
                j = i % D
                plsc.addupdate(
                    bufs[p].at[r, pl.ds(j, _LANES)],
                    pe_buf[r, pl.ds(j, _LANES)],
                )

            out_d[k] = pltpu.async_copy(
                bufs[p], out_hbm.at[pl.ds(tok_row(k), C)], sems[NBUF + p]
            )
        for k in range(n_items - NBUF, n_items):
            out_d[k].wait()

    out = sc_add(tok2d, pos_emb)
    return out.reshape(B, L, D)

# --- scband reference (transcript-rebuilt; emitter-appended) ---
"""Pipeline reference for scband-waro-pe-64201171141175 (READ-ONLY COPY).

The authoritative reference and input builder live on the scoring server;
editing this copy changes nothing except your own understanding.
"""

import jax, jax.numpy as jnp
import numpy as np


def setup_inputs(seed: int = 0) -> dict:
    key = jax.random.key(seed)
    k1, k2 = jax.random.split(key)
    tokens = jax.random.normal(k1, (4, 4096, 1024), dtype=jnp.float32)
    pos_emb = jax.random.normal(k2, (8192, 1024), dtype=jnp.float32) * 0.02
    return {"tokens": tokens, "pos_emb": pos_emb}


def reference(tokens, pos_emb):
    # positions = arange(seq_len), gather rows from the embedding table,
    # broadcast-add over the batch dimension (unsqueeze(0) in torch).
    seq_len = tokens.shape[1]
    positions = jnp.arange(seq_len)
    pe = jnp.take(pos_emb, positions, axis=0)  # [L, d_model]
    return tokens + pe[None, :, :]

if __name__ == "__main__":
    import jax
    _d = setup_inputs()
    print(jax.jit(kernel)(*tuple(_d.values())))

</pallas_src>

<mosaic_0001>
#map = affine_map<(d0, d1) -> (0, 0)>
module attributes {stable_mosaic.version = 14 : i64} {
  func.func @sc_add(%arg0: i32, %arg1: i32, %arg2: memref<16384x1024xf32, #tpu.memory_space<hbm>>, %arg3: memref<8192x1024xf32, #tpu.memory_space<hbm>>, %arg4: memref<16384x1024xf32, #tpu.memory_space<hbm>>, %arg5: memref<16x1024xf32, #tpu.memory_space<vmem>>, %arg6: memref<16x1024xf32, #tpu.memory_space<vmem>>, %arg7: memref<16x1024xf32, #tpu.memory_space<vmem>>, %arg8: memref<16x1024xf32, #tpu.memory_space<vmem>>, %arg9: memref<16x1024xf32, #tpu.memory_space<vmem>>, %arg10: memref<16x1024xf32, #tpu.memory_space<vmem>>, %arg11: memref<16x1024xf32, #tpu.memory_space<vmem>>, %arg12: memref<!tpu.dma_semaphore, #tpu.memory_space<semaphore_mem>>, %arg13: memref<!tpu.dma_semaphore, #tpu.memory_space<semaphore_mem>>, %arg14: memref<!tpu.dma_semaphore, #tpu.memory_space<semaphore_mem>>, %arg15: memref<!tpu.dma_semaphore, #tpu.memory_space<semaphore_mem>>, %arg16: memref<!tpu.dma_semaphore, #tpu.memory_space<semaphore_mem>>, %arg17: memref<!tpu.dma_semaphore, #tpu.memory_space<semaphore_mem>>, %arg18: memref<!tpu.dma_semaphore, #tpu.memory_space<semaphore_mem>>, %arg19: memref<!tpu.dma_semaphore, #tpu.memory_space<semaphore_mem>>, %arg20: memref<!tpu.dma_semaphore, #tpu.memory_space<semaphore_mem>>, %arg21: memref<!tpu.dma_semaphore, #tpu.memory_space<semaphore_mem>>, %arg22: memref<!tpu.dma_semaphore, #tpu.memory_space<semaphore_mem>>, %arg23: memref<!tpu.dma_semaphore, #tpu.memory_space<semaphore_mem>>) attributes {dimension_semantics = [#tpu.dimension_semantics<core_parallel>, #tpu.dimension_semantics<subcore_parallel>], iteration_bounds = array<i64: 2, 16>, scalar_prefetch = 0 : i64, scratch_operands = 19 : i64, tpu.core_type = #tpu.core_type<sc_vector_subcore>, window_params = [{transform_indices = #map}, {transform_indices = #map}, {transform_indices = #map}]} {
    %mul3A = arith.constant 2 : i32
    %mul3A_0 = arith.muli %arg1, %mul3A : i32
    %add3A = arith.addi %mul3A_0, %arg0 : i32
    %mul3A_1 = arith.constant 128 : i32
    %mul3A_2 = arith.muli %add3A, %mul3A_1 : i32
    %add3A_3 = arith.constant 0 : i32
    %add3A_4 = arith.addi %mul3A_2, %add3A_3 : i32
    %dma_start3A = arith.constant 0 : i32
    %dma_start3A_5 = tpu.memref_slice %arg3[%add3A_4, %dma_start3A] : memref<8192x1024xf32, #tpu.memory_space<hbm>> -> memref<16x1024xf32, #tpu.memory_space<hbm>>
    %dma_start3A_6 = arith.constant 0 : i32
    %dma_start3A_7 = tpu.memref_slice %arg3[%add3A_4, %dma_start3A_6] : memref<8192x1024xf32, #tpu.memory_space<hbm>> -> memref<16x1024xf32, #tpu.memory_space<hbm>>
    tpu.enqueue_dma source(%dma_start3A_7 : memref<16x1024xf32, #tpu.memory_space<hbm>>) target(%arg5 : memref<16x1024xf32, #tpu.memory_space<vmem>>) target_semaphore(%arg12 : memref<!tpu.dma_semaphore, #tpu.memory_space<semaphore_mem>>)
    %add3A_8 = arith.constant 0 : i32
    %add3A_9 = arith.addi %add3A_8, %mul3A_2 : i32
    %add3A_10 = arith.constant 0 : i32
    %add3A_11 = arith.addi %add3A_9, %add3A_10 : i32
    %dma_start3A_12 = arith.constant 0 : i32
    %dma_start3A_13 = tpu.memref_slice %arg2[%add3A_11, %dma_start3A_12] : memref<16384x1024xf32, #tpu.memory_space<hbm>> -> memref<16x1024xf32, #tpu.memory_space<hbm>>
    %dma_start3A_14 = arith.constant 0 : i32
    %dma_start3A_15 = tpu.memref_slice %arg2[%add3A_11, %dma_start3A_14] : memref<16384x1024xf32, #tpu.memory_space<hbm>> -> memref<16x1024xf32, #tpu.memory_space<hbm>>
    tpu.enqueue_dma source(%dma_start3A_15 : memref<16x1024xf32, #tpu.memory_space<hbm>>) target(%arg7 : memref<16x1024xf32, #tpu.memory_space<vmem>>) target_semaphore(%arg14 : memref<!tpu.dma_semaphore, #tpu.memory_space<semaphore_mem>>)
    %add3A_16 = arith.constant 4096 : i32
    %add3A_17 = arith.addi %add3A_16, %mul3A_2 : i32
    %add3A_18 = arith.constant 0 : i32
    %add3A_19 = arith.addi %add3A_17, %add3A_18 : i32
    %dma_start3A_20 = arith.constant 0 : i32
    %dma_start3A_21 = tpu.memref_slice %arg2[%add3A_19, %dma_start3A_20] : memref<16384x1024xf32, #tpu.memory_space<hbm>> -> memref<16x1024xf32, #tpu.memory_space<hbm>>
    %dma_start3A_22 = arith.constant 0 : i32
    %dma_start3A_23 = tpu.memref_slice %arg2[%add3A_19, %dma_start3A_22] : memref<16384x1024xf32, #tpu.memory_space<hbm>> -> memref<16x1024xf32, #tpu.memory_space<hbm>>
    tpu.enqueue_dma source(%dma_start3A_23 : memref<16x1024xf32, #tpu.memory_space<hbm>>) target(%arg8 : memref<16x1024xf32, #tpu.memory_space<vmem>>) target_semaphore(%arg15 : memref<!tpu.dma_semaphore, #tpu.memory_space<semaphore_mem>>)
    %add3A_24 = arith.constant 8192 : i32
    %add3A_25 = arith.addi %add3A_24, %mul3A_2 : i32
    %add3A_26 = arith.constant 0 : i32
    %add3A_27 = arith.addi %add3A_25, %add3A_26 : i32
    %dma_start3A_28 = arith.constant 0 : i32
    %dma_start3A_29 = tpu.memref_slice %arg2[%add3A_27, %dma_start3A_28] : memref<16384x1024xf32, #tpu.memory_space<hbm>> -> memref<16x1024xf32, #tpu.memory_space<hbm>>
    %dma_start3A_30 = arith.constant 0 : i32
    %dma_start3A_31 = tpu.memref_slice %arg2[%add3A_27, %dma_start3A_30] : memref<16384x1024xf32, #tpu.memory_space<hbm>> -> memref<16x1024xf32, #tpu.memory_space<hbm>>
    tpu.enqueue_dma source(%dma_start3A_31 : memref<16x1024xf32, #tpu.memory_space<hbm>>) target(%arg9 : memref<16x1024xf32, #tpu.memory_space<vmem>>) target_semaphore(%arg16 : memref<!tpu.dma_semaphore, #tpu.memory_space<semaphore_mem>>)
    %dma_wait3A = arith.constant 0 : i32
    %dma_wait3A_32 = tpu.memref_slice %arg3[%add3A_4, %dma_wait3A] : memref<8192x1024xf32, #tpu.memory_space<hbm>> -> memref<16x1024xf32, #tpu.memory_space<hbm>>
    %dma_wait3A_33 = arith.constant 0 : i32
    %dma_wait3A_34 = tpu.memref_slice %arg3[%add3A_4, %dma_wait3A_33] : memref<8192x1024xf32, #tpu.memory_space<hbm>> -> memref<16x1024xf32, #tpu.memory_space<hbm>>
    tpu.wait_dma2 semaphore(%arg12 : memref<!tpu.dma_semaphore, #tpu.memory_space<semaphore_mem>>) src(%dma_wait3A_34 : memref<16x1024xf32, #tpu.memory_space<hbm>>) dst(%arg5 : memref<16x1024xf32, #tpu.memory_space<vmem>>)
    %add3A_35 = arith.constant 16 : i32
    %add3A_36 = arith.addi %mul3A_2, %add3A_35 : i32
    %dma_start3A_37 = arith.constant 0 : i32
    %dma_start3A_38 = tpu.memref_slice %arg3[%add3A_36, %dma_start3A_37] : memref<8192x1024xf32, #tpu.memory_space<hbm>> -> memref<16x1024xf32, #tpu.memory_space<hbm>>
    %dma_start3A_39 = arith.constant 0 : i32
    %dma_start3A_40 = tpu.memref_slice %arg3[%add3A_36, %dma_start3A_39] : memref<8192x1024xf32, #tpu.memory_space<hbm>> -> memref<16x1024xf32, #tpu.memory_space<hbm>>
    tpu.enqueue_dma source(%dma_start3A_40 : memref<16x1024xf32, #tpu.memory_space<hbm>>) target(%arg6 : memref<16x1024xf32, #tpu.memory_space<vmem>>) target_semaphore(%arg13 : memref<!tpu.dma_semaphore, #tpu.memory_space<semaphore_mem>>)
    %add3A_41 = arith.constant 12288 : i32
    %add3A_42 = arith.addi %add3A_41, %mul3A_2 : i32
    %add3A_43 = arith.constant 0 : i32
    %add3A_44 = arith.addi %add3A_42, %add3A_43 : i32
    %dma_start3A_45 = arith.constant 0 : i32
    %dma_start3A_46 = tpu.memref_slice %arg2[%add3A_44, %dma_start3A_45] : memref<16384x1024xf32, #tpu.memory_space<hbm>> -> memref<16x1024xf32, #tpu.memory_space<hbm>>
    %dma_start3A_47 = arith.constant 0 : i32
    %dma_start3A_48 = tpu.memref_slice %arg2[%add3A_44, %dma_start3A_47] : memref<16384x1024xf32, #tpu.memory_space<hbm>> -> memref<16x1024xf32, #tpu.memory_space<hbm>>
    tpu.enqueue_dma source(%dma_start3A_48 : memref<16x1024xf32, #tpu.memory_space<hbm>>) target(%arg10 : memref<16x1024xf32, #tpu.memory_space<vmem>>) target_semaphore(%arg17 : memref<!tpu.dma_semaphore, #tpu.memory_space<semaphore_mem>>)
    %dma_wait3A_49 = arith.constant 0 : i32
    %dma_wait3A_50 = tpu.memref_slice %arg2[%add3A_11, %dma_wait3A_49] : memref<16384x1024xf32, #tpu.memory_space<hbm>> -> memref<16x1024xf32, #tpu.memory_space<hbm>>
    %dma_wait3A_51 = arith.constant 0 : i32
    %dma_wait3A_52 = tpu.memref_slice %arg2[%add3A_11, %dma_wait3A_51] : memref<16384x1024xf32, #tpu.memory_space<hbm>> -> memref<16x1024xf32, #tpu.memory_space<hbm>>
    tpu.wait_dma2 semaphore(%arg14 : memref<!tpu.dma_semaphore, #tpu.memory_space<semaphore_mem>>) src(%dma_wait3A_52 : memref<16x1024xf32, #tpu.memory_space<hbm>>) dst(%arg7 : memref<16x1024xf32, #tpu.memory_space<vmem>>)
    %parallel_loop3A = arith.constant 0 : i32
    %parallel_loop3A_53 = arith.constant 16384 : i32
    %parallel_loop3A_54 = arith.constant 16 : i32
    scf.for %parallel_loop3A_944 = %parallel_loop3A to %parallel_loop3A_53 step %parallel_loop3A_54  : i32 {
      %parallel_loop3A_945 = arith.constant 1024 : i32
      %parallel_loop3A_946 = arith.divsi %parallel_loop3A_944, %parallel_loop3A_945 : i32
      %parallel_loop3A_947 = arith.constant 0 : i32
      %parallel_loop3A_948 = arith.cmpi sgt, %parallel_loop3A_944, %parallel_loop3A_947 : i32
      %parallel_loop3A_949 = arith.extui %parallel_loop3A_948 : i1 to i32
      %parallel_loop3A_950 = arith.constant 0 : i32
      %parallel_loop3A_951 = arith.cmpi slt, %parallel_loop3A_944, %parallel_loop3A_950 : i32
      %parallel_loop3A_952 = arith.extui %parallel_loop3A_951 : i1 to i32
      %parallel_loop3A_953 = arith.subi %parallel_loop3A_949, %parallel_loop3A_952 : i32
      %parallel_loop3A_954 = arith.constant 0 : i32
      %parallel_loop3A_955 = arith.cmpi sgt, %parallel_loop3A_945, %parallel_loop3A_954 : i32
      %parallel_loop3A_956 = arith.extui %parallel_loop3A_955 : i1 to i32
      %parallel_loop3A_957 = arith.constant 0 : i32
      %parallel_loop3A_958 = arith.cmpi slt, %parallel_loop3A_945, %parallel_loop3A_957 : i32
      %parallel_loop3A_959 = arith.extui %parallel_loop3A_958 : i1 to i32
      %parallel_loop3A_960 = arith.subi %parallel_loop3A_956, %parallel_loop3A_959 : i32
      %parallel_loop3A_961 = arith.cmpi ne, %parallel_loop3A_953, %parallel_loop3A_960 : i32
      %parallel_loop3A_962 = arith.remsi %parallel_loop3A_944, %parallel_loop3A_945 : i32
      %parallel_loop3A_963 = arith.constant 0 : i32
      %parallel_loop3A_964 = arith.cmpi ne, %parallel_loop3A_962, %parallel_loop3A_963 : i32
      %parallel_loop3A_965 = arith.andi %parallel_loop3A_961, %parallel_loop3A_964 : i1
      %parallel_loop3A_966 = arith.constant 1 : i32
      %parallel_loop3A_967 = arith.subi %parallel_loop3A_946, %parallel_loop3A_966 : i32
      %parallel_loop3A_968 = arith.select %parallel_loop3A_965, %parallel_loop3A_967, %parallel_loop3A_946 : i32
      %parallel_loop3A_969 = arith.constant 1024 : i32
      %parallel_loop3A_970 = arith.constant 0 : i32
      %parallel_loop3A_971 = arith.cmpi eq, %parallel_loop3A_969, %parallel_loop3A_970 : i32
      %parallel_loop3A_972 = arith.constant 1 : i32
      %parallel_loop3A_973 = arith.select %parallel_loop3A_971, %parallel_loop3A_972, %parallel_loop3A_969 : i32
      %parallel_loop3A_974 = arith.remsi %parallel_loop3A_944, %parallel_loop3A_973 : i32
      %parallel_loop3A_975 = arith.constant 0 : i32
      %parallel_loop3A_976 = arith.cmpi ne, %parallel_loop3A_974, %parallel_loop3A_975 : i32
      %parallel_loop3A_977 = arith.constant 0 : i32
      %parallel_loop3A_978 = arith.cmpi slt, %parallel_loop3A_974, %parallel_loop3A_977 : i32
      %parallel_loop3A_979 = arith.constant 0 : i32
      %parallel_loop3A_980 = arith.cmpi slt, %parallel_loop3A_973, %parallel_loop3A_979 : i32
      %parallel_loop3A_981 = arith.xori %parallel_loop3A_978, %parallel_loop3A_980 : i1
      %parallel_loop3A_982 = arith.andi %parallel_loop3A_981, %parallel_loop3A_976 : i1
      %parallel_loop3A_983 = arith.addi %parallel_loop3A_974, %parallel_loop3A_973 : i32
      %parallel_loop3A_984 = arith.select %parallel_loop3A_982, %parallel_loop3A_983, %parallel_loop3A_974 : i32
      %parallel_loop3A_985 = arith.index_cast %parallel_loop3A_968 : i32 to index
      %parallel_loop3A_986 = arith.index_cast %parallel_loop3A_984 : i32 to index
      %parallel_loop3A_987 = tpu.vector_load %arg5[%parallel_loop3A_985, %parallel_loop3A_986] {strides = array<i32>} : memref<16x1024xf32, #tpu.memory_space<vmem>>, vector<1x16xf32>,
      %parallel_loop3A_988 = vector.shape_cast %parallel_loop3A_987 : vector<1x16xf32> to vector<16xf32>
      %parallel_loop3A_989 = arith.index_cast %parallel_loop3A_968 : i32 to index
      %parallel_loop3A_990 = arith.index_cast %parallel_loop3A_984 : i32 to index
      %parallel_loop3A_991 = tpu.vector_load %arg7[%parallel_loop3A_989, %parallel_loop3A_990] {strides = array<i32>} : memref<16x1024xf32, #tpu.memory_space<vmem>>, vector<1x16xf32>,
      %parallel_loop3A_992 = vector.shape_cast %parallel_loop3A_991 : vector<1x16xf32> to vector<16xf32>
      %parallel_loop3A_993 = vector.shape_cast %parallel_loop3A_988 : vector<16xf32> to vector<1x16xf32>
      tpu.vector_store %arg7[%parallel_loop3A_989, %parallel_loop3A_990], %parallel_loop3A_993 {add = true, strides = array<i32>} : memref<16x1024xf32, #tpu.memory_space<vmem>>, vector<1x16xf32>,
    } {sc.loop_unroll_factor = 4 : i64, sc.parallel_access}
    %add3A_55 = arith.constant 0 : i32
    %add3A_56 = arith.addi %add3A_55, %mul3A_2 : i32
    %add3A_57 = arith.constant 0 : i32
    %add3A_58 = arith.addi %add3A_56, %add3A_57 : i32
    %dma_start3A_59 = arith.constant 0 : i32
    %dma_start3A_60 = tpu.memref_slice %arg4[%add3A_58, %dma_start3A_59] : memref<16384x1024xf32, #tpu.memory_space<hbm>> -> memref<16x1024xf32, #tpu.memory_space<hbm>>
    %dma_start3A_61 = arith.constant 0 : i32
    %dma_start3A_62 = tpu.memref_slice %arg4[%add3A_58, %dma_start3A_61] : memref<16384x1024xf32, #tpu.memory_space<hbm>> -> memref<16x1024xf32, #tpu.memory_space<hbm>>
    tpu.enqueue_dma source(%arg7 : memref<16x1024xf32, #tpu.memory_space<vmem>>) target(%dma_start3A_62 : memref<16x1024xf32, #tpu.memory_space<hbm>>) target_semaphore(%arg19 : memref<!tpu.dma_semaphore, #tpu.memory_space<semaphore_mem>>)
    %add3A_63 = arith.constant 0 : i32
    %add3A_64 = arith.addi %add3A_63, %mul3A_2 : i32
    %add3A_65 = arith.constant 16 : i32
    %add3A_66 = arith.addi %add3A_64, %add3A_65 : i32
    %dma_start3A_67 = arith.constant 0 : i32
    %dma_start3A_68 = tpu.memref_slice %arg2[%add3A_66, %dma_start3A_67] : memref<16384x1024xf32, #tpu.memory_space<hbm>> -> memref<16x1024xf32, #tpu.memory_space<hbm>>
    %dma_start3A_69 = arith.constant 0 : i32
    %dma_start3A_70 = tpu.memref_slice %arg2[%add3A_66, %dma_start3A_69] : memref<16384x1024xf32, #tpu.memory_space<hbm>> -> memref<16x1024xf32, #tpu.memory_space<hbm>>
    tpu.enqueue_dma source(%dma_start3A_70 : memref<16x1024xf32, #tpu.memory_space<hbm>>) target(%arg11 : memref<16x1024xf32, #tpu.memory_space<vmem>>) target_semaphore(%arg18 : memref<!tpu.dma_semaphore, #tpu.memory_space<semaphore_mem>>)
    %dma_wait3A_71 = arith.constant 0 : i32
    %dma_wait3A_72 = tpu.memref_slice %arg2[%add3A_19, %dma_wait3A_71] : memref<16384x1024xf32, #tpu.memory_space<hbm>> -> memref<16x1024xf32, #tpu.memory_space<hbm>>
    %dma_wait3A_73 = arith.constant 0 : i32
    %dma_wait3A_74 = tpu.memref_slice %arg2[%add3A_19, %dma_wait3A_73] : memref<16384x1024xf32, #tpu.memory_space<hbm>> -> memref<16x1024xf32, #tpu.memory_space<hbm>>
    tpu.wait_dma2 semaphore(%arg15 : memref<!tpu.dma_semaphore, #tpu.memory_space<semaphore_mem>>) src(%dma_wait3A_74 : memref<16x1024xf32, #tpu.memory_space<hbm>>) dst(%arg8 : memref<16x1024xf32, #tpu.memory_space<vmem>>)
    %parallel_loop3A_75 = arith.constant 0 : i32
    %parallel_loop3A_76 = arith.constant 16384 : i32
    %parallel_loop3A_77 = arith.constant 16 : i32
    scf.for %parallel_loop3A_944 = %parallel_loop3A_75 to %parallel_loop3A_76 step %parallel_loop3A_77  : i32 {
      %parallel_loop3A_945 = arith.constant 1024 : i32
      %parallel_loop3A_946 = arith.divsi %parallel_loop3A_944, %parallel_loop3A_945 : i32
      %parallel_loop3A_947 = arith.constant 0 : i32
      %parallel_loop3A_948 = arith.cmpi sgt, %parallel_loop3A_944, %parallel_loop3A_947 : i32
      %parallel_loop3A_949 = arith.extui %parallel_loop3A_948 : i1 to i32
      %parallel_loop3A_950 = arith.constant 0 : i32
      %parallel_loop3A_951 = arith.cmpi slt, %parallel_loop3A_944, %parallel_loop3A_950 : i32
      %parallel_loop3A_952 = arith.extui %parallel_loop3A_951 : i1 to i32
      %parallel_loop3A_953 = arith.subi %parallel_loop3A_949, %parallel_loop3A_952 : i32
      %parallel_loop3A_954 = arith.constant 0 : i32
      %parallel_loop3A_955 = arith.cmpi sgt, %parallel_loop3A_945, %parallel_loop3A_954 : i32
      %parallel_loop3A_956 = arith.extui %parallel_loop3A_955 : i1 to i32
      %parallel_loop3A_957 = arith.constant 0 : i32
      %parallel_loop3A_958 = arith.cmpi slt, %parallel_loop3A_945, %parallel_loop3A_957 : i32
      %parallel_loop3A_959 = arith.extui %parallel_loop3A_958 : i1 to i32
      %parallel_loop3A_960 = arith.subi %parallel_loop3A_956, %parallel_loop3A_959 : i32
      %parallel_loop3A_961 = arith.cmpi ne, %parallel_loop3A_953, %parallel_loop3A_960 : i32
      %parallel_loop3A_962 = arith.remsi %parallel_loop3A_944, %parallel_loop3A_945 : i32
      %parallel_loop3A_963 = arith.constant 0 : i32
      %parallel_loop3A_964 = arith.cmpi ne, %parallel_loop3A_962, %parallel_loop3A_963 : i32
      %parallel_loop3A_965 = arith.andi %parallel_loop3A_961, %parallel_loop3A_964 : i1
      %parallel_loop3A_966 = arith.constant 1 : i32
      %parallel_loop3A_967 = arith.subi %parallel_loop3A_946, %parallel_loop3A_966 : i32
      %parallel_loop3A_968 = arith.select %parallel_loop3A_965, %parallel_loop3A_967, %parallel_loop3A_946 : i32
      %parallel_loop3A_969 = arith.constant 1024 : i32
      %parallel_loop3A_970 = arith.constant 0 : i32
      %parallel_loop3A_971 = arith.cmpi eq, %parallel_loop3A_969, %parallel_loop3A_970 : i32
      %parallel_loop3A_972 = arith.constant 1 : i32
      %parallel_loop3A_973 = arith.select %parallel_loop3A_971, %parallel_loop3A_972, %parallel_loop3A_969 : i32
      %parallel_loop3A_974 = arith.remsi %parallel_loop3A_944, %parallel_loop3A_973 : i32
      %parallel_loop3A_975 = arith.constant 0 : i32
      %parallel_loop3A_976 = arith.cmpi ne, %parallel_loop3A_974, %parallel_loop3A_975 : i32
      %parallel_loop3A_977 = arith.constant 0 : i32
      %parallel_loop3A_978 = arith.cmpi slt, %parallel_loop3A_974, %parallel_loop3A_977 : i32
      %parallel_loop3A_979 = arith.constant 0 : i32
      %parallel_loop3A_980 = arith.cmpi slt, %parallel_loop3A_973, %parallel_loop3A_979 : i32
      %parallel_loop3A_981 = arith.xori %parallel_loop3A_978, %parallel_loop3A_980 : i1
      %parallel_loop3A_982 = arith.andi %parallel_loop3A_981, %parallel_loop3A_976 : i1
      %parallel_loop3A_983 = arith.addi %parallel_loop3A_974, %parallel_loop3A_973 : i32
      %parallel_loop3A_984 = arith.select %parallel_loop3A_982, %parallel_loop3A_983, %parallel_loop3A_974 : i32
      %parallel_loop3A_985 = arith.index_cast %parallel_loop3A_968 : i32 to index
      %parallel_loop3A_986 = arith.index_cast %parallel_loop3A_984 : i32 to index
      %parallel_loop3A_987 = tpu.vector_load %arg5[%parallel_loop3A_985, %parallel_loop3A_986] {strides = array<i32>} : memref<16x1024xf32, #tpu.memory_space<vmem>>, vector<1x16xf32>,
      %parallel_loop3A_988 = vector.shape_cast %parallel_loop3A_987 : vector<1x16xf32> to vector<16xf32>
      %parallel_loop3A_989 = arith.index_cast %parallel_loop3A_968 : i32 to index
      %parallel_loop3A_990 = arith.index_cast %parallel_loop3A_984 : i32 to index
      %parallel_loop3A_991 = tpu.vector_load %arg8[%parallel_loop3A_989, %parallel_loop3A_990] {strides = array<i32>} : memref<16x1024xf32, #tpu.memory_space<vmem>>, vector<1x16xf32>,
      %parallel_loop3A_992 = vector.shape_cast %parallel_loop3A_991 : vector<1x16xf32> to vector<16xf32>
      %parallel_loop3A_993 = vector.shape_cast %parallel_loop3A_988 : vector<16xf32> to vector<1x16xf32>
      tpu.vector_store %arg8[%parallel_loop3A_989, %parallel_loop3A_990], %parallel_loop3A_993 {add = true, strides = array<i32>} : memref<16x1024xf32, #tpu.memory_space<vmem>>, vector<1x16xf32>,
    } {sc.loop_unroll_factor = 4 : i64, sc.parallel_access}
    %add3A_78 = arith.constant 4096 : i32
    %add3A_79 = arith.addi %add3A_78, %mul3A_2 : i32
    %add3A_80 = arith.constant 0 : i32
    %add3A_81 = arith.addi %add3A_79, %add3A_80 : i32
    %dma_start3A_82 = arith.constant 0 : i32
    %dma_start3A_83 = tpu.memref_slice %arg4[%add3A_81, %dma_start3A_82] : memref<16384x1024xf32, #tpu.memory_space<hbm>> -> memref<16x1024xf32, #tpu.memory_space<hbm>>
    %dma_start3A_84 = arith.constant 0 : i32
    %dma_start3A_85 = tpu.memref_slice %arg4[%add3A_81, %dma_start3A_84] : memref<16384x1024xf32, #tpu.memory_space<hbm>> -> memref<16x1024xf32, #tpu.memory_space<hbm>>
    tpu.enqueue_dma source(%arg8 : memref<16x1024xf32, #tpu.memory_space<vmem>>) target(%dma_start3A_85 : memref<16x1024xf32, #tpu.memory_space<hbm>>) target_semaphore(%arg20 : memref<!tpu.dma_semaphore, #tpu.memory_space<semaphore_mem>>)
    %dma_wait3A_86 = arith.constant 0 : i32
    %dma_wait3A_87 = tpu.memref_slice %arg4[%add3A_58, %dma_wait3A_86] : memref<16384x1024xf32, #tpu.memory_space<hbm>> -> memref<16x1024xf32, #tpu.memory_space<hbm>>
    %dma_wait3A_88 = arith.constant 0 : i32
    %dma_wait3A_89 = tpu.memref_slice %arg4[%add3A_58, %dma_wait3A_88] : memref<16384x1024xf32, #tpu.memory_space<hbm>> -> memref<16x1024xf32, #tpu.memory_space<hbm>>
    tpu.wait_dma2 semaphore(%arg19 : memref<!tpu.dma_semaphore, #tpu.memory_space<semaphore_mem>>) src(%arg7 : memref<16x1024xf32, #tpu.memory_space<vmem>>) dst(%dma_wait3A_89 : memref<16x1024xf32, #tpu.memory_space<hbm>>)
    %add3A_90 = arith.constant 4096 : i32
    %add3A_91 = arith.addi %add3A_90, %mul3A_2 : i32
    %add3A_92 = arith.constant 16 : i32
    %add3A_93 = arith.addi %add3A_91, %add3A_92 : i32
    %dma_start3A_94 = arith.constant 0 : i32
    %dma_start3A_95 = tpu.memref_slice %arg2[%add3A_93, %dma_start3A_94] : memref<16384x1024xf32, #tpu.memory_space<hbm>> -> memref<16x1024xf32, #tpu.memory_space<hbm>>
    %dma_start3A_96 = arith.constant 0 : i32
    %dma_start3A_97 = tpu.memref_slice %arg2[%add3A_93, %dma_start3A_96] : memref<16384x1024xf32, #tpu.memory_space<hbm>> -> memref<16x1024xf32, #tpu.memory_space<hbm>>
    tpu.enqueue_dma source(%dma_start3A_97 : memref<16x1024xf32, #tpu.memory_space<hbm>>) target(%arg7 : memref<16x1024xf32, #tpu.memory_space<vmem>>) target_semaphore(%arg14 : memref<!tpu.dma_semaphore, #tpu.memory_space<semaphore_mem>>)
    %dma_wait3A_98 = arith.constant 0 : i32
    %dma_wait3A_99 = tpu.memref_slice %arg2[%add3A_27, %dma_wait3A_98] : memref<16384x1024xf32, #tpu.memory_space<hbm>> -> memref<16x1024xf32, #tpu.memory_space<hbm>>
    %dma_wait3A_100 = arith.constant 0 : i32
    %dma_wait3A_101 = tpu.memref_slice %arg2[%add3A_27, %dma_wait3A_100] : memref<16384x1024xf32, #tpu.memory_space<hbm>> -> memref<16x1024xf32, #tpu.memory_space<hbm>>
    tpu.wait_dma2 semaphore(%arg16 : memref<!tpu.dma_semaphore, #tpu.memory_space<semaphore_mem>>) src(%dma_wait3A_101 : memref<16x1024xf32, #tpu.memory_space<hbm>>) dst(%arg9 : memref<16x1024xf32, #tpu.memory_space<vmem>>)
    %parallel_loop3A_102 = arith.constant 0 : i32
    %parallel_loop3A_103 = arith.constant 16384 : i32
    %parallel_loop3A_104 = arith.constant 16 : i32
    scf.for %parallel_loop3A_944 = %parallel_loop3A_102 to %parallel_loop3A_103 step %parallel_loop3A_104  : i32 {
      %parallel_loop3A_945 = arith.constant 1024 : i32
      %parallel_loop3A_946 = arith.divsi %parallel_loop3A_944, %parallel_loop3A_945 : i32
      %parallel_loop3A_947 = arith.constant 0 : i32
      %parallel_loop3A_948 = arith.cmpi sgt, %parallel_loop3A_944, %parallel_loop3A_947 : i32
      %parallel_loop3A_949 = arith.extui %parallel_loop3A_948 : i1 to i32
      %parallel_loop3A_950 = arith.constant 0 : i32
      %parallel_loop3A_951 = arith.cmpi slt, %parallel_loop3A_944, %parallel_loop3A_950 : i32
      %parallel_loop3A_952 = arith.extui %parallel_loop3A_951 : i1 to i32
      %parallel_loop3A_953 = arith.subi %parallel_loop3A_949, %parallel_loop3A_952 : i32
      %parallel_loop3A_954 = arith.constant 0 : i32
      %parallel_loop3A_955 = arith.cmpi sgt, %parallel_loop3A_945, %parallel_loop3A_954 : i32
      %parallel_loop3A_956 = arith.extui %parallel_loop3A_955 : i1 to i32
      %parallel_loop3A_957 = arith.constant 0 : i32
      %parallel_loop3A_958 = arith.cmpi slt, %parallel_loop3A_945, %parallel_loop3A_957 : i32
      %parallel_loop3A_959 = arith.extui %parallel_loop3A_958 : i1 to i32
      %parallel_loop3A_960 = arith.subi %parallel_loop3A_956, %parallel_loop3A_959 : i32
      %parallel_loop3A_961 = arith.cmpi ne, %parallel_loop3A_953, %parallel_loop3A_960 : i32
      %parallel_loop3A_962 = arith.remsi %parallel_loop3A_944, %parallel_loop3A_945 : i32
      %parallel_loop3A_963 = arith.constant 0 : i32
      %parallel_loop3A_964 = arith.cmpi ne, %parallel_loop3A_962, %parallel_loop3A_963 : i32
      %parallel_loop3A_965 = arith.andi %parallel_loop3A_961, %parallel_loop3A_964 : i1
      %parallel_loop3A_966 = arith.constant 1 : i32
      %parallel_loop3A_967 = arith.subi %parallel_loop3A_946, %parallel_loop3A_966 : i32
      %parallel_loop3A_968 = arith.select %parallel_loop3A_965, %parallel_loop3A_967, %parallel_loop3A_946 : i32
      %parallel_loop3A_969 = arith.constant 1024 : i32
      %parallel_loop3A_970 = arith.constant 0 : i32
      %parallel_loop3A_971 = arith.cmpi eq, %parallel_loop3A_969, %parallel_loop3A_970 : i32
      %parallel_loop3A_972 = arith.constant 1 : i32
      %parallel_loop3A_973 = arith.select %parallel_loop3A_971, %parallel_loop3A_972, %parallel_loop3A_969 : i32
      %parallel_loop3A_974 = arith.remsi %parallel_loop3A_944, %parallel_loop3A_973 : i32
      %parallel_loop3A_975 = arith.constant 0 : i32
      %parallel_loop3A_976 = arith.cmpi ne, %parallel_loop3A_974, %parallel_loop3A_975 : i32
      %parallel_loop3A_977 = arith.constant 0 : i32
      %parallel_loop3A_978 = arith.cmpi slt, %parallel_loop3A_974, %parallel_loop3A_977 : i32
      %parallel_loop3A_979 = arith.constant 0 : i32
      %parallel_loop3A_980 = arith.cmpi slt, %parallel_loop3A_973, %parallel_loop3A_979 : i32
      %parallel_loop3A_981 = arith.xori %parallel_loop3A_978, %parallel_loop3A_980 : i1
      %parallel_loop3A_982 = arith.andi %parallel_loop3A_981, %parallel_loop3A_976 : i1
      %parallel_loop3A_983 = arith.addi %parallel_loop3A_974, %parallel_loop3A_973 : i32
      %parallel_loop3A_984 = arith.select %parallel_loop3A_982, %parallel_loop3A_983, %parallel_loop3A_974 : i32
      %parallel_loop3A_985 = arith.index_cast %parallel_loop3A_968 : i32 to index
      %parallel_loop3A_986 = arith.index_cast %parallel_loop3A_984 : i32 to index
      %parallel_loop3A_987 = tpu.vector_load %arg5[%parallel_loop3A_985, %parallel_loop3A_986] {strides = array<i32>} : memref<16x1024xf32, #tpu.memory_space<vmem>>, vector<1x16xf32>,
      %parallel_loop3A_988 = vector.shape_cast %parallel_loop3A_987 : vector<1x16xf32> to vector<16xf32>
      %parallel_loop3A_989 = arith.index_cast %parallel_loop3A_968 : i32 to index
      %parallel_loop3A_990 = arith.index_cast %parallel_loop3A_984 : i32 to index
      %parallel_loop3A_991 = tpu.vector_load %arg9[%parallel_loop3A_989, %parallel_loop3A_990] {strides = array<i32>} : memref<16x1024xf32, #tpu.memory_space<vmem>>, vector<1x16xf32>,
      %parallel_loop3A_992 = vector.shape_cast %parallel_loop3A_991 : vector<1x16xf32> to vector<16xf32>
      %parallel_loop3A_993 = vector.shape_cast %parallel_loop3A_988 : vector<16xf32> to vector<1x16xf32>
      tpu.vector_store %arg9[%parallel_loop3A_989, %parallel_loop3A_990], %parallel_loop3A_993 {add = true, strides = array<i32>} : memref<16x1024xf32, #tpu.memory_space<vmem>>, vector<1x16xf32>,
    } {sc.loop_unroll_factor = 4 : i64, sc.parallel_access}
    %add3A_105 = arith.constant 8192 : i32
    %add3A_106 = arith.addi %add3A_105, %mul3A_2 : i32
    %add3A_107 = arith.constant 0 : i32
    %add3A_108 = arith.addi %add3A_106, %add3A_107 : i32
    %dma_start3A_109 = arith.constant 0 : i32
    %dma_start3A_110 = tpu.memref_slice %arg4[%add3A_108, %dma_start3A_109] : memref<16384x1024xf32, #tpu.memory_space<hbm>> -> memref<16x1024xf32, #tpu.memory_space<hbm>>
    %dma_start3A_111 = arith.constant 0 : i32
    %dma_start3A_112 = tpu.memref_slice %arg4[%add3A_108, %dma_start3A_111] : memref<16384x1024xf32, #tpu.memory_space<hbm>> -> memref<16x1024xf32, #tpu.memory_space<hbm>>
    tpu.enqueue_dma source(%arg9 : memref<16x1024xf32, #tpu.memory_space<vmem>>) target(%dma_start3A_112 : memref<16x1024xf32, #tpu.memory_space<hbm>>) target_semaphore(%arg21 : memref<!tpu.dma_semaphore, #tpu.memory_space<semaphore_mem>>)
    %dma_wait3A_113 = arith.constant 0 : i32
    %dma_wait3A_114 = tpu.memref_slice %arg4[%add3A_81, %dma_wait3A_113] : memref<16384x1024xf32, #tpu.memory_space<hbm>> -> memref<16x1024xf32, #tpu.memory_space<hbm>>
    %dma_wait3A_115 = arith.constant 0 : i32
    %dma_wait3A_116 = tpu.memref_slice %arg4[%add3A_81, %dma_wait3A_115] : memref<16384x1024xf32, #tpu.memory_space<hbm>> -> memref<16x1024xf32, #tpu.memory_space<hbm>>
    tpu.wait_dma2 semaphore(%arg20 : memref<!tpu.dma_semaphore, #tpu.memory_space<semaphore_mem>>) src(%arg8 : memref<16x1024xf32, #tpu.memory_space<vmem>>) dst(%dma_wait3A_116 : memref<16x1024xf32, #tpu.memory_space<hbm>>)
    %add3A_117 = arith.constant 8192 : i32
    %add3A_118 = arith.addi %add3A_117, %mul3A_2 : i32
    %add3A_119 = arith.constant 16 : i32
    %add3A_120 = arith.addi %add3A_118, %add3A_119 : i32
    %dma_start3A_121 = arith.constant 0 : i32
    %dma_start3A_122 = tpu.memref_slice %arg2[%add3A_120, %dma_start3A_121] : memref<16384x1024xf32, #tpu.memory_space<hbm>> -> memref<16x1024xf32, #tpu.memory_space<hbm>>
    %dma_start3A_123 = arith.constant 0 : i32
    %dma_start3A_124 = tpu.memref_slice %arg2[%add3A_120, %dma_start3A_123] : memref<16384x1024xf32, #tpu.memory_space<hbm>> -> memref<16x1024xf32, #tpu.memory_space<hbm>>
    tpu.enqueue_dma source(%dma_start3A_124 : memref<16x1024xf32, #tpu.memory_space<hbm>>) target(%arg8 : memref<16x1024xf32, #tpu.memory_space<vmem>>) target_semaphore(%arg15 : memref<!tpu.dma_semaphore, #tpu.memory_space<semaphore_mem>>)
    %dma_wait3A_125 = arith.constant 0 : i32
    %dma_wait3A_126 = tpu.memref_slice %arg2[%add3A_44, %dma_wait3A_125] : memref<16384x1024xf32, #tpu.memory_space<hbm>> -> memref<16x1024xf32, #tpu.memory_space<hbm>>
    %dma_wait3A_127 = arith.constant 0 : i32
    %dma_wait3A_128 = tpu.memref_slice %arg2[%add3A_44, %dma_wait3A_127] : memref<16384x1024xf32, #tpu.memory_space<hbm>> -> memref<16x1024xf32, #tpu.memory_space<hbm>>
    tpu.wait_dma2 semaphore(%arg17 : memref<!tpu.dma_semaphore, #tpu.memory_space<semaphore_mem>>) src(%dma_wait3A_128 : memref<16x1024xf32, #tpu.memory_space<hbm>>) dst(%arg10 : memref<16x1024xf32, #tpu.memory_space<vmem>>)
    %parallel_loop3A_129 = arith.constant 0 : i32
    %parallel_loop3A_130 = arith.constant 16384 : i32
    %parallel_loop3A_131 = arith.constant 16 : i32
    scf.for %parallel_loop3A_944 = %parallel_loop3A_129 to %parallel_loop3A_130 step %parallel_loop3A_131  : i32 {
      %parallel_loop3A_945 = arith.constant 1024 : i32
      %parallel_loop3A_946 = arith.divsi %parallel_loop3A_944, %parallel_loop3A_945 : i32
      %parallel_loop3A_947 = arith.constant 0 : i32
      %parallel_loop3A_948 = arith.cmpi sgt, %parallel_loop3A_944, %parallel_loop3A_947 : i32
      %parallel_loop3A_949 = arith.extui %parallel_loop3A_948 : i1 to i32
      %parallel_loop3A_950 = arith.constant 0 : i32
      %parallel_loop3A_951 = arith.cmpi slt, %parallel_loop3A_944, %parallel_loop3A_950 : i32
      %parallel_loop3A_952 = arith.extui %parallel_loop3A_951 : i1 to i32
      %parallel_loop3A_953 = arith.subi %parallel_loop3A_949, %parallel_loop3A_952 : i32
      %parallel_loop3A_954 = arith.constant 0 : i32
      %parallel_loop3A_955 = arith.cmpi sgt, %parallel_loop3A_945, %parallel_loop3A_954 : i32
      %parallel_loop3A_956 = arith.extui %parallel_loop3A_955 : i1 to i32
      %parallel_loop3A_957 = arith.constant 0 : i32
      %parallel_loop3A_958 = arith.cmpi slt, %parallel_loop3A_945, %parallel_loop3A_957 : i32
      %parallel_loop3A_959 = arith.extui %parallel_loop3A_958 : i1 to i32
      %parallel_loop3A_960 = arith.subi %parallel_loop3A_956, %parallel_loop3A_959 : i32
      %parallel_loop3A_961 = arith.cmpi ne, %parallel_loop3A_953, %parallel_loop3A_960 : i32
      %parallel_loop3A_962 = arith.remsi %parallel_loop3A_944, %parallel_loop3A_945 : i32
      %parallel_loop3A_963 = arith.constant 0 : i32
      %parallel_loop3A_964 = arith.cmpi ne, %parallel_loop3A_962, %parallel_loop3A_963 : i32
      %parallel_loop3A_965 = arith.andi %parallel_loop3A_961, %parallel_loop3A_964 : i1
      %parallel_loop3A_966 = arith.constant 1 : i32
      %parallel_loop3A_967 = arith.subi %parallel_loop3A_946, %parallel_loop3A_966 : i32
      %parallel_loop3A_968 = arith.select %parallel_loop3A_965, %parallel_loop3A_967, %parallel_loop3A_946 : i32
      %parallel_loop3A_969 = arith.constant 1024 : i32
      %parallel_loop3A_970 = arith.constant 0 : i32
      %parallel_loop3A_971 = arith.cmpi eq, %parallel_loop3A_969, %parallel_loop3A_970 : i32
      %parallel_loop3A_972 = arith.constant 1 : i32
      %parallel_loop3A_973 = arith.select %parallel_loop3A_971, %parallel_loop3A_972, %parallel_loop3A_969 : i32
      %parallel_loop3A_974 = arith.remsi %parallel_loop3A_944, %parallel_loop3A_973 : i32
      %parallel_loop3A_975 = arith.constant 0 : i32
      %parallel_loop3A_976 = arith.cmpi ne, %parallel_loop3A_974, %parallel_loop3A_975 : i32
      %parallel_loop3A_977 = arith.constant 0 : i32
      %parallel_loop3A_978 = arith.cmpi slt, %parallel_loop3A_974, %parallel_loop3A_977 : i32
      %parallel_loop3A_979 = arith.constant 0 : i32
      %parallel_loop3A_980 = arith.cmpi slt, %parallel_loop3A_973, %parallel_loop3A_979 : i32
      %parallel_loop3A_981 = arith.xori %parallel_loop3A_978, %parallel_loop3A_980 : i1
      %parallel_loop3A_982 = arith.andi %parallel_loop3A_981, %parallel_loop3A_976 : i1
      %parallel_loop3A_983 = arith.addi %parallel_loop3A_974, %parallel_loop3A_973 : i32
      %parallel_loop3A_984 = arith.select %parallel_loop3A_982, %parallel_loop3A_983, %parallel_loop3A_974 : i32
      %parallel_loop3A_985 = arith.index_cast %parallel_loop3A_968 : i32 to index
      %parallel_loop3A_986 = arith.index_cast %parallel_loop3A_984 : i32 to index
      %parallel_loop3A_987 = tpu.vector_load %arg5[%parallel_loop3A_985, %parallel_loop3A_986] {strides = array<i32>} : memref<16x1024xf32, #tpu.memory_space<vmem>>, vector<1x16xf32>,
      %parallel_loop3A_988 = vector.shape_cast %parallel_loop3A_987 : vector<1x16xf32> to vector<16xf32>
      %parallel_loop3A_989 = arith.index_cast %parallel_loop3A_968 : i32 to index
      %parallel_loop3A_990 = arith.index_cast %parallel_loop3A_984 : i32 to index
      %parallel_loop3A_991 = tpu.vector_load %arg10[%parallel_loop3A_989, %parallel_loop3A_990] {strides = array<i32>} : memref<16x1024xf32, #tpu.memory_space<vmem>>, vector<1x16xf32>,
      %parallel_loop3A_992 = vector.shape_cast %parallel_loop3A_991 : vector<1x16xf32> to vector<16xf32>
      %parallel_loop3A_993 = vector.shape_cast %parallel_loop3A_988 : vector<16xf32> to vector<1x16xf32>
      tpu.vector_store %arg10[%parallel_loop3A_989, %parallel_loop3A_990], %parallel_loop3A_993 {add = true, strides = array<i32>} : memref<16x1024xf32, #tpu.memory_space<vmem>>, vector<1x16xf32>,
    } {sc.loop_unroll_factor = 4 : i64, sc.parallel_access}
    %add3A_132 = arith.constant 12288 : i32
    %add3A_133 = arith.addi %add3A_132, %mul3A_2 : i32
    %add3A_134 = arith.constant 0 : i32
    %add3A_135 = arith.addi %add3A_133, %add3A_134 : i32
    %dma_start3A_136 = arith.constant 0 : i32
    %dma_start3A_137 = tpu.memref_slice %arg4[%add3A_135, %dma_start3A_136] : memref<16384x1024xf32, #tpu.memory_space<hbm>> -> memref<16x1024xf32, #tpu.memory_space<hbm>>
    %dma_start3A_138 = arith.constant 0 : i32
    %dma_start3A_139 = tpu.memref_slice %arg4[%add3A_135, %dma_start3A_138] : memref<16384x1024xf32, #tpu.memory_space<hbm>> -> memref<16x1024xf32, #tpu.memory_space<hbm>>
    tpu.enqueue_dma source(%arg10 : memref<16x1024xf32, #tpu.memory_space<vmem>>) target(%dma_start3A_139 : memref<16x1024xf32, #tpu.memory_space<hbm>>) target_semaphore(%arg22 : memref<!tpu.dma_semaphore, #tpu.memory_space<semaphore_mem>>)
    %dma_wait3A_140 = arith.constant 0 : i32
    %dma_wait3A_141 = tpu.memref_slice %arg3[%add3A_36, %dma_wait3A_140] : memref<8192x1024xf32, #tpu.memory_space<hbm>> -> memref<16x1024xf32, #tpu.memory_space<hbm>>
    %dma_wait3A_142 = arith.constant 0 : i32
    %dma_wait3A_143 = tpu.memref_slice %arg3[%add3A_36, %dma_wait3A_142] : memref<8192x1024xf32, #tpu.memory_space<hbm>> -> memref<16x1024xf32, #tpu.memory_space<hbm>>
    tpu.wait_dma2 semaphore(%arg13 : memref<!tpu.dma_semaphore, #tpu.memory_space<semaphore_mem>>) src(%dma_wait3A_143 : memref<16x1024xf32, #tpu.memory_space<hbm>>) dst(%arg6 : memref<16x1024xf32, #tpu.memory_space<vmem>>)
    %add3A_144 = arith.constant 32 : i32
    %add3A_145 = arith.addi %mul3A_2, %add3A_144 : i32
    %dma_start3A_146 = arith.constant 0 : i32
    %dma_start3A_147 = tpu.memref_slice %arg3[%add3A_145, %dma_start3A_146] : memref<8192x1024xf32, #tpu.memory_space<hbm>> -> memref<16x1024xf32, #tpu.memory_space<hbm>>
    %dma_start3A_148 = arith.constant 0 : i32
    %dma_start3A_149 = tpu.memref_slice %arg3[%add3A_145, %dma_start3A_148] : memref<8192x1024xf32, #tpu.memory_space<hbm>> -> memref<16x1024xf32, #tpu.memory_space<hbm>>
    tpu.enqueue_dma source(%dma_start3A_149 : memref<16x1024xf32, #tpu.memory_space<hbm>>) target(%arg5 : memref<16x1024xf32, #tpu.memory_space<vmem>>) target_semaphore(%arg12 : memref<!tpu.dma_semaphore, #tpu.memory_space<semaphore_mem>>)
    %dma_wait3A_150 = arith.constant 0 : i32
    %dma_wait3A_151 = tpu.memref_slice %arg4[%add3A_108, %dma_wait3A_150] : memref<16384x1024xf32, #tpu.memory_space<hbm>> -> memref<16x1024xf32, #tpu.memory_space<hbm>>
    %dma_wait3A_152 = arith.constant 0 : i32
    %dma_wait3A_153 = tpu.memref_slice %arg4[%add3A_108, %dma_wait3A_152] : memref<16384x1024xf32, #tpu.memory_space<hbm>> -> memref<16x1024xf32, #tpu.memory_space<hbm>>
    tpu.wait_dma2 semaphore(%arg21 : memref<!tpu.dma_semaphore, #tpu.memory_space<semaphore_mem>>) src(%arg9 : memref<16x1024xf32, #tpu.memory_space<vmem>>) dst(%dma_wait3A_153 : memref<16x1024xf32, #tpu.memory_space<hbm>>)
    %add3A_154 = arith.constant 12288 : i32
    %add3A_155 = arith.addi %add3A_154, %mul3A_2 : i32
    %add3A_156 = arith.constant 16 : i32
    %add3A_157 = arith.addi %add3A_155, %add3A_156 : i32
    %dma_start3A_158 = arith.constant 0 : i32
    %dma_start3A_159 = tpu.memref_slice %arg2[%add3A_157, %dma_start3A_158] : memref<16384x1024xf32, #tpu.memory_space<hbm>> -> memref<16x1024xf32, #tpu.memory_space<hbm>>
    %dma_start3A_160 = arith.constant 0 : i32
    %dma_start3A_161 = tpu.memref_slice %arg2[%add3A_157, %dma_start3A_160] : memref<16384x1024xf32, #tpu.memory_space<hbm>> -> memref<16x1024xf32, #tpu.memory_space<hbm>>
    tpu.enqueue_dma source(%dma_start3A_161 : memref<16x1024xf32, #tpu.memory_space<hbm>>) target(%arg9 : memref<16x1024xf32, #tpu.memory_space<vmem>>) target_semaphore(%arg16 : memref<!tpu.dma_semaphore, #tpu.memory_space<semaphore_mem>>)
    %dma_wait3A_162 = arith.constant 0 : i32
    %dma_wait3A_163 = tpu.memref_slice %arg2[%add3A_66, %dma_wait3A_162] : memref<16384x1024xf32, #tpu.memory_space<hbm>> -> memref<16x1024xf32, #tpu.memory_space<hbm>>
    %dma_wait3A_164 = arith.constant 0 : i32
    %dma_wait3A_165 = tpu.memref_slice %arg2[%add3A_66, %dma_wait3A_164] : memref<16384x1024xf32, #tpu.memory_space<hbm>> -> memref<16x1024xf32, #tpu.memory_space<hbm>>
    tpu.wait_dma2 semaphore(%arg18 : memref<!tpu.dma_semaphore, #tpu.memory_space<semaphore_mem>>) src(%dma_wait3A_165 : memref<16x1024xf32, #tpu.memory_space<hbm>>) dst(%arg11 : memref<16x1024xf32, #tpu.memory_space<vmem>>)
    %parallel_loop3A_166 = arith.constant 0 : i32
    %parallel_loop3A_167 = arith.constant 16384 : i32
    %parallel_loop3A_168 = arith.constant 16 : i32
    scf.for %parallel_loop3A_944 = %parallel_loop3A_166 to %parallel_loop3A_167 step %parallel_loop3A_168  : i32 {
      %parallel_loop3A_945 = arith.constant 1024 : i32
      %parallel_loop3A_946 = arith.divsi %parallel_loop3A_944, %parallel_loop3A_945 : i32
      %parallel_loop3A_947 = arith.constant 0 : i32
      %parallel_loop3A_948 = arith.cmpi sgt, %parallel_loop3A_944, %parallel_loop3A_947 : i32
      %parallel_loop3A_949 = arith.extui %parallel_loop3A_948 : i1 to i32
      %parallel_loop3A_950 = arith.constant 0 : i32
      %parallel_loop3A_951 = arith.cmpi slt, %parallel_loop3A_944, %parallel_loop3A_950 : i32
      %parallel_loop3A_952 = arith.extui %parallel_loop3A_951 : i1 to i32
      %parallel_loop3A_953 = arith.subi %parallel_loop3A_949, %parallel_loop3A_952 : i32
      %parallel_loop3A_954 = arith.constant 0 : i32
      %parallel_loop3A_955 = arith.cmpi sgt, %parallel_loop3A_945, %parallel_loop3A_954 : i32
      %parallel_loop3A_956 = arith.extui %parallel_loop3A_955 : i1 to i32
      %parallel_loop3A_957 = arith.constant 0 : i32
      %parallel_loop3A_958 = arith.cmpi slt, %parallel_loop3A_945, %parallel_loop3A_957 : i32
      %parallel_loop3A_959 = arith.extui %parallel_loop3A_958 : i1 to i32
      %parallel_loop3A_960 = arith.subi %parallel_loop3A_956, %parallel_loop3A_959 : i32
      %parallel_loop3A_961 = arith.cmpi ne, %parallel_loop3A_953, %parallel_loop3A_960 : i32
      %parallel_loop3A_962 = arith.remsi %parallel_loop3A_944, %parallel_loop3A_945 : i32
      %parallel_loop3A_963 = arith.constant 0 : i32
      %parallel_loop3A_964 = arith.cmpi ne, %parallel_loop3A_962, %parallel_loop3A_963 : i32
      %parallel_loop3A_965 = arith.andi %parallel_loop3A_961, %parallel_loop3A_964 : i1
      %parallel_loop3A_966 = arith.constant 1 : i32
      %parallel_loop3A_967 = arith.subi %parallel_loop3A_946, %parallel_loop3A_966 : i32
      %parallel_loop3A_968 = arith.select %parallel_loop3A_965, %parallel_loop3A_967, %parallel_loop3A_946 : i32
      %parallel_loop3A_969 = arith.constant 1024 : i32
      %parallel_loop3A_970 = arith.constant 0 : i32
      %parallel_loop3A_971 = arith.cmpi eq, %parallel_loop3A_969, %parallel_loop3A_970 : i32
      %parallel_loop3A_972 = arith.constant 1 : i32
      %parallel_loop3A_973 = arith.select %parallel_loop3A_971, %parallel_loop3A_972, %parallel_loop3A_969 : i32
      %parallel_loop3A_974 = arith.remsi %parallel_loop3A_944, %parallel_loop3A_973 : i32
      %parallel_loop3A_975 = arith.constant 0 : i32
      %parallel_loop3A_976 = arith.cmpi ne, %parallel_loop3A_974, %parallel_loop3A_975 : i32
      %parallel_loop3A_977 = arith.constant 0 : i32
      %parallel_loop3A_978 = arith.cmpi slt, %parallel_loop3A_974, %parallel_loop3A_977 : i32
      %parallel_loop3A_979 = arith.constant 0 : i32
      %parallel_loop3A_980 = arith.cmpi slt, %parallel_loop3A_973, %parallel_loop3A_979 : i32
      %parallel_loop3A_981 = arith.xori %parallel_loop3A_978, %parallel_loop3A_980 : i1
      %parallel_loop3A_982 = arith.andi %parallel_loop3A_981, %parallel_loop3A_976 : i1
      %parallel_loop3A_983 = arith.addi %parallel_loop3A_974, %parallel_loop3A_973 : i32
      %parallel_loop3A_984 = arith.select %parallel_loop3A_982, %parallel_loop3A_983, %parallel_loop3A_974 : i32
      %parallel_loop3A_985 = arith.index_cast %parallel_loop3A_968 : i32 to index
      %parallel_loop3A_986 = arith.index_cast %parallel_loop3A_984 : i32 to index
      %parallel_loop3A_987 = tpu.vector_load %arg6[%parallel_loop3A_985, %parallel_loop3A_986] {strides = array<i32>} : memref<16x1024xf32, #tpu.memory_space<vmem>>, vector<1x16xf32>,
      %parallel_loop3A_988 = vector.shape_cast %parallel_loop3A_987 : vector<1x16xf32> to vector<16xf32>
      %parallel_loop3A_989 = arith.index_cast %parallel_loop3A_968 : i32 to index
      %parallel_loop3A_990 = arith.index_cast %parallel_loop3A_984 : i32 to index
      %parallel_loop3A_991 = tpu.vector_load %arg11[%parallel_loop3A_989, %parallel_loop3A_990] {strides = array<i32>} : memref<16x1024xf32, #tpu.memory_space<vmem>>, vector<1x16xf32>,
      %parallel_loop3A_992 = vector.shape_cast %parallel_loop3A_991 : vector<1x16xf32> to vector<16xf32>
      %parallel_loop3A_993 = vector.shape_cast %parallel_loop3A_988 : vector<16xf32> to vector<1x16xf32>
      tpu.vector_store %arg11[%parallel_loop3A_989, %parallel_loop3A_990], %parallel_loop3A_993 {add = true, strides = array<i32>} : memref<16x1024xf32, #tpu.memory_space<vmem>>, vector<1x16xf32>,
    } {sc.loop_unroll_factor = 4 : i64, sc.parallel_access}
    %add3A_169 = arith.constant 0 : i32
    %add3A_170 = arith.addi %add3A_169, %mul3A_2 : i32
    %add3A_171 = arith.constant 16 : i32
    %add3A_172 = arith.addi %add3A_170, %add3A_171 : i32
    %dma_start3A_173 = arith.constant 0 : i32
    %dma_start3A_174 = tpu.memref_slice %arg4[%add3A_172, %dma_start3A_173] : memref<16384x1024xf32, #tpu.memory_space<hbm>> -> memref<16x1024xf32, #tpu.memory_space<hbm>>
    %dma_start3A_175 = arith.constant 0 : i32
    %dma_start3A_176 = tpu.memref_slice %arg4[%add3A_172, %dma_start3A_175] : memref<16384x1024xf32, #tpu.memory_space<hbm>> -> memref<16x1024xf32, #tpu.memory_space<hbm>>
    tpu.enqueue_dma source(%arg11 : memref<16x1024xf32, #tpu.memory_space<vmem>>) target(%dma_start3A_176 : memref<16x1024xf32, #tpu.memory_space<hbm>>) target_semaphore(%arg23 : memref<!tpu.dma_semaphore, #tpu.memory_space<semaphore_mem>>)
    %dma_wait3A_177 = arith.constant 0 : i32
    %dma_wait3A_178 = tpu.memref_slice %arg4[%add3A_135, %dma_wait3A_177] : memref<16384x1024xf32, #tpu.memory_space<hbm>> -> memref<16x1024xf32, #tpu.memory_space<hbm>>
    %dma_wait3A_179 = arith.constant 0 : i32
    %dma_wait3A_180 = tpu.memref_slice %arg4[%add3A_135, %dma_wait3A_179] : memref<16384x1024xf32, #tpu.memory_space<hbm>> -> memref<16x1024xf32, #tpu.memory_space<hbm>>
    tpu.wait_dma2 semaphore(%arg22 : memref<!tpu.dma_semaphore, #tpu.memory_space<semaphore_mem>>) src(%arg10 : memref<16x1024xf32, #tpu.memory_space<vmem>>) dst(%dma_wait3A_180 : memref<16x1024xf32, #tpu.memory_space<hbm>>)
    %add3A_181 = arith.constant 0 : i32
    %add3A_182 = arith.addi %add3A_181, %mul3A_2 : i32
    %add3A_183 = arith.constant 32 : i32
    %add3A_184 = arith.addi %add3A_182, %add3A_183 : i32
    %dma_start3A_185 = arith.constant 0 : i32
    %dma_start3A_186 = tpu.memref_slice %arg2[%add3A_184, %dma_start3A_185] : memref<16384x1024xf32, #tpu.memory_space<hbm>> -> memref<16x1024xf32, #tpu.memory_space<hbm>>
    %dma_start3A_187 = arith.constant 0 : i32
    %dma_start3A_188 = tpu.memref_slice %arg2[%add3A_184, %dma_start3A_187] : memref<16384x1024xf32, #tpu.memory_space<hbm>> -> memref<16x1024xf32, #tpu.memory_space<hbm>>
    tpu.enqueue_dma source(%dma_start3A_188 : memref<16x1024xf32, #tpu.memory_space<hbm>>) target(%arg10 : memref<16x1024xf32, #tpu.memory_space<vmem>>) target_semaphore(%arg17 : memref<!tpu.dma_semaphore, #tpu.memory_space<semaphore_mem>>)
    %dma_wait3A_189 = arith.constant 0 : i32
    %dma_wait3A_190 = tpu.memref_slice %arg2[%add3A_93, %dma_wait3A_189] : memref<16384x1024xf32, #tpu.memory_space<hbm>> -> memref<16x1024xf32, #tpu.memory_space<hbm>>
    %dma_wait3A_191 = arith.constant 0 : i32
    %dma_wait3A_192 = tpu.memref_slice %arg2[%add3A_93, %dma_wait3A_191] : memref<16384x1024xf32, #tpu.memory_space<hbm>> -> memref<16x1024xf32, #tpu.memory_space<hbm>>
    tpu.wait_dma2 semaphore(%arg14 : memref<!tpu.dma_semaphore, #tpu.memory_space<semaphore_mem>>) src(%dma_wait3A_192 : memref<16x1024xf32, #tpu.memory_space<hbm>>) dst(%arg7 : memref<16x1024xf32, #tpu.memory_space<vmem>>)
    %parallel_loop3A_193 = arith.constant 0 : i32
    %parallel_loop3A_194 = arith.constant 16384 : i32
    %parallel_loop3A_195 = arith.constant 16 : i32
    scf.for %parallel_loop3A_944 = %parallel_loop3A_193 to %parallel_loop3A_194 step %parallel_loop3A_195  : i32 {
      %parallel_loop3A_945 = arith.constant 1024 : i32
      %parallel_loop3A_946 = arith.divsi %parallel_loop3A_944, %parallel_loop3A_945 : i32
      %parallel_loop3A_947 = arith.constant 0 : i32
      %parallel_loop3A_948 = arith.cmpi sgt, %parallel_loop3A_944, %parallel_loop3A_947 : i32
      %parallel_loop3A_949 = arith.extui %parallel_loop3A_948 : i1 to i32
      %parallel_loop3A_950 = arith.constant 0 : i32
      %parallel_loop3A_951 = arith.cmpi slt, %parallel_loop3A_944, %parallel_loop3A_950 : i32
      %parallel_loop3A_952 = arith.extui %parallel_loop3A_951 : i1 to i32
      %parallel_loop3A_953 = arith.subi %parallel_loop3A_949, %parallel_loop3A_952 : i32
      %parallel_loop3A_954 = arith.constant 0 : i32
      %parallel_loop3A_955 = arith.cmpi sgt, %parallel_loop3A_945, %parallel_loop3A_954 : i32
      %parallel_loop3A_956 = arith.extui %parallel_loop3A_955 : i1 to i32
      %parallel_loop3A_957 = arith.constant 0 : i32
      %parallel_loop3A_958 = arith.cmpi slt, %parallel_loop3A_945, %parallel_loop3A_957 : i32
      %parallel_loop3A_959 = arith.extui %parallel_loop3A_958 : i1 to i32
      %parallel_loop3A_960 = arith.subi %parallel_loop3A_956, %parallel_loop3A_959 : i32
      %parallel_loop3A_961 = arith.cmpi ne, %parallel_loop3A_953, %parallel_loop3A_960 : i32
      %parallel_loop3A_962 = arith.remsi %parallel_loop3A_944, %parallel_loop3A_945 : i32
      %parallel_loop3A_963 = arith.constant 0 : i32
      %parallel_loop3A_964 = arith.cmpi ne, %parallel_loop3A_962, %parallel_loop3A_963 : i32
      %parallel_loop3A_965 = arith.andi %parallel_loop3A_961, %parallel_loop3A_964 : i1
      %parallel_loop3A_966 = arith.constant 1 : i32
      %parallel_loop3A_967 = arith.subi %parallel_loop3A_946, %parallel_loop3A_966 : i32
      %parallel_loop3A_968 = arith.select %parallel_loop3A_965, %parallel_loop3A_967, %parallel_loop3A_946 : i32
      %parallel_loop3A_969 = arith.constant 1024 : i32
      %parallel_loop3A_970 = arith.constant 0 : i32
      %parallel_loop3A_971 = arith.cmpi eq, %parallel_loop3A_969, %parallel_loop3A_970 : i32
      %parallel_loop3A_972 = arith.constant 1 : i32
      %parallel_loop3A_973 = arith.select %parallel_loop3A_971, %parallel_loop3A_972, %parallel_loop3A_969 : i32
      %parallel_loop3A_974 = arith.remsi %parallel_loop3A_944, %parallel_loop3A_973 : i32
      %parallel_loop3A_975 = arith.constant 0 : i32
      %parallel_loop3A_976 = arith.cmpi ne, %parallel_loop3A_974, %parallel_loop3A_975 : i32
      %parallel_loop3A_977 = arith.constant 0 : i32
      %parallel_loop3A_978 = arith.cmpi slt, %parallel_loop3A_974, %parallel_loop3A_977 : i32
      %parallel_loop3A_979 = arith.constant 0 : i32
      %parallel_loop3A_980 = arith.cmpi slt, %parallel_loop3A_973, %parallel_loop3A_979 : i32
      %parallel_loop3A_981 = arith.xori %parallel_loop3A_978, %parallel_loop3A_980 : i1
      %parallel_loop3A_982 = arith.andi %parallel_loop3A_981, %parallel_loop3A_976 : i1
      %parallel_loop3A_983 = arith.addi %parallel_loop3A_974, %parallel_loop3A_973 : i32
      %parallel_loop3A_984 = arith.select %parallel_loop3A_982, %parallel_loop3A_983, %parallel_loop3A_974 : i32
      %parallel_loop3A_985 = arith.index_cast %parallel_loop3A_968 : i32 to index
      %parallel_loop3A_986 = arith.index_cast %parallel_loop3A_984 : i32 to index
      %parallel_loop3A_987 = tpu.vector_load %arg6[%parallel_loop3A_985, %parallel_loop3A_986] {strides = array<i32>} : memref<16x1024xf32, #tpu.memory_space<vmem>>, vector<1x16xf32>,
      %parallel_loop3A_988 = vector.shape_cast %parallel_loop3A_987 : vector<1x16xf32> to vector<16xf32>
      %parallel_loop3A_989 = arith.index_cast %parallel_loop3A_968 : i32 to index
      %parallel_loop3A_990 = arith.index_cast %parallel_loop3A_984 : i32 to index
      %parallel_loop3A_991 = tpu.vector_load %arg7[%parallel_loop3A_989, %parallel_loop3A_990] {strides = array<i32>} : memref<16x1024xf32, #tpu.memory_space<vmem>>, vector<1x16xf32>,
      %parallel_loop3A_992 = vector.shape_cast %parallel_loop3A_991 : vector<1x16xf32> to vector<16xf32>
      %parallel_loop3A_993 = vector.shape_cast %parallel_loop3A_988 : vector<16xf32> to vector<1x16xf32>
      tpu.vector_store %arg7[%parallel_loop3A_989, %parallel_loop3A_990], %parallel_loop3A_993 {add = true, strides = array<i32>} : memref<16x1024xf32, #tpu.memory_space<vmem>>, vector<1x16xf32>,
    } {sc.loop_unroll_factor = 4 : i64, sc.parallel_access}
    %add3A_196 = arith.constant 4096 : i32
    %add3A_197 = arith.addi %add3A_196, %mul3A_2 : i32
    %add3A_198 = arith.constant 16 : i32
    %add3A_199 = arith.addi %add3A_197, %add3A_198 : i32
    %dma_start3A_200 = arith.constant 0 : i32
    %dma_start3A_201 = tpu.memref_slice %arg4[%add3A_199, %dma_start3A_200] : memref<16384x1024xf32, #tpu.memory_space<hbm>> -> memref<16x1024xf32, #tpu.memory_space<hbm>>
    %dma_start3A_202 = arith.constant 0 : i32
    %dma_start3A_203 = tpu.memref_slice %arg4[%add3A_199, %dma_start3A_202] : memref<16384x1024xf32, #tpu.memory_space<hbm>> -> memref<16x1024xf32, #tpu.memory_space<hbm>>
    tpu.enqueue_dma source(%arg7 : memref<16x1024xf32, #tpu.memory_space<vmem>>) target(%dma_start3A_203 : memref<16x1024xf32, #tpu.memory_space<hbm>>) target_semaphore(%arg19 : memref<!tpu.dma_semaphore, #tpu.memory_space<semaphore_mem>>)
    %dma_wait3A_204 = arith.constant 0 : i32
    %dma_wait3A_205 = tpu.memref_slice %arg4[%add3A_172, %dma_wait3A_204] : memref<16384x1024xf32, #tpu.memory_space<hbm>> -> memref<16x1024xf32, #tpu.memory_space<hbm>>
    %dma_wait3A_206 = arith.constant 0 : i32
    %dma_wait3A_207 = tpu.memref_slice %arg4[%add3A_172, %dma_wait3A_206] : memref<16384x1024xf32, #tpu.memory_space<hbm>> -> memref<16x1024xf32, #tpu.memory_space<hbm>>
    tpu.wait_dma2 semaphore(%arg23 : memref<!tpu.dma_semaphore, #tpu.memory_space<semaphore_mem>>) src(%arg11 : memref<16x1024xf32, #tpu.memory_space<vmem>>) dst(%dma_wait3A_207 : memref<16x1024xf32, #tpu.memory_space<hbm>>)
    %add3A_208 = arith.constant 4096 : i32
    %add3A_209 = arith.addi %add3A_208, %mul3A_2 : i32
    %add3A_210 = arith.constant 32 : i32
    %add3A_211 = arith.addi %add3A_209, %add3A_210 : i32
    %dma_start3A_212 = arith.constant 0 : i32
    %dma_start3A_213 = tpu.memref_slice %arg2[%add3A_211, %dma_start3A_212] : memref<16384x1024xf32, #tpu.memory_space<hbm>> -> memref<16x1024xf32, #tpu.memory_space<hbm>>
    %dma_start3A_214 = arith.constant 0 : i32
    %dma_start3A_215 = tpu.memref_slice %arg2[%add3A_211, %dma_start3A_214] : memref<16384x1024xf32, #tpu.memory_space<hbm>> -> memref<16x1024xf32, #tpu.memory_space<hbm>>
    tpu.enqueue_dma source(%dma_start3A_215 : memref<16x1024xf32, #tpu.memory_space<hbm>>) target(%arg11 : memref<16x1024xf32, #tpu.memory_space<vmem>>) target_semaphore(%arg18 : memref<!tpu.dma_semaphore, #tpu.memory_space<semaphore_mem>>)
    %dma_wait3A_216 = arith.constant 0 : i32
    %dma_wait3A_217 = tpu.memref_slice %arg2[%add3A_120, %dma_wait3A_216] : memref<16384x1024xf32, #tpu.memory_space<hbm>> -> memref<16x1024xf32, #tpu.memory_space<hbm>>
    %dma_wait3A_218 = arith.constant 0 : i32
    %dma_wait3A_219 = tpu.memref_slice %arg2[%add3A_120, %dma_wait3A_218] : memref<16384x1024xf32, #tpu.memory_space<hbm>> -> memref<16x1024xf32, #tpu.memory_space<hbm>>
    tpu.wait_dma2 semaphore(%arg15 : memref<!tpu.dma_semaphore, #tpu.memory_space<semaphore_mem>>) src(%dma_wait3A_219 : memref<16x1024xf32, #tpu.memory_space<hbm>>) dst(%arg8 : memref<16x1024xf32, #tpu.memory_space<vmem>>)
    %parallel_loop3A_220 = arith.constant 0 : i32
    %parallel_loop3A_221 = arith.constant 16384 : i32
    %parallel_loop3A_222 = arith.constant 16 : i32
    scf.for %parallel_loop3A_944 = %parallel_loop3A_220 to %parallel_loop3A_221 step %parallel_loop3A_222  : i32 {
      %parallel_loop3A_945 = arith.constant 1024 : i32
      %parallel_loop3A_946 = arith.divsi %parallel_loop3A_944, %parallel_loop3A_945 : i32
      %parallel_loop3A_947 = arith.constant 0 : i32
      %parallel_loop3A_948 = arith.cmpi sgt, %parallel_loop3A_944, %parallel_loop3A_947 : i32
      %parallel_loop3A_949 = arith.extui %parallel_loop3A_948 : i1 to i32
      %parallel_loop3A_950 = arith.constant 0 : i32
      %parallel_loop3A_951 = arith.cmpi slt, %parallel_loop3A_944, %parallel_loop3A_950 : i32
      %parallel_loop3A_952 = arith.extui %parallel_loop3A_951 : i1 to i32
      %parallel_loop3A_953 = arith.subi %parallel_loop3A_949, %parallel_loop3A_952 : i32
      %parallel_loop3A_954 = arith.constant 0 : i32
      %parallel_loop3A_955 = arith.cmpi sgt, %parallel_loop3A_945, %parallel_loop3A_954 : i32
      %parallel_loop3A_956 = arith.extui %parallel_loop3A_955 : i1 to i32
      %parallel_loop3A_957 = arith.constant 0 : i32
      %parallel_loop3A_958 = arith.cmpi slt, %parallel_loop3A_945, %parallel_loop3A_957 : i32
      %parallel_loop3A_959 = arith.extui %parallel_loop3A_958 : i1 to i32
      %parallel_loop3A_960 = arith.subi %parallel_loop3A_956, %parallel_loop3A_959 : i32
      %parallel_loop3A_961 = arith.cmpi ne, %parallel_loop3A_953, %parallel_loop3A_960 : i32
      %parallel_loop3A_962 = arith.remsi %parallel_loop3A_944, %parallel_loop3A_945 : i32
      %parallel_loop3A_963 = arith.constant 0 : i32
      %parallel_loop3A_964 = arith.cmpi ne, %parallel_loop3A_962, %parallel_loop3A_963 : i32
      %parallel_loop3A_965 = arith.andi %parallel_loop3A_961, %parallel_loop3A_964 : i1
      %parallel_loop3A_966 = arith.constant 1 : i32
      %parallel_loop3A_967 = arith.subi %parallel_loop3A_946, %parallel_loop3A_966 : i32
      %parallel_loop3A_968 = arith.select %parallel_loop3A_965, %parallel_loop3A_967, %parallel_loop3A_946 : i32
      %parallel_loop3A_969 = arith.constant 1024 : i32
      %parallel_loop3A_970 = arith.constant 0 : i32
      %parallel_loop3A_971 = arith.cmpi eq, %parallel_loop3A_969, %parallel_loop3A_970 : i32
      %parallel_loop3A_972 = arith.constant 1 : i32
      %parallel_loop3A_973 = arith.select %parallel_loop3A_971, %parallel_loop3A_972, %parallel_loop3A_969 : i32
      %parallel_loop3A_974 = arith.remsi %parallel_loop3A_944, %parallel_loop3A_973 : i32
      %parallel_loop3A_975 = arith.constant 0 : i32
      %parallel_loop3A_976 = arith.cmpi ne, %parallel_loop3A_974, %parallel_loop3A_975 : i32
      %parallel_loop3A_977 = arith.constant 0 : i32
      %parallel_loop3A_978 = arith.cmpi slt, %parallel_loop3A_974, %parallel_loop3A_977 : i32
      %parallel_loop3A_979 = arith.constant 0 : i32
      %parallel_loop3A_980 = arith.cmpi slt, %parallel_loop3A_973, %parallel_loop3A_979 : i32
      %parallel_loop3A_981 = arith.xori %parallel_loop3A_978, %parallel_loop3A_980 : i1
      %parallel_loop3A_982 = arith.andi %parallel_loop3A_981, %parallel_loop3A_976 : i1
      %parallel_loop3A_983 = arith.addi %parallel_loop3A_974, %parallel_loop3A_973 : i32
      %parallel_loop3A_984 = arith.select %parallel_loop3A_982, %parallel_loop3A_983, %parallel_loop3A_974 : i32
      %parallel_loop3A_985 = arith.index_cast %parallel_loop3A_968 : i32 to index
      %parallel_loop3A_986 = arith.index_cast %parallel_loop3A_984 : i32 to index
      %parallel_loop3A_987 = tpu.vector_load %arg6[%parallel_loop3A_985, %parallel_loop3A_986] {strides = array<i32>} : memref<16x1024xf32, #tpu.memory_space<vmem>>, vector<1x16xf32>,
      %parallel_loop3A_988 = vector.shape_cast %parallel_loop3A_987 : vector<1x16xf32> to vector<16xf32>
      %parallel_loop3A_989 = arith.index_cast %parallel_loop3A_968 : i32 to index
      %parallel_loop3A_990 = arith.index_cast %parallel_loop3A_984 : i32 to index
      %parallel_loop3A_991 = tpu.vector_load %arg8[%parallel_loop3A_989, %parallel_loop3A_990] {strides = array<i32>} : memref<16x1024xf32, #tpu.memory_space<vmem>>, vector<1x16xf32>,
      %parallel_loop3A_992 = vector.shape_cast %parallel_loop3A_991 : vector<1x16xf32> to vector<16xf32>
      %parallel_loop3A_993 = vector.shape_cast %parallel_loop3A_988 : vector<16xf32> to vector<1x16xf32>
      tpu.vector_store %arg8[%parallel_loop3A_989, %parallel_loop3A_990], %parallel_loop3A_993 {add = true, strides = array<i32>} : memref<16x1024xf32, #tpu.memory_space<vmem>>, vector<1x16xf32>,
    } {sc.loop_unroll_factor = 4 : i64, sc.parallel_access}
    %add3A_223 = arith.constant 8192 : i32
    %add3A_224 = arith.addi %add3A_223, %mul3A_2 : i32
    %add3A_225 = arith.constant 16 : i32
    %add3A_226 = arith.addi %add3A_224, %add3A_225 : i32
    %dma_start3A_227 = arith.constant 0 : i32
    %dma_start3A_228 = tpu.memref_slice %arg4[%add3A_226, %dma_start3A_227] : memref<16384x1024xf32, #tpu.memory_space<hbm>> -> memref<16x1024xf32, #tpu.memory_space<hbm>>
    %dma_start3A_229 = arith.constant 0 : i32
    %dma_start3A_230 = tpu.memref_slice %arg4[%add3A_226, %dma_start3A_229] : memref<16384x1024xf32, #tpu.memory_space<hbm>> -> memref<16x1024xf32, #tpu.memory_space<hbm>>
    tpu.enqueue_dma source(%arg8 : memref<16x1024xf32, #tpu.memory_space<vmem>>) target(%dma_start3A_230 : memref<16x1024xf32, #tpu.memory_space<hbm>>) target_semaphore(%arg20 : memref<!tpu.dma_semaphore, #tpu.memory_space<semaphore_mem>>)
    %dma_wait3A_231 = arith.constant 0 : i32
    %dma_wait3A_232 = tpu.memref_slice %arg4[%add3A_199, %dma_wait3A_231] : memref<16384x1024xf32, #tpu.memory_space<hbm>> -> memref<16x1024xf32, #tpu.memory_space<hbm>>
    %dma_wait3A_233 = arith.constant 0 : i32
    %dma_wait3A_234 = tpu.memref_slice %arg4[%add3A_199, %dma_wait3A_233] : memref<16384x1024xf32, #tpu.memory_space<hbm>> -> memref<16x1024xf32, #tpu.memory_space<hbm>>
    tpu.wait_dma2 semaphore(%arg19 : memref<!tpu.dma_semaphore, #tpu.memory_space<semaphore_mem>>) src(%arg7 : memref<16x1024xf32, #tpu.memory_space<vmem>>) dst(%dma_wait3A_234 : memref<16x1024xf32, #tpu.memory_space<hbm>>)
    %add3A_235 = arith.constant 8192 : i32
    %add3A_236 = arith.addi %add3A_235, %mul3A_2 : i32
    %add3A_237 = arith.constant 32 : i32
    %add3A_238 = arith.addi %add3A_236, %add3A_237 : i32
    %dma_start3A_239 = arith.constant 0 : i32
    %dma_start3A_240 = tpu.memref_slice %arg2[%add3A_238, %dma_start3A_239] : memref<16384x1024xf32, #tpu.memory_space<hbm>> -> memref<16x1024xf32, #tpu.memory_space<hbm>>
    %dma_start3A_241 = arith.constant 0 : i32
    %dma_start3A_242 = tpu.memref_slice %arg2[%add3A_238, %dma_start3A_241] : memref<16384x1024xf32, #tpu.memory_space<hbm>> -> memref<16x1024xf32, #tpu.memory_space<hbm>>
    tpu.enqueue_dma source(%dma_start3A_242 : memref<16x1024xf32, #tpu.memory_space<hbm>>) target(%arg7 : memref<16x1024xf32, #tpu.memory_space<vmem>>) target_semaphore(%arg14 : memref<!tpu.dma_semaphore, #tpu.memory_space<semaphore_mem>>)
    %dma_wait3A_243 = arith.constant 0 : i32
    %dma_wait3A_244 = tpu.memref_slice %arg2[%add3A_157, %dma_wait3A_243] : memref<16384x1024xf32, #tpu.memory_space<hbm>> -> memref<16x1024xf32, #tpu.memory_space<hbm>>
    %dma_wait3A_245 = arith.constant 0 : i32
    %dma_wait3A_246 = tpu.memref_slice %arg2[%add3A_157, %dma_wait3A_245] : memref<16384x1024xf32, #tpu.memory_space<hbm>> -> memref<16x1024xf32, #tpu.memory_space<hbm>>
    tpu.wait_dma2 semaphore(%arg16 : memref<!tpu.dma_semaphore, #tpu.memory_space<semaphore_mem>>) src(%dma_wait3A_246 : memref<16x1024xf32, #tpu.memory_space<hbm>>) dst(%arg9 : memref<16x1024xf32, #tpu.memory_space<vmem>>)
    %parallel_loop3A_247 = arith.constant 0 : i32
    %parallel_loop3A_248 = arith.constant 16384 : i32
    %parallel_loop3A_249 = arith.constant 16 : i32
    scf.for %parallel_loop3A_944 = %parallel_loop3A_247 to %parallel_loop3A_248 step %parallel_loop3A_249  : i32 {
      %parallel_loop3A_945 = arith.constant 1024 : i32
      %parallel_loop3A_946 = arith.divsi %parallel_loop3A_944, %parallel_loop3A_945 : i32
      %parallel_loop3A_947 = arith.constant 0 : i32
      %parallel_loop3A_948 = arith.cmpi sgt, %parallel_loop3A_944, %parallel_loop3A_947 : i32
      %parallel_loop3A_949 = arith.extui %parallel_loop3A_948 : i1 to i32
      %parallel_loop3A_950 = arith.constant 0 : i32
      %parallel_loop3A_951 = arith.cmpi slt, %parallel_loop3A_944, %parallel_loop3A_950 : i32
      %parallel_loop3A_952 = arith.extui %parallel_loop3A_951 : i1 to i32
      %parallel_loop3A_953 = arith.subi %parallel_loop3A_949, %parallel_loop3A_952 : i32
      %parallel_loop3A_954 = arith.constant 0 : i32
      %parallel_loop3A_955 = arith.cmpi sgt, %parallel_loop3A_945, %parallel_loop3A_954 : i32
      %parallel_loop3A_956 = arith.extui %parallel_loop3A_955 : i1 to i32
      %parallel_loop3A_957 = arith.constant 0 : i32
      %parallel_loop3A_958 = arith.cmpi slt, %parallel_loop3A_945, %parallel_loop3A_957 : i32
      %parallel_loop3A_959 = arith.extui %parallel_loop3A_958 : i1 to i32
      %parallel_loop3A_960 = arith.subi %parallel_loop3A_956, %parallel_loop3A_959 : i32
      %parallel_loop3A_961 = arith.cmpi ne, %parallel_loop3A_953, %parallel_loop3A_960 : i32
      %parallel_loop3A_962 = arith.remsi %parallel_loop3A_944, %parallel_loop3A_945 : i32
      %parallel_loop3A_963 = arith.constant 0 : i32
      %parallel_loop3A_964 = arith.cmpi ne, %parallel_loop3A_962, %parallel_loop3A_963 : i32
      %parallel_loop3A_965 = arith.andi %parallel_loop3A_961, %parallel_loop3A_964 : i1
      %parallel_loop3A_966 = arith.constant 1 : i32
      %parallel_loop3A_967 = arith.subi %parallel_loop3A_946, %parallel_loop3A_966 : i32
      %parallel_loop3A_968 = arith.select %parallel_loop3A_965, %parallel_loop3A_967, %parallel_loop3A_946 : i32
      %parallel_loop3A_969 = arith.constant 1024 : i32
      %parallel_loop3A_970 = arith.constant 0 : i32
      %parallel_loop3A_971 = arith.cmpi eq, %parallel_loop3A_969, %parallel_loop3A_970 : i32
      %parallel_loop3A_972 = arith.constant 1 : i32
      %parallel_loop3A_973 = arith.select %parallel_loop3A_971, %parallel_loop3A_972, %parallel_loop3A_969 : i32
      %parallel_loop3A_974 = arith.remsi %parallel_loop3A_944, %parallel_loop3A_973 : i32
      %parallel_loop3A_975 = arith.constant 0 : i32
      %parallel_loop3A_976 = arith.cmpi ne, %parallel_loop3A_974, %parallel_loop3A_975 : i32
      %parallel_loop3A_977 = arith.constant 0 : i32
      %parallel_loop3A_978 = arith.cmpi slt, %parallel_loop3A_974, %parallel_loop3A_977 : i32
      %parallel_loop3A_979 = arith.constant 0 : i32
      %parallel_loop3A_980 = arith.cmpi slt, %parallel_loop3A_973, %parallel_loop3A_979 : i32
      %parallel_loop3A_981 = arith.xori %parallel_loop3A_978, %parallel_loop3A_980 : i1
      %parallel_loop3A_982 = arith.andi %parallel_loop3A_981, %parallel_loop3A_976 : i1
      %parallel_loop3A_983 = arith.addi %parallel_loop3A_974, %parallel_loop3A_973 : i32
      %parallel_loop3A_984 = arith.select %parallel_loop3A_982, %parallel_loop3A_983, %parallel_loop3A_974 : i32
      %parallel_loop3A_985 = arith.index_cast %parallel_loop3A_968 : i32 to index
      %parallel_loop3A_986 = arith.index_cast %parallel_loop3A_984 : i32 to index
      %parallel_loop3A_987 = tpu.vector_load %arg6[%parallel_loop3A_985, %parallel_loop3A_986] {strides = array<i32>} : memref<16x1024xf32, #tpu.memory_space<vmem>>, vector<1x16xf32>,
      %parallel_loop3A_988 = vector.shape_cast %parallel_loop3A_987 : vector<1x16xf32> to vector<16xf32>
      %parallel_loop3A_989 = arith.index_cast %parallel_loop3A_968 : i32 to index
      %parallel_loop3A_990 = arith.index_cast %parallel_loop3A_984 : i32 to index
      %parallel_loop3A_991 = tpu.vector_load %arg9[%parallel_loop3A_989, %parallel_loop3A_990] {strides = array<i32>} : memref<16x1024xf32, #tpu.memory_space<vmem>>, vector<1x16xf32>,
      %parallel_loop3A_992 = vector.shape_cast %parallel_loop3A_991 : vector<1x16xf32> to vector<16xf32>
      %parallel_loop3A_993 = vector.shape_cast %parallel_loop3A_988 : vector<16xf32> to vector<1x16xf32>
      tpu.vector_store %arg9[%parallel_loop3A_989, %parallel_loop3A_990], %parallel_loop3A_993 {add = true, strides = array<i32>} : memref<16x1024xf32, #tpu.memory_space<vmem>>, vector<1x16xf32>,
    } {sc.loop_unroll_factor = 4 : i64, sc.parallel_access}
    %add3A_250 = arith.constant 12288 : i32
    %add3A_251 = arith.addi %add3A_250, %mul3A_2 : i32
    %add3A_252 = arith.constant 16 : i32
    %add3A_253 = arith.addi %add3A_251, %add3A_252 : i32
    %dma_start3A_254 = arith.constant 0 : i32
    %dma_start3A_255 = tpu.memref_slice %arg4[%add3A_253, %dma_start3A_254] : memref<16384x1024xf32, #tpu.memory_space<hbm>> -> memref<16x1024xf32, #tpu.memory_space<hbm>>
    %dma_start3A_256 = arith.constant 0 : i32
    %dma_start3A_257 = tpu.memref_slice %arg4[%add3A_253, %dma_start3A_256] : memref<16384x1024xf32, #tpu.memory_space<hbm>> -> memref<16x1024xf32, #tpu.memory_space<hbm>>
    tpu.enqueue_dma source(%arg9 : memref<16x1024xf32, #tpu.memory_space<vmem>>) target(%dma_start3A_257 : memref<16x1024xf32, #tpu.memory_space<hbm>>) target_semaphore(%arg21 : memref<!tpu.dma_semaphore, #tpu.memory_space<semaphore_mem>>)
    %dma_wait3A_258 = arith.constant 0 : i32
    %dma_wait3A_259 = tpu.memref_slice %arg3[%add3A_145, %dma_wait3A_258] : memref<8192x1024xf32, #tpu.memory_space<hbm>> -> memref<16x1024xf32, #tpu.memory_space<hbm>>
    %dma_wait3A_260 = arith.constant 0 : i32
    %dma_wait3A_261 = tpu.memref_slice %arg3[%add3A_145, %dma_wait3A_260] : memref<8192x1024xf32, #tpu.memory_space<hbm>> -> memref<16x1024xf32, #tpu.memory_space<hbm>>
    tpu.wait_dma2 semaphore(%arg12 : memref<!tpu.dma_semaphore, #tpu.memory_space<semaphore_mem>>) src(%dma_wait3A_261 : memref<16x1024xf32, #tpu.memory_space<hbm>>) dst(%arg5 : memref<16x1024xf32, #tpu.memory_space<vmem>>)
    %add3A_262 = arith.constant 48 : i32
    %add3A_263 = arith.addi %mul3A_2, %add3A_262 : i32
    %dma_start3A_264 = arith.constant 0 : i32
    %dma_start3A_265 = tpu.memref_slice %arg3[%add3A_263, %dma_start3A_264] : memref<8192x1024xf32, #tpu.memory_space<hbm>> -> memref<16x1024xf32, #tpu.memory_space<hbm>>
    %dma_start3A_266 = arith.constant 0 : i32
    %dma_start3A_267 = tpu.memref_slice %arg3[%add3A_263, %dma_start3A_266] : memref<8192x1024xf32, #tpu.memory_space<hbm>> -> memref<16x1024xf32, #tpu.memory_space<hbm>>
    tpu.enqueue_dma source(%dma_start3A_267 : memref<16x1024xf32, #tpu.memory_space<hbm>>) target(%arg6 : memref<16x1024xf32, #tpu.memory_space<vmem>>) target_semaphore(%arg13 : memref<!tpu.dma_semaphore, #tpu.memory_space<semaphore_mem>>)
    %dma_wait3A_268 = arith.constant 0 : i32
    %dma_wait3A_269 = tpu.memref_slice %arg4[%add3A_226, %dma_wait3A_268] : memref<16384x1024xf32, #tpu.memory_space<hbm>> -> memref<16x1024xf32, #tpu.memory_space<hbm>>
    %dma_wait3A_270 = arith.constant 0 : i32
    %dma_wait3A_271 = tpu.memref_slice %arg4[%add3A_226, %dma_wait3A_270] : memref<16384x1024xf32, #tpu.memory_space<hbm>> -> memref<16x1024xf32, #tpu.memory_space<hbm>>
    tpu.wait_dma2 semaphore(%arg20 : memref<!tpu.dma_semaphore, #tpu.memory_space<semaphore_mem>>) src(%arg8 : memref<16x1024xf32, #tpu.memory_space<vmem>>) dst(%dma_wait3A_271 : memref<16x1024xf32, #tpu.memory_space<hbm>>)
    %add3A_272 = arith.constant 12288 : i32
    %add3A_273 = arith.addi %add3A_272, %mul3A_2 : i32
    %add3A_274 = arith.constant 32 : i32
    %add3A_275 = arith.addi %add3A_273, %add3A_274 : i32
    %dma_start3A_276 = arith.constant 0 : i32
    %dma_start3A_277 = tpu.memref_slice %arg2[%add3A_275, %dma_start3A_276] : memref<16384x1024xf32, #tpu.memory_space<hbm>> -> memref<16x1024xf32, #tpu.memory_space<hbm>>
    %dma_start3A_278 = arith.constant 0 : i32
    %dma_start3A_279 = tpu.memref_slice %arg2[%add3A_275, %dma_start3A_278] : memref<16384x1024xf32, #tpu.memory_space<hbm>> -> memref<16x1024xf32, #tpu.memory_space<hbm>>
    tpu.enqueue_dma source(%dma_start3A_279 : memref<16x1024xf32, #tpu.memory_space<hbm>>) target(%arg8 : memref<16x1024xf32, #tpu.memory_space<vmem>>) target_semaphore(%arg15 : memref<!tpu.dma_semaphore, #tpu.memory_space<semaphore_mem>>)
    %dma_wait3A_280 = arith.constant 0 : i32
    %dma_wait3A_281 = tpu.memref_slice %arg2[%add3A_184, %dma_wait3A_280] : memref<16384x1024xf32, #tpu.memory_space<hbm>> -> memref<16x1024xf32, #tpu.memory_space<hbm>>
    %dma_wait3A_282 = arith.constant 0 : i32
    %dma_wait3A_283 = tpu.memref_slice %arg2[%add3A_184, %dma_wait3A_282] : memref<16384x1024xf32, #tpu.memory_space<hbm>> -> memref<16x1024xf32, #tpu.memory_space<hbm>>
    tpu.wait_dma2 semaphore(%arg17 : memref<!tpu.dma_semaphore, #tpu.memory_space<semaphore_mem>>) src(%dma_wait3A_283 : memref<16x1024xf32, #tpu.memory_space<hbm>>) dst(%arg10 : memref<16x1024xf32, #tpu.memory_space<vmem>>)
    %parallel_loop3A_284 = arith.constant 0 : i32
    %parallel_loop3A_285 = arith.constant 16384 : i32
    %parallel_loop3A_286 = arith.constant 16 : i32
    scf.for %parallel_loop3A_944 = %parallel_loop3A_284 to %parallel_loop3A_285 step %parallel_loop3A_286  : i32 {
      %parallel_loop3A_945 = arith.constant 1024 : i32
      %parallel_loop3A_946 = arith.divsi %parallel_loop3A_944, %parallel_loop3A_945 : i32
      %parallel_loop3A_947 = arith.constant 0 : i32
      %parallel_loop3A_948 = arith.cmpi sgt, %parallel_loop3A_944, %parallel_loop3A_947 : i32
      %parallel_loop3A_949 = arith.extui %parallel_loop3A_948 : i1 to i32
      %parallel_loop3A_950 = arith.constant 0 : i32
      %parallel_loop3A_951 = arith.cmpi slt, %parallel_loop3A_944, %parallel_loop3A_950 : i32
      %parallel_loop3A_952 = arith.extui %parallel_loop3A_951 : i1 to i32
      %parallel_loop3A_953 = arith.subi %parallel_loop3A_949, %parallel_loop3A_952 : i32
      %parallel_loop3A_954 = arith.constant 0 : i32
      %parallel_loop3A_955 = arith.cmpi sgt, %parallel_loop3A_945, %parallel_loop3A_954 : i32
      %parallel_loop3A_956 = arith.extui %parallel_loop3A_955 : i1 to i32
      %parallel_loop3A_957 = arith.constant 0 : i32
      %parallel_loop3A_958 = arith.cmpi slt, %parallel_loop3A_945, %parallel_loop3A_957 : i32
      %parallel_loop3A_959 = arith.extui %parallel_loop3A_958 : i1 to i32
      %parallel_loop3A_960 = arith.subi %parallel_loop3A_956, %parallel_loop3A_959 : i32
      %parallel_loop3A_961 = arith.cmpi ne, %parallel_loop3A_953, %parallel_loop3A_960 : i32
      %parallel_loop3A_962 = arith.remsi %parallel_loop3A_944, %parallel_loop3A_945 : i32
      %parallel_loop3A_963 = arith.constant 0 : i32
      %parallel_loop3A_964 = arith.cmpi ne, %parallel_loop3A_962, %parallel_loop3A_963 : i32
      %parallel_loop3A_965 = arith.andi %parallel_loop3A_961, %parallel_loop3A_964 : i1
      %parallel_loop3A_966 = arith.constant 1 : i32
      %parallel_loop3A_967 = arith.subi %parallel_loop3A_946, %parallel_loop3A_966 : i32
      %parallel_loop3A_968 = arith.select %parallel_loop3A_965, %parallel_loop3A_967, %parallel_loop3A_946 : i32
      %parallel_loop3A_969 = arith.constant 1024 : i32
      %parallel_loop3A_970 = arith.constant 0 : i32
      %parallel_loop3A_971 = arith.cmpi eq, %parallel_loop3A_969, %parallel_loop3A_970 : i32
      %parallel_loop3A_972 = arith.constant 1 : i32
      %parallel_loop3A_973 = arith.select %parallel_loop3A_971, %parallel_loop3A_972, %parallel_loop3A_969 : i32
      %parallel_loop3A_974 = arith.remsi %parallel_loop3A_944, %parallel_loop3A_973 : i32
      %parallel_loop3A_975 = arith.constant 0 : i32
      %parallel_loop3A_976 = arith.cmpi ne, %parallel_loop3A_974, %parallel_loop3A_975 : i32
      %parallel_loop3A_977 = arith.constant 0 : i32
      %parallel_loop3A_978 = arith.cmpi slt, %parallel_loop3A_974, %parallel_loop3A_977 : i32
      %parallel_loop3A_979 = arith.constant 0 : i32
      %parallel_loop3A_980 = arith.cmpi slt, %parallel_loop3A_973, %parallel_loop3A_979 : i32
      %parallel_loop3A_981 = arith.xori %parallel_loop3A_978, %parallel_loop3A_980 : i1
      %parallel_loop3A_982 = arith.andi %parallel_loop3A_981, %parallel_loop3A_976 : i1
      %parallel_loop3A_983 = arith.addi %parallel_loop3A_974, %parallel_loop3A_973 : i32
      %parallel_loop3A_984 = arith.select %parallel_loop3A_982, %parallel_loop3A_983, %parallel_loop3A_974 : i32
      %parallel_loop3A_985 = arith.index_cast %parallel_loop3A_968 : i32 to index
      %parallel_loop3A_986 = arith.index_cast %parallel_loop3A_984 : i32 to index
      %parallel_loop3A_987 = tpu.vector_load %arg5[%parallel_loop3A_985, %parallel_loop3A_986] {strides = array<i32>} : memref<16x1024xf32, #tpu.memory_space<vmem>>, vector<1x16xf32>,
      %parallel_loop3A_988 = vector.shape_cast %parallel_loop3A_987 : vector<1x16xf32> to vector<16xf32>
      %parallel_loop3A_989 = arith.index_cast %parallel_loop3A_968 : i32 to index
      %parallel_loop3A_990 = arith.index_cast %parallel_loop3A_984 : i32 to index
      %parallel_loop3A_991 = tpu.vector_load %arg10[%parallel_loop3A_989, %parallel_loop3A_990] {strides = array<i32>} : memref<16x1024xf32, #tpu.memory_space<vmem>>, vector<1x16xf32>,
      %parallel_loop3A_992 = vector.shape_cast %parallel_loop3A_991 : vector<1x16xf32> to vector<16xf32>
      %parallel_loop3A_993 = vector.shape_cast %parallel_loop3A_988 : vector<16xf32> to vector<1x16xf32>
      tpu.vector_store %arg10[%parallel_loop3A_989, %parallel_loop3A_990], %parallel_loop3A_993 {add = true, strides = array<i32>} : memref<16x1024xf32, #tpu.memory_space<vmem>>, vector<1x16xf32>,
    } {sc.loop_unroll_factor = 4 : i64, sc.parallel_access}
    %add3A_287 = arith.constant 0 : i32
    %add3A_288 = arith.addi %add3A_287, %mul3A_2 : i32
    %add3A_289 = arith.constant 32 : i32
    %add3A_290 = arith.addi %add3A_288, %add3A_289 : i32
    %dma_start3A_291 = arith.constant 0 : i32
    %dma_start3A_292 = tpu.memref_slice %arg4[%add3A_290, %dma_start3A_291] : memref<16384x1024xf32, #tpu.memory_space<hbm>> -> memref<16x1024xf32, #tpu.memory_space<hbm>>
    %dma_start3A_293 = arith.constant 0 : i32
    %dma_start3A_294 = tpu.memref_slice %arg4[%add3A_290, %dma_start3A_293] : memref<16384x1024xf32, #tpu.memory_space<hbm>> -> memref<16x1024xf32, #tpu.memory_space<hbm>>
    tpu.enqueue_dma source(%arg10 : memref<16x1024xf32, #tpu.memory_space<vmem>>) target(%dma_start3A_294 : memref<16x1024xf32, #tpu.memory_space<hbm>>) target_semaphore(%arg22 : memref<!tpu.dma_semaphore, #tpu.memory_space<semaphore_mem>>)
    %dma_wait3A_295 = arith.constant 0 : i32
    %dma_wait3A_296 = tpu.memref_slice %arg4[%add3A_253, %dma_wait3A_295] : memref<16384x1024xf32, #tpu.memory_space<hbm>> -> memref<16x1024xf32, #tpu.memory_space<hbm>>
    %dma_wait3A_297 = arith.constant 0 : i32
    %dma_wait3A_298 = tpu.memref_slice %arg4[%add3A_253, %dma_wait3A_297] : memref<16384x1024xf32, #tpu.memory_space<hbm>> -> memref<16x1024xf32, #tpu.memory_space<hbm>>
    tpu.wait_dma2 semaphore(%arg21 : memref<!tpu.dma_semaphore, #tpu.memory_space<semaphore_mem>>) src(%arg9 : memref<16x1024xf32, #tpu.memory_space<vmem>>) dst(%dma_wait3A_298 : memref<16x1024xf32, #tpu.memory_space<hbm>>)
    %add3A_299 = arith.constant 0 : i32
    %add3A_300 = arith.addi %add3A_299, %mul3A_2 : i32
    %add3A_301 = arith.constant 48 : i32
    %add3A_302 = arith.addi %add3A_300, %add3A_301 : i32
    %dma_start3A_303 = arith.constant 0 : i32
    %dma_start3A_304 = tpu.memref_slice %arg2[%add3A_302, %dma_start3A_303] : memref<16384x1024xf32, #tpu.memory_space<hbm>> -> memref<16x1024xf32, #tpu.memory_space<hbm>>
    %dma_start3A_305 = arith.constant 0 : i32
    %dma_start3A_306 = tpu.memref_slice %arg2[%add3A_302, %dma_start3A_305] : memref<16384x1024xf32, #tpu.memory_space<hbm>> -> memref<16x1024xf32, #tpu.memory_space<hbm>>
    tpu.enqueue_dma source(%dma_start3A_306 : memref<16x1024xf32, #tpu.memory_space<hbm>>) target(%arg9 : memref<16x1024xf32, #tpu.memory_space<vmem>>) target_semaphore(%arg16 : memref<!tpu.dma_semaphore, #tpu.memory_space<semaphore_mem>>)
    %dma_wait3A_307 = arith.constant 0 : i32
    %dma_wait3A_308 = tpu.memref_slice %arg2[%add3A_211, %dma_wait3A_307] : memref<16384x1024xf32, #tpu.memory_space<hbm>> -> memref<16x1024xf32, #tpu.memory_space<hbm>>
    %dma_wait3A_309 = arith.constant 0 : i32
    %dma_wait3A_310 = tpu.memref_slice %arg2[%add3A_211, %dma_wait3A_309] : memref<16384x1024xf32, #tpu.memory_space<hbm>> -> memref<16x1024xf32, #tpu.memory_space<hbm>>
    tpu.wait_dma2 semaphore(%arg18 : memref<!tpu.dma_semaphore, #tpu.memory_space<semaphore_mem>>) src(%dma_wait3A_310 : memref<16x1024xf32, #tpu.memory_space<hbm>>) dst(%arg11 : memref<16x1024xf32, #tpu.memory_space<vmem>>)
    %parallel_loop3A_311 = arith.constant 0 : i32
    %parallel_loop3A_312 = arith.constant 16384 : i32
    %parallel_loop3A_313 = arith.constant 16 : i32
    scf.for %parallel_loop3A_944 = %parallel_loop3A_311 to %parallel_loop3A_312 step %parallel_loop3A_313  : i32 {
      %parallel_loop3A_945 = arith.constant 1024 : i32
      %parallel_loop3A_946 = arith.divsi %parallel_loop3A_944, %parallel_loop3A_945 : i32
      %parallel_loop3A_947 = arith.constant 0 : i32
      %parallel_loop3A_948 = arith.cmpi sgt, %parallel_loop3A_944, %parallel_loop3A_947 : i32
      %parallel_loop3A_949 = arith.extui %parallel_loop3A_948 : i1 to i32
      %parallel_loop3A_950 = arith.constant 0 : i32
      %parallel_loop3A_951 = arith.cmpi slt, %parallel_loop3A_944, %parallel_loop3A_950 : i32
      %parallel_loop3A_952 = arith.extui %parallel_loop3A_951 : i1 to i32
      %parallel_loop3A_953 = arith.subi %parallel_loop3A_949, %parallel_loop3A_952 : i32
      %parallel_loop3A_954 = arith.constant 0 : i32
      %parallel_loop3A_955 = arith.cmpi sgt, %parallel_loop3A_945, %parallel_loop3A_954 : i32
      %parallel_loop3A_956 = arith.extui %parallel_loop3A_955 : i1 to i32
      %parallel_loop3A_957 = arith.constant 0 : i32
      %parallel_loop3A_958 = arith.cmpi slt, %parallel_loop3A_945, %parallel_loop3A_957 : i32
      %parallel_loop3A_959 = arith.extui %parallel_loop3A_958 : i1 to i32
      %parallel_loop3A_960 = arith.subi %parallel_loop3A_956, %parallel_loop3A_959 : i32
      %parallel_loop3A_961 = arith.cmpi ne, %parallel_loop3A_953, %parallel_loop3A_960 : i32
      %parallel_loop3A_962 = arith.remsi %parallel_loop3A_944, %parallel_loop3A_945 : i32
      %parallel_loop3A_963 = arith.constant 0 : i32
      %parallel_loop3A_964 = arith.cmpi ne, %parallel_loop3A_962, %parallel_loop3A_963 : i32
      %parallel_loop3A_965 = arith.andi %parallel_loop3A_961, %parallel_loop3A_964 : i1
      %parallel_loop3A_966 = arith.constant 1 : i32
      %parallel_loop3A_967 = arith.subi %parallel_loop3A_946, %parallel_loop3A_966 : i32
      %parallel_loop3A_968 = arith.select %parallel_loop3A_965, %parallel_loop3A_967, %parallel_loop3A_946 : i32
      %parallel_loop3A_969 = arith.constant 1024 : i32
      %parallel_loop3A_970 = arith.constant 0 : i32
      %parallel_loop3A_971 = arith.cmpi eq, %parallel_loop3A_969, %parallel_loop3A_970 : i32
      %parallel_loop3A_972 = arith.constant 1 : i32
      %parallel_loop3A_973 = arith.select %parallel_loop3A_971, %parallel_loop3A_972, %parallel_loop3A_969 : i32
      %parallel_loop3A_974 = arith.remsi %parallel_loop3A_944, %parallel_loop3A_973 : i32
      %parallel_loop3A_975 = arith.constant 0 : i32
      %parallel_loop3A_976 = arith.cmpi ne, %parallel_loop3A_974, %parallel_loop3A_975 : i32
      %parallel_loop3A_977 = arith.constant 0 : i32
      %parallel_loop3A_978 = arith.cmpi slt, %parallel_loop3A_974, %parallel_loop3A_977 : i32
      %parallel_loop3A_979 = arith.constant 0 : i32
      %parallel_loop3A_980 = arith.cmpi slt, %parallel_loop3A_973, %parallel_loop3A_979 : i32
      %parallel_loop3A_981 = arith.xori %parallel_loop3A_978, %parallel_loop3A_980 : i1
      %parallel_loop3A_982 = arith.andi %parallel_loop3A_981, %parallel_loop3A_976 : i1
      %parallel_loop3A_983 = arith.addi %parallel_loop3A_974, %parallel_loop3A_973 : i32
      %parallel_loop3A_984 = arith.select %parallel_loop3A_982, %parallel_loop3A_983, %parallel_loop3A_974 : i32
      %parallel_loop3A_985 = arith.index_cast %parallel_loop3A_968 : i32 to index
      %parallel_loop3A_986 = arith.index_cast %parallel_loop3A_984 : i32 to index
      %parallel_loop3A_987 = tpu.vector_load %arg5[%parallel_loop3A_985, %parallel_loop3A_986] {strides = array<i32>} : memref<16x1024xf32, #tpu.memory_space<vmem>>, vector<1x16xf32>,
      %parallel_loop3A_988 = vector.shape_cast %parallel_loop3A_987 : vector<1x16xf32> to vector<16xf32>
      %parallel_loop3A_989 = arith.index_cast %parallel_loop3A_968 : i32 to index
      %parallel_loop3A_990 = arith.index_cast %parallel_loop3A_984 : i32 to index
      %parallel_loop3A_991 = tpu.vector_load %arg11[%parallel_loop3A_989, %parallel_loop3A_990] {strides = array<i32>} : memref<16x1024xf32, #tpu.memory_space<vmem>>, vector<1x16xf32>,
      %parallel_loop3A_992 = vector.shape_cast %parallel_loop3A_991 : vector<1x16xf32> to vector<16xf32>
      %parallel_loop3A_993 = vector.shape_cast %parallel_loop3A_988 : vector<16xf32> to vector<1x16xf32>
      tpu.vector_store %arg11[%parallel_loop3A_989, %parallel_loop3A_990], %parallel_loop3A_993 {add = true, strides = array<i32>} : memref<16x1024xf32, #tpu.memory_space<vmem>>, vector<1x16xf32>,
    } {sc.loop_unroll_factor = 4 : i64, sc.parallel_access}
    %add3A_314 = arith.constant 4096 : i32
    %add3A_315 = arith.addi %add3A_314, %mul3A_2 : i32
    %add3A_316 = arith.constant 32 : i32
    %add3A_317 = arith.addi %add3A_315, %add3A_316 : i32
    %dma_start3A_318 = arith.constant 0 : i32
    %dma_start3A_319 = tpu.memref_slice %arg4[%add3A_317, %dma_start3A_318] : memref<16384x1024xf32, #tpu.memory_space<hbm>> -> memref<16x1024xf32, #tpu.memory_space<hbm>>
    %dma_start3A_320 = arith.constant 0 : i32
    %dma_start3A_321 = tpu.memref_slice %arg4[%add3A_317, %dma_start3A_320] : memref<16384x1024xf32, #tpu.memory_space<hbm>> -> memref<16x1024xf32, #tpu.memory_space<hbm>>
    tpu.enqueue_dma source(%arg11 : memref<16x1024xf32, #tpu.memory_space<vmem>>) target(%dma_start3A_321 : memref<16x1024xf32, #tpu.memory_space<hbm>>) target_semaphore(%arg23 : memref<!tpu.dma_semaphore, #tpu.memory_space<semaphore_mem>>)
    %dma_wait3A_322 = arith.constant 0 : i32
    %dma_wait3A_323 = tpu.memref_slice %arg4[%add3A_290, %dma_wait3A_322] : memref<16384x1024xf32, #tpu.memory_space<hbm>> -> memref<16x1024xf32, #tpu.memory_space<hbm>>
    %dma_wait3A_324 = arith.constant 0 : i32
    %dma_wait3A_325 = tpu.memref_slice %arg4[%add3A_290, %dma_wait3A_324] : memref<16384x1024xf32, #tpu.memory_space<hbm>> -> memref<16x1024xf32, #tpu.memory_space<hbm>>
    tpu.wait_dma2 semaphore(%arg22 : memref<!tpu.dma_semaphore, #tpu.memory_space<semaphore_mem>>) src(%arg10 : memref<16x1024xf32, #tpu.memory_space<vmem>>) dst(%dma_wait3A_325 : memref<16x1024xf32, #tpu.memory_space<hbm>>)
    %add3A_326 = arith.constant 4096 : i32
    %add3A_327 = arith.addi %add3A_326, %mul3A_2 : i32
    %add3A_328 = arith.constant 48 : i32
    %add3A_329 = arith.addi %add3A_327, %add3A_328 : i32
    %dma_start3A_330 = arith.constant 0 : i32
    %dma_start3A_331 = tpu.memref_slice %arg2[%add3A_329, %dma_start3A_330] : memref<16384x1024xf32, #tpu.memory_space<hbm>> -> memref<16x1024xf32, #tpu.memory_space<hbm>>
    %dma_start3A_332 = arith.constant 0 : i32
    %dma_start3A_333 = tpu.memref_slice %arg2[%add3A_329, %dma_start3A_332] : memref<16384x1024xf32, #tpu.memory_space<hbm>> -> memref<16x1024xf32, #tpu.memory_space<hbm>>
    tpu.enqueue_dma source(%dma_start3A_333 : memref<16x1024xf32, #tpu.memory_space<hbm>>) target(%arg10 : memref<16x1024xf32, #tpu.memory_space<vmem>>) target_semaphore(%arg17 : memref<!tpu.dma_semaphore, #tpu.memory_space<semaphore_mem>>)
    %dma_wait3A_334 = arith.constant 0 : i32
    %dma_wait3A_335 = tpu.memref_slice %arg2[%add3A_238, %dma_wait3A_334] : memref<16384x1024xf32, #tpu.memory_space<hbm>> -> memref<16x1024xf32, #tpu.memory_space<hbm>>
    %dma_wait3A_336 = arith.constant 0 : i32
    %dma_wait3A_337 = tpu.memref_slice %arg2[%add3A_238, %dma_wait3A_336] : memref<16384x1024xf32, #tpu.memory_space<hbm>> -> memref<16x1024xf32, #tpu.memory_space<hbm>>
    tpu.wait_dma2 semaphore(%arg14 : memref<!tpu.dma_semaphore, #tpu.memory_space<semaphore_mem>>) src(%dma_wait3A_337 : memref<16x1024xf32, #tpu.memory_space<hbm>>) dst(%arg7 : memref<16x1024xf32, #tpu.memory_space<vmem>>)
    %parallel_loop3A_338 = arith.constant 0 : i32
    %parallel_loop3A_339 = arith.constant 16384 : i32
    %parallel_loop3A_340 = arith.constant 16 : i32
    scf.for %parallel_loop3A_944 = %parallel_loop3A_338 to %parallel_loop3A_339 step %parallel_loop3A_340  : i32 {
      %parallel_loop3A_945 = arith.constant 1024 : i32
      %parallel_loop3A_946 = arith.divsi %parallel_loop3A_944, %parallel_loop3A_945 : i32
      %parallel_loop3A_947 = arith.constant 0 : i32
      %parallel_loop3A_948 = arith.cmpi sgt, %parallel_loop3A_944, %parallel_loop3A_947 : i32
      %parallel_loop3A_949 = arith.extui %parallel_loop3A_948 : i1 to i32
      %parallel_loop3A_950 = arith.constant 0 : i32
      %parallel_loop3A_951 = arith.cmpi slt, %parallel_loop3A_944, %parallel_loop3A_950 : i32
      %parallel_loop3A_952 = arith.extui %parallel_loop3A_951 : i1 to i32
      %parallel_loop3A_953 = arith.subi %parallel_loop3A_949, %parallel_loop3A_952 : i32
      %parallel_loop3A_954 = arith.constant 0 : i32
      %parallel_loop3A_955 = arith.cmpi sgt, %parallel_loop3A_945, %parallel_loop3A_954 : i32
      %parallel_loop3A_956 = arith.extui %parallel_loop3A_955 : i1 to i32
      %parallel_loop3A_957 = arith.constant 0 : i32
      %parallel_loop3A_958 = arith.cmpi slt, %parallel_loop3A_945, %parallel_loop3A_957 : i32
      %parallel_loop3A_959 = arith.extui %parallel_loop3A_958 : i1 to i32
      %parallel_loop3A_960 = arith.subi %parallel_loop3A_956, %parallel_loop3A_959 : i32
      %parallel_loop3A_961 = arith.cmpi ne, %parallel_loop3A_953, %parallel_loop3A_960 : i32
      %parallel_loop3A_962 = arith.remsi %parallel_loop3A_944, %parallel_loop3A_945 : i32
      %parallel_loop3A_963 = arith.constant 0 : i32
      %parallel_loop3A_964 = arith.cmpi ne, %parallel_loop3A_962, %parallel_loop3A_963 : i32
      %parallel_loop3A_965 = arith.andi %parallel_loop3A_961, %parallel_loop3A_964 : i1
      %parallel_loop3A_966 = arith.constant 1 : i32
      %parallel_loop3A_967 = arith.subi %parallel_loop3A_946, %parallel_loop3A_966 : i32
      %parallel_loop3A_968 = arith.select %parallel_loop3A_965, %parallel_loop3A_967, %parallel_loop3A_946 : i32
      %parallel_loop3A_969 = arith.constant 1024 : i32
      %parallel_loop3A_970 = arith.constant 0 : i32
      %parallel_loop3A_971 = arith.cmpi eq, %parallel_loop3A_969, %parallel_loop3A_970 : i32
      %parallel_loop3A_972 = arith.constant 1 : i32
      %parallel_loop3A_973 = arith.select %parallel_loop3A_971, %parallel_loop3A_972, %parallel_loop3A_969 : i32
      %parallel_loop3A_974 = arith.remsi %parallel_loop3A_944, %parallel_loop3A_973 : i32
      %parallel_loop3A_975 = arith.constant 0 : i32
      %parallel_loop3A_976 = arith.cmpi ne, %parallel_loop3A_974, %parallel_loop3A_975 : i32
      %parallel_loop3A_977 = arith.constant 0 : i32
      %parallel_loop3A_978 = arith.cmpi slt, %parallel_loop3A_974, %parallel_loop3A_977 : i32
      %parallel_loop3A_979 = arith.constant 0 : i32
      %parallel_loop3A_980 = arith.cmpi slt, %parallel_loop3A_973, %parallel_loop3A_979 : i32
      %parallel_loop3A_981 = arith.xori %parallel_loop3A_978, %parallel_loop3A_980 : i1
      %parallel_loop3A_982 = arith.andi %parallel_loop3A_981, %parallel_loop3A_976 : i1
      %parallel_loop3A_983 = arith.addi %parallel_loop3A_974, %parallel_loop3A_973 : i32
      %parallel_loop3A_984 = arith.select %parallel_loop3A_982, %parallel_loop3A_983, %parallel_loop3A_974 : i32
      %parallel_loop3A_985 = arith.index_cast %parallel_loop3A_968 : i32 to index
      %parallel_loop3A_986 = arith.index_cast %parallel_loop3A_984 : i32 to index
      %parallel_loop3A_987 = tpu.vector_load %arg5[%parallel_loop3A_985, %parallel_loop3A_986] {strides = array<i32>} : memref<16x1024xf32, #tpu.memory_space<vmem>>, vector<1x16xf32>,
      %parallel_loop3A_988 = vector.shape_cast %parallel_loop3A_987 : vector<1x16xf32> to vector<16xf32>
      %parallel_loop3A_989 = arith.index_cast %parallel_loop3A_968 : i32 to index
      %parallel_loop3A_990 = arith.index_cast %parallel_loop3A_984 : i32 to index
      %parallel_loop3A_991 = tpu.vector_load %arg7[%parallel_loop3A_989, %parallel_loop3A_990] {strides = array<i32>} : memref<16x1024xf32, #tpu.memory_space<vmem>>, vector<1x16xf32>,
      %parallel_loop3A_992 = vector.shape_cast %parallel_loop3A_991 : vector<1x16xf32> to vector<16xf32>
      %parallel_loop3A_993 = vector.shape_cast %parallel_loop3A_988 : vector<16xf32> to vector<1x16xf32>
      tpu.vector_store %arg7[%parallel_loop3A_989, %parallel_loop3A_990], %parallel_loop3A_993 {add = true, strides = array<i32>} : memref<16x1024xf32, #tpu.memory_space<vmem>>, vector<1x16xf32>,
    } {sc.loop_unroll_factor = 4 : i64, sc.parallel_access}
    %add3A_341 = arith.constant 8192 : i32
    %add3A_342 = arith.addi %add3A_341, %mul3A_2 : i32
    %add3A_343 = arith.constant 32 : i32
    %add3A_344 = arith.addi %add3A_342, %add3A_343 : i32
    %dma_start3A_345 = arith.constant 0 : i32
    %dma_start3A_346 = tpu.memref_slice %arg4[%add3A_344, %dma_start3A_345] : memref<16384x1024xf32, #tpu.memory_space<hbm>> -> memref<16x1024xf32, #tpu.memory_space<hbm>>
    %dma_start3A_347 = arith.constant 0 : i32
    %dma_start3A_348 = tpu.memref_slice %arg4[%add3A_344, %dma_start3A_347] : memref<16384x1024xf32, #tpu.memory_space<hbm>> -> memref<16x1024xf32, #tpu.memory_space<hbm>>
    tpu.enqueue_dma source(%arg7 : memref<16x1024xf32, #tpu.memory_space<vmem>>) target(%dma_start3A_348 : memref<16x1024xf32, #tpu.memory_space<hbm>>) target_semaphore(%arg19 : memref<!tpu.dma_semaphore, #tpu.memory_space<semaphore_mem>>)
    %dma_wait3A_349 = arith.constant 0 : i32
    %dma_wait3A_350 = tpu.memref_slice %arg4[%add3A_317, %dma_wait3A_349] : memref<16384x1024xf32, #tpu.memory_space<hbm>> -> memref<16x1024xf32, #tpu.memory_space<hbm>>
    %dma_wait3A_351 = arith.constant 0 : i32
    %dma_wait3A_352 = tpu.memref_slice %arg4[%add3A_317, %dma_wait3A_351] : memref<16384x1024xf32, #tpu.memory_space<hbm>> -> memref<16x1024xf32, #tpu.memory_space<hbm>>
    tpu.wait_dma2 semaphore(%arg23 : memref<!tpu.dma_semaphore, #tpu.memory_space<semaphore_mem>>) src(%arg11 : memref<16x1024xf32, #tpu.memory_space<vmem>>) dst(%dma_wait3A_352 : memref<16x1024xf32, #tpu.memory_space<hbm>>)
    %add3A_353 = arith.constant 8192 : i32
    %add3A_354 = arith.addi %add3A_353, %mul3A_2 : i32
    %add3A_355 = arith.constant 48 : i32
    %add3A_356 = arith.addi %add3A_354, %add3A_355 : i32
    %dma_start3A_357 = arith.constant 0 : i32
    %dma_start3A_358 = tpu.memref_slice %arg2[%add3A_356, %dma_start3A_357] : memref<16384x1024xf32, #tpu.memory_space<hbm>> -> memref<16x1024xf32, #tpu.memory_space<hbm>>
    %dma_start3A_359 = arith.constant 0 : i32
    %dma_start3A_360 = tpu.memref_slice %arg2[%add3A_356, %dma_start3A_359] : memref<16384x1024xf32, #tpu.memory_space<hbm>> -> memref<16x1024xf32, #tpu.memory_space<hbm>>
    tpu.enqueue_dma source(%dma_start3A_360 : memref<16x1024xf32, #tpu.memory_space<hbm>>) target(%arg11 : memref<16x1024xf32, #tpu.memory_space<vmem>>) target_semaphore(%arg18 : memref<!tpu.dma_semaphore, #tpu.memory_space<semaphore_mem>>)
    %dma_wait3A_361 = arith.constant 0 : i32
    %dma_wait3A_362 = tpu.memref_slice %arg2[%add3A_275, %dma_wait3A_361] : memref<16384x1024xf32, #tpu.memory_space<hbm>> -> memref<16x1024xf32, #tpu.memory_space<hbm>>
    %dma_wait3A_363 = arith.constant 0 : i32
    %dma_wait3A_364 = tpu.memref_slice %arg2[%add3A_275, %dma_wait3A_363] : memref<16384x1024xf32, #tpu.memory_space<hbm>> -> memref<16x1024xf32, #tpu.memory_space<hbm>>
    tpu.wait_dma2 semaphore(%arg15 : memref<!tpu.dma_semaphore, #tpu.memory_space<semaphore_mem>>) src(%dma_wait3A_364 : memref<16x1024xf32, #tpu.memory_space<hbm>>) dst(%arg8 : memref<16x1024xf32, #tpu.memory_space<vmem>>)
    %parallel_loop3A_365 = arith.constant 0 : i32
    %parallel_loop3A_366 = arith.constant 16384 : i32
    %parallel_loop3A_367 = arith.constant 16 : i32
    scf.for %parallel_loop3A_944 = %parallel_loop3A_365 to %parallel_loop3A_366 step %parallel_loop3A_367  : i32 {
      %parallel_loop3A_945 = arith.constant 1024 : i32
      %parallel_loop3A_946 = arith.divsi %parallel_loop3A_944, %parallel_loop3A_945 : i32
      %parallel_loop3A_947 = arith.constant 0 : i32
      %parallel_loop3A_948 = arith.cmpi sgt, %parallel_loop3A_944, %parallel_loop3A_947 : i32
      %parallel_loop3A_949 = arith.extui %parallel_loop3A_948 : i1 to i32
      %parallel_loop3A_950 = arith.constant 0 : i32
      %parallel_loop3A_951 = arith.cmpi slt, %parallel_loop3A_944, %parallel_loop3A_950 : i32
      %parallel_loop3A_952 = arith.extui %parallel_loop3A_951 : i1 to i32
      %parallel_loop3A_953 = arith.subi %parallel_loop3A_949, %parallel_loop3A_952 : i32
      %parallel_loop3A_954 = arith.constant 0 : i32
      %parallel_loop3A_955 = arith.cmpi sgt, %parallel_loop3A_945, %parallel_loop3A_954 : i32
      %parallel_loop3A_956 = arith.extui %parallel_loop3A_955 : i1 to i32
      %parallel_loop3A_957 = arith.constant 0 : i32
      %parallel_loop3A_958 = arith.cmpi slt, %parallel_loop3A_945, %parallel_loop3A_957 : i32
      %parallel_loop3A_959 = arith.extui %parallel_loop3A_958 : i1 to i32
      %parallel_loop3A_960 = arith.subi %parallel_loop3A_956, %parallel_loop3A_959 : i32
      %parallel_loop3A_961 = arith.cmpi ne, %parallel_loop3A_953, %parallel_loop3A_960 : i32
      %parallel_loop3A_962 = arith.remsi %parallel_loop3A_944, %parallel_loop3A_945 : i32
      %parallel_loop3A_963 = arith.constant 0 : i32
      %parallel_loop3A_964 = arith.cmpi ne, %parallel_loop3A_962, %parallel_loop3A_963 : i32
      %parallel_loop3A_965 = arith.andi %parallel_loop3A_961, %parallel_loop3A_964 : i1
      %parallel_loop3A_966 = arith.constant 1 : i32
      %parallel_loop3A_967 = arith.subi %parallel_loop3A_946, %parallel_loop3A_966 : i32
      %parallel_loop3A_968 = arith.select %parallel_loop3A_965, %parallel_loop3A_967, %parallel_loop3A_946 : i32
      %parallel_loop3A_969 = arith.constant 1024 : i32
      %parallel_loop3A_970 = arith.constant 0 : i32
      %parallel_loop3A_971 = arith.cmpi eq, %parallel_loop3A_969, %parallel_loop3A_970 : i32
      %parallel_loop3A_972 = arith.constant 1 : i32
      %parallel_loop3A_973 = arith.select %parallel_loop3A_971, %parallel_loop3A_972, %parallel_loop3A_969 : i32
      %parallel_loop3A_974 = arith.remsi %parallel_loop3A_944, %parallel_loop3A_973 : i32
      %parallel_loop3A_975 = arith.constant 0 : i32
      %parallel_loop3A_976 = arith.cmpi ne, %parallel_loop3A_974, %parallel_loop3A_975 : i32
      %parallel_loop3A_977 = arith.constant 0 : i32
      %parallel_loop3A_978 = arith.cmpi slt, %parallel_loop3A_974, %parallel_loop3A_977 : i32
      %parallel_loop3A_979 = arith.constant 0 : i32
      %parallel_loop3A_980 = arith.cmpi slt, %parallel_loop3A_973, %parallel_loop3A_979 : i32
      %parallel_loop3A_981 = arith.xori %parallel_loop3A_978, %parallel_loop3A_980 : i1
      %parallel_loop3A_982 = arith.andi %parallel_loop3A_981, %parallel_loop3A_976 : i1
      %parallel_loop3A_983 = arith.addi %parallel_loop3A_974, %parallel_loop3A_973 : i32
      %parallel_loop3A_984 = arith.select %parallel_loop3A_982, %parallel_loop3A_983, %parallel_loop3A_974 : i32
      %parallel_loop3A_985 = arith.index_cast %parallel_loop3A_968 : i32 to index
      %parallel_loop3A_986 = arith.index_cast %parallel_loop3A_984 : i32 to index
      %parallel_loop3A_987 = tpu.vector_load %arg5[%parallel_loop3A_985, %parallel_loop3A_986] {strides = array<i32>} : memref<16x1024xf32, #tpu.memory_space<vmem>>, vector<1x16xf32>,
      %parallel_loop3A_988 = vector.shape_cast %parallel_loop3A_987 : vector<1x16xf32> to vector<16xf32>
      %parallel_loop3A_989 = arith.index_cast %parallel_loop3A_968 : i32 to index
      %parallel_loop3A_990 = arith.index_cast %parallel_loop3A_984 : i32 to index
      %parallel_loop3A_991 = tpu.vector_load %arg8[%parallel_loop3A_989, %parallel_loop3A_990] {strides = array<i32>} : memref<16x1024xf32, #tpu.memory_space<vmem>>, vector<1x16xf32>,
      %parallel_loop3A_992 = vector.shape_cast %parallel_loop3A_991 : vector<1x16xf32> to vector<16xf32>
      %parallel_loop3A_993 = vector.shape_cast %parallel_loop3A_988 : vector<16xf32> to vector<1x16xf32>
      tpu.vector_store %arg8[%parallel_loop3A_989, %parallel_loop3A_990], %parallel_loop3A_993 {add = true, strides = array<i32>} : memref<16x1024xf32, #tpu.memory_space<vmem>>, vector<1x16xf32>,
    } {sc.loop_unroll_factor = 4 : i64, sc.parallel_access}
    %add3A_368 = arith.constant 12288 : i32
    %add3A_369 = arith.addi %add3A_368, %mul3A_2 : i32
    %add3A_370 = arith.constant 32 : i32
    %add3A_371 = arith.addi %add3A_369, %add3A_370 : i32
    %dma_start3A_372 = arith.constant 0 : i32
    %dma_start3A_373 = tpu.memref_slice %arg4[%add3A_371, %dma_start3A_372] : memref<16384x1024xf32, #tpu.memory_space<hbm>> -> memref<16x1024xf32, #tpu.memory_space<hbm>>
    %dma_start3A_374 = arith.constant 0 : i32
    %dma_start3A_375 = tpu.memref_slice %arg4[%add3A_371, %dma_start3A_374] : memref<16384x1024xf32, #tpu.memory_space<hbm>> -> memref<16x1024xf32, #tpu.memory_space<hbm>>
    tpu.enqueue_dma source(%arg8 : memref<16x1024xf32, #tpu.memory_space<vmem>>) target(%dma_start3A_375 : memref<16x1024xf32, #tpu.memory_space<hbm>>) target_semaphore(%arg20 : memref<!tpu.dma_semaphore, #tpu.memory_space<semaphore_mem>>)
    %dma_wait3A_376 = arith.constant 0 : i32
    %dma_wait3A_377 = tpu.memref_slice %arg3[%add3A_263, %dma_wait3A_376] : memref<8192x1024xf32, #tpu.memory_space<hbm>> -> memref<16x1024xf32, #tpu.memory_space<hbm>>
    %dma_wait3A_378 = arith.constant 0 : i32
    %dma_wait3A_379 = tpu.memref_slice %arg3[%add3A_263, %dma_wait3A_378] : memref<8192x1024xf32, #tpu.memory_space<hbm>> -> memref<16x1024xf32, #tpu.memory_space<hbm>>
    tpu.wait_dma2 semaphore(%arg13 : memref<!tpu.dma_semaphore, #tpu.memory_space<semaphore_mem>>) src(%dma_wait3A_379 : memref<16x1024xf32, #tpu.memory_space<hbm>>) dst(%arg6 : memref<16x1024xf32, #tpu.memory_space<vmem>>)
    %add3A_380 = arith.constant 64 : i32
    %add3A_381 = arith.addi %mul3A_2, %add3A_380 : i32
    %dma_start3A_382 = arith.constant 0 : i32
    %dma_start3A_383 = tpu.memref_slice %arg3[%add3A_381, %dma_start3A_382] : memref<8192x1024xf32, #tpu.memory_space<hbm>> -> memref<16x1024xf32, #tpu.memory_space<hbm>>
    %dma_start3A_384 = arith.constant 0 : i32
    %dma_start3A_385 = tpu.memref_slice %arg3[%add3A_381, %dma_start3A_384] : memref<8192x1024xf32, #tpu.memory_space<hbm>> -> memref<16x1024xf32, #tpu.memory_space<hbm>>
    tpu.enqueue_dma source(%dma_start3A_385 : memref<16x1024xf32, #tpu.memory_space<hbm>>) target(%arg5 : memref<16x1024xf32, #tpu.memory_space<vmem>>) target_semaphore(%arg12 : memref<!tpu.dma_semaphore, #tpu.memory_space<semaphore_mem>>)
    %dma_wait3A_386 = arith.constant 0 : i32
    %dma_wait3A_387 = tpu.memref_slice %arg4[%add3A_344, %dma_wait3A_386] : memref<16384x1024xf32, #tpu.memory_space<hbm>> -> memref<16x1024xf32, #tpu.memory_space<hbm>>
    %dma_wait3A_388 = arith.constant 0 : i32
    %dma_wait3A_389 = tpu.memref_slice %arg4[%add3A_344, %dma_wait3A_388] : memref<16384x1024xf32, #tpu.memory_space<hbm>> -> memref<16x1024xf32, #tpu.memory_space<hbm>>
    tpu.wait_dma2 semaphore(%arg19 : memref<!tpu.dma_semaphore, #tpu.memory_space<semaphore_mem>>) src(%arg7 : memref<16x1024xf32, #tpu.memory_space<vmem>>) dst(%dma_wait3A_389 : memref<16x1024xf32, #tpu.memory_space<hbm>>)
    %add3A_390 = arith.constant 12288 : i32
    %add3A_391 = arith.addi %add3A_390, %mul3A_2 : i32
    %add3A_392 = arith.constant 48 : i32
    %add3A_393 = arith.addi %add3A_391, %add3A_392 : i32
    %dma_start3A_394 = arith.constant 0 : i32
    %dma_start3A_395 = tpu.memref_slice %arg2[%add3A_393, %dma_start3A_394] : memref<16384x1024xf32, #tpu.memory_space<hbm>> -> memref<16x1024xf32, #tpu.memory_space<hbm>>
    %dma_start3A_396 = arith.constant 0 : i32
    %dma_start3A_397 = tpu.memref_slice %arg2[%add3A_393, %dma_start3A_396] : memref<16384x1024xf32, #tpu.memory_space<hbm>> -> memref<16x1024xf32, #tpu.memory_space<hbm>>
    tpu.enqueue_dma source(%dma_start3A_397 : memref<16x1024xf32, #tpu.memory_space<hbm>>) target(%arg7 : memref<16x1024xf32, #tpu.memory_space<vmem>>) target_semaphore(%arg14 : memref<!tpu.dma_semaphore, #tpu.memory_space<semaphore_mem>>)
    %dma_wait3A_398 = arith.constant 0 : i32
    %dma_wait3A_399 = tpu.memref_slice %arg2[%add3A_302, %dma_wait3A_398] : memref<16384x1024xf32, #tpu.memory_space<hbm>> -> memref<16x1024xf32, #tpu.memory_space<hbm>>
    %dma_wait3A_400 = arith.constant 0 : i32
    %dma_wait3A_401 = tpu.memref_slice %arg2[%add3A_302, %dma_wait3A_400] : memref<16384x1024xf32, #tpu.memory_space<hbm>> -> memref<16x1024xf32, #tpu.memory_space<hbm>>
    tpu.wait_dma2 semaphore(%arg16 : memref<!tpu.dma_semaphore, #tpu.memory_space<semaphore_mem>>) src(%dma_wait3A_401 : memref<16x1024xf32, #tpu.memory_space<hbm>>) dst(%arg9 : memref<16x1024xf32, #tpu.memory_space<vmem>>)
    %parallel_loop3A_402 = arith.constant 0 : i32
    %parallel_loop3A_403 = arith.constant 16384 : i32
    %parallel_loop3A_404 = arith.constant 16 : i32
    scf.for %parallel_loop3A_944 = %parallel_loop3A_402 to %parallel_loop3A_403 step %parallel_loop3A_404  : i32 {
      %parallel_loop3A_945 = arith.constant 1024 : i32
      %parallel_loop3A_946 = arith.divsi %parallel_loop3A_944, %parallel_loop3A_945 : i32
      %parallel_loop3A_947 = arith.constant 0 : i32
      %parallel_loop3A_948 = arith.cmpi sgt, %parallel_loop3A_944, %parallel_loop3A_947 : i32
      %parallel_loop3A_949 = arith.extui %parallel_loop3A_948 : i1 to i32
      %parallel_loop3A_950 = arith.constant 0 : i32
      %parallel_loop3A_951 = arith.cmpi slt, %parallel_loop3A_944, %parallel_loop3A_950 : i32
      %parallel_loop3A_952 = arith.extui %parallel_loop3A_951 : i1 to i32
      %parallel_loop3A_953 = arith.subi %parallel_loop3A_949, %parallel_loop3A_952 : i32
      %parallel_loop3A_954 = arith.constant 0 : i32
      %parallel_loop3A_955 = arith.cmpi sgt, %parallel_loop3A_945, %parallel_loop3A_954 : i32
      %parallel_loop3A_956 = arith.extui %parallel_loop3A_955 : i1 to i32
      %parallel_loop3A_957 = arith.constant 0 : i32
      %parallel_loop3A_958 = arith.cmpi slt, %parallel_loop3A_945, %parallel_loop3A_957 : i32
      %parallel_loop3A_959 = arith.extui %parallel_loop3A_958 : i1 to i32
      %parallel_loop3A_960 = arith.subi %parallel_loop3A_956, %parallel_loop3A_959 : i32
      %parallel_loop3A_961 = arith.cmpi ne, %parallel_loop3A_953, %parallel_loop3A_960 : i32
      %parallel_loop3A_962 = arith.remsi %parallel_loop3A_944, %parallel_loop3A_945 : i32
      %parallel_loop3A_963 = arith.constant 0 : i32
      %parallel_loop3A_964 = arith.cmpi ne, %parallel_loop3A_962, %parallel_loop3A_963 : i32
      %parallel_loop3A_965 = arith.andi %parallel_loop3A_961, %parallel_loop3A_964 : i1
      %parallel_loop3A_966 = arith.constant 1 : i32
      %parallel_loop3A_967 = arith.subi %parallel_loop3A_946, %parallel_loop3A_966 : i32
      %parallel_loop3A_968 = arith.select %parallel_loop3A_965, %parallel_loop3A_967, %parallel_loop3A_946 : i32
      %parallel_loop3A_969 = arith.constant 1024 : i32
      %parallel_loop3A_970 = arith.constant 0 : i32
      %parallel_loop3A_971 = arith.cmpi eq, %parallel_loop3A_969, %parallel_loop3A_970 : i32
      %parallel_loop3A_972 = arith.constant 1 : i32
      %parallel_loop3A_973 = arith.select %parallel_loop3A_971, %parallel_loop3A_972, %parallel_loop3A_969 : i32
      %parallel_loop3A_974 = arith.remsi %parallel_loop3A_944, %parallel_loop3A_973 : i32
      %parallel_loop3A_975 = arith.constant 0 : i32
      %parallel_loop3A_976 = arith.cmpi ne, %parallel_loop3A_974, %parallel_loop3A_975 : i32
      %parallel_loop3A_977 = arith.constant 0 : i32
      %parallel_loop3A_978 = arith.cmpi slt, %parallel_loop3A_974, %parallel_loop3A_977 : i32
      %parallel_loop3A_979 = arith.constant 0 : i32
      %parallel_loop3A_980 = arith.cmpi slt, %parallel_loop3A_973, %parallel_loop3A_979 : i32
      %parallel_loop3A_981 = arith.xori %parallel_loop3A_978, %parallel_loop3A_980 : i1
      %parallel_loop3A_982 = arith.andi %parallel_loop3A_981, %parallel_loop3A_976 : i1
      %parallel_loop3A_983 = arith.addi %parallel_loop3A_974, %parallel_loop3A_973 : i32
      %parallel_loop3A_984 = arith.select %parallel_loop3A_982, %parallel_loop3A_983, %parallel_loop3A_974 : i32
      %parallel_loop3A_985 = arith.index_cast %parallel_loop3A_968 : i32 to index
      %parallel_loop3A_986 = arith.index_cast %parallel_loop3A_984 : i32 to index
      %parallel_loop3A_987 = tpu.vector_load %arg6[%parallel_loop3A_985, %parallel_loop3A_986] {strides = array<i32>} : memref<16x1024xf32, #tpu.memory_space<vmem>>, vector<1x16xf32>,
      %parallel_loop3A_988 = vector.shape_cast %parallel_loop3A_987 : vector<1x16xf32> to vector<16xf32>
      %parallel_loop3A_989 = arith.index_cast %parallel_loop3A_968 : i32 to index
      %parallel_loop3A_990 = arith.index_cast %parallel_loop3A_984 : i32 to index
      %parallel_loop3A_991 = tpu.vector_load %arg9[%parallel_loop3A_989, %parallel_loop3A_990] {strides = array<i32>} : memref<16x1024xf32, #tpu.memory_space<vmem>>, vector<1x16xf32>,
      %parallel_loop3A_992 = vector.shape_cast %parallel_loop3A_991 : vector<1x16xf32> to vector<16xf32>
      %parallel_loop3A_993 = vector.shape_cast %parallel_loop3A_988 : vector<16xf32> to vector<1x16xf32>
      tpu.vector_store %arg9[%parallel_loop3A_989, %parallel_loop3A_990], %parallel_loop3A_993 {add = true, strides = array<i32>} : memref<16x1024xf32, #tpu.memory_space<vmem>>, vector<1x16xf32>,
    } {sc.loop_unroll_factor = 4 : i64, sc.parallel_access}
    %add3A_405 = arith.constant 0 : i32
    %add3A_406 = arith.addi %add3A_405, %mul3A_2 : i32
    %add3A_407 = arith.constant 48 : i32
    %add3A_408 = arith.addi %add3A_406, %add3A_407 : i32
    %dma_start3A_409 = arith.constant 0 : i32
    %dma_start3A_410 = tpu.memref_slice %arg4[%add3A_408, %dma_start3A_409] : memref<16384x1024xf32, #tpu.memory_space<hbm>> -> memref<16x1024xf32, #tpu.memory_space<hbm>>
    %dma_start3A_411 = arith.constant 0 : i32
    %dma_start3A_412 = tpu.memref_slice %arg4[%add3A_408, %dma_start3A_411] : memref<16384x1024xf32, #tpu.memory_space<hbm>> -> memref<16x1024xf32, #tpu.memory_space<hbm>>
    tpu.enqueue_dma source(%arg9 : memref<16x1024xf32, #tpu.memory_space<vmem>>) target(%dma_start3A_412 : memref<16x1024xf32, #tpu.memory_space<hbm>>) target_semaphore(%arg21 : memref<!tpu.dma_semaphore, #tpu.memory_space<semaphore_mem>>)
    %dma_wait3A_413 = arith.constant 0 : i32
    %dma_wait3A_414 = tpu.memref_slice %arg4[%add3A_371, %dma_wait3A_413] : memref<16384x1024xf32, #tpu.memory_space<hbm>> -> memref<16x1024xf32, #tpu.memory_space<hbm>>
    %dma_wait3A_415 = arith.constant 0 : i32
    %dma_wait3A_416 = tpu.memref_slice %arg4[%add3A_371, %dma_wait3A_415] : memref<16384x1024xf32, #tpu.memory_space<hbm>> -> memref<16x1024xf32, #tpu.memory_space<hbm>>
    tpu.wait_dma2 semaphore(%arg20 : memref<!tpu.dma_semaphore, #tpu.memory_space<semaphore_mem>>) src(%arg8 : memref<16x1024xf32, #tpu.memory_space<vmem>>) dst(%dma_wait3A_416 : memref<16x1024xf32, #tpu.memory_space<hbm>>)
    %add3A_417 = arith.constant 0 : i32
    %add3A_418 = arith.addi %add3A_417, %mul3A_2 : i32
    %add3A_419 = arith.constant 64 : i32
    %add3A_420 = arith.addi %add3A_418, %add3A_419 : i32
    %dma_start3A_421 = arith.constant 0 : i32
    %dma_start3A_422 = tpu.memref_slice %arg2[%add3A_420, %dma_start3A_421] : memref<16384x1024xf32, #tpu.memory_space<hbm>> -> memref<16x1024xf32, #tpu.memory_space<hbm>>
    %dma_start3A_423 = arith.constant 0 : i32
    %dma_start3A_424 = tpu.memref_slice %arg2[%add3A_420, %dma_start3A_423] : memref<16384x1024xf32, #tpu.memory_space<hbm>> -> memref<16x1024xf32, #tpu.memory_space<hbm>>
    tpu.enqueue_dma source(%dma_start3A_424 : memref<16x1024xf32, #tpu.memory_space<hbm>>) target(%arg8 : memref<16x1024xf32, #tpu.memory_space<vmem>>) target_semaphore(%arg15 : memref<!tpu.dma_semaphore, #tpu.memory_space<semaphore_mem>>)
    %dma_wait3A_425 = arith.constant 0 : i32
    %dma_wait3A_426 = tpu.memref_slice %arg2[%add3A_329, %dma_wait3A_425] : memref<16384x1024xf32, #tpu.memory_space<hbm>> -> memref<16x1024xf32, #tpu.memory_space<hbm>>
    %dma_wait3A_427 = arith.constant 0 : i32
    %dma_wait3A_428 = tpu.memref_slice %arg2[%add3A_329, %dma_wait3A_427] : memref<16384x1024xf32, #tpu.memory_space<hbm>> -> memref<16x1024xf32, #tpu.memory_space<hbm>>
    tpu.wait_dma2 semaphore(%arg17 : memref<!tpu.dma_semaphore, #tpu.memory_space<semaphore_mem>>) src(%dma_wait3A_428 : memref<16x1024xf32, #tpu.memory_space<hbm>>) dst(%arg10 : memref<16x1024xf32, #tpu.memory_space<vmem>>)
    %parallel_loop3A_429 = arith.constant 0 : i32
    %parallel_loop3A_430 = arith.constant 16384 : i32
    %parallel_loop3A_431 = arith.constant 16 : i32
    scf.for %parallel_loop3A_944 = %parallel_loop3A_429 to %parallel_loop3A_430 step %parallel_loop3A_431  : i32 {
      %parallel_loop3A_945 = arith.constant 1024 : i32
      %parallel_loop3A_946 = arith.divsi %parallel_loop3A_944, %parallel_loop3A_945 : i32
      %parallel_loop3A_947 = arith.constant 0 : i32
      %parallel_loop3A_948 = arith.cmpi sgt, %parallel_loop3A_944, %parallel_loop3A_947 : i32
      %parallel_loop3A_949 = arith.extui %parallel_loop3A_948 : i1 to i32
      %parallel_loop3A_950 = arith.constant 0 : i32
      %parallel_loop3A_951 = arith.cmpi slt, %parallel_loop3A_944, %parallel_loop3A_950 : i32
      %parallel_loop3A_952 = arith.extui %parallel_loop3A_951 : i1 to i32
      %parallel_loop3A_953 = arith.subi %parallel_loop3A_949, %parallel_loop3A_952 : i32
      %parallel_loop3A_954 = arith.constant 0 : i32
      %parallel_loop3A_955 = arith.cmpi sgt, %parallel_loop3A_945, %parallel_loop3A_954 : i32
      %parallel_loop3A_956 = arith.extui %parallel_loop3A_955 : i1 to i32
      %parallel_loop3A_957 = arith.constant 0 : i32
      %parallel_loop3A_958 = arith.cmpi slt, %parallel_loop3A_945, %parallel_loop3A_957 : i32
      %parallel_loop3A_959 = arith.extui %parallel_loop3A_958 : i1 to i32
      %parallel_loop3A_960 = arith.subi %parallel_loop3A_956, %parallel_loop3A_959 : i32
      %parallel_loop3A_961 = arith.cmpi ne, %parallel_loop3A_953, %parallel_loop3A_960 : i32
      %parallel_loop3A_962 = arith.remsi %parallel_loop3A_944, %parallel_loop3A_945 : i32
      %parallel_loop3A_963 = arith.constant 0 : i32
      %parallel_loop3A_964 = arith.cmpi ne, %parallel_loop3A_962, %parallel_loop3A_963 : i32
      %parallel_loop3A_965 = arith.andi %parallel_loop3A_961, %parallel_loop3A_964 : i1
      %parallel_loop3A_966 = arith.constant 1 : i32
      %parallel_loop3A_967 = arith.subi %parallel_loop3A_946, %parallel_loop3A_966 : i32
      %parallel_loop3A_968 = arith.select %parallel_loop3A_965, %parallel_loop3A_967, %parallel_loop3A_946 : i32
      %parallel_loop3A_969 = arith.constant 1024 : i32
      %parallel_loop3A_970 = arith.constant 0 : i32
      %parallel_loop3A_971 = arith.cmpi eq, %parallel_loop3A_969, %parallel_loop3A_970 : i32
      %parallel_loop3A_972 = arith.constant 1 : i32
      %parallel_loop3A_973 = arith.select %parallel_loop3A_971, %parallel_loop3A_972, %parallel_loop3A_969 : i32
      %parallel_loop3A_974 = arith.remsi %parallel_loop3A_944, %parallel_loop3A_973 : i32
      %parallel_loop3A_975 = arith.constant 0 : i32
      %parallel_loop3A_976 = arith.cmpi ne, %parallel_loop3A_974, %parallel_loop3A_975 : i32
      %parallel_loop3A_977 = arith.constant 0 : i32
      %parallel_loop3A_978 = arith.cmpi slt, %parallel_loop3A_974, %parallel_loop3A_977 : i32
      %parallel_loop3A_979 = arith.constant 0 : i32
      %parallel_loop3A_980 = arith.cmpi slt, %parallel_loop3A_973, %parallel_loop3A_979 : i32
      %parallel_loop3A_981 = arith.xori %parallel_loop3A_978, %parallel_loop3A_980 : i1
      %parallel_loop3A_982 = arith.andi %parallel_loop3A_981, %parallel_loop3A_976 : i1
      %parallel_loop3A_983 = arith.addi %parallel_loop3A_974, %parallel_loop3A_973 : i32
      %parallel_loop3A_984 = arith.select %parallel_loop3A_982, %parallel_loop3A_983, %parallel_loop3A_974 : i32
      %parallel_loop3A_985 = arith.index_cast %parallel_loop3A_968 : i32 to index
      %parallel_loop3A_986 = arith.index_cast %parallel_loop3A_984 : i32 to index
      %parallel_loop3A_987 = tpu.vector_load %arg6[%parallel_loop3A_985, %parallel_loop3A_986] {strides = array<i32>} : memref<16x1024xf32, #tpu.memory_space<vmem>>, vector<1x16xf32>,
      %parallel_loop3A_988 = vector.shape_cast %parallel_loop3A_987 : vector<1x16xf32> to vector<16xf32>
      %parallel_loop3A_989 = arith.index_cast %parallel_loop3A_968 : i32 to index
      %parallel_loop3A_990 = arith.index_cast %parallel_loop3A_984 : i32 to index
      %parallel_loop3A_991 = tpu.vector_load %arg10[%parallel_loop3A_989, %parallel_loop3A_990] {strides = array<i32>} : memref<16x1024xf32, #tpu.memory_space<vmem>>, vector<1x16xf32>,
      %parallel_loop3A_992 = vector.shape_cast %parallel_loop3A_991 : vector<1x16xf32> to vector<16xf32>
      %parallel_loop3A_993 = vector.shape_cast %parallel_loop3A_988 : vector<16xf32> to vector<1x16xf32>
      tpu.vector_store %arg10[%parallel_loop3A_989, %parallel_loop3A_990], %parallel_loop3A_993 {add = true, strides = array<i32>} : memref<16x1024xf32, #tpu.memory_space<vmem>>, vector<1x16xf32>,
    } {sc.loop_unroll_factor = 4 : i64, sc.parallel_access}
    %add3A_432 = arith.constant 4096 : i32
    %add3A_433 = arith.addi %add3A_432, %mul3A_2 : i32
    %add3A_434 = arith.constant 48 : i32
    %add3A_435 = arith.addi %add3A_433, %add3A_434 : i32
    %dma_start3A_436 = arith.constant 0 : i32
    %dma_start3A_437 = tpu.memref_slice %arg4[%add3A_435, %dma_start3A_436] : memref<16384x1024xf32, #tpu.memory_space<hbm>> -> memref<16x1024xf32, #tpu.memory_space<hbm>>
    %dma_start3A_438 = arith.constant 0 : i32
    %dma_start3A_439 = tpu.memref_slice %arg4[%add3A_435, %dma_start3A_438] : memref<16384x1024xf32, #tpu.memory_space<hbm>> -> memref<16x1024xf32, #tpu.memory_space<hbm>>
    tpu.enqueue_dma source(%arg10 : memref<16x1024xf32, #tpu.memory_space<vmem>>) target(%dma_start3A_439 : memref<16x1024xf32, #tpu.memory_space<hbm>>) target_semaphore(%arg22 : memref<!tpu.dma_semaphore, #tpu.memory_space<semaphore_mem>>)
    %dma_wait3A_440 = arith.constant 0 : i32
    %dma_wait3A_441 = tpu.memref_slice %arg4[%add3A_408, %dma_wait3A_440] : memref<16384x1024xf32, #tpu.memory_space<hbm>> -> memref<16x1024xf32, #tpu.memory_space<hbm>>
    %dma_wait3A_442 = arith.constant 0 : i32
    %dma_wait3A_443 = tpu.memref_slice %arg4[%add3A_408, %dma_wait3A_442] : memref<16384x1024xf32, #tpu.memory_space<hbm>> -> memref<16x1024xf32, #tpu.memory_space<hbm>>
    tpu.wait_dma2 semaphore(%arg21 : memref<!tpu.dma_semaphore, #tpu.memory_space<semaphore_mem>>) src(%arg9 : memref<16x1024xf32, #tpu.memory_space<vmem>>) dst(%dma_wait3A_443 : memref<16x1024xf32, #tpu.memory_space<hbm>>)
    %add3A_444 = arith.constant 4096 : i32
    %add3A_445 = arith.addi %add3A_444, %mul3A_2 : i32
    %add3A_446 = arith.constant 64 : i32
    %add3A_447 = arith.addi %add3A_445, %add3A_446 : i32
    %dma_start3A_448 = arith.constant 0 : i32
    %dma_start3A_449 = tpu.memref_slice %arg2[%add3A_447, %dma_start3A_448] : memref<16384x1024xf32, #tpu.memory_space<hbm>> -> memref<16x1024xf32, #tpu.memory_space<hbm>>
    %dma_start3A_450 = arith.constant 0 : i32
    %dma_start3A_451 = tpu.memref_slice %arg2[%add3A_447, %dma_start3A_450] : memref<16384x1024xf32, #tpu.memory_space<hbm>> -> memref<16x1024xf32, #tpu.memory_space<hbm>>
    tpu.enqueue_dma source(%dma_start3A_451 : memref<16x1024xf32, #tpu.memory_space<hbm>>) target(%arg9 : memref<16x1024xf32, #tpu.memory_space<vmem>>) target_semaphore(%arg16 : memref<!tpu.dma_semaphore, #tpu.memory_space<semaphore_mem>>)
    %dma_wait3A_452 = arith.constant 0 : i32
    %dma_wait3A_453 = tpu.memref_slice %arg2[%add3A_356, %dma_wait3A_452] : memref<16384x1024xf32, #tpu.memory_space<hbm>> -> memref<16x1024xf32, #tpu.memory_space<hbm>>
    %dma_wait3A_454 = arith.constant 0 : i32
    %dma_wait3A_455 = tpu.memref_slice %arg2[%add3A_356, %dma_wait3A_454] : memref<16384x1024xf32, #tpu.memory_space<hbm>> -> memref<16x1024xf32, #tpu.memory_space<hbm>>
    tpu.wait_dma2 semaphore(%arg18 : memref<!tpu.dma_semaphore, #tpu.memory_space<semaphore_mem>>) src(%dma_wait3A_455 : memref<16x1024xf32, #tpu.memory_space<hbm>>) dst(%arg11 : memref<16x1024xf32, #tpu.memory_space<vmem>>)
    %parallel_loop3A_456 = arith.constant 0 : i32
    %parallel_loop3A_457 = arith.constant 16384 : i32
    %parallel_loop3A_458 = arith.constant 16 : i32
    scf.for %parallel_loop3A_944 = %parallel_loop3A_456 to %parallel_loop3A_457 step %parallel_loop3A_458  : i32 {
      %parallel_loop3A_945 = arith.constant 1024 : i32
      %parallel_loop3A_946 = arith.divsi %parallel_loop3A_944, %parallel_loop3A_945 : i32
      %parallel_loop3A_947 = arith.constant 0 : i32
      %parallel_loop3A_948 = arith.cmpi sgt, %parallel_loop3A_944, %parallel_loop3A_947 : i32
      %parallel_loop3A_949 = arith.extui %parallel_loop3A_948 : i1 to i32
      %parallel_loop3A_950 = arith.constant 0 : i32
      %parallel_loop3A_951 = arith.cmpi slt, %parallel_loop3A_944, %parallel_loop3A_950 : i32
      %parallel_loop3A_952 = arith.extui %parallel_loop3A_951 : i1 to i32
      %parallel_loop3A_953 = arith.subi %parallel_loop3A_949, %parallel_loop3A_952 : i32
      %parallel_loop3A_954 = arith.constant 0 : i32
      %parallel_loop3A_955 = arith.cmpi sgt, %parallel_loop3A_945, %parallel_loop3A_954 : i32
      %parallel_loop3A_956 = arith.extui %parallel_loop3A_955 : i1 to i32
      %parallel_loop3A_957 = arith.constant 0 : i32
      %parallel_loop3A_958 = arith.cmpi slt, %parallel_loop3A_945, %parallel_loop3A_957 : i32
      %parallel_loop3A_959 = arith.extui %parallel_loop3A_958 : i1 to i32
      %parallel_loop3A_960 = arith.subi %parallel_loop3A_956, %parallel_loop3A_959 : i32
      %parallel_loop3A_961 = arith.cmpi ne, %parallel_loop3A_953, %parallel_loop3A_960 : i32
      %parallel_loop3A_962 = arith.remsi %parallel_loop3A_944, %parallel_loop3A_945 : i32
      %parallel_loop3A_963 = arith.constant 0 : i32
      %parallel_loop3A_964 = arith.cmpi ne, %parallel_loop3A_962, %parallel_loop3A_963 : i32
      %parallel_loop3A_965 = arith.andi %parallel_loop3A_961, %parallel_loop3A_964 : i1
      %parallel_loop3A_966 = arith.constant 1 : i32
      %parallel_loop3A_967 = arith.subi %parallel_loop3A_946, %parallel_loop3A_966 : i32
      %parallel_loop3A_968 = arith.select %parallel_loop3A_965, %parallel_loop3A_967, %parallel_loop3A_946 : i32
      %parallel_loop3A_969 = arith.constant 1024 : i32
      %parallel_loop3A_970 = arith.constant 0 : i32
      %parallel_loop3A_971 = arith.cmpi eq, %parallel_loop3A_969, %parallel_loop3A_970 : i32
      %parallel_loop3A_972 = arith.constant 1 : i32
      %parallel_loop3A_973 = arith.select %parallel_loop3A_971, %parallel_loop3A_972, %parallel_loop3A_969 : i32
      %parallel_loop3A_974 = arith.remsi %parallel_loop3A_944, %parallel_loop3A_973 : i32
      %parallel_loop3A_975 = arith.constant 0 : i32
      %parallel_loop3A_976 = arith.cmpi ne, %parallel_loop3A_974, %parallel_loop3A_975 : i32
      %parallel_loop3A_977 = arith.constant 0 : i32
      %parallel_loop3A_978 = arith.cmpi slt, %parallel_loop3A_974, %parallel_loop3A_977 : i32
      %parallel_loop3A_979 = arith.constant 0 : i32
      %parallel_loop3A_980 = arith.cmpi slt, %parallel_loop3A_973, %parallel_loop3A_979 : i32
      %parallel_loop3A_981 = arith.xori %parallel_loop3A_978, %parallel_loop3A_980 : i1
      %parallel_loop3A_982 = arith.andi %parallel_loop3A_981, %parallel_loop3A_976 : i1
      %parallel_loop3A_983 = arith.addi %parallel_loop3A_974, %parallel_loop3A_973 : i32
      %parallel_loop3A_984 = arith.select %parallel_loop3A_982, %parallel_loop3A_983, %parallel_loop3A_974 : i32
      %parallel_loop3A_985 = arith.index_cast %parallel_loop3A_968 : i32 to index
      %parallel_loop3A_986 = arith.index_cast %parallel_loop3A_984 : i32 to index
      %parallel_loop3A_987 = tpu.vector_load %arg6[%parallel_loop3A_985, %parallel_loop3A_986] {strides = array<i32>} : memref<16x1024xf32, #tpu.memory_space<vmem>>, vector<1x16xf32>,
      %parallel_loop3A_988 = vector.shape_cast %parallel_loop3A_987 : vector<1x16xf32> to vector<16xf32>
      %parallel_loop3A_989 = arith.index_cast %parallel_loop3A_968 : i32 to index
      %parallel_loop3A_990 = arith.index_cast %parallel_loop3A_984 : i32 to index
      %parallel_loop3A_991 = tpu.vector_load %arg11[%parallel_loop3A_989, %parallel_loop3A_990] {strides = array<i32>} : memref<16x1024xf32, #tpu.memory_space<vmem>>, vector<1x16xf32>,
      %parallel_loop3A_992 = vector.shape_cast %parallel_loop3A_991 : vector<1x16xf32> to vector<16xf32>
      %parallel_loop3A_993 = vector.shape_cast %parallel_loop3A_988 : vector<16xf32> to vector<1x16xf32>
      tpu.vector_store %arg11[%parallel_loop3A_989, %parallel_loop3A_990], %parallel_loop3A_993 {add = true, strides = array<i32>} : memref<16x1024xf32, #tpu.memory_space<vmem>>, vector<1x16xf32>,
    } {sc.loop_unroll_factor = 4 : i64, sc.parallel_access}
    %add3A_459 = arith.constant 8192 : i32
    %add3A_460 = arith.addi %add3A_459, %mul3A_2 : i32
    %add3A_461 = arith.constant 48 : i32
    %add3A_462 = arith.addi %add3A_460, %add3A_461 : i32
    %dma_start3A_463 = arith.constant 0 : i32
    %dma_start3A_464 = tpu.memref_slice %arg4[%add3A_462, %dma_start3A_463] : memref<16384x1024xf32, #tpu.memory_space<hbm>> -> memref<16x1024xf32, #tpu.memory_space<hbm>>
    %dma_start3A_465 = arith.constant 0 : i32
    %dma_start3A_466 = tpu.memref_slice %arg4[%add3A_462, %dma_start3A_465] : memref<16384x1024xf32, #tpu.memory_space<hbm>> -> memref<16x1024xf32, #tpu.memory_space<hbm>>
    tpu.enqueue_dma source(%arg11 : memref<16x1024xf32, #tpu.memory_space<vmem>>) target(%dma_start3A_466 : memref<16x1024xf32, #tpu.memory_space<hbm>>) target_semaphore(%arg23 : memref<!tpu.dma_semaphore, #tpu.memory_space<semaphore_mem>>)
    %dma_wait3A_467 = arith.constant 0 : i32
    %dma_wait3A_468 = tpu.memref_slice %arg4[%add3A_435, %dma_wait3A_467] : memref<16384x1024xf32, #tpu.memory_space<hbm>> -> memref<16x1024xf32, #tpu.memory_space<hbm>>
    %dma_wait3A_469 = arith.constant 0 : i32
    %dma_wait3A_470 = tpu.memref_slice %arg4[%add3A_435, %dma_wait3A_469] : memref<16384x1024xf32, #tpu.memory_space<hbm>> -> memref<16x1024xf32, #tpu.memory_space<hbm>>
    tpu.wait_dma2 semaphore(%arg22 : memref<!tpu.dma_semaphore, #tpu.memory_space<semaphore_mem>>) src(%arg10 : memref<16x1024xf32, #tpu.memory_space<vmem>>) dst(%dma_wait3A_470 : memref<16x1024xf32, #tpu.memory_space<hbm>>)
    %add3A_471 = arith.constant 8192 : i32
    %add3A_472 = arith.addi %add3A_471, %mul3A_2 : i32
    %add3A_473 = arith.constant 64 : i32
    %add3A_474 = arith.addi %add3A_472, %add3A_473 : i32
    %dma_start3A_475 = arith.constant 0 : i32
    %dma_start3A_476 = tpu.memref_slice %arg2[%add3A_474, %dma_start3A_475] : memref<16384x1024xf32, #tpu.memory_space<hbm>> -> memref<16x1024xf32, #tpu.memory_space<hbm>>
    %dma_start3A_477 = arith.constant 0 : i32
    %dma_start3A_478 = tpu.memref_slice %arg2[%add3A_474, %dma_start3A_477] : memref<16384x1024xf32, #tpu.memory_space<hbm>> -> memref<16x1024xf32, #tpu.memory_space<hbm>>
    tpu.enqueue_dma source(%dma_start3A_478 : memref<16x1024xf32, #tpu.memory_space<hbm>>) target(%arg10 : memref<16x1024xf32, #tpu.memory_space<vmem>>) target_semaphore(%arg17 : memref<!tpu.dma_semaphore, #tpu.memory_space<semaphore_mem>>)
    %dma_wait3A_479 = arith.constant 0 : i32
    %dma_wait3A_480 = tpu.memref_slice %arg2[%add3A_393, %dma_wait3A_479] : memref<16384x1024xf32, #tpu.memory_space<hbm>> -> memref<16x1024xf32, #tpu.memory_space<hbm>>
    %dma_wait3A_481 = arith.constant 0 : i32
    %dma_wait3A_482 = tpu.memref_slice %arg2[%add3A_393, %dma_wait3A_481] : memref<16384x1024xf32, #tpu.memory_space<hbm>> -> memref<16x1024xf32, #tpu.memory_space<hbm>>
    tpu.wait_dma2 semaphore(%arg14 : memref<!tpu.dma_semaphore, #tpu.memory_space<semaphore_mem>>) src(%dma_wait3A_482 : memref<16x1024xf32, #tpu.memory_space<hbm>>) dst(%arg7 : memref<16x1024xf32, #tpu.memory_space<vmem>>)
    %parallel_loop3A_483 = arith.constant 0 : i32
    %parallel_loop3A_484 = arith.constant 16384 : i32
    %parallel_loop3A_485 = arith.constant 16 : i32
    scf.for %parallel_loop3A_944 = %parallel_loop3A_483 to %parallel_loop3A_484 step %parallel_loop3A_485  : i32 {
      %parallel_loop3A_945 = arith.constant 1024 : i32
      %parallel_loop3A_946 = arith.divsi %parallel_loop3A_944, %parallel_loop3A_945 : i32
      %parallel_loop3A_947 = arith.constant 0 : i32
      %parallel_loop3A_948 = arith.cmpi sgt, %parallel_loop3A_944, %parallel_loop3A_947 : i32
      %parallel_loop3A_949 = arith.extui %parallel_loop3A_948 : i1 to i32
      %parallel_loop3A_950 = arith.constant 0 : i32
      %parallel_loop3A_951 = arith.cmpi slt, %parallel_loop3A_944, %parallel_loop3A_950 : i32
      %parallel_loop3A_952 = arith.extui %parallel_loop3A_951 : i1 to i32
      %parallel_loop3A_953 = arith.subi %parallel_loop3A_949, %parallel_loop3A_952 : i32
      %parallel_loop3A_954 = arith.constant 0 : i32
      %parallel_loop3A_955 = arith.cmpi sgt, %parallel_loop3A_945, %parallel_loop3A_954 : i32
      %parallel_loop3A_956 = arith.extui %parallel_loop3A_955 : i1 to i32
      %parallel_loop3A_957 = arith.constant 0 : i32
      %parallel_loop3A_958 = arith.cmpi slt, %parallel_loop3A_945, %parallel_loop3A_957 : i32
      %parallel_loop3A_959 = arith.extui %parallel_loop3A_958 : i1 to i32
      %parallel_loop3A_960 = arith.subi %parallel_loop3A_956, %parallel_loop3A_959 : i32
      %parallel_loop3A_961 = arith.cmpi ne, %parallel_loop3A_953, %parallel_loop3A_960 : i32
      %parallel_loop3A_962 = arith.remsi %parallel_loop3A_944, %parallel_loop3A_945 : i32
      %parallel_loop3A_963 = arith.constant 0 : i32
      %parallel_loop3A_964 = arith.cmpi ne, %parallel_loop3A_962, %parallel_loop3A_963 : i32
      %parallel_loop3A_965 = arith.andi %parallel_loop3A_961, %parallel_loop3A_964 : i1
      %parallel_loop3A_966 = arith.constant 1 : i32
      %parallel_loop3A_967 = arith.subi %parallel_loop3A_946, %parallel_loop3A_966 : i32
      %parallel_loop3A_968 = arith.select %parallel_loop3A_965, %parallel_loop3A_967, %parallel_loop3A_946 : i32
      %parallel_loop3A_969 = arith.constant 1024 : i32
      %parallel_loop3A_970 = arith.constant 0 : i32
      %parallel_loop3A_971 = arith.cmpi eq, %parallel_loop3A_969, %parallel_loop3A_970 : i32
      %parallel_loop3A_972 = arith.constant 1 : i32
      %parallel_loop3A_973 = arith.select %parallel_loop3A_971, %parallel_loop3A_972, %parallel_loop3A_969 : i32
      %parallel_loop3A_974 = arith.remsi %parallel_loop3A_944, %parallel_loop3A_973 : i32
      %parallel_loop3A_975 = arith.constant 0 : i32
      %parallel_loop3A_976 = arith.cmpi ne, %parallel_loop3A_974, %parallel_loop3A_975 : i32
      %parallel_loop3A_977 = arith.constant 0 : i32
      %parallel_loop3A_978 = arith.cmpi slt, %parallel_loop3A_974, %parallel_loop3A_977 : i32
      %parallel_loop3A_979 = arith.constant 0 : i32
      %parallel_loop3A_980 = arith.cmpi slt, %parallel_loop3A_973, %parallel_loop3A_979 : i32
      %parallel_loop3A_981 = arith.xori %parallel_loop3A_978, %parallel_loop3A_980 : i1
      %parallel_loop3A_982 = arith.andi %parallel_loop3A_981, %parallel_loop3A_976 : i1
      %parallel_loop3A_983 = arith.addi %parallel_loop3A_974, %parallel_loop3A_973 : i32
      %parallel_loop3A_984 = arith.select %parallel_loop3A_982, %parallel_loop3A_983, %parallel_loop3A_974 : i32
      %parallel_loop3A_985 = arith.index_cast %parallel_loop3A_968 : i32 to index
      %parallel_loop3A_986 = arith.index_cast %parallel_loop3A_984 : i32 to index
      %parallel_loop3A_987 = tpu.vector_load %arg6[%parallel_loop3A_985, %parallel_loop3A_986] {strides = array<i32>} : memref<16x1024xf32, #tpu.memory_space<vmem>>, vector<1x16xf32>,
      %parallel_loop3A_988 = vector.shape_cast %parallel_loop3A_987 : vector<1x16xf32> to vector<16xf32>
      %parallel_loop3A_989 = arith.index_cast %parallel_loop3A_968 : i32 to index
      %parallel_loop3A_990 = arith.index_cast %parallel_loop3A_984 : i32 to index
      %parallel_loop3A_991 = tpu.vector_load %arg7[%parallel_loop3A_989, %parallel_loop3A_990] {strides = array<i32>} : memref<16x1024xf32, #tpu.memory_space<vmem>>, vector<1x16xf32>,
      %parallel_loop3A_992 = vector.shape_cast %parallel_loop3A_991 : vector<1x16xf32> to vector<16xf32>
      %parallel_loop3A_993 = vector.shape_cast %parallel_loop3A_988 : vector<16xf32> to vector<1x16xf32>
      tpu.vector_store %arg7[%parallel_loop3A_989, %parallel_loop3A_990], %parallel_loop3A_993 {add = true, strides = array<i32>} : memref<16x1024xf32, #tpu.memory_space<vmem>>, vector<1x16xf32>,
    } {sc.loop_unroll_factor = 4 : i64, sc.parallel_access}
    %add3A_486 = arith.constant 12288 : i32
    %add3A_487 = arith.addi %add3A_486, %mul3A_2 : i32
    %add3A_488 = arith.constant 48 : i32
    %add3A_489 = arith.addi %add3A_487, %add3A_488 : i32
    %dma_start3A_490 = arith.constant 0 : i32
    %dma_start3A_491 = tpu.memref_slice %arg4[%add3A_489, %dma_start3A_490] : memref<16384x1024xf32, #tpu.memory_space<hbm>> -> memref<16x1024xf32, #tpu.memory_space<hbm>>
    %dma_start3A_492 = arith.constant 0 : i32
    %dma_start3A_493 = tpu.memref_slice %arg4[%add3A_489, %dma_start3A_492] : memref<16384x1024xf32, #tpu.memory_space<hbm>> -> memref<16x1024xf32, #tpu.memory_space<hbm>>
    tpu.enqueue_dma source(%arg7 : memref<16x1024xf32, #tpu.memory_space<vmem>>) target(%dma_start3A_493 : memref<16x1024xf32, #tpu.memory_space<hbm>>) target_semaphore(%arg19 : memref<!tpu.dma_semaphore, #tpu.memory_space<semaphore_mem>>)
    %dma_wait3A_494 = arith.constant 0 : i32
    %dma_wait3A_495 = tpu.memref_slice %arg3[%add3A_381, %dma_wait3A_494] : memref<8192x1024xf32, #tpu.memory_space<hbm>> -> memref<16x1024xf32, #tpu.memory_space<hbm>>
    %dma_wait3A_496 = arith.constant 0 : i32
    %dma_wait3A_497 = tpu.memref_slice %arg3[%add3A_381, %dma_wait3A_496] : memref<8192x1024xf32, #tpu.memory_space<hbm>> -> memref<16x1024xf32, #tpu.memory_space<hbm>>
    tpu.wait_dma2 semaphore(%arg12 : memref<!tpu.dma_semaphore, #tpu.memory_space<semaphore_mem>>) src(%dma_wait3A_497 : memref<16x1024xf32, #tpu.memory_space<hbm>>) dst(%arg5 : memref<16x1024xf32, #tpu.memory_space<vmem>>)
    %add3A_498 = arith.constant 80 : i32
    %add3A_499 = arith.addi %mul3A_2, %add3A_498 : i32
    %dma_start3A_500 = arith.constant 0 : i32
    %dma_start3A_501 = tpu.memref_slice %arg3[%add3A_499, %dma_start3A_500] : memref<8192x1024xf32, #tpu.memory_space<hbm>> -> memref<16x1024xf32, #tpu.memory_space<hbm>>
    %dma_start3A_502 = arith.constant 0 : i32
    %dma_start3A_503 = tpu.memref_slice %arg3[%add3A_499, %dma_start3A_502] : memref<8192x1024xf32, #tpu.memory_space<hbm>> -> memref<16x1024xf32, #tpu.memory_space<hbm>>
    tpu.enqueue_dma source(%dma_start3A_503 : memref<16x1024xf32, #tpu.memory_space<hbm>>) target(%arg6 : memref<16x1024xf32, #tpu.memory_space<vmem>>) target_semaphore(%arg13 : memref<!tpu.dma_semaphore, #tpu.memory_space<semaphore_mem>>)
    %dma_wait3A_504 = arith.constant 0 : i32
    %dma_wait3A_505 = tpu.memref_slice %arg4[%add3A_462, %dma_wait3A_504] : memref<16384x1024xf32, #tpu.memory_space<hbm>> -> memref<16x1024xf32, #tpu.memory_space<hbm>>
    %dma_wait3A_506 = arith.constant 0 : i32
    %dma_wait3A_507 = tpu.memref_slice %arg4[%add3A_462, %dma_wait3A_506] : memref<16384x1024xf32, #tpu.memory_space<hbm>> -> memref<16x1024xf32, #tpu.memory_space<hbm>>
    tpu.wait_dma2 semaphore(%arg23 : memref<!tpu.dma_semaphore, #tpu.memory_space<semaphore_mem>>) src(%arg11 : memref<16x1024xf32, #tpu.memory_space<vmem>>) dst(%dma_wait3A_507 : memref<16x1024xf32, #tpu.memory_space<hbm>>)
    %add3A_508 = arith.constant 12288 : i32
    %add3A_509 = arith.addi %add3A_508, %mul3A_2 : i32
    %add3A_510 = arith.constant 64 : i32
    %add3A_511 = arith.addi %add3A_509, %add3A_510 : i32
    %dma_start3A_512 = arith.constant 0 : i32
    %dma_start3A_513 = tpu.memref_slice %arg2[%add3A_511, %dma_start3A_512] : memref<16384x1024xf32, #tpu.memory_space<hbm>> -> memref<16x1024xf32, #tpu.memory_space<hbm>>
    %dma_start3A_514 = arith.constant 0 : i32
    %dma_start3A_515 = tpu.memref_slice %arg2[%add3A_511, %dma_start3A_514] : memref<16384x1024xf32, #tpu.memory_space<hbm>> -> memref<16x1024xf32, #tpu.memory_space<hbm>>
    tpu.enqueue_dma source(%dma_start3A_515 : memref<16x1024xf32, #tpu.memory_space<hbm>>) target(%arg11 : memref<16x1024xf32, #tpu.memory_space<vmem>>) target_semaphore(%arg18 : memref<!tpu.dma_semaphore, #tpu.memory_space<semaphore_mem>>)
    %dma_wait3A_516 = arith.constant 0 : i32
    %dma_wait3A_517 = tpu.memref_slice %arg2[%add3A_420, %dma_wait3A_516] : memref<16384x1024xf32, #tpu.memory_space<hbm>> -> memref<16x1024xf32, #tpu.memory_space<hbm>>
    %dma_wait3A_518 = arith.constant 0 : i32
    %dma_wait3A_519 = tpu.memref_slice %arg2[%add3A_420, %dma_wait3A_518] : memref<16384x1024xf32, #tpu.memory_space<hbm>> -> memref<16x1024xf32, #tpu.memory_space<hbm>>
    tpu.wait_dma2 semaphore(%arg15 : memref<!tpu.dma_semaphore, #tpu.memory_space<semaphore_mem>>) src(%dma_wait3A_519 : memref<16x1024xf32, #tpu.memory_space<hbm>>) dst(%arg8 : memref<16x1024xf32, #tpu.memory_space<vmem>>)
    %parallel_loop3A_520 = arith.constant 0 : i32
    %parallel_loop3A_521 = arith.constant 16384 : i32
    %parallel_loop3A_522 = arith.constant 16 : i32
    scf.for %parallel_loop3A_944 = %parallel_loop3A_520 to %parallel_loop3A_521 step %parallel_loop3A_522  : i32 {
      %parallel_loop3A_945 = arith.constant 1024 : i32
      %parallel_loop3A_946 = arith.divsi %parallel_loop3A_944, %parallel_loop3A_945 : i32
      %parallel_loop3A_947 = arith.constant 0 : i32
      %parallel_loop3A_948 = arith.cmpi sgt, %parallel_loop3A_944, %parallel_loop3A_947 : i32
      %parallel_loop3A_949 = arith.extui %parallel_loop3A_948 : i1 to i32
      %parallel_loop3A_950 = arith.constant 0 : i32
      %parallel_loop3A_951 = arith.cmpi slt, %parallel_loop3A_944, %parallel_loop3A_950 : i32
      %parallel_loop3A_952 = arith.extui %parallel_loop3A_951 : i1 to i32
      %parallel_loop3A_953 = arith.subi %parallel_loop3A_949, %parallel_loop3A_952 : i32
      %parallel_loop3A_954 = arith.constant 0 : i32
      %parallel_loop3A_955 = arith.cmpi sgt, %parallel_loop3A_945, %parallel_loop3A_954 : i32
      %parallel_loop3A_956 = arith.extui %parallel_loop3A_955 : i1 to i32
      %parallel_loop3A_957 = arith.constant 0 : i32
      %parallel_loop3A_958 = arith.cmpi slt, %parallel_loop3A_945, %parallel_loop3A_957 : i32
      %parallel_loop3A_959 = arith.extui %parallel_loop3A_958 : i1 to i32
      %parallel_loop3A_960 = arith.subi %parallel_loop3A_956, %parallel_loop3A_959 : i32
      %parallel_loop3A_961 = arith.cmpi ne, %parallel_loop3A_953, %parallel_loop3A_960 : i32
      %parallel_loop3A_962 = arith.remsi %parallel_loop3A_944, %parallel_loop3A_945 : i32
      %parallel_loop3A_963 = arith.constant 0 : i32
      %parallel_loop3A_964 = arith.cmpi ne, %parallel_loop3A_962, %parallel_loop3A_963 : i32
      %parallel_loop3A_965 = arith.andi %parallel_loop3A_961, %parallel_loop3A_964 : i1
      %parallel_loop3A_966 = arith.constant 1 : i32
      %parallel_loop3A_967 = arith.subi %parallel_loop3A_946, %parallel_loop3A_966 : i32
      %parallel_loop3A_968 = arith.select %parallel_loop3A_965, %parallel_loop3A_967, %parallel_loop3A_946 : i32
      %parallel_loop3A_969 = arith.constant 1024 : i32
      %parallel_loop3A_970 = arith.constant 0 : i32
      %parallel_loop3A_971 = arith.cmpi eq, %parallel_loop3A_969, %parallel_loop3A_970 : i32
      %parallel_loop3A_972 = arith.constant 1 : i32
      %parallel_loop3A_973 = arith.select %parallel_loop3A_971, %parallel_loop3A_972, %parallel_loop3A_969 : i32
      %parallel_loop3A_974 = arith.remsi %parallel_loop3A_944, %parallel_loop3A_973 : i32
      %parallel_loop3A_975 = arith.constant 0 : i32
      %parallel_loop3A_976 = arith.cmpi ne, %parallel_loop3A_974, %parallel_loop3A_975 : i32
      %parallel_loop3A_977 = arith.constant 0 : i32
      %parallel_loop3A_978 = arith.cmpi slt, %parallel_loop3A_974, %parallel_loop3A_977 : i32
      %parallel_loop3A_979 = arith.constant 0 : i32
      %parallel_loop3A_980 = arith.cmpi slt, %parallel_loop3A_973, %parallel_loop3A_979 : i32
      %parallel_loop3A_981 = arith.xori %parallel_loop3A_978, %parallel_loop3A_980 : i1
      %parallel_loop3A_982 = arith.andi %parallel_loop3A_981, %parallel_loop3A_976 : i1
      %parallel_loop3A_983 = arith.addi %parallel_loop3A_974, %parallel_loop3A_973 : i32
      %parallel_loop3A_984 = arith.select %parallel_loop3A_982, %parallel_loop3A_983, %parallel_loop3A_974 : i32
      %parallel_loop3A_985 = arith.index_cast %parallel_loop3A_968 : i32 to index
      %parallel_loop3A_986 = arith.index_cast %parallel_loop3A_984 : i32 to index
      %parallel_loop3A_987 = tpu.vector_load %arg5[%parallel_loop3A_985, %parallel_loop3A_986] {strides = array<i32>} : memref<16x1024xf32, #tpu.memory_space<vmem>>, vector<1x16xf32>,
      %parallel_loop3A_988 = vector.shape_cast %parallel_loop3A_987 : vector<1x16xf32> to vector<16xf32>
      %parallel_loop3A_989 = arith.index_cast %parallel_loop3A_968 : i32 to index
      %parallel_loop3A_990 = arith.index_cast %parallel_loop3A_984 : i32 to index
      %parallel_loop3A_991 = tpu.vector_load %arg8[%parallel_loop3A_989, %parallel_loop3A_990] {strides = array<i32>} : memref<16x1024xf32, #tpu.memory_space<vmem>>, vector<1x16xf32>,
      %parallel_loop3A_992 = vector.shape_cast %parallel_loop3A_991 : vector<1x16xf32> to vector<16xf32>
      %parallel_loop3A_993 = vector.shape_cast %parallel_loop3A_988 : vector<16xf32> to vector<1x16xf32>
      tpu.vector_store %arg8[%parallel_loop3A_989, %parallel_loop3A_990], %parallel_loop3A_993 {add = true, strides = array<i32>} : memref<16x1024xf32, #tpu.memory_space<vmem>>, vector<1x16xf32>,
    } {sc.loop_unroll_factor = 4 : i64, sc.parallel_access}
    %add3A_523 = arith.constant 0 : i32
    %add3A_524 = arith.addi %add3A_523, %mul3A_2 : i32
    %add3A_525 = arith.constant 64 : i32
    %add3A_526 = arith.addi %add3A_524, %add3A_525 : i32
    %dma_start3A_527 = arith.constant 0 : i32
    %dma_start3A_528 = tpu.memref_slice %arg4[%add3A_526, %dma_start3A_527] : memref<16384x1024xf32, #tpu.memory_space<hbm>> -> memref<16x1024xf32, #tpu.memory_space<hbm>>
    %dma_start3A_529 = arith.constant 0 : i32
    %dma_start3A_530 = tpu.memref_slice %arg4[%add3A_526, %dma_start3A_529] : memref<16384x1024xf32, #tpu.memory_space<hbm>> -> memref<16x1024xf32, #tpu.memory_space<hbm>>
    tpu.enqueue_dma source(%arg8 : memref<16x1024xf32, #tpu.memory_space<vmem>>) target(%dma_start3A_530 : memref<16x1024xf32, #tpu.memory_space<hbm>>) target_semaphore(%arg20 : memref<!tpu.dma_semaphore, #tpu.memory_space<semaphore_mem>>)
    %dma_wait3A_531 = arith.constant 0 : i32
    %dma_wait3A_532 = tpu.memref_slice %arg4[%add3A_489, %dma_wait3A_531] : memref<16384x1024xf32, #tpu.memory_space<hbm>> -> memref<16x1024xf32, #tpu.memory_space<hbm>>
    %dma_wait3A_533 = arith.constant 0 : i32
    %dma_wait3A_534 = tpu.memref_slice %arg4[%add3A_489, %dma_wait3A_533] : memref<16384x1024xf32, #tpu.memory_space<hbm>> -> memref<16x1024xf32, #tpu.memory_space<hbm>>
    tpu.wait_dma2 semaphore(%arg19 : memref<!tpu.dma_semaphore, #tpu.memory_space<semaphore_mem>>) src(%arg7 : memref<16x1024xf32, #tpu.memory_space<vmem>>) dst(%dma_wait3A_534 : memref<16x1024xf32, #tpu.memory_space<hbm>>)
    %add3A_535 = arith.constant 0 : i32
    %add3A_536 = arith.addi %add3A_535, %mul3A_2 : i32
    %add3A_537 = arith.constant 80 : i32
    %add3A_538 = arith.addi %add3A_536, %add3A_537 : i32
    %dma_start3A_539 = arith.constant 0 : i32
    %dma_start3A_540 = tpu.memref_slice %arg2[%add3A_538, %dma_start3A_539] : memref<16384x1024xf32, #tpu.memory_space<hbm>> -> memref<16x1024xf32, #tpu.memory_space<hbm>>
    %dma_start3A_541 = arith.constant 0 : i32
    %dma_start3A_542 = tpu.memref_slice %arg2[%add3A_538, %dma_start3A_541] : memref<16384x1024xf32, #tpu.memory_space<hbm>> -> memref<16x1024xf32, #tpu.memory_space<hbm>>
    tpu.enqueue_dma source(%dma_start3A_542 : memref<16x1024xf32, #tpu.memory_space<hbm>>) target(%arg7 : memref<16x1024xf32, #tpu.memory_space<vmem>>) target_semaphore(%arg14 : memref<!tpu.dma_semaphore, #tpu.memory_space<semaphore_mem>>)
    %dma_wait3A_543 = arith.constant 0 : i32
    %dma_wait3A_544 = tpu.memref_slice %arg2[%add3A_447, %dma_wait3A_543] : memref<16384x1024xf32, #tpu.memory_space<hbm>> -> memref<16x1024xf32, #tpu.memory_space<hbm>>
    %dma_wait3A_545 = arith.constant 0 : i32
    %dma_wait3A_546 = tpu.memref_slice %arg2[%add3A_447, %dma_wait3A_545] : memref<16384x1024xf32, #tpu.memory_space<hbm>> -> memref<16x1024xf32, #tpu.memory_space<hbm>>
    tpu.wait_dma2 semaphore(%arg16 : memref<!tpu.dma_semaphore, #tpu.memory_space<semaphore_mem>>) src(%dma_wait3A_546 : memref<16x1024xf32, #tpu.memory_space<hbm>>) dst(%arg9 : memref<16x1024xf32, #tpu.memory_space<vmem>>)
    %parallel_loop3A_547 = arith.constant 0 : i32
    %parallel_loop3A_548 = arith.constant 16384 : i32
    %parallel_loop3A_549 = arith.constant 16 : i32
    scf.for %parallel_loop3A_944 = %parallel_loop3A_547 to %parallel_loop3A_548 step %parallel_loop3A_549  : i32 {
      %parallel_loop3A_945 = arith.constant 1024 : i32
      %parallel_loop3A_946 = arith.divsi %parallel_loop3A_944, %parallel_loop3A_945 : i32
      %parallel_loop3A_947 = arith.constant 0 : i32
      %parallel_loop3A_948 = arith.cmpi sgt, %parallel_loop3A_944, %parallel_loop3A_947 : i32
      %parallel_loop3A_949 = arith.extui %parallel_loop3A_948 : i1 to i32
      %parallel_loop3A_950 = arith.constant 0 : i32
      %parallel_loop3A_951 = arith.cmpi slt, %parallel_loop3A_944, %parallel_loop3A_950 : i32
      %parallel_loop3A_952 = arith.extui %parallel_loop3A_951 : i1 to i32
      %parallel_loop3A_953 = arith.subi %parallel_loop3A_949, %parallel_loop3A_952 : i32
      %parallel_loop3A_954 = arith.constant 0 : i32
      %parallel_loop3A_955 = arith.cmpi sgt, %parallel_loop3A_945, %parallel_loop3A_954 : i32
      %parallel_loop3A_956 = arith.extui %parallel_loop3A_955 : i1 to i32
      %parallel_loop3A_957 = arith.constant 0 : i32
      %parallel_loop3A_958 = arith.cmpi slt, %parallel_loop3A_945, %parallel_loop3A_957 : i32
      %parallel_loop3A_959 = arith.extui %parallel_loop3A_958 : i1 to i32
      %parallel_loop3A_960 = arith.subi %parallel_loop3A_956, %parallel_loop3A_959 : i32
      %parallel_loop3A_961 = arith.cmpi ne, %parallel_loop3A_953, %parallel_loop3A_960 : i32
      %parallel_loop3A_962 = arith.remsi %parallel_loop3A_944, %parallel_loop3A_945 : i32
      %parallel_loop3A_963 = arith.constant 0 : i32
      %parallel_loop3A_964 = arith.cmpi ne, %parallel_loop3A_962, %parallel_loop3A_963 : i32
      %parallel_loop3A_965 = arith.andi %parallel_loop3A_961, %parallel_loop3A_964 : i1
      %parallel_loop3A_966 = arith.constant 1 : i32
      %parallel_loop3A_967 = arith.subi %parallel_loop3A_946, %parallel_loop3A_966 : i32
      %parallel_loop3A_968 = arith.select %parallel_loop3A_965, %parallel_loop3A_967, %parallel_loop3A_946 : i32
      %parallel_loop3A_969 = arith.constant 1024 : i32
      %parallel_loop3A_970 = arith.constant 0 : i32
      %parallel_loop3A_971 = arith.cmpi eq, %parallel_loop3A_969, %parallel_loop3A_970 : i32
      %parallel_loop3A_972 = arith.constant 1 : i32
      %parallel_loop3A_973 = arith.select %parallel_loop3A_971, %parallel_loop3A_972, %parallel_loop3A_969 : i32
      %parallel_loop3A_974 = arith.remsi %parallel_loop3A_944, %parallel_loop3A_973 : i32
      %parallel_loop3A_975 = arith.constant 0 : i32
      %parallel_loop3A_976 = arith.cmpi ne, %parallel_loop3A_974, %parallel_loop3A_975 : i32
      %parallel_loop3A_977 = arith.constant 0 : i32
      %parallel_loop3A_978 = arith.cmpi slt, %parallel_loop3A_974, %parallel_loop3A_977 : i32
      %parallel_loop3A_979 = arith.constant 0 : i32
      %parallel_loop3A_980 = arith.cmpi slt, %parallel_loop3A_973, %parallel_loop3A_979 : i32
      %parallel_loop3A_981 = arith.xori %parallel_loop3A_978, %parallel_loop3A_980 : i1
      %parallel_loop3A_982 = arith.andi %parallel_loop3A_981, %parallel_loop3A_976 : i1
      %parallel_loop3A_983 = arith.addi %parallel_loop3A_974, %parallel_loop3A_973 : i32
      %parallel_loop3A_984 = arith.select %parallel_loop3A_982, %parallel_loop3A_983, %parallel_loop3A_974 : i32
      %parallel_loop3A_985 = arith.index_cast %parallel_loop3A_968 : i32 to index
      %parallel_loop3A_986 = arith.index_cast %parallel_loop3A_984 : i32 to index
      %parallel_loop3A_987 = tpu.vector_load %arg5[%parallel_loop3A_985, %parallel_loop3A_986] {strides = array<i32>} : memref<16x1024xf32, #tpu.memory_space<vmem>>, vector<1x16xf32>,
      %parallel_loop3A_988 = vector.shape_cast %parallel_loop3A_987 : vector<1x16xf32> to vector<16xf32>
      %parallel_loop3A_989 = arith.index_cast %parallel_loop3A_968 : i32 to index
      %parallel_loop3A_990 = arith.index_cast %parallel_loop3A_984 : i32 to index
      %parallel_loop3A_991 = tpu.vector_load %arg9[%parallel_loop3A_989, %parallel_loop3A_990] {strides = array<i32>} : memref<16x1024xf32, #tpu.memory_space<vmem>>, vector<1x16xf32>,
      %parallel_loop3A_992 = vector.shape_cast %parallel_loop3A_991 : vector<1x16xf32> to vector<16xf32>
      %parallel_loop3A_993 = vector.shape_cast %parallel_loop3A_988 : vector<16xf32> to vector<1x16xf32>
      tpu.vector_store %arg9[%parallel_loop3A_989, %parallel_loop3A_990], %parallel_loop3A_993 {add = true, strides = array<i32>} : memref<16x1024xf32, #tpu.memory_space<vmem>>, vector<1x16xf32>,
    } {sc.loop_unroll_factor = 4 : i64, sc.parallel_access}
    %add3A_550 = arith.constant 4096 : i32
    %add3A_551 = arith.addi %add3A_550, %mul3A_2 : i32
    %add3A_552 = arith.constant 64 : i32
    %add3A_553 = arith.addi %add3A_551, %add3A_552 : i32
    %dma_start3A_554 = arith.constant 0 : i32
    %dma_start3A_555 = tpu.memref_slice %arg4[%add3A_553, %dma_start3A_554] : memref<16384x1024xf32, #tpu.memory_space<hbm>> -> memref<16x1024xf32, #tpu.memory_space<hbm>>
    %dma_start3A_556 = arith.constant 0 : i32
    %dma_start3A_557 = tpu.memref_slice %arg4[%add3A_553, %dma_start3A_556] : memref<16384x1024xf32, #tpu.memory_space<hbm>> -> memref<16x1024xf32, #tpu.memory_space<hbm>>
    tpu.enqueue_dma source(%arg9 : memref<16x1024xf32, #tpu.memory_space<vmem>>) target(%dma_start3A_557 : memref<16x1024xf32, #tpu.memory_space<hbm>>) target_semaphore(%arg21 : memref<!tpu.dma_semaphore, #tpu.memory_space<semaphore_mem>>)
    %dma_wait3A_558 = arith.constant 0 : i32
    %dma_wait3A_559 = tpu.memref_slice %arg4[%add3A_526, %dma_wait3A_558] : memref<16384x1024xf32, #tpu.memory_space<hbm>> -> memref<16x1024xf32, #tpu.memory_space<hbm>>
    %dma_wait3A_560 = arith.constant 0 : i32
    %dma_wait3A_561 = tpu.memref_slice %arg4[%add3A_526, %dma_wait3A_560] : memref<16384x1024xf32, #tpu.memory_space<hbm>> -> memref<16x1024xf32, #tpu.memory_space<hbm>>
    tpu.wait_dma2 semaphore(%arg20 : memref<!tpu.dma_semaphore, #tpu.memory_space<semaphore_mem>>) src(%arg8 : memref<16x1024xf32, #tpu.memory_space<vmem>>) dst(%dma_wait3A_561 : memref<16x1024xf32, #tpu.memory_space<hbm>>)
    %add3A_562 = arith.constant 4096 : i32
    %add3A_563 = arith.addi %add3A_562, %mul3A_2 : i32
    %add3A_564 = arith.constant 80 : i32
    %add3A_565 = arith.addi %add3A_563, %add3A_564 : i32
    %dma_start3A_566 = arith.constant 0 : i32
    %dma_start3A_567 = tpu.memref_slice %arg2[%add3A_565, %dma_start3A_566] : memref<16384x1024xf32, #tpu.memory_space<hbm>> -> memref<16x1024xf32, #tpu.memory_space<hbm>>
    %dma_start3A_568 = arith.constant 0 : i32
    %dma_start3A_569 = tpu.memref_slice %arg2[%add3A_565, %dma_start3A_568] : memref<16384x1024xf32, #tpu.memory_space<hbm>> -> memref<16x1024xf32, #tpu.memory_space<hbm>>
    tpu.enqueue_dma source(%dma_start3A_569 : memref<16x1024xf32, #tpu.memory_space<hbm>>) target(%arg8 : memref<16x1024xf32, #tpu.memory_space<vmem>>) target_semaphore(%arg15 : memref<!tpu.dma_semaphore, #tpu.memory_space<semaphore_mem>>)
    %dma_wait3A_570 = arith.constant 0 : i32
    %dma_wait3A_571 = tpu.memref_slice %arg2[%add3A_474, %dma_wait3A_570] : memref<16384x1024xf32, #tpu.memory_space<hbm>> -> memref<16x1024xf32, #tpu.memory_space<hbm>>
    %dma_wait3A_572 = arith.constant 0 : i32
    %dma_wait3A_573 = tpu.memref_slice %arg2[%add3A_474, %dma_wait3A_572] : memref<16384x1024xf32, #tpu.memory_space<hbm>> -> memref<16x1024xf32, #tpu.memory_space<hbm>>
    tpu.wait_dma2 semaphore(%arg17 : memref<!tpu.dma_semaphore, #tpu.memory_space<semaphore_mem>>) src(%dma_wait3A_573 : memref<16x1024xf32, #tpu.memory_space<hbm>>) dst(%arg10 : memref<16x1024xf32, #tpu.memory_space<vmem>>)
    %parallel_loop3A_574 = arith.constant 0 : i32
    %parallel_loop3A_575 = arith.constant 16384 : i32
    %parallel_loop3A_576 = arith.constant 16 : i32
    scf.for %parallel_loop3A_944 = %parallel_loop3A_574 to %parallel_loop3A_575 step %parallel_loop3A_576  : i32 {
      %parallel_loop3A_945 = arith.constant 1024 : i32
      %parallel_loop3A_946 = arith.divsi %parallel_loop3A_944, %parallel_loop3A_945 : i32
      %parallel_loop3A_947 = arith.constant 0 : i32
      %parallel_loop3A_948 = arith.cmpi sgt, %parallel_loop3A_944, %parallel_loop3A_947 : i32
      %parallel_loop3A_949 = arith.extui %parallel_loop3A_948 : i1 to i32
      %parallel_loop3A_950 = arith.constant 0 : i32
      %parallel_loop3A_951 = arith.cmpi slt, %parallel_loop3A_944, %parallel_loop3A_950 : i32
      %parallel_loop3A_952 = arith.extui %parallel_loop3A_951 : i1 to i32
      %parallel_loop3A_953 = arith.subi %parallel_loop3A_949, %parallel_loop3A_952 : i32
      %parallel_loop3A_954 = arith.constant 0 : i32
      %parallel_loop3A_955 = arith.cmpi sgt, %parallel_loop3A_945, %parallel_loop3A_954 : i32
      %parallel_loop3A_956 = arith.extui %parallel_loop3A_955 : i1 to i32
      %parallel_loop3A_957 = arith.constant 0 : i32
      %parallel_loop3A_958 = arith.cmpi slt, %parallel_loop3A_945, %parallel_loop3A_957 : i32
      %parallel_loop3A_959 = arith.extui %parallel_loop3A_958 : i1 to i32
      %parallel_loop3A_960 = arith.subi %parallel_loop3A_956, %parallel_loop3A_959 : i32
      %parallel_loop3A_961 = arith.cmpi ne, %parallel_loop3A_953, %parallel_loop3A_960 : i32
      %parallel_loop3A_962 = arith.remsi %parallel_loop3A_944, %parallel_loop3A_945 : i32
      %parallel_loop3A_963 = arith.constant 0 : i32
      %parallel_loop3A_964 = arith.cmpi ne, %parallel_loop3A_962, %parallel_loop3A_963 : i32
      %parallel_loop3A_965 = arith.andi %parallel_loop3A_961, %parallel_loop3A_964 : i1
      %parallel_loop3A_966 = arith.constant 1 : i32
      %parallel_loop3A_967 = arith.subi %parallel_loop3A_946, %parallel_loop3A_966 : i32
      %parallel_loop3A_968 = arith.select %parallel_loop3A_965, %parallel_loop3A_967, %parallel_loop3A_946 : i32
      %parallel_loop3A_969 = arith.constant 1024 : i32
      %parallel_loop3A_970 = arith.constant 0 : i32
      %parallel_loop3A_971 = arith.cmpi eq, %parallel_loop3A_969, %parallel_loop3A_970 : i32
      %parallel_loop3A_972 = arith.constant 1 : i32
      %parallel_loop3A_973 = arith.select %parallel_loop3A_971, %parallel_loop3A_972, %parallel_loop3A_969 : i32
      %parallel_loop3A_974 = arith.remsi %parallel_loop3A_944, %parallel_loop3A_973 : i32
      %parallel_loop3A_975 = arith.constant 0 : i32
      %parallel_loop3A_976 = arith.cmpi ne, %parallel_loop3A_974, %parallel_loop3A_975 : i32
      %parallel_loop3A_977 = arith.constant 0 : i32
      %parallel_loop3A_978 = arith.cmpi slt, %parallel_loop3A_974, %parallel_loop3A_977 : i32
      %parallel_loop3A_979 = arith.constant 0 : i32
      %parallel_loop3A_980 = arith.cmpi slt, %parallel_loop3A_973, %parallel_loop3A_979 : i32
      %parallel_loop3A_981 = arith.xori %parallel_loop3A_978, %parallel_loop3A_980 : i1
      %parallel_loop3A_982 = arith.andi %parallel_loop3A_981, %parallel_loop3A_976 : i1
      %parallel_loop3A_983 = arith.addi %parallel_loop3A_974, %parallel_loop3A_973 : i32
      %parallel_loop3A_984 = arith.select %parallel_loop3A_982, %parallel_loop3A_983, %parallel_loop3A_974 : i32
      %parallel_loop3A_985 = arith.index_cast %parallel_loop3A_968 : i32 to index
      %parallel_loop3A_986 = arith.index_cast %parallel_loop3A_984 : i32 to index
      %parallel_loop3A_987 = tpu.vector_load %arg5[%parallel_loop3A_985, %parallel_loop3A_986] {strides = array<i32>} : memref<16x1024xf32, #tpu.memory_space<vmem>>, vector<1x16xf32>,
      %parallel_loop3A_988 = vector.shape_cast %parallel_loop3A_987 : vector<1x16xf32> to vector<16xf32>
      %parallel_loop3A_989 = arith.index_cast %parallel_loop3A_968 : i32 to index
      %parallel_loop3A_990 = arith.index_cast %parallel_loop3A_984 : i32 to index
      %parallel_loop3A_991 = tpu.vector_load %arg10[%parallel_loop3A_989, %parallel_loop3A_990] {strides = array<i32>} : memref<16x1024xf32, #tpu.memory_space<vmem>>, vector<1x16xf32>,
      %parallel_loop3A_992 = vector.shape_cast %parallel_loop3A_991 : vector<1x16xf32> to vector<16xf32>
      %parallel_loop3A_993 = vector.shape_cast %parallel_loop3A_988 : vector<16xf32> to vector<1x16xf32>
      tpu.vector_store %arg10[%parallel_loop3A_989, %parallel_loop3A_990], %parallel_loop3A_993 {add = true, strides = array<i32>} : memref<16x1024xf32, #tpu.memory_space<vmem>>, vector<1x16xf32>,
    } {sc.loop_unroll_factor = 4 : i64, sc.parallel_access}
    %add3A_577 = arith.constant 8192 : i32
    %add3A_578 = arith.addi %add3A_577, %mul3A_2 : i32
    %add3A_579 = arith.constant 64 : i32
    %add3A_580 = arith.addi %add3A_578, %add3A_579 : i32
    %dma_start3A_581 = arith.constant 0 : i32
    %dma_start3A_582 = tpu.memref_slice %arg4[%add3A_580, %dma_start3A_581] : memref<16384x1024xf32, #tpu.memory_space<hbm>> -> memref<16x1024xf32, #tpu.memory_space<hbm>>
    %dma_start3A_583 = arith.constant 0 : i32
    %dma_start3A_584 = tpu.memref_slice %arg4[%add3A_580, %dma_start3A_583] : memref<16384x1024xf32, #tpu.memory_space<hbm>> -> memref<16x1024xf32, #tpu.memory_space<hbm>>
    tpu.enqueue_dma source(%arg10 : memref<16x1024xf32, #tpu.memory_space<vmem>>) target(%dma_start3A_584 : memref<16x1024xf32, #tpu.memory_space<hbm>>) target_semaphore(%arg22 : memref<!tpu.dma_semaphore, #tpu.memory_space<semaphore_mem>>)
    %dma_wait3A_585 = arith.constant 0 : i32
    %dma_wait3A_586 = tpu.memref_slice %arg4[%add3A_553, %dma_wait3A_585] : memref<16384x1024xf32, #tpu.memory_space<hbm>> -> memref<16x1024xf32, #tpu.memory_space<hbm>>
    %dma_wait3A_587 = arith.constant 0 : i32
    %dma_wait3A_588 = tpu.memref_slice %arg4[%add3A_553, %dma_wait3A_587] : memref<16384x1024xf32, #tpu.memory_space<hbm>> -> memref<16x1024xf32, #tpu.memory_space<hbm>>
    tpu.wait_dma2 semaphore(%arg21 : memref<!tpu.dma_semaphore, #tpu.memory_space<semaphore_mem>>) src(%arg9 : memref<16x1024xf32, #tpu.memory_space<vmem>>) dst(%dma_wait3A_588 : memref<16x1024xf32, #tpu.memory_space<hbm>>)
    %add3A_589 = arith.constant 8192 : i32
    %add3A_590 = arith.addi %add3A_589, %mul3A_2 : i32
    %add3A_591 = arith.constant 80 : i32
    %add3A_592 = arith.addi %add3A_590, %add3A_591 : i32
    %dma_start3A_593 = arith.constant 0 : i32
    %dma_start3A_594 = tpu.memref_slice %arg2[%add3A_592, %dma_start3A_593] : memref<16384x1024xf32, #tpu.memory_space<hbm>> -> memref<16x1024xf32, #tpu.memory_space<hbm>>
    %dma_start3A_595 = arith.constant 0 : i32
    %dma_start3A_596 = tpu.memref_slice %arg2[%add3A_592, %dma_start3A_595] : memref<16384x1024xf32, #tpu.memory_space<hbm>> -> memref<16x1024xf32, #tpu.memory_space<hbm>>
    tpu.enqueue_dma source(%dma_start3A_596 : memref<16x1024xf32, #tpu.memory_space<hbm>>) target(%arg9 : memref<16x1024xf32, #tpu.memory_space<vmem>>) target_semaphore(%arg16 : memref<!tpu.dma_semaphore, #tpu.memory_space<semaphore_mem>>)
    %dma_wait3A_597 = arith.constant 0 : i32
    %dma_wait3A_598 = tpu.memref_slice %arg2[%add3A_511, %dma_wait3A_597] : memref<16384x1024xf32, #tpu.memory_space<hbm>> -> memref<16x1024xf32, #tpu.memory_space<hbm>>
    %dma_wait3A_599 = arith.constant 0 : i32
    %dma_wait3A_600 = tpu.memref_slice %arg2[%add3A_511, %dma_wait3A_599] : memref<16384x1024xf32, #tpu.memory_space<hbm>> -> memref<16x1024xf32, #tpu.memory_space<hbm>>
    tpu.wait_dma2 semaphore(%arg18 : memref<!tpu.dma_semaphore, #tpu.memory_space<semaphore_mem>>) src(%dma_wait3A_600 : memref<16x1024xf32, #tpu.memory_space<hbm>>) dst(%arg11 : memref<16x1024xf32, #tpu.memory_space<vmem>>)
    %parallel_loop3A_601 = arith.constant 0 : i32
    %parallel_loop3A_602 = arith.constant 16384 : i32
    %parallel_loop3A_603 = arith.constant 16 : i32
    scf.for %parallel_loop3A_944 = %parallel_loop3A_601 to %parallel_loop3A_602 step %parallel_loop3A_603  : i32 {
      %parallel_loop3A_945 = arith.constant 1024 : i32
      %parallel_loop3A_946 = arith.divsi %parallel_loop3A_944, %parallel_loop3A_945 : i32
      %parallel_loop3A_947 = arith.constant 0 : i32
      %parallel_loop3A_948 = arith.cmpi sgt, %parallel_loop3A_944, %parallel_loop3A_947 : i32
      %parallel_loop3A_949 = arith.extui %parallel_loop3A_948 : i1 to i32
      %parallel_loop3A_950 = arith.constant 0 : i32
      %parallel_loop3A_951 = arith.cmpi slt, %parallel_loop3A_944, %parallel_loop3A_950 : i32
      %parallel_loop3A_952 = arith.extui %parallel_loop3A_951 : i1 to i32
      %parallel_loop3A_953 = arith.subi %parallel_loop3A_949, %parallel_loop3A_952 : i32
      %parallel_loop3A_954 = arith.constant 0 : i32
      %parallel_loop3A_955 = arith.cmpi sgt, %parallel_loop3A_945, %parallel_loop3A_954 : i32
      %parallel_loop3A_956 = arith.extui %parallel_loop3A_955 : i1 to i32
      %parallel_loop3A_957 = arith.constant 0 : i32
      %parallel_loop3A_958 = arith.cmpi slt, %parallel_loop3A_945, %parallel_loop3A_957 : i32
      %parallel_loop3A_959 = arith.extui %parallel_loop3A_958 : i1 to i32
      %parallel_loop3A_960 = arith.subi %parallel_loop3A_956, %parallel_loop3A_959 : i32
      %parallel_loop3A_961 = arith.cmpi ne, %parallel_loop3A_953, %parallel_loop3A_960 : i32
      %parallel_loop3A_962 = arith.remsi %parallel_loop3A_944, %parallel_loop3A_945 : i32
      %parallel_loop3A_963 = arith.constant 0 : i32
      %parallel_loop3A_964 = arith.cmpi ne, %parallel_loop3A_962, %parallel_loop3A_963 : i32
      %parallel_loop3A_965 = arith.andi %parallel_loop3A_961, %parallel_loop3A_964 : i1
      %parallel_loop3A_966 = arith.constant 1 : i32
      %parallel_loop3A_967 = arith.subi %parallel_loop3A_946, %parallel_loop3A_966 : i32
      %parallel_loop3A_968 = arith.select %parallel_loop3A_965, %parallel_loop3A_967, %parallel_loop3A_946 : i32
      %parallel_loop3A_969 = arith.constant 1024 : i32
      %parallel_loop3A_970 = arith.constant 0 : i32
      %parallel_loop3A_971 = arith.cmpi eq, %parallel_loop3A_969, %parallel_loop3A_970 : i32
      %parallel_loop3A_972 = arith.constant 1 : i32
      %parallel_loop3A_973 = arith.select %parallel_loop3A_971, %parallel_loop3A_972, %parallel_loop3A_969 : i32
      %parallel_loop3A_974 = arith.remsi %parallel_loop3A_944, %parallel_loop3A_973 : i32
      %parallel_loop3A_975 = arith.constant 0 : i32
      %parallel_loop3A_976 = arith.cmpi ne, %parallel_loop3A_974, %parallel_loop3A_975 : i32
      %parallel_loop3A_977 = arith.constant 0 : i32
      %parallel_loop3A_978 = arith.cmpi slt, %parallel_loop3A_974, %parallel_loop3A_977 : i32
      %parallel_loop3A_979 = arith.constant 0 : i32
      %parallel_loop3A_980 = arith.cmpi slt, %parallel_loop3A_973, %parallel_loop3A_979 : i32
      %parallel_loop3A_981 = arith.xori %parallel_loop3A_978, %parallel_loop3A_980 : i1
      %parallel_loop3A_982 = arith.andi %parallel_loop3A_981, %parallel_loop3A_976 : i1
      %parallel_loop3A_983 = arith.addi %parallel_loop3A_974, %parallel_loop3A_973 : i32
      %parallel_loop3A_984 = arith.select %parallel_loop3A_982, %parallel_loop3A_983, %parallel_loop3A_974 : i32
      %parallel_loop3A_985 = arith.index_cast %parallel_loop3A_968 : i32 to index
      %parallel_loop3A_986 = arith.index_cast %parallel_loop3A_984 : i32 to index
      %parallel_loop3A_987 = tpu.vector_load %arg5[%parallel_loop3A_985, %parallel_loop3A_986] {strides = array<i32>} : memref<16x1024xf32, #tpu.memory_space<vmem>>, vector<1x16xf32>,
      %parallel_loop3A_988 = vector.shape_cast %parallel_loop3A_987 : vector<1x16xf32> to vector<16xf32>
      %parallel_loop3A_989 = arith.index_cast %parallel_loop3A_968 : i32 to index
      %parallel_loop3A_990 = arith.index_cast %parallel_loop3A_984 : i32 to index
      %parallel_loop3A_991 = tpu.vector_load %arg11[%parallel_loop3A_989, %parallel_loop3A_990] {strides = array<i32>} : memref<16x1024xf32, #tpu.memory_space<vmem>>, vector<1x16xf32>,
      %parallel_loop3A_992 = vector.shape_cast %parallel_loop3A_991 : vector<1x16xf32> to vector<16xf32>
      %parallel_loop3A_993 = vector.shape_cast %parallel_loop3A_988 : vector<16xf32> to vector<1x16xf32>
      tpu.vector_store %arg11[%parallel_loop3A_989, %parallel_loop3A_990], %parallel_loop3A_993 {add = true, strides = array<i32>} : memref<16x1024xf32, #tpu.memory_space<vmem>>, vector<1x16xf32>,
    } {sc.loop_unroll_factor = 4 : i64, sc.parallel_access}
    %add3A_604 = arith.constant 12288 : i32
    %add3A_605 = arith.addi %add3A_604, %mul3A_2 : i32
    %add3A_606 = arith.constant 64 : i32
    %add3A_607 = arith.addi %add3A_605, %add3A_606 : i32
    %dma_start3A_608 = arith.constant 0 : i32
    %dma_start3A_609 = tpu.memref_slice %arg4[%add3A_607, %dma_start3A_608] : memref<16384x1024xf32, #tpu.memory_space<hbm>> -> memref<16x1024xf32, #tpu.memory_space<hbm>>
    %dma_start3A_610 = arith.constant 0 : i32
    %dma_start3A_611 = tpu.memref_slice %arg4[%add3A_607, %dma_start3A_610] : memref<16384x1024xf32, #tpu.memory_space<hbm>> -> memref<16x1024xf32, #tpu.memory_space<hbm>>
    tpu.enqueue_dma source(%arg11 : memref<16x1024xf32, #tpu.memory_space<vmem>>) target(%dma_start3A_611 : memref<16x1024xf32, #tpu.memory_space<hbm>>) target_semaphore(%arg23 : memref<!tpu.dma_semaphore, #tpu.memory_space<semaphore_mem>>)
    %dma_wait3A_612 = arith.constant 0 : i32
    %dma_wait3A_613 = tpu.memref_slice %arg3[%add3A_499, %dma_wait3A_612] : memref<8192x1024xf32, #tpu.memory_space<hbm>> -> memref<16x1024xf32, #tpu.memory_space<hbm>>
    %dma_wait3A_614 = arith.constant 0 : i32
    %dma_wait3A_615 = tpu.memref_slice %arg3[%add3A_499, %dma_wait3A_614] : memref<8192x1024xf32, #tpu.memory_space<hbm>> -> memref<16x1024xf32, #tpu.memory_space<hbm>>
    tpu.wait_dma2 semaphore(%arg13 : memref<!tpu.dma_semaphore, #tpu.memory_space<semaphore_mem>>) src(%dma_wait3A_615 : memref<16x1024xf32, #tpu.memory_space<hbm>>) dst(%arg6 : memref<16x1024xf32, #tpu.memory_space<vmem>>)
    %add3A_616 = arith.constant 96 : i32
    %add3A_617 = arith.addi %mul3A_2, %add3A_616 : i32
    %dma_start3A_618 = arith.constant 0 : i32
    %dma_start3A_619 = tpu.memref_slice %arg3[%add3A_617, %dma_start3A_618] : memref<8192x1024xf32, #tpu.memory_space<hbm>> -> memref<16x1024xf32, #tpu.memory_space<hbm>>
    %dma_start3A_620 = arith.constant 0 : i32
    %dma_start3A_621 = tpu.memref_slice %arg3[%add3A_617, %dma_start3A_620] : memref<8192x1024xf32, #tpu.memory_space<hbm>> -> memref<16x1024xf32, #tpu.memory_space<hbm>>
    tpu.enqueue_dma source(%dma_start3A_621 : memref<16x1024xf32, #tpu.memory_space<hbm>>) target(%arg5 : memref<16x1024xf32, #tpu.memory_space<vmem>>) target_semaphore(%arg12 : memref<!tpu.dma_semaphore, #tpu.memory_space<semaphore_mem>>)
    %dma_wait3A_622 = arith.constant 0 : i32
    %dma_wait3A_623 = tpu.memref_slice %arg4[%add3A_580, %dma_wait3A_622] : memref<16384x1024xf32, #tpu.memory_space<hbm>> -> memref<16x1024xf32, #tpu.memory_space<hbm>>
    %dma_wait3A_624 = arith.constant 0 : i32
    %dma_wait3A_625 = tpu.memref_slice %arg4[%add3A_580, %dma_wait3A_624] : memref<16384x1024xf32, #tpu.memory_space<hbm>> -> memref<16x1024xf32, #tpu.memory_space<hbm>>
    tpu.wait_dma2 semaphore(%arg22 : memref<!tpu.dma_semaphore, #tpu.memory_space<semaphore_mem>>) src(%arg10 : memref<16x1024xf32, #tpu.memory_space<vmem>>) dst(%dma_wait3A_625 : memref<16x1024xf32, #tpu.memory_space<hbm>>)
    %add3A_626 = arith.constant 12288 : i32
    %add3A_627 = arith.addi %add3A_626, %mul3A_2 : i32
    %add3A_628 = arith.constant 80 : i32
    %add3A_629 = arith.addi %add3A_627, %add3A_628 : i32
    %dma_start3A_630 = arith.constant 0 : i32
    %dma_start3A_631 = tpu.memref_slice %arg2[%add3A_629, %dma_start3A_630] : memref<16384x1024xf32, #tpu.memory_space<hbm>> -> memref<16x1024xf32, #tpu.memory_space<hbm>>
    %dma_start3A_632 = arith.constant 0 : i32
    %dma_start3A_633 = tpu.memref_slice %arg2[%add3A_629, %dma_start3A_632] : memref<16384x1024xf32, #tpu.memory_space<hbm>> -> memref<16x1024xf32, #tpu.memory_space<hbm>>
    tpu.enqueue_dma source(%dma_start3A_633 : memref<16x1024xf32, #tpu.memory_space<hbm>>) target(%arg10 : memref<16x1024xf32, #tpu.memory_space<vmem>>) target_semaphore(%arg17 : memref<!tpu.dma_semaphore, #tpu.memory_space<semaphore_mem>>)
    %dma_wait3A_634 = arith.constant 0 : i32
    %dma_wait3A_635 = tpu.memref_slice %arg2[%add3A_538, %dma_wait3A_634] : memref<16384x1024xf32, #tpu.memory_space<hbm>> -> memref<16x1024xf32, #tpu.memory_space<hbm>>
    %dma_wait3A_636 = arith.constant 0 : i32
    %dma_wait3A_637 = tpu.memref_slice %arg2[%add3A_538, %dma_wait3A_636] : memref<16384x1024xf32, #tpu.memory_space<hbm>> -> memref<16x1024xf32, #tpu.memory_space<hbm>>
    tpu.wait_dma2 semaphore(%arg14 : memref<!tpu.dma_semaphore, #tpu.memory_space<semaphore_mem>>) src(%dma_wait3A_637 : memref<16x1024xf32, #tpu.memory_space<hbm>>) dst(%arg7 : memref<16x1024xf32, #tpu.memory_space<vmem>>)
    %parallel_loop3A_638 = arith.constant 0 : i32
    %parallel_loop3A_639 = arith.constant 16384 : i32
    %parallel_loop3A_640 = arith.constant 16 : i32
    scf.for %parallel_loop3A_944 = %parallel_loop3A_638 to %parallel_loop3A_639 step %parallel_loop3A_640  : i32 {
      %parallel_loop3A_945 = arith.constant 1024 : i32
      %parallel_loop3A_946 = arith.divsi %parallel_loop3A_944, %parallel_loop3A_945 : i32
      %parallel_loop3A_947 = arith.constant 0 : i32
      %parallel_loop3A_948 = arith.cmpi sgt, %parallel_loop3A_944, %parallel_loop3A_947 : i32
      %parallel_loop3A_949 = arith.extui %parallel_loop3A_948 : i1 to i32
      %parallel_loop3A_950 = arith.constant 0 : i32
      %parallel_loop3A_951 = arith.cmpi slt, %parallel_loop3A_944, %parallel_loop3A_950 : i32
      %parallel_loop3A_952 = arith.extui %parallel_loop3A_951 : i1 to i32
      %parallel_loop3A_953 = arith.subi %parallel_loop3A_949, %parallel_loop3A_952 : i32
      %parallel_loop3A_954 = arith.constant 0 : i32
      %parallel_loop3A_955 = arith.cmpi sgt, %parallel_loop3A_945, %parallel_loop3A_954 : i32
      %parallel_loop3A_956 = arith.extui %parallel_loop3A_955 : i1 to i32
      %parallel_loop3A_957 = arith.constant 0 : i32
      %parallel_loop3A_958 = arith.cmpi slt, %parallel_loop3A_945, %parallel_loop3A_957 : i32
      %parallel_loop3A_959 = arith.extui %parallel_loop3A_958 : i1 to i32
      %parallel_loop3A_960 = arith.subi %parallel_loop3A_956, %parallel_loop3A_959 : i32
      %parallel_loop3A_961 = arith.cmpi ne, %parallel_loop3A_953, %parallel_loop3A_960 : i32
      %parallel_loop3A_962 = arith.remsi %parallel_loop3A_944, %parallel_loop3A_945 : i32
      %parallel_loop3A_963 = arith.constant 0 : i32
      %parallel_loop3A_964 = arith.cmpi ne, %parallel_loop3A_962, %parallel_loop3A_963 : i32
      %parallel_loop3A_965 = arith.andi %parallel_loop3A_961, %parallel_loop3A_964 : i1
      %parallel_loop3A_966 = arith.constant 1 : i32
      %parallel_loop3A_967 = arith.subi %parallel_loop3A_946, %parallel_loop3A_966 : i32
      %parallel_loop3A_968 = arith.select %parallel_loop3A_965, %parallel_loop3A_967, %parallel_loop3A_946 : i32
      %parallel_loop3A_969 = arith.constant 1024 : i32
      %parallel_loop3A_970 = arith.constant 0 : i32
      %parallel_loop3A_971 = arith.cmpi eq, %parallel_loop3A_969, %parallel_loop3A_970 : i32
      %parallel_loop3A_972 = arith.constant 1 : i32
      %parallel_loop3A_973 = arith.select %parallel_loop3A_971, %parallel_loop3A_972, %parallel_loop3A_969 : i32
      %parallel_loop3A_974 = arith.remsi %parallel_loop3A_944, %parallel_loop3A_973 : i32
      %parallel_loop3A_975 = arith.constant 0 : i32
      %parallel_loop3A_976 = arith.cmpi ne, %parallel_loop3A_974, %parallel_loop3A_975 : i32
      %parallel_loop3A_977 = arith.constant 0 : i32
      %parallel_loop3A_978 = arith.cmpi slt, %parallel_loop3A_974, %parallel_loop3A_977 : i32
      %parallel_loop3A_979 = arith.constant 0 : i32
      %parallel_loop3A_980 = arith.cmpi slt, %parallel_loop3A_973, %parallel_loop3A_979 : i32
      %parallel_loop3A_981 = arith.xori %parallel_loop3A_978, %parallel_loop3A_980 : i1
      %parallel_loop3A_982 = arith.andi %parallel_loop3A_981, %parallel_loop3A_976 : i1
      %parallel_loop3A_983 = arith.addi %parallel_loop3A_974, %parallel_loop3A_973 : i32
      %parallel_loop3A_984 = arith.select %parallel_loop3A_982, %parallel_loop3A_983, %parallel_loop3A_974 : i32
      %parallel_loop3A_985 = arith.index_cast %parallel_loop3A_968 : i32 to index
      %parallel_loop3A_986 = arith.index_cast %parallel_loop3A_984 : i32 to index
      %parallel_loop3A_987 = tpu.vector_load %arg6[%parallel_loop3A_985, %parallel_loop3A_986] {strides = array<i32>} : memref<16x1024xf32, #tpu.memory_space<vmem>>, vector<1x16xf32>,
      %parallel_loop3A_988 = vector.shape_cast %parallel_loop3A_987 : vector<1x16xf32> to vector<16xf32>
      %parallel_loop3A_989 = arith.index_cast %parallel_loop3A_968 : i32 to index
      %parallel_loop3A_990 = arith.index_cast %parallel_loop3A_984 : i32 to index
      %parallel_loop3A_991 = tpu.vector_load %arg7[%parallel_loop3A_989, %parallel_loop3A_990] {strides = array<i32>} : memref<16x1024xf32, #tpu.memory_space<vmem>>, vector<1x16xf32>,
      %parallel_loop3A_992 = vector.shape_cast %parallel_loop3A_991 : vector<1x16xf32> to vector<16xf32>
      %parallel_loop3A_993 = vector.shape_cast %parallel_loop3A_988 : vector<16xf32> to vector<1x16xf32>
      tpu.vector_store %arg7[%parallel_loop3A_989, %parallel_loop3A_990], %parallel_loop3A_993 {add = true, strides = array<i32>} : memref<16x1024xf32, #tpu.memory_space<vmem>>, vector<1x16xf32>,
    } {sc.loop_unroll_factor = 4 : i64, sc.parallel_access}
    %add3A_641 = arith.constant 0 : i32
    %add3A_642 = arith.addi %add3A_641, %mul3A_2 : i32
    %add3A_643 = arith.constant 80 : i32
    %add3A_644 = arith.addi %add3A_642, %add3A_643 : i32
    %dma_start3A_645 = arith.constant 0 : i32
    %dma_start3A_646 = tpu.memref_slice %arg4[%add3A_644, %dma_start3A_645] : memref<16384x1024xf32, #tpu.memory_space<hbm>> -> memref<16x1024xf32, #tpu.memory_space<hbm>>
    %dma_start3A_647 = arith.constant 0 : i32
    %dma_start3A_648 = tpu.memref_slice %arg4[%add3A_644, %dma_start3A_647] : memref<16384x1024xf32, #tpu.memory_space<hbm>> -> memref<16x1024xf32, #tpu.memory_space<hbm>>
    tpu.enqueue_dma source(%arg7 : memref<16x1024xf32, #tpu.memory_space<vmem>>) target(%dma_start3A_648 : memref<16x1024xf32, #tpu.memory_space<hbm>>) target_semaphore(%arg19 : memref<!tpu.dma_semaphore, #tpu.memory_space<semaphore_mem>>)
    %dma_wait3A_649 = arith.constant 0 : i32
    %dma_wait3A_650 = tpu.memref_slice %arg4[%add3A_607, %dma_wait3A_649] : memref<16384x1024xf32, #tpu.memory_space<hbm>> -> memref<16x1024xf32, #tpu.memory_space<hbm>>
    %dma_wait3A_651 = arith.constant 0 : i32
    %dma_wait3A_652 = tpu.memref_slice %arg4[%add3A_607, %dma_wait3A_651] : memref<16384x1024xf32, #tpu.memory_space<hbm>> -> memref<16x1024xf32, #tpu.memory_space<hbm>>
    tpu.wait_dma2 semaphore(%arg23 : memref<!tpu.dma_semaphore, #tpu.memory_space<semaphore_mem>>) src(%arg11 : memref<16x1024xf32, #tpu.memory_space<vmem>>) dst(%dma_wait3A_652 : memref<16x1024xf32, #tpu.memory_space<hbm>>)
    %add3A_653 = arith.constant 0 : i32
    %add3A_654 = arith.addi %add3A_653, %mul3A_2 : i32
    %add3A_655 = arith.constant 96 : i32
    %add3A_656 = arith.addi %add3A_654, %add3A_655 : i32
    %dma_start3A_657 = arith.constant 0 : i32
    %dma_start3A_658 = tpu.memref_slice %arg2[%add3A_656, %dma_start3A_657] : memref<16384x1024xf32, #tpu.memory_space<hbm>> -> memref<16x1024xf32, #tpu.memory_space<hbm>>
    %dma_start3A_659 = arith.constant 0 : i32
    %dma_start3A_660 = tpu.memref_slice %arg2[%add3A_656, %dma_start3A_659] : memref<16384x1024xf32, #tpu.memory_space<hbm>> -> memref<16x1024xf32, #tpu.memory_space<hbm>>
    tpu.enqueue_dma source(%dma_start3A_660 : memref<16x1024xf32, #tpu.memory_space<hbm>>) target(%arg11 : memref<16x1024xf32, #tpu.memory_space<vmem>>) target_semaphore(%arg18 : memref<!tpu.dma_semaphore, #tpu.memory_space<semaphore_mem>>)
    %dma_wait3A_661 = arith.constant 0 : i32
    %dma_wait3A_662 = tpu.memref_slice %arg2[%add3A_565, %dma_wait3A_661] : memref<16384x1024xf32, #tpu.memory_space<hbm>> -> memref<16x1024xf32, #tpu.memory_space<hbm>>
    %dma_wait3A_663 = arith.constant 0 : i32
    %dma_wait3A_664 = tpu.memref_slice %arg2[%add3A_565, %dma_wait3A_663] : memref<16384x1024xf32, #tpu.memory_space<hbm>> -> memref<16x1024xf32, #tpu.memory_space<hbm>>
    tpu.wait_dma2 semaphore(%arg15 : memref<!tpu.dma_semaphore, #tpu.memory_space<semaphore_mem>>) src(%dma_wait3A_664 : memref<16x1024xf32, #tpu.memory_space<hbm>>) dst(%arg8 : memref<16x1024xf32, #tpu.memory_space<vmem>>)
    %parallel_loop3A_665 = arith.constant 0 : i32
    %parallel_loop3A_666 = arith.constant 16384 : i32
    %parallel_loop3A_667 = arith.constant 16 : i32
    scf.for %parallel_loop3A_944 = %parallel_loop3A_665 to %parallel_loop3A_666 step %parallel_loop3A_667  : i32 {
      %parallel_loop3A_945 = arith.constant 1024 : i32
      %parallel_loop3A_946 = arith.divsi %parallel_loop3A_944, %parallel_loop3A_945 : i32
      %parallel_loop3A_947 = arith.constant 0 : i32
      %parallel_loop3A_948 = arith.cmpi sgt, %parallel_loop3A_944, %parallel_loop3A_947 : i32
      %parallel_loop3A_949 = arith.extui %parallel_loop3A_948 : i1 to i32
      %parallel_loop3A_950 = arith.constant 0 : i32
      %parallel_loop3A_951 = arith.cmpi slt, %parallel_loop3A_944, %parallel_loop3A_950 : i32
      %parallel_loop3A_952 = arith.extui %parallel_loop3A_951 : i1 to i32
      %parallel_loop3A_953 = arith.subi %parallel_loop3A_949, %parallel_loop3A_952 : i32
      %parallel_loop3A_954 = arith.constant 0 : i32
      %parallel_loop3A_955 = arith.cmpi sgt, %parallel_loop3A_945, %parallel_loop3A_954 : i32
      %parallel_loop3A_956 = arith.extui %parallel_loop3A_955 : i1 to i32
      %parallel_loop3A_957 = arith.constant 0 : i32
      %parallel_loop3A_958 = arith.cmpi slt, %parallel_loop3A_945, %parallel_loop3A_957 : i32
      %parallel_loop3A_959 = arith.extui %parallel_loop3A_958 : i1 to i32
      %parallel_loop3A_960 = arith.subi %parallel_loop3A_956, %parallel_loop3A_959 : i32
      %parallel_loop3A_961 = arith.cmpi ne, %parallel_loop3A_953, %parallel_loop3A_960 : i32
      %parallel_loop3A_962 = arith.remsi %parallel_loop3A_944, %parallel_loop3A_945 : i32
      %parallel_loop3A_963 = arith.constant 0 : i32
      %parallel_loop3A_964 = arith.cmpi ne, %parallel_loop3A_962, %parallel_loop3A_963 : i32
      %parallel_loop3A_965 = arith.andi %parallel_loop3A_961, %parallel_loop3A_964 : i1
      %parallel_loop3A_966 = arith.constant 1 : i32
      %parallel_loop3A_967 = arith.subi %parallel_loop3A_946, %parallel_loop3A_966 : i32
      %parallel_loop3A_968 = arith.select %parallel_loop3A_965, %parallel_loop3A_967, %parallel_loop3A_946 : i32
      %parallel_loop3A_969 = arith.constant 1024 : i32
      %parallel_loop3A_970 = arith.constant 0 : i32
      %parallel_loop3A_971 = arith.cmpi eq, %parallel_loop3A_969, %parallel_loop3A_970 : i32
      %parallel_loop3A_972 = arith.constant 1 : i32
      %parallel_loop3A_973 = arith.select %parallel_loop3A_971, %parallel_loop3A_972, %parallel_loop3A_969 : i32
      %parallel_loop3A_974 = arith.remsi %parallel_loop3A_944, %parallel_loop3A_973 : i32
      %parallel_loop3A_975 = arith.constant 0 : i32
      %parallel_loop3A_976 = arith.cmpi ne, %parallel_loop3A_974, %parallel_loop3A_975 : i32
      %parallel_loop3A_977 = arith.constant 0 : i32
      %parallel_loop3A_978 = arith.cmpi slt, %parallel_loop3A_974, %parallel_loop3A_977 : i32
      %parallel_loop3A_979 = arith.constant 0 : i32
      %parallel_loop3A_980 = arith.cmpi slt, %parallel_loop3A_973, %parallel_loop3A_979 : i32
      %parallel_loop3A_981 = arith.xori %parallel_loop3A_978, %parallel_loop3A_980 : i1
      %parallel_loop3A_982 = arith.andi %parallel_loop3A_981, %parallel_loop3A_976 : i1
      %parallel_loop3A_983 = arith.addi %parallel_loop3A_974, %parallel_loop3A_973 : i32
      %parallel_loop3A_984 = arith.select %parallel_loop3A_982, %parallel_loop3A_983, %parallel_loop3A_974 : i32
      %parallel_loop3A_985 = arith.index_cast %parallel_loop3A_968 : i32 to index
      %parallel_loop3A_986 = arith.index_cast %parallel_loop3A_984 : i32 to index
      %parallel_loop3A_987 = tpu.vector_load %arg6[%parallel_loop3A_985, %parallel_loop3A_986] {strides = array<i32>} : memref<16x1024xf32, #tpu.memory_space<vmem>>, vector<1x16xf32>,
      %parallel_loop3A_988 = vector.shape_cast %parallel_loop3A_987 : vector<1x16xf32> to vector<16xf32>
      %parallel_loop3A_989 = arith.index_cast %parallel_loop3A_968 : i32 to index
      %parallel_loop3A_990 = arith.index_cast %parallel_loop3A_984 : i32 to index
      %parallel_loop3A_991 = tpu.vector_load %arg8[%parallel_loop3A_989, %parallel_loop3A_990] {strides = array<i32>} : memref<16x1024xf32, #tpu.memory_space<vmem>>, vector<1x16xf32>,
      %parallel_loop3A_992 = vector.shape_cast %parallel_loop3A_991 : vector<1x16xf32> to vector<16xf32>
      %parallel_loop3A_993 = vector.shape_cast %parallel_loop3A_988 : vector<16xf32> to vector<1x16xf32>
      tpu.vector_store %arg8[%parallel_loop3A_989, %parallel_loop3A_990], %parallel_loop3A_993 {add = true, strides = array<i32>} : memref<16x1024xf32, #tpu.memory_space<vmem>>, vector<1x16xf32>,
    } {sc.loop_unroll_factor = 4 : i64, sc.parallel_access}
    %add3A_668 = arith.constant 4096 : i32
    %add3A_669 = arith.addi %add3A_668, %mul3A_2 : i32
    %add3A_670 = arith.constant 80 : i32
    %add3A_671 = arith.addi %add3A_669, %add3A_670 : i32
    %dma_start3A_672 = arith.constant 0 : i32
    %dma_start3A_673 = tpu.memref_slice %arg4[%add3A_671, %dma_start3A_672] : memref<16384x1024xf32, #tpu.memory_space<hbm>> -> memref<16x1024xf32, #tpu.memory_space<hbm>>
    %dma_start3A_674 = arith.constant 0 : i32
    %dma_start3A_675 = tpu.memref_slice %arg4[%add3A_671, %dma_start3A_674] : memref<16384x1024xf32, #tpu.memory_space<hbm>> -> memref<16x1024xf32, #tpu.memory_space<hbm>>
    tpu.enqueue_dma source(%arg8 : memref<16x1024xf32, #tpu.memory_space<vmem>>) target(%dma_start3A_675 : memref<16x1024xf32, #tpu.memory_space<hbm>>) target_semaphore(%arg20 : memref<!tpu.dma_semaphore, #tpu.memory_space<semaphore_mem>>)
    %dma_wait3A_676 = arith.constant 0 : i32
    %dma_wait3A_677 = tpu.memref_slice %arg4[%add3A_644, %dma_wait3A_676] : memref<16384x1024xf32, #tpu.memory_space<hbm>> -> memref<16x1024xf32, #tpu.memory_space<hbm>>
    %dma_wait3A_678 = arith.constant 0 : i32
    %dma_wait3A_679 = tpu.memref_slice %arg4[%add3A_644, %dma_wait3A_678] : memref<16384x1024xf32, #tpu.memory_space<hbm>> -> memref<16x1024xf32, #tpu.memory_space<hbm>>
    tpu.wait_dma2 semaphore(%arg19 : memref<!tpu.dma_semaphore, #tpu.memory_space<semaphore_mem>>) src(%arg7 : memref<16x1024xf32, #tpu.memory_space<vmem>>) dst(%dma_wait3A_679 : memref<16x1024xf32, #tpu.memory_space<hbm>>)
    %add3A_680 = arith.constant 4096 : i32
    %add3A_681 = arith.addi %add3A_680, %mul3A_2 : i32
    %add3A_682 = arith.constant 96 : i32
    %add3A_683 = arith.addi %add3A_681, %add3A_682 : i32
    %dma_start3A_684 = arith.constant 0 : i32
    %dma_start3A_685 = tpu.memref_slice %arg2[%add3A_683, %dma_start3A_684] : memref<16384x1024xf32, #tpu.memory_space<hbm>> -> memref<16x1024xf32, #tpu.memory_space<hbm>>
    %dma_start3A_686 = arith.constant 0 : i32
    %dma_start3A_687 = tpu.memref_slice %arg2[%add3A_683, %dma_start3A_686] : memref<16384x1024xf32, #tpu.memory_space<hbm>> -> memref<16x1024xf32, #tpu.memory_space<hbm>>
    tpu.enqueue_dma source(%dma_start3A_687 : memref<16x1024xf32, #tpu.memory_space<hbm>>) target(%arg7 : memref<16x1024xf32, #tpu.memory_space<vmem>>) target_semaphore(%arg14 : memref<!tpu.dma_semaphore, #tpu.memory_space<semaphore_mem>>)
    %dma_wait3A_688 = arith.constant 0 : i32
    %dma_wait3A_689 = tpu.memref_slice %arg2[%add3A_592, %dma_wait3A_688] : memref<16384x1024xf32, #tpu.memory_space<hbm>> -> memref<16x1024xf32, #tpu.memory_space<hbm>>
    %dma_wait3A_690 = arith.constant 0 : i32
    %dma_wait3A_691 = tpu.memref_slice %arg2[%add3A_592, %dma_wait3A_690] : memref<16384x1024xf32, #tpu.memory_space<hbm>> -> memref<16x1024xf32, #tpu.memory_space<hbm>>
    tpu.wait_dma2 semaphore(%arg16 : memref<!tpu.dma_semaphore, #tpu.memory_space<semaphore_mem>>) src(%dma_wait3A_691 : memref<16x1024xf32, #tpu.memory_space<hbm>>) dst(%arg9 : memref<16x1024xf32, #tpu.memory_space<vmem>>)
    %parallel_loop3A_692 = arith.constant 0 : i32
    %parallel_loop3A_693 = arith.constant 16384 : i32
    %parallel_loop3A_694 = arith.constant 16 : i32
    scf.for %parallel_loop3A_944 = %parallel_loop3A_692 to %parallel_loop3A_693 step %parallel_loop3A_694  : i32 {
      %parallel_loop3A_945 = arith.constant 1024 : i32
      %parallel_loop3A_946 = arith.divsi %parallel_loop3A_944, %parallel_loop3A_945 : i32
      %parallel_loop3A_947 = arith.constant 0 : i32
      %parallel_loop3A_948 = arith.cmpi sgt, %parallel_loop3A_944, %parallel_loop3A_947 : i32
      %parallel_loop3A_949 = arith.extui %parallel_loop3A_948 : i1 to i32
      %parallel_loop3A_950 = arith.constant 0 : i32
      %parallel_loop3A_951 = arith.cmpi slt, %parallel_loop3A_944, %parallel_loop3A_950 : i32
      %parallel_loop3A_952 = arith.extui %parallel_loop3A_951 : i1 to i32
      %parallel_loop3A_953 = arith.subi %parallel_loop3A_949, %parallel_loop3A_952 : i32
      %parallel_loop3A_954 = arith.constant 0 : i32
      %parallel_loop3A_955 = arith.cmpi sgt, %parallel_loop3A_945, %parallel_loop3A_954 : i32
      %parallel_loop3A_956 = arith.extui %parallel_loop3A_955 : i1 to i32
      %parallel_loop3A_957 = arith.constant 0 : i32
      %parallel_loop3A_958 = arith.cmpi slt, %parallel_loop3A_945, %parallel_loop3A_957 : i32
      %parallel_loop3A_959 = arith.extui %parallel_loop3A_958 : i1 to i32
      %parallel_loop3A_960 = arith.subi %parallel_loop3A_956, %parallel_loop3A_959 : i32
      %parallel_loop3A_961 = arith.cmpi ne, %parallel_loop3A_953, %parallel_loop3A_960 : i32
      %parallel_loop3A_962 = arith.remsi %parallel_loop3A_944, %parallel_loop3A_945 : i32
      %parallel_loop3A_963 = arith.constant 0 : i32
      %parallel_loop3A_964 = arith.cmpi ne, %parallel_loop3A_962, %parallel_loop3A_963 : i32
      %parallel_loop3A_965 = arith.andi %parallel_loop3A_961, %parallel_loop3A_964 : i1
      %parallel_loop3A_966 = arith.constant 1 : i32
      %parallel_loop3A_967 = arith.subi %parallel_loop3A_946, %parallel_loop3A_966 : i32
      %parallel_loop3A_968 = arith.select %parallel_loop3A_965, %parallel_loop3A_967, %parallel_loop3A_946 : i32
      %parallel_loop3A_969 = arith.constant 1024 : i32
      %parallel_loop3A_970 = arith.constant 0 : i32
      %parallel_loop3A_971 = arith.cmpi eq, %parallel_loop3A_969, %parallel_loop3A_970 : i32
      %parallel_loop3A_972 = arith.constant 1 : i32
      %parallel_loop3A_973 = arith.select %parallel_loop3A_971, %parallel_loop3A_972, %parallel_loop3A_969 : i32
      %parallel_loop3A_974 = arith.remsi %parallel_loop3A_944, %parallel_loop3A_973 : i32
      %parallel_loop3A_975 = arith.constant 0 : i32
      %parallel_loop3A_976 = arith.cmpi ne, %parallel_loop3A_974, %parallel_loop3A_975 : i32
      %parallel_loop3A_977 = arith.constant 0 : i32
      %parallel_loop3A_978 = arith.cmpi slt, %parallel_loop3A_974, %parallel_loop3A_977 : i32
      %parallel_loop3A_979 = arith.constant 0 : i32
      %parallel_loop3A_980 = arith.cmpi slt, %parallel_loop3A_973, %parallel_loop3A_979 : i32
      %parallel_loop3A_981 = arith.xori %parallel_loop3A_978, %parallel_loop3A_980 : i1
      %parallel_loop3A_982 = arith.andi %parallel_loop3A_981, %parallel_loop3A_976 : i1
      %parallel_loop3A_983 = arith.addi %parallel_loop3A_974, %parallel_loop3A_973 : i32
      %parallel_loop3A_984 = arith.select %parallel_loop3A_982, %parallel_loop3A_983, %parallel_loop3A_974 : i32
      %parallel_loop3A_985 = arith.index_cast %parallel_loop3A_968 : i32 to index
      %parallel_loop3A_986 = arith.index_cast %parallel_loop3A_984 : i32 to index
      %parallel_loop3A_987 = tpu.vector_load %arg6[%parallel_loop3A_985, %parallel_loop3A_986] {strides = array<i32>} : memref<16x1024xf32, #tpu.memory_space<vmem>>, vector<1x16xf32>,
      %parallel_loop3A_988 = vector.shape_cast %parallel_loop3A_987 : vector<1x16xf32> to vector<16xf32>
      %parallel_loop3A_989 = arith.index_cast %parallel_loop3A_968 : i32 to index
      %parallel_loop3A_990 = arith.index_cast %parallel_loop3A_984 : i32 to index
      %parallel_loop3A_991 = tpu.vector_load %arg9[%parallel_loop3A_989, %parallel_loop3A_990] {strides = array<i32>} : memref<16x1024xf32, #tpu.memory_space<vmem>>, vector<1x16xf32>,
      %parallel_loop3A_992 = vector.shape_cast %parallel_loop3A_991 : vector<1x16xf32> to vector<16xf32>
      %parallel_loop3A_993 = vector.shape_cast %parallel_loop3A_988 : vector<16xf32> to vector<1x16xf32>
      tpu.vector_store %arg9[%parallel_loop3A_989, %parallel_loop3A_990], %parallel_loop3A_993 {add = true, strides = array<i32>} : memref<16x1024xf32, #tpu.memory_space<vmem>>, vector<1x16xf32>,
    } {sc.loop_unroll_factor = 4 : i64, sc.parallel_access}
    %add3A_695 = arith.constant 8192 : i32
    %add3A_696 = arith.addi %add3A_695, %mul3A_2 : i32
    %add3A_697 = arith.constant 80 : i32
    %add3A_698 = arith.addi %add3A_696, %add3A_697 : i32
    %dma_start3A_699 = arith.constant 0 : i32
    %dma_start3A_700 = tpu.memref_slice %arg4[%add3A_698, %dma_start3A_699] : memref<16384x1024xf32, #tpu.memory_space<hbm>> -> memref<16x1024xf32, #tpu.memory_space<hbm>>
    %dma_start3A_701 = arith.constant 0 : i32
    %dma_start3A_702 = tpu.memref_slice %arg4[%add3A_698, %dma_start3A_701] : memref<16384x1024xf32, #tpu.memory_space<hbm>> -> memref<16x1024xf32, #tpu.memory_space<hbm>>
    tpu.enqueue_dma source(%arg9 : memref<16x1024xf32, #tpu.memory_space<vmem>>) target(%dma_start3A_702 : memref<16x1024xf32, #tpu.memory_space<hbm>>) target_semaphore(%arg21 : memref<!tpu.dma_semaphore, #tpu.memory_space<semaphore_mem>>)
    %dma_wait3A_703 = arith.constant 0 : i32
    %dma_wait3A_704 = tpu.memref_slice %arg4[%add3A_671, %dma_wait3A_703] : memref<16384x1024xf32, #tpu.memory_space<hbm>> -> memref<16x1024xf32, #tpu.memory_space<hbm>>
    %dma_wait3A_705 = arith.constant 0 : i32
    %dma_wait3A_706 = tpu.memref_slice %arg4[%add3A_671, %dma_wait3A_705] : memref<16384x1024xf32, #tpu.memory_space<hbm>> -> memref<16x1024xf32, #tpu.memory_space<hbm>>
    tpu.wait_dma2 semaphore(%arg20 : memref<!tpu.dma_semaphore, #tpu.memory_space<semaphore_mem>>) src(%arg8 : memref<16x1024xf32, #tpu.memory_space<vmem>>) dst(%dma_wait3A_706 : memref<16x1024xf32, #tpu.memory_space<hbm>>)
    %add3A_707 = arith.constant 8192 : i32
    %add3A_708 = arith.addi %add3A_707, %mul3A_2 : i32
    %add3A_709 = arith.constant 96 : i32
    %add3A_710 = arith.addi %add3A_708, %add3A_709 : i32
    %dma_start3A_711 = arith.constant 0 : i32
    %dma_start3A_712 = tpu.memref_slice %arg2[%add3A_710, %dma_start3A_711] : memref<16384x1024xf32, #tpu.memory_space<hbm>> -> memref<16x1024xf32, #tpu.memory_space<hbm>>
    %dma_start3A_713 = arith.constant 0 : i32
    %dma_start3A_714 = tpu.memref_slice %arg2[%add3A_710, %dma_start3A_713] : memref<16384x1024xf32, #tpu.memory_space<hbm>> -> memref<16x1024xf32, #tpu.memory_space<hbm>>
    tpu.enqueue_dma source(%dma_start3A_714 : memref<16x1024xf32, #tpu.memory_space<hbm>>) target(%arg8 : memref<16x1024xf32, #tpu.memory_space<vmem>>) target_semaphore(%arg15 : memref<!tpu.dma_semaphore, #tpu.memory_space<semaphore_mem>>)
    %dma_wait3A_715 = arith.constant 0 : i32
    %dma_wait3A_716 = tpu.memref_slice %arg2[%add3A_629, %dma_wait3A_715] : memref<16384x1024xf32, #tpu.memory_space<hbm>> -> memref<16x1024xf32, #tpu.memory_space<hbm>>
    %dma_wait3A_717 = arith.constant 0 : i32
    %dma_wait3A_718 = tpu.memref_slice %arg2[%add3A_629, %dma_wait3A_717] : memref<16384x1024xf32, #tpu.memory_space<hbm>> -> memref<16x1024xf32, #tpu.memory_space<hbm>>
    tpu.wait_dma2 semaphore(%arg17 : memref<!tpu.dma_semaphore, #tpu.memory_space<semaphore_mem>>) src(%dma_wait3A_718 : memref<16x1024xf32, #tpu.memory_space<hbm>>) dst(%arg10 : memref<16x1024xf32, #tpu.memory_space<vmem>>)
    %parallel_loop3A_719 = arith.constant 0 : i32
    %parallel_loop3A_720 = arith.constant 16384 : i32
    %parallel_loop3A_721 = arith.constant 16 : i32
    scf.for %parallel_loop3A_944 = %parallel_loop3A_719 to %parallel_loop3A_720 step %parallel_loop3A_721  : i32 {
      %parallel_loop3A_945 = arith.constant 1024 : i32
      %parallel_loop3A_946 = arith.divsi %parallel_loop3A_944, %parallel_loop3A_945 : i32
      %parallel_loop3A_947 = arith.constant 0 : i32
      %parallel_loop3A_948 = arith.cmpi sgt, %parallel_loop3A_944, %parallel_loop3A_947 : i32
      %parallel_loop3A_949 = arith.extui %parallel_loop3A_948 : i1 to i32
      %parallel_loop3A_950 = arith.constant 0 : i32
      %parallel_loop3A_951 = arith.cmpi slt, %parallel_loop3A_944, %parallel_loop3A_950 : i32
      %parallel_loop3A_952 = arith.extui %parallel_loop3A_951 : i1 to i32
      %parallel_loop3A_953 = arith.subi %parallel_loop3A_949, %parallel_loop3A_952 : i32
      %parallel_loop3A_954 = arith.constant 0 : i32
      %parallel_loop3A_955 = arith.cmpi sgt, %parallel_loop3A_945, %parallel_loop3A_954 : i32
      %parallel_loop3A_956 = arith.extui %parallel_loop3A_955 : i1 to i32
      %parallel_loop3A_957 = arith.constant 0 : i32
      %parallel_loop3A_958 = arith.cmpi slt, %parallel_loop3A_945, %parallel_loop3A_957 : i32
      %parallel_loop3A_959 = arith.extui %parallel_loop3A_958 : i1 to i32
      %parallel_loop3A_960 = arith.subi %parallel_loop3A_956, %parallel_loop3A_959 : i32
      %parallel_loop3A_961 = arith.cmpi ne, %parallel_loop3A_953, %parallel_loop3A_960 : i32
      %parallel_loop3A_962 = arith.remsi %parallel_loop3A_944, %parallel_loop3A_945 : i32
      %parallel_loop3A_963 = arith.constant 0 : i32
      %parallel_loop3A_964 = arith.cmpi ne, %parallel_loop3A_962, %parallel_loop3A_963 : i32
      %parallel_loop3A_965 = arith.andi %parallel_loop3A_961, %parallel_loop3A_964 : i1
      %parallel_loop3A_966 = arith.constant 1 : i32
      %parallel_loop3A_967 = arith.subi %parallel_loop3A_946, %parallel_loop3A_966 : i32
      %parallel_loop3A_968 = arith.select %parallel_loop3A_965, %parallel_loop3A_967, %parallel_loop3A_946 : i32
      %parallel_loop3A_969 = arith.constant 1024 : i32
      %parallel_loop3A_970 = arith.constant 0 : i32
      %parallel_loop3A_971 = arith.cmpi eq, %parallel_loop3A_969, %parallel_loop3A_970 : i32
      %parallel_loop3A_972 = arith.constant 1 : i32
      %parallel_loop3A_973 = arith.select %parallel_loop3A_971, %parallel_loop3A_972, %parallel_loop3A_969 : i32
      %parallel_loop3A_974 = arith.remsi %parallel_loop3A_944, %parallel_loop3A_973 : i32
      %parallel_loop3A_975 = arith.constant 0 : i32
      %parallel_loop3A_976 = arith.cmpi ne, %parallel_loop3A_974, %parallel_loop3A_975 : i32
      %parallel_loop3A_977 = arith.constant 0 : i32
      %parallel_loop3A_978 = arith.cmpi slt, %parallel_loop3A_974, %parallel_loop3A_977 : i32
      %parallel_loop3A_979 = arith.constant 0 : i32
      %parallel_loop3A_980 = arith.cmpi slt, %parallel_loop3A_973, %parallel_loop3A_979 : i32
      %parallel_loop3A_981 = arith.xori %parallel_loop3A_978, %parallel_loop3A_980 : i1
      %parallel_loop3A_982 = arith.andi %parallel_loop3A_981, %parallel_loop3A_976 : i1
      %parallel_loop3A_983 = arith.addi %parallel_loop3A_974, %parallel_loop3A_973 : i32
      %parallel_loop3A_984 = arith.select %parallel_loop3A_982, %parallel_loop3A_983, %parallel_loop3A_974 : i32
      %parallel_loop3A_985 = arith.index_cast %parallel_loop3A_968 : i32 to index
      %parallel_loop3A_986 = arith.index_cast %parallel_loop3A_984 : i32 to index
      %parallel_loop3A_987 = tpu.vector_load %arg6[%parallel_loop3A_985, %parallel_loop3A_986] {strides = array<i32>} : memref<16x1024xf32, #tpu.memory_space<vmem>>, vector<1x16xf32>,
      %parallel_loop3A_988 = vector.shape_cast %parallel_loop3A_987 : vector<1x16xf32> to vector<16xf32>
      %parallel_loop3A_989 = arith.index_cast %parallel_loop3A_968 : i32 to index
      %parallel_loop3A_990 = arith.index_cast %parallel_loop3A_984 : i32 to index
      %parallel_loop3A_991 = tpu.vector_load %arg10[%parallel_loop3A_989, %parallel_loop3A_990] {strides = array<i32>} : memref<16x1024xf32, #tpu.memory_space<vmem>>, vector<1x16xf32>,
      %parallel_loop3A_992 = vector.shape_cast %parallel_loop3A_991 : vector<1x16xf32> to vector<16xf32>
      %parallel_loop3A_993 = vector.shape_cast %parallel_loop3A_988 : vector<16xf32> to vector<1x16xf32>
      tpu.vector_store %arg10[%parallel_loop3A_989, %parallel_loop3A_990], %parallel_loop3A_993 {add = true, strides = array<i32>} : memref<16x1024xf32, #tpu.memory_space<vmem>>, vector<1x16xf32>,
    } {sc.loop_unroll_factor = 4 : i64, sc.parallel_access}
    %add3A_722 = arith.constant 12288 : i32
    %add3A_723 = arith.addi %add3A_722, %mul3A_2 : i32
    %add3A_724 = arith.constant 80 : i32
    %add3A_725 = arith.addi %add3A_723, %add3A_724 : i32
    %dma_start3A_726 = arith.constant 0 : i32
    %dma_start3A_727 = tpu.memref_slice %arg4[%add3A_725, %dma_start3A_726] : memref<16384x1024xf32, #tpu.memory_space<hbm>> -> memref<16x1024xf32, #tpu.memory_space<hbm>>
    %dma_start3A_728 = arith.constant 0 : i32
    %dma_start3A_729 = tpu.memref_slice %arg4[%add3A_725, %dma_start3A_728] : memref<16384x1024xf32, #tpu.memory_space<hbm>> -> memref<16x1024xf32, #tpu.memory_space<hbm>>
    tpu.enqueue_dma source(%arg10 : memref<16x1024xf32, #tpu.memory_space<vmem>>) target(%dma_start3A_729 : memref<16x1024xf32, #tpu.memory_space<hbm>>) target_semaphore(%arg22 : memref<!tpu.dma_semaphore, #tpu.memory_space<semaphore_mem>>)
    %dma_wait3A_730 = arith.constant 0 : i32
    %dma_wait3A_731 = tpu.memref_slice %arg3[%add3A_617, %dma_wait3A_730] : memref<8192x1024xf32, #tpu.memory_space<hbm>> -> memref<16x1024xf32, #tpu.memory_space<hbm>>
    %dma_wait3A_732 = arith.constant 0 : i32
    %dma_wait3A_733 = tpu.memref_slice %arg3[%add3A_617, %dma_wait3A_732] : memref<8192x1024xf32, #tpu.memory_space<hbm>> -> memref<16x1024xf32, #tpu.memory_space<hbm>>
    tpu.wait_dma2 semaphore(%arg12 : memref<!tpu.dma_semaphore, #tpu.memory_space<semaphore_mem>>) src(%dma_wait3A_733 : memref<16x1024xf32, #tpu.memory_space<hbm>>) dst(%arg5 : memref<16x1024xf32, #tpu.memory_space<vmem>>)
    %add3A_734 = arith.constant 112 : i32
    %add3A_735 = arith.addi %mul3A_2, %add3A_734 : i32
    %dma_start3A_736 = arith.constant 0 : i32
    %dma_start3A_737 = tpu.memref_slice %arg3[%add3A_735, %dma_start3A_736] : memref<8192x1024xf32, #tpu.memory_space<hbm>> -> memref<16x1024xf32, #tpu.memory_space<hbm>>
    %dma_start3A_738 = arith.constant 0 : i32
    %dma_start3A_739 = tpu.memref_slice %arg3[%add3A_735, %dma_start3A_738] : memref<8192x1024xf32, #tpu.memory_space<hbm>> -> memref<16x1024xf32, #tpu.memory_space<hbm>>
    tpu.enqueue_dma source(%dma_start3A_739 : memref<16x1024xf32, #tpu.memory_space<hbm>>) target(%arg6 : memref<16x1024xf32, #tpu.memory_space<vmem>>) target_semaphore(%arg13 : memref<!tpu.dma_semaphore, #tpu.memory_space<semaphore_mem>>)
    %dma_wait3A_740 = arith.constant 0 : i32
    %dma_wait3A_741 = tpu.memref_slice %arg4[%add3A_698, %dma_wait3A_740] : memref<16384x1024xf32, #tpu.memory_space<hbm>> -> memref<16x1024xf32, #tpu.memory_space<hbm>>
    %dma_wait3A_742 = arith.constant 0 : i32
    %dma_wait3A_743 = tpu.memref_slice %arg4[%add3A_698, %dma_wait3A_742] : memref<16384x1024xf32, #tpu.memory_space<hbm>> -> memref<16x1024xf32, #tpu.memory_space<hbm>>
    tpu.wait_dma2 semaphore(%arg21 : memref<!tpu.dma_semaphore, #tpu.memory_space<semaphore_mem>>) src(%arg9 : memref<16x1024xf32, #tpu.memory_space<vmem>>) dst(%dma_wait3A_743 : memref<16x1024xf32, #tpu.memory_space<hbm>>)
    %add3A_744 = arith.constant 12288 : i32
    %add3A_745 = arith.addi %add3A_744, %mul3A_2 : i32
    %add3A_746 = arith.constant 96 : i32
    %add3A_747 = arith.addi %add3A_745, %add3A_746 : i32
    %dma_start3A_748 = arith.constant 0 : i32
    %dma_start3A_749 = tpu.memref_slice %arg2[%add3A_747, %dma_start3A_748] : memref<16384x1024xf32, #tpu.memory_space<hbm>> -> memref<16x1024xf32, #tpu.memory_space<hbm>>
    %dma_start3A_750 = arith.constant 0 : i32
    %dma_start3A_751 = tpu.memref_slice %arg2[%add3A_747, %dma_start3A_750] : memref<16384x1024xf32, #tpu.memory_space<hbm>> -> memref<16x1024xf32, #tpu.memory_space<hbm>>
    tpu.enqueue_dma source(%dma_start3A_751 : memref<16x1024xf32, #tpu.memory_space<hbm>>) target(%arg9 : memref<16x1024xf32, #tpu.memory_space<vmem>>) target_semaphore(%arg16 : memref<!tpu.dma_semaphore, #tpu.memory_space<semaphore_mem>>)
    %dma_wait3A_752 = arith.constant 0 : i32
    %dma_wait3A_753 = tpu.memref_slice %arg2[%add3A_656, %dma_wait3A_752] : memref<16384x1024xf32, #tpu.memory_space<hbm>> -> memref<16x1024xf32, #tpu.memory_space<hbm>>
    %dma_wait3A_754 = arith.constant 0 : i32
    %dma_wait3A_755 = tpu.memref_slice %arg2[%add3A_656, %dma_wait3A_754] : memref<16384x1024xf32, #tpu.memory_space<hbm>> -> memref<16x1024xf32, #tpu.memory_space<hbm>>
    tpu.wait_dma2 semaphore(%arg18 : memref<!tpu.dma_semaphore, #tpu.memory_space<semaphore_mem>>) src(%dma_wait3A_755 : memref<16x1024xf32, #tpu.memory_space<hbm>>) dst(%arg11 : memref<16x1024xf32, #tpu.memory_space<vmem>>)
    %parallel_loop3A_756 = arith.constant 0 : i32
    %parallel_loop3A_757 = arith.constant 16384 : i32
    %parallel_loop3A_758 = arith.constant 16 : i32
    scf.for %parallel_loop3A_944 = %parallel_loop3A_756 to %parallel_loop3A_757 step %parallel_loop3A_758  : i32 {
      %parallel_loop3A_945 = arith.constant 1024 : i32
      %parallel_loop3A_946 = arith.divsi %parallel_loop3A_944, %parallel_loop3A_945 : i32
      %parallel_loop3A_947 = arith.constant 0 : i32
      %parallel_loop3A_948 = arith.cmpi sgt, %parallel_loop3A_944, %parallel_loop3A_947 : i32
      %parallel_loop3A_949 = arith.extui %parallel_loop3A_948 : i1 to i32
      %parallel_loop3A_950 = arith.constant 0 : i32
      %parallel_loop3A_951 = arith.cmpi slt, %parallel_loop3A_944, %parallel_loop3A_950 : i32
      %parallel_loop3A_952 = arith.extui %parallel_loop3A_951 : i1 to i32
      %parallel_loop3A_953 = arith.subi %parallel_loop3A_949, %parallel_loop3A_952 : i32
      %parallel_loop3A_954 = arith.constant 0 : i32
      %parallel_loop3A_955 = arith.cmpi sgt, %parallel_loop3A_945, %parallel_loop3A_954 : i32
      %parallel_loop3A_956 = arith.extui %parallel_loop3A_955 : i1 to i32
      %parallel_loop3A_957 = arith.constant 0 : i32
      %parallel_loop3A_958 = arith.cmpi slt, %parallel_loop3A_945, %parallel_loop3A_957 : i32
      %parallel_loop3A_959 = arith.extui %parallel_loop3A_958 : i1 to i32
      %parallel_loop3A_960 = arith.subi %parallel_loop3A_956, %parallel_loop3A_959 : i32
      %parallel_loop3A_961 = arith.cmpi ne, %parallel_loop3A_953, %parallel_loop3A_960 : i32
      %parallel_loop3A_962 = arith.remsi %parallel_loop3A_944, %parallel_loop3A_945 : i32
      %parallel_loop3A_963 = arith.constant 0 : i32
      %parallel_loop3A_964 = arith.cmpi ne, %parallel_loop3A_962, %parallel_loop3A_963 : i32
      %parallel_loop3A_965 = arith.andi %parallel_loop3A_961, %parallel_loop3A_964 : i1
      %parallel_loop3A_966 = arith.constant 1 : i32
      %parallel_loop3A_967 = arith.subi %parallel_loop3A_946, %parallel_loop3A_966 : i32
      %parallel_loop3A_968 = arith.select %parallel_loop3A_965, %parallel_loop3A_967, %parallel_loop3A_946 : i32
      %parallel_loop3A_969 = arith.constant 1024 : i32
      %parallel_loop3A_970 = arith.constant 0 : i32
      %parallel_loop3A_971 = arith.cmpi eq, %parallel_loop3A_969, %parallel_loop3A_970 : i32
      %parallel_loop3A_972 = arith.constant 1 : i32
      %parallel_loop3A_973 = arith.select %parallel_loop3A_971, %parallel_loop3A_972, %parallel_loop3A_969 : i32
      %parallel_loop3A_974 = arith.remsi %parallel_loop3A_944, %parallel_loop3A_973 : i32
      %parallel_loop3A_975 = arith.constant 0 : i32
      %parallel_loop3A_976 = arith.cmpi ne, %parallel_loop3A_974, %parallel_loop3A_975 : i32
      %parallel_loop3A_977 = arith.constant 0 : i32
      %parallel_loop3A_978 = arith.cmpi slt, %parallel_loop3A_974, %parallel_loop3A_977 : i32
      %parallel_loop3A_979 = arith.constant 0 : i32
      %parallel_loop3A_980 = arith.cmpi slt, %parallel_loop3A_973, %parallel_loop3A_979 : i32
      %parallel_loop3A_981 = arith.xori %parallel_loop3A_978, %parallel_loop3A_980 : i1
      %parallel_loop3A_982 = arith.andi %parallel_loop3A_981, %parallel_loop3A_976 : i1
      %parallel_loop3A_983 = arith.addi %parallel_loop3A_974, %parallel_loop3A_973 : i32
      %parallel_loop3A_984 = arith.select %parallel_loop3A_982, %parallel_loop3A_983, %parallel_loop3A_974 : i32
      %parallel_loop3A_985 = arith.index_cast %parallel_loop3A_968 : i32 to index
      %parallel_loop3A_986 = arith.index_cast %parallel_loop3A_984 : i32 to index
      %parallel_loop3A_987 = tpu.vector_load %arg5[%parallel_loop3A_985, %parallel_loop3A_986] {strides = array<i32>} : memref<16x1024xf32, #tpu.memory_space<vmem>>, vector<1x16xf32>,
      %parallel_loop3A_988 = vector.shape_cast %parallel_loop3A_987 : vector<1x16xf32> to vector<16xf32>
      %parallel_loop3A_989 = arith.index_cast %parallel_loop3A_968 : i32 to index
      %parallel_loop3A_990 = arith.index_cast %parallel_loop3A_984 : i32 to index
      %parallel_loop3A_991 = tpu.vector_load %arg11[%parallel_loop3A_989, %parallel_loop3A_990] {strides = array<i32>} : memref<16x1024xf32, #tpu.memory_space<vmem>>, vector<1x16xf32>,
      %parallel_loop3A_992 = vector.shape_cast %parallel_loop3A_991 : vector<1x16xf32> to vector<16xf32>
      %parallel_loop3A_993 = vector.shape_cast %parallel_loop3A_988 : vector<16xf32> to vector<1x16xf32>
      tpu.vector_store %arg11[%parallel_loop3A_989, %parallel_loop3A_990], %parallel_loop3A_993 {add = true, strides = array<i32>} : memref<16x1024xf32, #tpu.memory_space<vmem>>, vector<1x16xf32>,
    } {sc.loop_unroll_factor = 4 : i64, sc.parallel_access}
    %add3A_759 = arith.constant 0 : i32
    %add3A_760 = arith.addi %add3A_759, %mul3A_2 : i32
    %add3A_761 = arith.constant 96 : i32
    %add3A_762 = arith.addi %add3A_760, %add3A_761 : i32
    %dma_start3A_763 = arith.constant 0 : i32
    %dma_start3A_764 = tpu.memref_slice %arg4[%add3A_762, %dma_start3A_763] : memref<16384x1024xf32, #tpu.memory_space<hbm>> -> memref<16x1024xf32, #tpu.memory_space<hbm>>
    %dma_start3A_765 = arith.constant 0 : i32
    %dma_start3A_766 = tpu.memref_slice %arg4[%add3A_762, %dma_start3A_765] : memref<16384x1024xf32, #tpu.memory_space<hbm>> -> memref<16x1024xf32, #tpu.memory_space<hbm>>
    tpu.enqueue_dma source(%arg11 : memref<16x1024xf32, #tpu.memory_space<vmem>>) target(%dma_start3A_766 : memref<16x1024xf32, #tpu.memory_space<hbm>>) target_semaphore(%arg23 : memref<!tpu.dma_semaphore, #tpu.memory_space<semaphore_mem>>)
    %dma_wait3A_767 = arith.constant 0 : i32
    %dma_wait3A_768 = tpu.memref_slice %arg4[%add3A_725, %dma_wait3A_767] : memref<16384x1024xf32, #tpu.memory_space<hbm>> -> memref<16x1024xf32, #tpu.memory_space<hbm>>
    %dma_wait3A_769 = arith.constant 0 : i32
    %dma_wait3A_770 = tpu.memref_slice %arg4[%add3A_725, %dma_wait3A_769] : memref<16384x1024xf32, #tpu.memory_space<hbm>> -> memref<16x1024xf32, #tpu.memory_space<hbm>>
    tpu.wait_dma2 semaphore(%arg22 : memref<!tpu.dma_semaphore, #tpu.memory_space<semaphore_mem>>) src(%arg10 : memref<16x1024xf32, #tpu.memory_space<vmem>>) dst(%dma_wait3A_770 : memref<16x1024xf32, #tpu.memory_space<hbm>>)
    %add3A_771 = arith.constant 0 : i32
    %add3A_772 = arith.addi %add3A_771, %mul3A_2 : i32
    %add3A_773 = arith.constant 112 : i32
    %add3A_774 = arith.addi %add3A_772, %add3A_773 : i32
    %dma_start3A_775 = arith.constant 0 : i32
    %dma_start3A_776 = tpu.memref_slice %arg2[%add3A_774, %dma_start3A_775] : memref<16384x1024xf32, #tpu.memory_space<hbm>> -> memref<16x1024xf32, #tpu.memory_space<hbm>>
    %dma_start3A_777 = arith.constant 0 : i32
    %dma_start3A_778 = tpu.memref_slice %arg2[%add3A_774, %dma_start3A_777] : memref<16384x1024xf32, #tpu.memory_space<hbm>> -> memref<16x1024xf32, #tpu.memory_space<hbm>>
    tpu.enqueue_dma source(%dma_start3A_778 : memref<16x1024xf32, #tpu.memory_space<hbm>>) target(%arg10 : memref<16x1024xf32, #tpu.memory_space<vmem>>) target_semaphore(%arg17 : memref<!tpu.dma_semaphore, #tpu.memory_space<semaphore_mem>>)
    %dma_wait3A_779 = arith.constant 0 : i32
    %dma_wait3A_780 = tpu.memref_slice %arg2[%add3A_683, %dma_wait3A_779] : memref<16384x1024xf32, #tpu.memory_space<hbm>> -> memref<16x1024xf32, #tpu.memory_space<hbm>>
    %dma_wait3A_781 = arith.constant 0 : i32
    %dma_wait3A_782 = tpu.memref_slice %arg2[%add3A_683, %dma_wait3A_781] : memref<16384x1024xf32, #tpu.memory_space<hbm>> -> memref<16x1024xf32, #tpu.memory_space<hbm>>
    tpu.wait_dma2 semaphore(%arg14 : memref<!tpu.dma_semaphore, #tpu.memory_space<semaphore_mem>>) src(%dma_wait3A_782 : memref<16x1024xf32, #tpu.memory_space<hbm>>) dst(%arg7 : memref<16x1024xf32, #tpu.memory_space<vmem>>)
    %parallel_loop3A_783 = arith.constant 0 : i32
    %parallel_loop3A_784 = arith.constant 16384 : i32
    %parallel_loop3A_785 = arith.constant 16 : i32
    scf.for %parallel_loop3A_944 = %parallel_loop3A_783 to %parallel_loop3A_784 step %parallel_loop3A_785  : i32 {
      %parallel_loop3A_945 = arith.constant 1024 : i32
      %parallel_loop3A_946 = arith.divsi %parallel_loop3A_944, %parallel_loop3A_945 : i32
      %parallel_loop3A_947 = arith.constant 0 : i32
      %parallel_loop3A_948 = arith.cmpi sgt, %parallel_loop3A_944, %parallel_loop3A_947 : i32
      %parallel_loop3A_949 = arith.extui %parallel_loop3A_948 : i1 to i32
      %parallel_loop3A_950 = arith.constant 0 : i32
      %parallel_loop3A_951 = arith.cmpi slt, %parallel_loop3A_944, %parallel_loop3A_950 : i32
      %parallel_loop3A_952 = arith.extui %parallel_loop3A_951 : i1 to i32
      %parallel_loop3A_953 = arith.subi %parallel_loop3A_949, %parallel_loop3A_952 : i32
      %parallel_loop3A_954 = arith.constant 0 : i32
      %parallel_loop3A_955 = arith.cmpi sgt, %parallel_loop3A_945, %parallel_loop3A_954 : i32
      %parallel_loop3A_956 = arith.extui %parallel_loop3A_955 : i1 to i32
      %parallel_loop3A_957 = arith.constant 0 : i32
      %parallel_loop3A_958 = arith.cmpi slt, %parallel_loop3A_945, %parallel_loop3A_957 : i32
      %parallel_loop3A_959 = arith.extui %parallel_loop3A_958 : i1 to i32
      %parallel_loop3A_960 = arith.subi %parallel_loop3A_956, %parallel_loop3A_959 : i32
      %parallel_loop3A_961 = arith.cmpi ne, %parallel_loop3A_953, %parallel_loop3A_960 : i32
      %parallel_loop3A_962 = arith.remsi %parallel_loop3A_944, %parallel_loop3A_945 : i32
      %parallel_loop3A_963 = arith.constant 0 : i32
      %parallel_loop3A_964 = arith.cmpi ne, %parallel_loop3A_962, %parallel_loop3A_963 : i32
      %parallel_loop3A_965 = arith.andi %parallel_loop3A_961, %parallel_loop3A_964 : i1
      %parallel_loop3A_966 = arith.constant 1 : i32
      %parallel_loop3A_967 = arith.subi %parallel_loop3A_946, %parallel_loop3A_966 : i32
      %parallel_loop3A_968 = arith.select %parallel_loop3A_965, %parallel_loop3A_967, %parallel_loop3A_946 : i32
      %parallel_loop3A_969 = arith.constant 1024 : i32
      %parallel_loop3A_970 = arith.constant 0 : i32
      %parallel_loop3A_971 = arith.cmpi eq, %parallel_loop3A_969, %parallel_loop3A_970 : i32
      %parallel_loop3A_972 = arith.constant 1 : i32
      %parallel_loop3A_973 = arith.select %parallel_loop3A_971, %parallel_loop3A_972, %parallel_loop3A_969 : i32
      %parallel_loop3A_974 = arith.remsi %parallel_loop3A_944, %parallel_loop3A_973 : i32
      %parallel_loop3A_975 = arith.constant 0 : i32
      %parallel_loop3A_976 = arith.cmpi ne, %parallel_loop3A_974, %parallel_loop3A_975 : i32
      %parallel_loop3A_977 = arith.constant 0 : i32
      %parallel_loop3A_978 = arith.cmpi slt, %parallel_loop3A_974, %parallel_loop3A_977 : i32
      %parallel_loop3A_979 = arith.constant 0 : i32
      %parallel_loop3A_980 = arith.cmpi slt, %parallel_loop3A_973, %parallel_loop3A_979 : i32
      %parallel_loop3A_981 = arith.xori %parallel_loop3A_978, %parallel_loop3A_980 : i1
      %parallel_loop3A_982 = arith.andi %parallel_loop3A_981, %parallel_loop3A_976 : i1
      %parallel_loop3A_983 = arith.addi %parallel_loop3A_974, %parallel_loop3A_973 : i32
      %parallel_loop3A_984 = arith.select %parallel_loop3A_982, %parallel_loop3A_983, %parallel_loop3A_974 : i32
      %parallel_loop3A_985 = arith.index_cast %parallel_loop3A_968 : i32 to index
      %parallel_loop3A_986 = arith.index_cast %parallel_loop3A_984 : i32 to index
      %parallel_loop3A_987 = tpu.vector_load %arg5[%parallel_loop3A_985, %parallel_loop3A_986] {strides = array<i32>} : memref<16x1024xf32, #tpu.memory_space<vmem>>, vector<1x16xf32>,
      %parallel_loop3A_988 = vector.shape_cast %parallel_loop3A_987 : vector<1x16xf32> to vector<16xf32>
      %parallel_loop3A_989 = arith.index_cast %parallel_loop3A_968 : i32 to index
      %parallel_loop3A_990 = arith.index_cast %parallel_loop3A_984 : i32 to index
      %parallel_loop3A_991 = tpu.vector_load %arg7[%parallel_loop3A_989, %parallel_loop3A_990] {strides = array<i32>} : memref<16x1024xf32, #tpu.memory_space<vmem>>, vector<1x16xf32>,
      %parallel_loop3A_992 = vector.shape_cast %parallel_loop3A_991 : vector<1x16xf32> to vector<16xf32>
      %parallel_loop3A_993 = vector.shape_cast %parallel_loop3A_988 : vector<16xf32> to vector<1x16xf32>
      tpu.vector_store %arg7[%parallel_loop3A_989, %parallel_loop3A_990], %parallel_loop3A_993 {add = true, strides = array<i32>} : memref<16x1024xf32, #tpu.memory_space<vmem>>, vector<1x16xf32>,
    } {sc.loop_unroll_factor = 4 : i64, sc.parallel_access}
    %add3A_786 = arith.constant 4096 : i32
    %add3A_787 = arith.addi %add3A_786, %mul3A_2 : i32
    %add3A_788 = arith.constant 96 : i32
    %add3A_789 = arith.addi %add3A_787, %add3A_788 : i32
    %dma_start3A_790 = arith.constant 0 : i32
    %dma_start3A_791 = tpu.memref_slice %arg4[%add3A_789, %dma_start3A_790] : memref<16384x1024xf32, #tpu.memory_space<hbm>> -> memref<16x1024xf32, #tpu.memory_space<hbm>>
    %dma_start3A_792 = arith.constant 0 : i32
    %dma_start3A_793 = tpu.memref_slice %arg4[%add3A_789, %dma_start3A_792] : memref<16384x1024xf32, #tpu.memory_space<hbm>> -> memref<16x1024xf32, #tpu.memory_space<hbm>>
    tpu.enqueue_dma source(%arg7 : memref<16x1024xf32, #tpu.memory_space<vmem>>) target(%dma_start3A_793 : memref<16x1024xf32, #tpu.memory_space<hbm>>) target_semaphore(%arg19 : memref<!tpu.dma_semaphore, #tpu.memory_space<semaphore_mem>>)
    %dma_wait3A_794 = arith.constant 0 : i32
    %dma_wait3A_795 = tpu.memref_slice %arg4[%add3A_762, %dma_wait3A_794] : memref<16384x1024xf32, #tpu.memory_space<hbm>> -> memref<16x1024xf32, #tpu.memory_space<hbm>>
    %dma_wait3A_796 = arith.constant 0 : i32
    %dma_wait3A_797 = tpu.memref_slice %arg4[%add3A_762, %dma_wait3A_796] : memref<16384x1024xf32, #tpu.memory_space<hbm>> -> memref<16x1024xf32, #tpu.memory_space<hbm>>
    tpu.wait_dma2 semaphore(%arg23 : memref<!tpu.dma_semaphore, #tpu.memory_space<semaphore_mem>>) src(%arg11 : memref<16x1024xf32, #tpu.memory_space<vmem>>) dst(%dma_wait3A_797 : memref<16x1024xf32, #tpu.memory_space<hbm>>)
    %add3A_798 = arith.constant 4096 : i32
    %add3A_799 = arith.addi %add3A_798, %mul3A_2 : i32
    %add3A_800 = arith.constant 112 : i32
    %add3A_801 = arith.addi %add3A_799, %add3A_800 : i32
    %dma_start3A_802 = arith.constant 0 : i32
    %dma_start3A_803 = tpu.memref_slice %arg2[%add3A_801, %dma_start3A_802] : memref<16384x1024xf32, #tpu.memory_space<hbm>> -> memref<16x1024xf32, #tpu.memory_space<hbm>>
    %dma_start3A_804 = arith.constant 0 : i32
    %dma_start3A_805 = tpu.memref_slice %arg2[%add3A_801, %dma_start3A_804] : memref<16384x1024xf32, #tpu.memory_space<hbm>> -> memref<16x1024xf32, #tpu.memory_space<hbm>>
    tpu.enqueue_dma source(%dma_start3A_805 : memref<16x1024xf32, #tpu.memory_space<hbm>>) target(%arg11 : memref<16x1024xf32, #tpu.memory_space<vmem>>) target_semaphore(%arg18 : memref<!tpu.dma_semaphore, #tpu.memory_space<semaphore_mem>>)
    %dma_wait3A_806 = arith.constant 0 : i32
    %dma_wait3A_807 = tpu.memref_slice %arg2[%add3A_710, %dma_wait3A_806] : memref<16384x1024xf32, #tpu.memory_space<hbm>> -> memref<16x1024xf32, #tpu.memory_space<hbm>>
    %dma_wait3A_808 = arith.constant 0 : i32
    %dma_wait3A_809 = tpu.memref_slice %arg2[%add3A_710, %dma_wait3A_808] : memref<16384x1024xf32, #tpu.memory_space<hbm>> -> memref<16x1024xf32, #tpu.memory_space<hbm>>
    tpu.wait_dma2 semaphore(%arg15 : memref<!tpu.dma_semaphore, #tpu.memory_space<semaphore_mem>>) src(%dma_wait3A_809 : memref<16x1024xf32, #tpu.memory_space<hbm>>) dst(%arg8 : memref<16x1024xf32, #tpu.memory_space<vmem>>)
    %parallel_loop3A_810 = arith.constant 0 : i32
    %parallel_loop3A_811 = arith.constant 16384 : i32
    %parallel_loop3A_812 = arith.constant 16 : i32
    scf.for %parallel_loop3A_944 = %parallel_loop3A_810 to %parallel_loop3A_811 step %parallel_loop3A_812  : i32 {
      %parallel_loop3A_945 = arith.constant 1024 : i32
      %parallel_loop3A_946 = arith.divsi %parallel_loop3A_944, %parallel_loop3A_945 : i32
      %parallel_loop3A_947 = arith.constant 0 : i32
      %parallel_loop3A_948 = arith.cmpi sgt, %parallel_loop3A_944, %parallel_loop3A_947 : i32
      %parallel_loop3A_949 = arith.extui %parallel_loop3A_948 : i1 to i32
      %parallel_loop3A_950 = arith.constant 0 : i32
      %parallel_loop3A_951 = arith.cmpi slt, %parallel_loop3A_944, %parallel_loop3A_950 : i32
      %parallel_loop3A_952 = arith.extui %parallel_loop3A_951 : i1 to i32
      %parallel_loop3A_953 = arith.subi %parallel_loop3A_949, %parallel_loop3A_952 : i32
      %parallel_loop3A_954 = arith.constant 0 : i32
      %parallel_loop3A_955 = arith.cmpi sgt, %parallel_loop3A_945, %parallel_loop3A_954 : i32
      %parallel_loop3A_956 = arith.extui %parallel_loop3A_955 : i1 to i32
      %parallel_loop3A_957 = arith.constant 0 : i32
      %parallel_loop3A_958 = arith.cmpi slt, %parallel_loop3A_945, %parallel_loop3A_957 : i32
      %parallel_loop3A_959 = arith.extui %parallel_loop3A_958 : i1 to i32
      %parallel_loop3A_960 = arith.subi %parallel_loop3A_956, %parallel_loop3A_959 : i32
      %parallel_loop3A_961 = arith.cmpi ne, %parallel_loop3A_953, %parallel_loop3A_960 : i32
      %parallel_loop3A_962 = arith.remsi %parallel_loop3A_944, %parallel_loop3A_945 : i32
      %parallel_loop3A_963 = arith.constant 0 : i32
      %parallel_loop3A_964 = arith.cmpi ne, %parallel_loop3A_962, %parallel_loop3A_963 : i32
      %parallel_loop3A_965 = arith.andi %parallel_loop3A_961, %parallel_loop3A_964 : i1
      %parallel_loop3A_966 = arith.constant 1 : i32
      %parallel_loop3A_967 = arith.subi %parallel_loop3A_946, %parallel_loop3A_966 : i32
      %parallel_loop3A_968 = arith.select %parallel_loop3A_965, %parallel_loop3A_967, %parallel_loop3A_946 : i32
      %parallel_loop3A_969 = arith.constant 1024 : i32
      %parallel_loop3A_970 = arith.constant 0 : i32
      %parallel_loop3A_971 = arith.cmpi eq, %parallel_loop3A_969, %parallel_loop3A_970 : i32
      %parallel_loop3A_972 = arith.constant 1 : i32
      %parallel_loop3A_973 = arith.select %parallel_loop3A_971, %parallel_loop3A_972, %parallel_loop3A_969 : i32
      %parallel_loop3A_974 = arith.remsi %parallel_loop3A_944, %parallel_loop3A_973 : i32
      %parallel_loop3A_975 = arith.constant 0 : i32
      %parallel_loop3A_976 = arith.cmpi ne, %parallel_loop3A_974, %parallel_loop3A_975 : i32
      %parallel_loop3A_977 = arith.constant 0 : i32
      %parallel_loop3A_978 = arith.cmpi slt, %parallel_loop3A_974, %parallel_loop3A_977 : i32
      %parallel_loop3A_979 = arith.constant 0 : i32
      %parallel_loop3A_980 = arith.cmpi slt, %parallel_loop3A_973, %parallel_loop3A_979 : i32
      %parallel_loop3A_981 = arith.xori %parallel_loop3A_978, %parallel_loop3A_980 : i1
      %parallel_loop3A_982 = arith.andi %parallel_loop3A_981, %parallel_loop3A_976 : i1
      %parallel_loop3A_983 = arith.addi %parallel_loop3A_974, %parallel_loop3A_973 : i32
      %parallel_loop3A_984 = arith.select %parallel_loop3A_982, %parallel_loop3A_983, %parallel_loop3A_974 : i32
      %parallel_loop3A_985 = arith.index_cast %parallel_loop3A_968 : i32 to index
      %parallel_loop3A_986 = arith.index_cast %parallel_loop3A_984 : i32 to index
      %parallel_loop3A_987 = tpu.vector_load %arg5[%parallel_loop3A_985, %parallel_loop3A_986] {strides = array<i32>} : memref<16x1024xf32, #tpu.memory_space<vmem>>, vector<1x16xf32>,
      %parallel_loop3A_988 = vector.shape_cast %parallel_loop3A_987 : vector<1x16xf32> to vector<16xf32>
      %parallel_loop3A_989 = arith.index_cast %parallel_loop3A_968 : i32 to index
      %parallel_loop3A_990 = arith.index_cast %parallel_loop3A_984 : i32 to index
      %parallel_loop3A_991 = tpu.vector_load %arg8[%parallel_loop3A_989, %parallel_loop3A_990] {strides = array<i32>} : memref<16x1024xf32, #tpu.memory_space<vmem>>, vector<1x16xf32>,
      %parallel_loop3A_992 = vector.shape_cast %parallel_loop3A_991 : vector<1x16xf32> to vector<16xf32>
      %parallel_loop3A_993 = vector.shape_cast %parallel_loop3A_988 : vector<16xf32> to vector<1x16xf32>
      tpu.vector_store %arg8[%parallel_loop3A_989, %parallel_loop3A_990], %parallel_loop3A_993 {add = true, strides = array<i32>} : memref<16x1024xf32, #tpu.memory_space<vmem>>, vector<1x16xf32>,
    } {sc.loop_unroll_factor = 4 : i64, sc.parallel_access}
    %add3A_813 = arith.constant 8192 : i32
    %add3A_814 = arith.addi %add3A_813, %mul3A_2 : i32
    %add3A_815 = arith.constant 96 : i32
    %add3A_816 = arith.addi %add3A_814, %add3A_815 : i32
    %dma_start3A_817 = arith.constant 0 : i32
    %dma_start3A_818 = tpu.memref_slice %arg4[%add3A_816, %dma_start3A_817] : memref<16384x1024xf32, #tpu.memory_space<hbm>> -> memref<16x1024xf32, #tpu.memory_space<hbm>>
    %dma_start3A_819 = arith.constant 0 : i32
    %dma_start3A_820 = tpu.memref_slice %arg4[%add3A_816, %dma_start3A_819] : memref<16384x1024xf32, #tpu.memory_space<hbm>> -> memref<16x1024xf32, #tpu.memory_space<hbm>>
    tpu.enqueue_dma source(%arg8 : memref<16x1024xf32, #tpu.memory_space<vmem>>) target(%dma_start3A_820 : memref<16x1024xf32, #tpu.memory_space<hbm>>) target_semaphore(%arg20 : memref<!tpu.dma_semaphore, #tpu.memory_space<semaphore_mem>>)
    %dma_wait3A_821 = arith.constant 0 : i32
    %dma_wait3A_822 = tpu.memref_slice %arg4[%add3A_789, %dma_wait3A_821] : memref<16384x1024xf32, #tpu.memory_space<hbm>> -> memref<16x1024xf32, #tpu.memory_space<hbm>>
    %dma_wait3A_823 = arith.constant 0 : i32
    %dma_wait3A_824 = tpu.memref_slice %arg4[%add3A_789, %dma_wait3A_823] : memref<16384x1024xf32, #tpu.memory_space<hbm>> -> memref<16x1024xf32, #tpu.memory_space<hbm>>
    tpu.wait_dma2 semaphore(%arg19 : memref<!tpu.dma_semaphore, #tpu.memory_space<semaphore_mem>>) src(%arg7 : memref<16x1024xf32, #tpu.memory_space<vmem>>) dst(%dma_wait3A_824 : memref<16x1024xf32, #tpu.memory_space<hbm>>)
    %add3A_825 = arith.constant 8192 : i32
    %add3A_826 = arith.addi %add3A_825, %mul3A_2 : i32
    %add3A_827 = arith.constant 112 : i32
    %add3A_828 = arith.addi %add3A_826, %add3A_827 : i32
    %dma_start3A_829 = arith.constant 0 : i32
    %dma_start3A_830 = tpu.memref_slice %arg2[%add3A_828, %dma_start3A_829] : memref<16384x1024xf32, #tpu.memory_space<hbm>> -> memref<16x1024xf32, #tpu.memory_space<hbm>>
    %dma_start3A_831 = arith.constant 0 : i32
    %dma_start3A_832 = tpu.memref_slice %arg2[%add3A_828, %dma_start3A_831] : memref<16384x1024xf32, #tpu.memory_space<hbm>> -> memref<16x1024xf32, #tpu.memory_space<hbm>>
    tpu.enqueue_dma source(%dma_start3A_832 : memref<16x1024xf32, #tpu.memory_space<hbm>>) target(%arg7 : memref<16x1024xf32, #tpu.memory_space<vmem>>) target_semaphore(%arg14 : memref<!tpu.dma_semaphore, #tpu.memory_space<semaphore_mem>>)
    %dma_wait3A_833 = arith.constant 0 : i32
    %dma_wait3A_834 = tpu.memref_slice %arg2[%add3A_747, %dma_wait3A_833] : memref<16384x1024xf32, #tpu.memory_space<hbm>> -> memref<16x1024xf32, #tpu.memory_space<hbm>>
    %dma_wait3A_835 = arith.constant 0 : i32
    %dma_wait3A_836 = tpu.memref_slice %arg2[%add3A_747, %dma_wait3A_835] : memref<16384x1024xf32, #tpu.memory_space<hbm>> -> memref<16x1024xf32, #tpu.memory_space<hbm>>
    tpu.wait_dma2 semaphore(%arg16 : memref<!tpu.dma_semaphore, #tpu.memory_space<semaphore_mem>>) src(%dma_wait3A_836 : memref<16x1024xf32, #tpu.memory_space<hbm>>) dst(%arg9 : memref<16x1024xf32, #tpu.memory_space<vmem>>)
    %parallel_loop3A_837 = arith.constant 0 : i32
    %parallel_loop3A_838 = arith.constant 16384 : i32
    %parallel_loop3A_839 = arith.constant 16 : i32
    scf.for %parallel_loop3A_944 = %parallel_loop3A_837 to %parallel_loop3A_838 step %parallel_loop3A_839  : i32 {
      %parallel_loop3A_945 = arith.constant 1024 : i32
      %parallel_loop3A_946 = arith.divsi %parallel_loop3A_944, %parallel_loop3A_945 : i32
      %parallel_loop3A_947 = arith.constant 0 : i32
      %parallel_loop3A_948 = arith.cmpi sgt, %parallel_loop3A_944, %parallel_loop3A_947 : i32
      %parallel_loop3A_949 = arith.extui %parallel_loop3A_948 : i1 to i32
      %parallel_loop3A_950 = arith.constant 0 : i32
      %parallel_loop3A_951 = arith.cmpi slt, %parallel_loop3A_944, %parallel_loop3A_950 : i32
      %parallel_loop3A_952 = arith.extui %parallel_loop3A_951 : i1 to i32
      %parallel_loop3A_953 = arith.subi %parallel_loop3A_949, %parallel_loop3A_952 : i32
      %parallel_loop3A_954 = arith.constant 0 : i32
      %parallel_loop3A_955 = arith.cmpi sgt, %parallel_loop3A_945, %parallel_loop3A_954 : i32
      %parallel_loop3A_956 = arith.extui %parallel_loop3A_955 : i1 to i32
      %parallel_loop3A_957 = arith.constant 0 : i32
      %parallel_loop3A_958 = arith.cmpi slt, %parallel_loop3A_945, %parallel_loop3A_957 : i32
      %parallel_loop3A_959 = arith.extui %parallel_loop3A_958 : i1 to i32
      %parallel_loop3A_960 = arith.subi %parallel_loop3A_956, %parallel_loop3A_959 : i32
      %parallel_loop3A_961 = arith.cmpi ne, %parallel_loop3A_953, %parallel_loop3A_960 : i32
      %parallel_loop3A_962 = arith.remsi %parallel_loop3A_944, %parallel_loop3A_945 : i32
      %parallel_loop3A_963 = arith.constant 0 : i32
      %parallel_loop3A_964 = arith.cmpi ne, %parallel_loop3A_962, %parallel_loop3A_963 : i32
      %parallel_loop3A_965 = arith.andi %parallel_loop3A_961, %parallel_loop3A_964 : i1
      %parallel_loop3A_966 = arith.constant 1 : i32
      %parallel_loop3A_967 = arith.subi %parallel_loop3A_946, %parallel_loop3A_966 : i32
      %parallel_loop3A_968 = arith.select %parallel_loop3A_965, %parallel_loop3A_967, %parallel_loop3A_946 : i32
      %parallel_loop3A_969 = arith.constant 1024 : i32
      %parallel_loop3A_970 = arith.constant 0 : i32
      %parallel_loop3A_971 = arith.cmpi eq, %parallel_loop3A_969, %parallel_loop3A_970 : i32
      %parallel_loop3A_972 = arith.constant 1 : i32
      %parallel_loop3A_973 = arith.select %parallel_loop3A_971, %parallel_loop3A_972, %parallel_loop3A_969 : i32
      %parallel_loop3A_974 = arith.remsi %parallel_loop3A_944, %parallel_loop3A_973 : i32
      %parallel_loop3A_975 = arith.constant 0 : i32
      %parallel_loop3A_976 = arith.cmpi ne, %parallel_loop3A_974, %parallel_loop3A_975 : i32
      %parallel_loop3A_977 = arith.constant 0 : i32
      %parallel_loop3A_978 = arith.cmpi slt, %parallel_loop3A_974, %parallel_loop3A_977 : i32
      %parallel_loop3A_979 = arith.constant 0 : i32
      %parallel_loop3A_980 = arith.cmpi slt, %parallel_loop3A_973, %parallel_loop3A_979 : i32
      %parallel_loop3A_981 = arith.xori %parallel_loop3A_978, %parallel_loop3A_980 : i1
      %parallel_loop3A_982 = arith.andi %parallel_loop3A_981, %parallel_loop3A_976 : i1
      %parallel_loop3A_983 = arith.addi %parallel_loop3A_974, %parallel_loop3A_973 : i32
      %parallel_loop3A_984 = arith.select %parallel_loop3A_982, %parallel_loop3A_983, %parallel_loop3A_974 : i32
      %parallel_loop3A_985 = arith.index_cast %parallel_loop3A_968 : i32 to index
      %parallel_loop3A_986 = arith.index_cast %parallel_loop3A_984 : i32 to index
      %parallel_loop3A_987 = tpu.vector_load %arg5[%parallel_loop3A_985, %parallel_loop3A_986] {strides = array<i32>} : memref<16x1024xf32, #tpu.memory_space<vmem>>, vector<1x16xf32>,
      %parallel_loop3A_988 = vector.shape_cast %parallel_loop3A_987 : vector<1x16xf32> to vector<16xf32>
      %parallel_loop3A_989 = arith.index_cast %parallel_loop3A_968 : i32 to index
      %parallel_loop3A_990 = arith.index_cast %parallel_loop3A_984 : i32 to index
      %parallel_loop3A_991 = tpu.vector_load %arg9[%parallel_loop3A_989, %parallel_loop3A_990] {strides = array<i32>} : memref<16x1024xf32, #tpu.memory_space<vmem>>, vector<1x16xf32>,
      %parallel_loop3A_992 = vector.shape_cast %parallel_loop3A_991 : vector<1x16xf32> to vector<16xf32>
      %parallel_loop3A_993 = vector.shape_cast %parallel_loop3A_988 : vector<16xf32> to vector<1x16xf32>
      tpu.vector_store %arg9[%parallel_loop3A_989, %parallel_loop3A_990], %parallel_loop3A_993 {add = true, strides = array<i32>} : memref<16x1024xf32, #tpu.memory_space<vmem>>, vector<1x16xf32>,
    } {sc.loop_unroll_factor = 4 : i64, sc.parallel_access}
    %add3A_840 = arith.constant 12288 : i32
    %add3A_841 = arith.addi %add3A_840, %mul3A_2 : i32
    %add3A_842 = arith.constant 96 : i32
    %add3A_843 = arith.addi %add3A_841, %add3A_842 : i32
    %dma_start3A_844 = arith.constant 0 : i32
    %dma_start3A_845 = tpu.memref_slice %arg4[%add3A_843, %dma_start3A_844] : memref<16384x1024xf32, #tpu.memory_space<hbm>> -> memref<16x1024xf32, #tpu.memory_space<hbm>>
    %dma_start3A_846 = arith.constant 0 : i32
    %dma_start3A_847 = tpu.memref_slice %arg4[%add3A_843, %dma_start3A_846] : memref<16384x1024xf32, #tpu.memory_space<hbm>> -> memref<16x1024xf32, #tpu.memory_space<hbm>>
    tpu.enqueue_dma source(%arg9 : memref<16x1024xf32, #tpu.memory_space<vmem>>) target(%dma_start3A_847 : memref<16x1024xf32, #tpu.memory_space<hbm>>) target_semaphore(%arg21 : memref<!tpu.dma_semaphore, #tpu.memory_space<semaphore_mem>>)
    %dma_wait3A_848 = arith.constant 0 : i32
    %dma_wait3A_849 = tpu.memref_slice %arg3[%add3A_735, %dma_wait3A_848] : memref<8192x1024xf32, #tpu.memory_space<hbm>> -> memref<16x1024xf32, #tpu.memory_space<hbm>>
    %dma_wait3A_850 = arith.constant 0 : i32
    %dma_wait3A_851 = tpu.memref_slice %arg3[%add3A_735, %dma_wait3A_850] : memref<8192x1024xf32, #tpu.memory_space<hbm>> -> memref<16x1024xf32, #tpu.memory_space<hbm>>
    tpu.wait_dma2 semaphore(%arg13 : memref<!tpu.dma_semaphore, #tpu.memory_space<semaphore_mem>>) src(%dma_wait3A_851 : memref<16x1024xf32, #tpu.memory_space<hbm>>) dst(%arg6 : memref<16x1024xf32, #tpu.memory_space<vmem>>)
    %dma_wait3A_852 = arith.constant 0 : i32
    %dma_wait3A_853 = tpu.memref_slice %arg4[%add3A_816, %dma_wait3A_852] : memref<16384x1024xf32, #tpu.memory_space<hbm>> -> memref<16x1024xf32, #tpu.memory_space<hbm>>
    %dma_wait3A_854 = arith.constant 0 : i32
    %dma_wait3A_855 = tpu.memref_slice %arg4[%add3A_816, %dma_wait3A_854] : memref<16384x1024xf32, #tpu.memory_space<hbm>> -> memref<16x1024xf32, #tpu.memory_space<hbm>>
    tpu.wait_dma2 semaphore(%arg20 : memref<!tpu.dma_semaphore, #tpu.memory_space<semaphore_mem>>) src(%arg8 : memref<16x1024xf32, #tpu.memory_space<vmem>>) dst(%dma_wait3A_855 : memref<16x1024xf32, #tpu.memory_space<hbm>>)
    %add3A_856 = arith.constant 12288 : i32
    %add3A_857 = arith.addi %add3A_856, %mul3A_2 : i32
    %add3A_858 = arith.constant 112 : i32
    %add3A_859 = arith.addi %add3A_857, %add3A_858 : i32
    %dma_start3A_860 = arith.constant 0 : i32
    %dma_start3A_861 = tpu.memref_slice %arg2[%add3A_859, %dma_start3A_860] : memref<16384x1024xf32, #tpu.memory_space<hbm>> -> memref<16x1024xf32, #tpu.memory_space<hbm>>
    %dma_start3A_862 = arith.constant 0 : i32
    %dma_start3A_863 = tpu.memref_slice %arg2[%add3A_859, %dma_start3A_862] : memref<16384x1024xf32, #tpu.memory_space<hbm>> -> memref<16x1024xf32, #tpu.memory_space<hbm>>
    tpu.enqueue_dma source(%dma_start3A_863 : memref<16x1024xf32, #tpu.memory_space<hbm>>) target(%arg8 : memref<16x1024xf32, #tpu.memory_space<vmem>>) target_semaphore(%arg15 : memref<!tpu.dma_semaphore, #tpu.memory_space<semaphore_mem>>)
    %dma_wait3A_864 = arith.constant 0 : i32
    %dma_wait3A_865 = tpu.memref_slice %arg2[%add3A_774, %dma_wait3A_864] : memref<16384x1024xf32, #tpu.memory_space<hbm>> -> memref<16x1024xf32, #tpu.memory_space<hbm>>
    %dma_wait3A_866 = arith.constant 0 : i32
    %dma_wait3A_867 = tpu.memref_slice %arg2[%add3A_774, %dma_wait3A_866] : memref<16384x1024xf32, #tpu.memory_space<hbm>> -> memref<16x1024xf32, #tpu.memory_space<hbm>>
    tpu.wait_dma2 semaphore(%arg17 : memref<!tpu.dma_semaphore, #tpu.memory_space<semaphore_mem>>) src(%dma_wait3A_867 : memref<16x1024xf32, #tpu.memory_space<hbm>>) dst(%arg10 : memref<16x1024xf32, #tpu.memory_space<vmem>>)
    %parallel_loop3A_868 = arith.constant 0 : i32
    %parallel_loop3A_869 = arith.constant 16384 : i32
    %parallel_loop3A_870 = arith.constant 16 : i32
    scf.for %parallel_loop3A_944 = %parallel_loop3A_868 to %parallel_loop3A_869 step %parallel_loop3A_870  : i32 {
      %parallel_loop3A_945 = arith.constant 1024 : i32
      %parallel_loop3A_946 = arith.divsi %parallel_loop3A_944, %parallel_loop3A_945 : i32
      %parallel_loop3A_947 = arith.constant 0 : i32
      %parallel_loop3A_948 = arith.cmpi sgt, %parallel_loop3A_944, %parallel_loop3A_947 : i32
      %parallel_loop3A_949 = arith.extui %parallel_loop3A_948 : i1 to i32
      %parallel_loop3A_950 = arith.constant 0 : i32
      %parallel_loop3A_951 = arith.cmpi slt, %parallel_loop3A_944, %parallel_loop3A_950 : i32
      %parallel_loop3A_952 = arith.extui %parallel_loop3A_951 : i1 to i32
      %parallel_loop3A_953 = arith.subi %parallel_loop3A_949, %parallel_loop3A_952 : i32
      %parallel_loop3A_954 = arith.constant 0 : i32
      %parallel_loop3A_955 = arith.cmpi sgt, %parallel_loop3A_945, %parallel_loop3A_954 : i32
      %parallel_loop3A_956 = arith.extui %parallel_loop3A_955 : i1 to i32
      %parallel_loop3A_957 = arith.constant 0 : i32
      %parallel_loop3A_958 = arith.cmpi slt, %parallel_loop3A_945, %parallel_loop3A_957 : i32
      %parallel_loop3A_959 = arith.extui %parallel_loop3A_958 : i1 to i32
      %parallel_loop3A_960 = arith.subi %parallel_loop3A_956, %parallel_loop3A_959 : i32
      %parallel_loop3A_961 = arith.cmpi ne, %parallel_loop3A_953, %parallel_loop3A_960 : i32
      %parallel_loop3A_962 = arith.remsi %parallel_loop3A_944, %parallel_loop3A_945 : i32
      %parallel_loop3A_963 = arith.constant 0 : i32
      %parallel_loop3A_964 = arith.cmpi ne, %parallel_loop3A_962, %parallel_loop3A_963 : i32
      %parallel_loop3A_965 = arith.andi %parallel_loop3A_961, %parallel_loop3A_964 : i1
      %parallel_loop3A_966 = arith.constant 1 : i32
      %parallel_loop3A_967 = arith.subi %parallel_loop3A_946, %parallel_loop3A_966 : i32
      %parallel_loop3A_968 = arith.select %parallel_loop3A_965, %parallel_loop3A_967, %parallel_loop3A_946 : i32
      %parallel_loop3A_969 = arith.constant 1024 : i32
      %parallel_loop3A_970 = arith.constant 0 : i32
      %parallel_loop3A_971 = arith.cmpi eq, %parallel_loop3A_969, %parallel_loop3A_970 : i32
      %parallel_loop3A_972 = arith.constant 1 : i32
      %parallel_loop3A_973 = arith.select %parallel_loop3A_971, %parallel_loop3A_972, %parallel_loop3A_969 : i32
      %parallel_loop3A_974 = arith.remsi %parallel_loop3A_944, %parallel_loop3A_973 : i32
      %parallel_loop3A_975 = arith.constant 0 : i32
      %parallel_loop3A_976 = arith.cmpi ne, %parallel_loop3A_974, %parallel_loop3A_975 : i32
      %parallel_loop3A_977 = arith.constant 0 : i32
      %parallel_loop3A_978 = arith.cmpi slt, %parallel_loop3A_974, %parallel_loop3A_977 : i32
      %parallel_loop3A_979 = arith.constant 0 : i32
      %parallel_loop3A_980 = arith.cmpi slt, %parallel_loop3A_973, %parallel_loop3A_979 : i32
      %parallel_loop3A_981 = arith.xori %parallel_loop3A_978, %parallel_loop3A_980 : i1
      %parallel_loop3A_982 = arith.andi %parallel_loop3A_981, %parallel_loop3A_976 : i1
      %parallel_loop3A_983 = arith.addi %parallel_loop3A_974, %parallel_loop3A_973 : i32
      %parallel_loop3A_984 = arith.select %parallel_loop3A_982, %parallel_loop3A_983, %parallel_loop3A_974 : i32
      %parallel_loop3A_985 = arith.index_cast %parallel_loop3A_968 : i32 to index
      %parallel_loop3A_986 = arith.index_cast %parallel_loop3A_984 : i32 to index
      %parallel_loop3A_987 = tpu.vector_load %arg6[%parallel_loop3A_985, %parallel_loop3A_986] {strides = array<i32>} : memref<16x1024xf32, #tpu.memory_space<vmem>>, vector<1x16xf32>,
      %parallel_loop3A_988 = vector.shape_cast %parallel_loop3A_987 : vector<1x16xf32> to vector<16xf32>
      %parallel_loop3A_989 = arith.index_cast %parallel_loop3A_968 : i32 to index
      %parallel_loop3A_990 = arith.index_cast %parallel_loop3A_984 : i32 to index
      %parallel_loop3A_991 = tpu.vector_load %arg10[%parallel_loop3A_989, %parallel_loop3A_990] {strides = array<i32>} : memref<16x1024xf32, #tpu.memory_space<vmem>>, vector<1x16xf32>,
      %parallel_loop3A_992 = vector.shape_cast %parallel_loop3A_991 : vector<1x16xf32> to vector<16xf32>
      %parallel_loop3A_993 = vector.shape_cast %parallel_loop3A_988 : vector<16xf32> to vector<1x16xf32>
      tpu.vector_store %arg10[%parallel_loop3A_989, %parallel_loop3A_990], %parallel_loop3A_993 {add = true, strides = array<i32>} : memref<16x1024xf32, #tpu.memory_space<vmem>>, vector<1x16xf32>,
    } {sc.loop_unroll_factor = 4 : i64, sc.parallel_access}
    %add3A_871 = arith.constant 0 : i32
    %add3A_872 = arith.addi %add3A_871, %mul3A_2 : i32
    %add3A_873 = arith.constant 112 : i32
    %add3A_874 = arith.addi %add3A_872, %add3A_873 : i32
    %dma_start3A_875 = arith.constant 0 : i32
    %dma_start3A_876 = tpu.memref_slice %arg4[%add3A_874, %dma_start3A_875] : memref<16384x1024xf32, #tpu.memory_space<hbm>> -> memref<16x1024xf32, #tpu.memory_space<hbm>>
    %dma_start3A_877 = arith.constant 0 : i32
    %dma_start3A_878 = tpu.memref_slice %arg4[%add3A_874, %dma_start3A_877] : memref<16384x1024xf32, #tpu.memory_space<hbm>> -> memref<16x1024xf32, #tpu.memory_space<hbm>>
    tpu.enqueue_dma source(%arg10 : memref<16x1024xf32, #tpu.memory_space<vmem>>) target(%dma_start3A_878 : memref<16x1024xf32, #tpu.memory_space<hbm>>) target_semaphore(%arg22 : memref<!tpu.dma_semaphore, #tpu.memory_space<semaphore_mem>>)
    %dma_wait3A_879 = arith.constant 0 : i32
    %dma_wait3A_880 = tpu.memref_slice %arg2[%add3A_801, %dma_wait3A_879] : memref<16384x1024xf32, #tpu.memory_space<hbm>> -> memref<16x1024xf32, #tpu.memory_space<hbm>>
    %dma_wait3A_881 = arith.constant 0 : i32
    %dma_wait3A_882 = tpu.memref_slice %arg2[%add3A_801, %dma_wait3A_881] : memref<16384x1024xf32, #tpu.memory_space<hbm>> -> memref<16x1024xf32, #tpu.memory_space<hbm>>
    tpu.wait_dma2 semaphore(%arg18 : memref<!tpu.dma_semaphore, #tpu.memory_space<semaphore_mem>>) src(%dma_wait3A_882 : memref<16x1024xf32, #tpu.memory_space<hbm>>) dst(%arg11 : memref<16x1024xf32, #tpu.memory_space<vmem>>)
    %parallel_loop3A_883 = arith.constant 0 : i32
    %parallel_loop3A_884 = arith.constant 16384 : i32
    %parallel_loop3A_885 = arith.constant 16 : i32
    scf.for %parallel_loop3A_944 = %parallel_loop3A_883 to %parallel_loop3A_884 step %parallel_loop3A_885  : i32 {
      %parallel_loop3A_945 = arith.constant 1024 : i32
      %parallel_loop3A_946 = arith.divsi %parallel_loop3A_944, %parallel_loop3A_945 : i32
      %parallel_loop3A_947 = arith.constant 0 : i32
      %parallel_loop3A_948 = arith.cmpi sgt, %parallel_loop3A_944, %parallel_loop3A_947 : i32
      %parallel_loop3A_949 = arith.extui %parallel_loop3A_948 : i1 to i32
      %parallel_loop3A_950 = arith.constant 0 : i32
      %parallel_loop3A_951 = arith.cmpi slt, %parallel_loop3A_944, %parallel_loop3A_950 : i32
      %parallel_loop3A_952 = arith.extui %parallel_loop3A_951 : i1 to i32
      %parallel_loop3A_953 = arith.subi %parallel_loop3A_949, %parallel_loop3A_952 : i32
      %parallel_loop3A_954 = arith.constant 0 : i32
      %parallel_loop3A_955 = arith.cmpi sgt, %parallel_loop3A_945, %parallel_loop3A_954 : i32
      %parallel_loop3A_956 = arith.extui %parallel_loop3A_955 : i1 to i32
      %parallel_loop3A_957 = arith.constant 0 : i32
      %parallel_loop3A_958 = arith.cmpi slt, %parallel_loop3A_945, %parallel_loop3A_957 : i32
      %parallel_loop3A_959 = arith.extui %parallel_loop3A_958 : i1 to i32
      %parallel_loop3A_960 = arith.subi %parallel_loop3A_956, %parallel_loop3A_959 : i32
      %parallel_loop3A_961 = arith.cmpi ne, %parallel_loop3A_953, %parallel_loop3A_960 : i32
      %parallel_loop3A_962 = arith.remsi %parallel_loop3A_944, %parallel_loop3A_945 : i32
      %parallel_loop3A_963 = arith.constant 0 : i32
      %parallel_loop3A_964 = arith.cmpi ne, %parallel_loop3A_962, %parallel_loop3A_963 : i32
      %parallel_loop3A_965 = arith.andi %parallel_loop3A_961, %parallel_loop3A_964 : i1
      %parallel_loop3A_966 = arith.constant 1 : i32
      %parallel_loop3A_967 = arith.subi %parallel_loop3A_946, %parallel_loop3A_966 : i32
      %parallel_loop3A_968 = arith.select %parallel_loop3A_965, %parallel_loop3A_967, %parallel_loop3A_946 : i32
      %parallel_loop3A_969 = arith.constant 1024 : i32
      %parallel_loop3A_970 = arith.constant 0 : i32
      %parallel_loop3A_971 = arith.cmpi eq, %parallel_loop3A_969, %parallel_loop3A_970 : i32
      %parallel_loop3A_972 = arith.constant 1 : i32
      %parallel_loop3A_973 = arith.select %parallel_loop3A_971, %parallel_loop3A_972, %parallel_loop3A_969 : i32
      %parallel_loop3A_974 = arith.remsi %parallel_loop3A_944, %parallel_loop3A_973 : i32
      %parallel_loop3A_975 = arith.constant 0 : i32
      %parallel_loop3A_976 = arith.cmpi ne, %parallel_loop3A_974, %parallel_loop3A_975 : i32
      %parallel_loop3A_977 = arith.constant 0 : i32
      %parallel_loop3A_978 = arith.cmpi slt, %parallel_loop3A_974, %parallel_loop3A_977 : i32
      %parallel_loop3A_979 = arith.constant 0 : i32
      %parallel_loop3A_980 = arith.cmpi slt, %parallel_loop3A_973, %parallel_loop3A_979 : i32
      %parallel_loop3A_981 = arith.xori %parallel_loop3A_978, %parallel_loop3A_980 : i1
      %parallel_loop3A_982 = arith.andi %parallel_loop3A_981, %parallel_loop3A_976 : i1
      %parallel_loop3A_983 = arith.addi %parallel_loop3A_974, %parallel_loop3A_973 : i32
      %parallel_loop3A_984 = arith.select %parallel_loop3A_982, %parallel_loop3A_983, %parallel_loop3A_974 : i32
      %parallel_loop3A_985 = arith.index_cast %parallel_loop3A_968 : i32 to index
      %parallel_loop3A_986 = arith.index_cast %parallel_loop3A_984 : i32 to index
      %parallel_loop3A_987 = tpu.vector_load %arg6[%parallel_loop3A_985, %parallel_loop3A_986] {strides = array<i32>} : memref<16x1024xf32, #tpu.memory_space<vmem>>, vector<1x16xf32>,
      %parallel_loop3A_988 = vector.shape_cast %parallel_loop3A_987 : vector<1x16xf32> to vector<16xf32>
      %parallel_loop3A_989 = arith.index_cast %parallel_loop3A_968 : i32 to index
      %parallel_loop3A_990 = arith.index_cast %parallel_loop3A_984 : i32 to index
      %parallel_loop3A_991 = tpu.vector_load %arg11[%parallel_loop3A_989, %parallel_loop3A_990] {strides = array<i32>} : memref<16x1024xf32, #tpu.memory_space<vmem>>, vector<1x16xf32>,
      %parallel_loop3A_992 = vector.shape_cast %parallel_loop3A_991 : vector<1x16xf32> to vector<16xf32>
      %parallel_loop3A_993 = vector.shape_cast %parallel_loop3A_988 : vector<16xf32> to vector<1x16xf32>
      tpu.vector_store %arg11[%parallel_loop3A_989, %parallel_loop3A_990], %parallel_loop3A_993 {add = true, strides = array<i32>} : memref<16x1024xf32, #tpu.memory_space<vmem>>, vector<1x16xf32>,
    } {sc.loop_unroll_factor = 4 : i64, sc.parallel_access}
    %add3A_886 = arith.constant 4096 : i32
    %add3A_887 = arith.addi %add3A_886, %mul3A_2 : i32
    %add3A_888 = arith.constant 112 : i32
    %add3A_889 = arith.addi %add3A_887, %add3A_888 : i32
    %dma_start3A_890 = arith.constant 0 : i32
    %dma_start3A_891 = tpu.memref_slice %arg4[%add3A_889, %dma_start3A_890] : memref<16384x1024xf32, #tpu.memory_space<hbm>> -> memref<16x1024xf32, #tpu.memory_space<hbm>>
    %dma_start3A_892 = arith.constant 0 : i32
    %dma_start3A_893 = tpu.memref_slice %arg4[%add3A_889, %dma_start3A_892] : memref<16384x1024xf32, #tpu.memory_space<hbm>> -> memref<16x1024xf32, #tpu.memory_space<hbm>>
    tpu.enqueue_dma source(%arg11 : memref<16x1024xf32, #tpu.memory_space<vmem>>) target(%dma_start3A_893 : memref<16x1024xf32, #tpu.memory_space<hbm>>) target_semaphore(%arg23 : memref<!tpu.dma_semaphore, #tpu.memory_space<semaphore_mem>>)
    %dma_wait3A_894 = arith.constant 0 : i32
    %dma_wait3A_895 = tpu.memref_slice %arg2[%add3A_828, %dma_wait3A_894] : memref<16384x1024xf32, #tpu.memory_space<hbm>> -> memref<16x1024xf32, #tpu.memory_space<hbm>>
    %dma_wait3A_896 = arith.constant 0 : i32
    %dma_wait3A_897 = tpu.memref_slice %arg2[%add3A_828, %dma_wait3A_896] : memref<16384x1024xf32, #tpu.memory_space<hbm>> -> memref<16x1024xf32, #tpu.memory_space<hbm>>
    tpu.wait_dma2 semaphore(%arg14 : memref<!tpu.dma_semaphore, #tpu.memory_space<semaphore_mem>>) src(%dma_wait3A_897 : memref<16x1024xf32, #tpu.memory_space<hbm>>) dst(%arg7 : memref<16x1024xf32, #tpu.memory_space<vmem>>)
    %parallel_loop3A_898 = arith.constant 0 : i32
    %parallel_loop3A_899 = arith.constant 16384 : i32
    %parallel_loop3A_900 = arith.constant 16 : i32
    scf.for %parallel_loop3A_944 = %parallel_loop3A_898 to %parallel_loop3A_899 step %parallel_loop3A_900  : i32 {
      %parallel_loop3A_945 = arith.constant 1024 : i32
      %parallel_loop3A_946 = arith.divsi %parallel_loop3A_944, %parallel_loop3A_945 : i32
      %parallel_loop3A_947 = arith.constant 0 : i32
      %parallel_loop3A_948 = arith.cmpi sgt, %parallel_loop3A_944, %parallel_loop3A_947 : i32
      %parallel_loop3A_949 = arith.extui %parallel_loop3A_948 : i1 to i32
      %parallel_loop3A_950 = arith.constant 0 : i32
      %parallel_loop3A_951 = arith.cmpi slt, %parallel_loop3A_944, %parallel_loop3A_950 : i32
      %parallel_loop3A_952 = arith.extui %parallel_loop3A_951 : i1 to i32
      %parallel_loop3A_953 = arith.subi %parallel_loop3A_949, %parallel_loop3A_952 : i32
      %parallel_loop3A_954 = arith.constant 0 : i32
      %parallel_loop3A_955 = arith.cmpi sgt, %parallel_loop3A_945, %parallel_loop3A_954 : i32
      %parallel_loop3A_956 = arith.extui %parallel_loop3A_955 : i1 to i32
      %parallel_loop3A_957 = arith.constant 0 : i32
      %parallel_loop3A_958 = arith.cmpi slt, %parallel_loop3A_945, %parallel_loop3A_957 : i32
      %parallel_loop3A_959 = arith.extui %parallel_loop3A_958 : i1 to i32
      %parallel_loop3A_960 = arith.subi %parallel_loop3A_956, %parallel_loop3A_959 : i32
      %parallel_loop3A_961 = arith.cmpi ne, %parallel_loop3A_953, %parallel_loop3A_960 : i32
      %parallel_loop3A_962 = arith.remsi %parallel_loop3A_944, %parallel_loop3A_945 : i32
      %parallel_loop3A_963 = arith.constant 0 : i32
      %parallel_loop3A_964 = arith.cmpi ne, %parallel_loop3A_962, %parallel_loop3A_963 : i32
      %parallel_loop3A_965 = arith.andi %parallel_loop3A_961, %parallel_loop3A_964 : i1
      %parallel_loop3A_966 = arith.constant 1 : i32
      %parallel_loop3A_967 = arith.subi %parallel_loop3A_946, %parallel_loop3A_966 : i32
      %parallel_loop3A_968 = arith.select %parallel_loop3A_965, %parallel_loop3A_967, %parallel_loop3A_946 : i32
      %parallel_loop3A_969 = arith.constant 1024 : i32
      %parallel_loop3A_970 = arith.constant 0 : i32
      %parallel_loop3A_971 = arith.cmpi eq, %parallel_loop3A_969, %parallel_loop3A_970 : i32
      %parallel_loop3A_972 = arith.constant 1 : i32
      %parallel_loop3A_973 = arith.select %parallel_loop3A_971, %parallel_loop3A_972, %parallel_loop3A_969 : i32
      %parallel_loop3A_974 = arith.remsi %parallel_loop3A_944, %parallel_loop3A_973 : i32
      %parallel_loop3A_975 = arith.constant 0 : i32
      %parallel_loop3A_976 = arith.cmpi ne, %parallel_loop3A_974, %parallel_loop3A_975 : i32
      %parallel_loop3A_977 = arith.constant 0 : i32
      %parallel_loop3A_978 = arith.cmpi slt, %parallel_loop3A_974, %parallel_loop3A_977 : i32
      %parallel_loop3A_979 = arith.constant 0 : i32
      %parallel_loop3A_980 = arith.cmpi slt, %parallel_loop3A_973, %parallel_loop3A_979 : i32
      %parallel_loop3A_981 = arith.xori %parallel_loop3A_978, %parallel_loop3A_980 : i1
      %parallel_loop3A_982 = arith.andi %parallel_loop3A_981, %parallel_loop3A_976 : i1
      %parallel_loop3A_983 = arith.addi %parallel_loop3A_974, %parallel_loop3A_973 : i32
      %parallel_loop3A_984 = arith.select %parallel_loop3A_982, %parallel_loop3A_983, %parallel_loop3A_974 : i32
      %parallel_loop3A_985 = arith.index_cast %parallel_loop3A_968 : i32 to index
      %parallel_loop3A_986 = arith.index_cast %parallel_loop3A_984 : i32 to index
      %parallel_loop3A_987 = tpu.vector_load %arg6[%parallel_loop3A_985, %parallel_loop3A_986] {strides = array<i32>} : memref<16x1024xf32, #tpu.memory_space<vmem>>, vector<1x16xf32>,
      %parallel_loop3A_988 = vector.shape_cast %parallel_loop3A_987 : vector<1x16xf32> to vector<16xf32>
      %parallel_loop3A_989 = arith.index_cast %parallel_loop3A_968 : i32 to index
      %parallel_loop3A_990 = arith.index_cast %parallel_loop3A_984 : i32 to index
      %parallel_loop3A_991 = tpu.vector_load %arg7[%parallel_loop3A_989, %parallel_loop3A_990] {strides = array<i32>} : memref<16x1024xf32, #tpu.memory_space<vmem>>, vector<1x16xf32>,
      %parallel_loop3A_992 = vector.shape_cast %parallel_loop3A_991 : vector<1x16xf32> to vector<16xf32>
      %parallel_loop3A_993 = vector.shape_cast %parallel_loop3A_988 : vector<16xf32> to vector<1x16xf32>
      tpu.vector_store %arg7[%parallel_loop3A_989, %parallel_loop3A_990], %parallel_loop3A_993 {add = true, strides = array<i32>} : memref<16x1024xf32, #tpu.memory_space<vmem>>, vector<1x16xf32>,
    } {sc.loop_unroll_factor = 4 : i64, sc.parallel_access}
    %add3A_901 = arith.constant 8192 : i32
    %add3A_902 = arith.addi %add3A_901, %mul3A_2 : i32
    %add3A_903 = arith.constant 112 : i32
    %add3A_904 = arith.addi %add3A_902, %add3A_903 : i32
    %dma_start3A_905 = arith.constant 0 : i32
    %dma_start3A_906 = tpu.memref_slice %arg4[%add3A_904, %dma_start3A_905] : memref<16384x1024xf32, #tpu.memory_space<hbm>> -> memref<16x1024xf32, #tpu.memory_space<hbm>>
    %dma_start3A_907 = arith.constant 0 : i32
    %dma_start3A_908 = tpu.memref_slice %arg4[%add3A_904, %dma_start3A_907] : memref<16384x1024xf32, #tpu.memory_space<hbm>> -> memref<16x1024xf32, #tpu.memory_space<hbm>>
    tpu.enqueue_dma source(%arg7 : memref<16x1024xf32, #tpu.memory_space<vmem>>) target(%dma_start3A_908 : memref<16x1024xf32, #tpu.memory_space<hbm>>) target_semaphore(%arg19 : memref<!tpu.dma_semaphore, #tpu.memory_space<semaphore_mem>>)
    %dma_wait3A_909 = arith.constant 0 : i32
    %dma_wait3A_910 = tpu.memref_slice %arg2[%add3A_859, %dma_wait3A_909] : memref<16384x1024xf32, #tpu.memory_space<hbm>> -> memref<16x1024xf32, #tpu.memory_space<hbm>>
    %dma_wait3A_911 = arith.constant 0 : i32
    %dma_wait3A_912 = tpu.memref_slice %arg2[%add3A_859, %dma_wait3A_911] : memref<16384x1024xf32, #tpu.memory_space<hbm>> -> memref<16x1024xf32, #tpu.memory_space<hbm>>
    tpu.wait_dma2 semaphore(%arg15 : memref<!tpu.dma_semaphore, #tpu.memory_space<semaphore_mem>>) src(%dma_wait3A_912 : memref<16x1024xf32, #tpu.memory_space<hbm>>) dst(%arg8 : memref<16x1024xf32, #tpu.memory_space<vmem>>)
    %parallel_loop3A_913 = arith.constant 0 : i32
    %parallel_loop3A_914 = arith.constant 16384 : i32
    %parallel_loop3A_915 = arith.constant 16 : i32
    scf.for %parallel_loop3A_944 = %parallel_loop3A_913 to %parallel_loop3A_914 step %parallel_loop3A_915  : i32 {
      %parallel_loop3A_945 = arith.constant 1024 : i32
      %parallel_loop3A_946 = arith.divsi %parallel_loop3A_944, %parallel_loop3A_945 : i32
      %parallel_loop3A_947 = arith.constant 0 : i32
      %parallel_loop3A_948 = arith.cmpi sgt, %parallel_loop3A_944, %parallel_loop3A_947 : i32
      %parallel_loop3A_949 = arith.extui %parallel_loop3A_948 : i1 to i32
      %parallel_loop3A_950 = arith.constant 0 : i32
      %parallel_loop3A_951 = arith.cmpi slt, %parallel_loop3A_944, %parallel_loop3A_950 : i32
      %parallel_loop3A_952 = arith.extui %parallel_loop3A_951 : i1 to i32
      %parallel_loop3A_953 = arith.subi %parallel_loop3A_949, %parallel_loop3A_952 : i32
      %parallel_loop3A_954 = arith.constant 0 : i32
      %parallel_loop3A_955 = arith.cmpi sgt, %parallel_loop3A_945, %parallel_loop3A_954 : i32
      %parallel_loop3A_956 = arith.extui %parallel_loop3A_955 : i1 to i32
      %parallel_loop3A_957 = arith.constant 0 : i32
      %parallel_loop3A_958 = arith.cmpi slt, %parallel_loop3A_945, %parallel_loop3A_957 : i32
      %parallel_loop3A_959 = arith.extui %parallel_loop3A_958 : i1 to i32
      %parallel_loop3A_960 = arith.subi %parallel_loop3A_956, %parallel_loop3A_959 : i32
      %parallel_loop3A_961 = arith.cmpi ne, %parallel_loop3A_953, %parallel_loop3A_960 : i32
      %parallel_loop3A_962 = arith.remsi %parallel_loop3A_944, %parallel_loop3A_945 : i32
      %parallel_loop3A_963 = arith.constant 0 : i32
      %parallel_loop3A_964 = arith.cmpi ne, %parallel_loop3A_962, %parallel_loop3A_963 : i32
      %parallel_loop3A_965 = arith.andi %parallel_loop3A_961, %parallel_loop3A_964 : i1
      %parallel_loop3A_966 = arith.constant 1 : i32
      %parallel_loop3A_967 = arith.subi %parallel_loop3A_946, %parallel_loop3A_966 : i32
      %parallel_loop3A_968 = arith.select %parallel_loop3A_965, %parallel_loop3A_967, %parallel_loop3A_946 : i32
      %parallel_loop3A_969 = arith.constant 1024 : i32
      %parallel_loop3A_970 = arith.constant 0 : i32
      %parallel_loop3A_971 = arith.cmpi eq, %parallel_loop3A_969, %parallel_loop3A_970 : i32
      %parallel_loop3A_972 = arith.constant 1 : i32
      %parallel_loop3A_973 = arith.select %parallel_loop3A_971, %parallel_loop3A_972, %parallel_loop3A_969 : i32
      %parallel_loop3A_974 = arith.remsi %parallel_loop3A_944, %parallel_loop3A_973 : i32
      %parallel_loop3A_975 = arith.constant 0 : i32
      %parallel_loop3A_976 = arith.cmpi ne, %parallel_loop3A_974, %parallel_loop3A_975 : i32
      %parallel_loop3A_977 = arith.constant 0 : i32
      %parallel_loop3A_978 = arith.cmpi slt, %parallel_loop3A_974, %parallel_loop3A_977 : i32
      %parallel_loop3A_979 = arith.constant 0 : i32
      %parallel_loop3A_980 = arith.cmpi slt, %parallel_loop3A_973, %parallel_loop3A_979 : i32
      %parallel_loop3A_981 = arith.xori %parallel_loop3A_978, %parallel_loop3A_980 : i1
      %parallel_loop3A_982 = arith.andi %parallel_loop3A_981, %parallel_loop3A_976 : i1
      %parallel_loop3A_983 = arith.addi %parallel_loop3A_974, %parallel_loop3A_973 : i32
      %parallel_loop3A_984 = arith.select %parallel_loop3A_982, %parallel_loop3A_983, %parallel_loop3A_974 : i32
      %parallel_loop3A_985 = arith.index_cast %parallel_loop3A_968 : i32 to index
      %parallel_loop3A_986 = arith.index_cast %parallel_loop3A_984 : i32 to index
      %parallel_loop3A_987 = tpu.vector_load %arg6[%parallel_loop3A_985, %parallel_loop3A_986] {strides = array<i32>} : memref<16x1024xf32, #tpu.memory_space<vmem>>, vector<1x16xf32>,
      %parallel_loop3A_988 = vector.shape_cast %parallel_loop3A_987 : vector<1x16xf32> to vector<16xf32>
      %parallel_loop3A_989 = arith.index_cast %parallel_loop3A_968 : i32 to index
      %parallel_loop3A_990 = arith.index_cast %parallel_loop3A_984 : i32 to index
      %parallel_loop3A_991 = tpu.vector_load %arg8[%parallel_loop3A_989, %parallel_loop3A_990] {strides = array<i32>} : memref<16x1024xf32, #tpu.memory_space<vmem>>, vector<1x16xf32>,
      %parallel_loop3A_992 = vector.shape_cast %parallel_loop3A_991 : vector<1x16xf32> to vector<16xf32>
      %parallel_loop3A_993 = vector.shape_cast %parallel_loop3A_988 : vector<16xf32> to vector<1x16xf32>
      tpu.vector_store %arg8[%parallel_loop3A_989, %parallel_loop3A_990], %parallel_loop3A_993 {add = true, strides = array<i32>} : memref<16x1024xf32, #tpu.memory_space<vmem>>, vector<1x16xf32>,
    } {sc.loop_unroll_factor = 4 : i64, sc.parallel_access}
    %add3A_916 = arith.constant 12288 : i32
    %add3A_917 = arith.addi %add3A_916, %mul3A_2 : i32
    %add3A_918 = arith.constant 112 : i32
    %add3A_919 = arith.addi %add3A_917, %add3A_918 : i32
    %dma_start3A_920 = arith.constant 0 : i32
    %dma_start3A_921 = tpu.memref_slice %arg4[%add3A_919, %dma_start3A_920] : memref<16384x1024xf32, #tpu.memory_space<hbm>> -> memref<16x1024xf32, #tpu.memory_space<hbm>>
    %dma_start3A_922 = arith.constant 0 : i32
    %dma_start3A_923 = tpu.memref_slice %arg4[%add3A_919, %dma_start3A_922] : memref<16384x1024xf32, #tpu.memory_space<hbm>> -> memref<16x1024xf32, #tpu.memory_space<hbm>>
    tpu.enqueue_dma source(%arg8 : memref<16x1024xf32, #tpu.memory_space<vmem>>) target(%dma_start3A_923 : memref<16x1024xf32, #tpu.memory_space<hbm>>) target_semaphore(%arg20 : memref<!tpu.dma_semaphore, #tpu.memory_space<semaphore_mem>>)
    %dma_wait3A_924 = arith.constant 0 : i32
    %dma_wait3A_925 = tpu.memref_slice %arg4[%add3A_843, %dma_wait3A_924] : memref<16384x1024xf32, #tpu.memory_space<hbm>> -> memref<16x1024xf32, #tpu.memory_space<hbm>>
    %dma_wait3A_926 = arith.constant 0 : i32
    %dma_wait3A_927 = tpu.memref_slice %arg4[%add3A_843, %dma_wait3A_926] : memref<16384x1024xf32, #tpu.memory_space<hbm>> -> memref<16x1024xf32, #tpu.memory_space<hbm>>
    tpu.wait_dma2 semaphore(%arg21 : memref<!tpu.dma_semaphore, #tpu.memory_space<semaphore_mem>>) src(%arg9 : memref<16x1024xf32, #tpu.memory_space<vmem>>) dst(%dma_wait3A_927 : memref<16x1024xf32, #tpu.memory_space<hbm>>)
    %dma_wait3A_928 = arith.constant 0 : i32
    %dma_wait3A_929 = tpu.memref_slice %arg4[%add3A_874, %dma_wait3A_928] : memref<16384x1024xf32, #tpu.memory_space<hbm>> -> memref<16x1024xf32, #tpu.memory_space<hbm>>
    %dma_wait3A_930 = arith.constant 0 : i32
    %dma_wait3A_931 = tpu.memref_slice %arg4[%add3A_874, %dma_wait3A_930] : memref<16384x1024xf32, #tpu.memory_space<hbm>> -> memref<16x1024xf32, #tpu.memory_space<hbm>>
    tpu.wait_dma2 semaphore(%arg22 : memref<!tpu.dma_semaphore, #tpu.memory_space<semaphore_mem>>) src(%arg10 : memref<16x1024xf32, #tpu.memory_space<vmem>>) dst(%dma_wait3A_931 : memref<16x1024xf32, #tpu.memory_space<hbm>>)
    %dma_wait3A_932 = arith.constant 0 : i32
    %dma_wait3A_933 = tpu.memref_slice %arg4[%add3A_889, %dma_wait3A_932] : memref<16384x1024xf32, #tpu.memory_space<hbm>> -> memref<16x1024xf32, #tpu.memory_space<hbm>>
    %dma_wait3A_934 = arith.constant 0 : i32
    %dma_wait3A_935 = tpu.memref_slice %arg4[%add3A_889, %dma_wait3A_934] : memref<16384x1024xf32, #tpu.memory_space<hbm>> -> memref<16x1024xf32, #tpu.memory_space<hbm>>
    tpu.wait_dma2 semaphore(%arg23 : memref<!tpu.dma_semaphore, #tpu.memory_space<semaphore_mem>>) src(%arg11 : memref<16x1024xf32, #tpu.memory_space<vmem>>) dst(%dma_wait3A_935 : memref<16x1024xf32, #tpu.memory_space<hbm>>)
    %dma_wait3A_936 = arith.constant 0 : i32
    %dma_wait3A_937 = tpu.memref_slice %arg4[%add3A_904, %dma_wait3A_936] : memref<16384x1024xf32, #tpu.memory_space<hbm>> -> memref<16x1024xf32, #tpu.memory_space<hbm>>
    %dma_wait3A_938 = arith.constant 0 : i32
    %dma_wait3A_939 = tpu.memref_slice %arg4[%add3A_904, %dma_wait3A_938] : memref<16384x1024xf32, #tpu.memory_space<hbm>> -> memref<16x1024xf32, #tpu.memory_space<hbm>>
    tpu.wait_dma2 semaphore(%arg19 : memref<!tpu.dma_semaphore, #tpu.memory_space<semaphore_mem>>) src(%arg7 : memref<16x1024xf32, #tpu.memory_space<vmem>>) dst(%dma_wait3A_939 : memref<16x1024xf32, #tpu.memory_space<hbm>>)
    %dma_wait3A_940 = arith.constant 0 : i32
    %dma_wait3A_941 = tpu.memref_slice %arg4[%add3A_919, %dma_wait3A_940] : memref<16384x1024xf32, #tpu.memory_space<hbm>> -> memref<16x1024xf32, #tpu.memory_space<hbm>>
    %dma_wait3A_942 = arith.constant 0 : i32
    %dma_wait3A_943 = tpu.memref_slice %arg4[%add3A_919, %dma_wait3A_942] : memref<16384x1024xf32, #tpu.memory_space<hbm>> -> memref<16x1024xf32, #tpu.memory_space<hbm>>
    tpu.wait_dma2 semaphore(%arg20 : memref<!tpu.dma_semaphore, #tpu.memory_space<semaphore_mem>>) src(%arg8 : memref<16x1024xf32, #tpu.memory_space<vmem>>) dst(%dma_wait3A_943 : memref<16x1024xf32, #tpu.memory_space<hbm>>)
    return
  }
}

</mosaic_0001>

<sc_bundles>
// kernel: kernel.3.cloned.1.call-start
scs
__scs_entry_jumppad:
0x0: {  	(pc) =	sbr.rel $0x88, $3  }
0x1: {  	(tag) =	ssettag $0x0;
	lr =	simm.s32 $0x1  }
0x2: {  	[smem:$0x3F9F] =	sst lr;
	_ =	strace $0xD0000000  }
0x3: {  	_ = 	snop  }
0x4: {  	_ = 	snop  }
0x5: {  	_ = 	snop  }
0x6: {  	_ = 	snop  }
0x7: {  	_ = 	snop  }
__scs_overlays_trampoline_lowered:
0x8: {  	[smem:$0x3FAE] =	sst s0  }
0x9: {  	[smem:$0x3FAF] =	sst s1  }
0xa: {  	[smem:$0x3FB0] =	sst s2  }
0xb: {  	[smem:$0x3FB1] =	sst s3  }
0xc: {  	[smem:$0x3FB2] =	sst s4  }
0xd: {  	[smem:$0x3FB3] =	sst s5  }
0xe: {  	[smem:$0x3FB4] =	sst s6  }
0xf: {  	[smem:$0x3FB5] =	sst s7  }
0x10: {  	[smem:$0x3FB6] =	sst s8  }
0x11: {  	[smem:$0x3FB7] =	sst s9;
	s0 =	simm.s32 @!p0 $0x0  }
0x12: {  	s1 =	sld [smem:$0x3F9D];
	s0 =	simm.s32 @p0 $0x1  }
0x13: {  	[smem:$0x3FB8] =	sst s0;
	s0 =	simm.s32 @!p1 $0x0  }
0x14: {  	s2 =	sld [smem:$0x3F9C];
	s0 =	simm.s32 @p1 $0x1  }
0x15: {  	[smem:$0x3FB9] =	sst s0;
	s0 =	simm.s32 @!p2 $0x0  }
0x16: {  	s3 =	sld [smem:$0x3FDB];
	s0 =	simm.s32 @p2 $0x1  }
0x17: {  	s4 =	simm.s32 $0x1BF5;
	[smem:$0x3FBB] =	sst s0  }
0x18: {  	s0 =	sld [smem:$0x3F9E];
	_ =	swait.ge [sflag:s4], $0x0  }
0x19: {  	s7 =	sld [smem:$0x3F9F]  }
0x1a: {  	s8 =	sadd.s32 $0xFFFFE003, lr  }
0x1b: {  	s9 =	sadd.s32 $0xFFFFFEF7, lr;
	s5 =	simm.s32 $0xFFFFFFFF;
	p2 =	slt.u32 s8, $0xFFFFF086  }
0x1c: {  	p1 =	slt.u32 s9, $0xF7A;
	s5 =	simm.s32 @!p2 $0x0  }
0x1d: {  	s5 =	simm.s32 @p1 $0x1;
	p0 =	seq.s32 s7, s2  }
0x1e: {  	s7 =	smul.u32 @!p0 $0xF7A, s2;
	p2 =	seq.s32 @!p0 s5, $0x0  }
0x1f: {  	s9 =	smul.u32 $0xF7A, s1;
	s8 =	simm.s32 @!p0 $0x1BF5;
	p2 =	por !p2, p0  }
0x20: {  	[sflag:s8] =	ssyncset.s32 @!p0 $0xFFFFF086;
	s6 =	sadd.s32 @!p0 s3, s7;
	s7 =	simm.s32 @!p0 $0x108  }
0x21: {  	s3 =	sadd.s32 s3, s9;
	s6 =	sadd.s32 @!p0 $0x88, s6;
	s7 =	simm.s32 @p2 $0x1082  }
0x22: {  	[simem:s7], [sflag:s8] =	dma.local @!p0 [hbm:s6], $0xF7A  }
0x23: {  	s9 =	sor.u32 $0xD0000000, s2;
	s6 =	simm.s32 $0x108;
	_ =	swait.ge @!p0 [sflag:s8], $0x0  }
0x24: {  	s3 =	sadd.s32 $0x88, s3;
	s6 =	simm.s32 @!p1 $0x1082;
	[sflag:s4] =	ssyncset.s32 $0xFFFFF086  }
0x25: {  	[simem:s6], [sflag:s4] =	dma.local [hbm:s3], $0xF7A  }
0x26: {  	[smem:$0x3F9F] =	sst s1;
	(tag) =	ssettag s2;
	_ =	strace s9  }
0x27: {  	s1 =	sld [smem:$0x3FAF]  }
0x28: {  	s2 =	sld [smem:$0x3FB0]  }
0x29: {  	s4 =	sld [smem:$0x3FB2]  }
0x2a: {  	p0 =	seq.s32 s5, $0x0;
	s5 =	sld [smem:$0x3FB3]  }
0x2b: {  	s6 =	sld [smem:$0x3FB4]  }
0x2c: {  	s7 =	sld [smem:$0x3FB5]  }
0x2d: {  	s3 =	simm.s32 $0x108;
	s8 =	sld [smem:$0x3FB6]  }
0x2e: {  	s3 =	simm.s32 @!p0 $0x1082;
	s9 =	sld [smem:$0x3FB7]  }
0x2f: {  	lr =	sadd.s32 s0, s3;
	s0 =	sld [smem:$0x3FAE]  }
0x30: {  	s3 =	sld [smem:$0x3FB1]  }
0x31: {  	[smem:$0x3FBA] =	sst s10  }
0x32: {  	s10 =	sld [smem:$0x3FB8];
	_ =	sdelay $0x3  }
0x33: {  	p0 =	seq.s32 s10, $0x1;
	s10 =	sld [smem:$0x3FBA];
	_ =	sdelay $0x3  }
0x34: {  	[smem:$0x3FBA] =	sst s10  }
0x35: {  	s10 =	sld [smem:$0x3FB9];
	_ =	sdelay $0x3  }
0x36: {  	p1 =	seq.s32 s10, $0x1;
	s10 =	sld [smem:$0x3FBA];
	_ =	sdelay $0x3  }
0x37: {  	[smem:$0x3FBA] =	sst s10  }
0x38: {  	s10 =	sld [smem:$0x3FBB]  }
0x39: {  	_ = 	snop;
	(pc) =	sbr.ind lr, $3  }
0x3a: {  	_ = 	snop  }
0x3b: {  	_ = 	snop  }
0x3c: {  	p2 =	seq.s32 s10, $0x1;
	s10 =	sld [smem:$0x3FBA]  }
0x3d: {  	_ =	shalt  }
0x3e: {  	_ =	shalt  }
0x3f: {  	_ =	shalt  }
0x40: {  	_ =	shalt  }
0x41: {  	_ =	shalt  }
0x42: {  	_ =	shalt  }
0x43: {  	_ =	shalt  }
0x44: {  	_ =	shalt  }
0x45: {  	_ =	shalt  }
0x46: {  	_ =	shalt  }
0x47: {  	_ =	shalt  }
0x48: {  	_ =	shalt  }
0x49: {  	_ =	shalt  }
0x4a: {  	_ =	shalt  }
0x4b: {  	_ =	shalt  }
0x4c: {  	_ =	shalt  }
0x4d: {  	_ =	shalt  }
0x4e: {  	_ =	shalt  }
0x4f: {  	_ =	shalt  }
0x50: {  	_ =	shalt  }
0x51: {  	_ =	shalt  }
0x52: {  	_ =	shalt  }
0x53: {  	_ =	shalt  }
0x54: {  	_ =	shalt  }
0x55: {  	_ =	shalt  }
0x56: {  	_ =	shalt  }
0x57: {  	_ =	shalt  }
0x58: {  	_ =	shalt  }
0x59: {  	_ =	shalt  }
0x5a: {  	_ =	shalt  }
0x5b: {  	_ =	shalt  }
0x5c: {  	_ =	shalt  }
0x5d: {  	_ =	shalt  }
0x5e: {  	_ =	shalt  }
0x5f: {  	_ =	shalt  }
0x60: {  	_ =	shalt  }
0x61: {  	_ =	shalt  }
0x62: {  	_ =	shalt  }
0x63: {  	_ =	shalt  }
0x64: {  	_ =	shalt  }
0x65: {  	_ =	shalt  }
0x66: {  	_ =	shalt  }
0x67: {  	_ =	shalt  }
0x68: {  	_ =	shalt  }
0x69: {  	_ =	shalt  }
0x6a: {  	_ =	shalt  }
0x6b: {  	_ =	shalt  }
0x6c: {  	_ =	shalt  }
0x6d: {  	_ =	shalt  }
0x6e: {  	_ =	shalt  }
0x6f: {  	_ =	shalt  }
0x70: {  	_ =	shalt  }
0x71: {  	_ =	shalt  }
0x72: {  	_ =	shalt  }
0x73: {  	_ =	shalt  }
0x74: {  	_ =	shalt  }
0x75: {  	_ =	shalt  }
0x76: {  	_ =	shalt  }
0x77: {  	_ =	shalt  }
0x78: {  	_ =	shalt  }
0x79: {  	_ =	shalt  }
0x7a: {  	_ =	shalt  }
0x7b: {  	_ =	shalt  }
0x7c: {  	_ =	shalt  }
0x7d: {  	_ =	shalt  }
0x7e: {  	_ =	shalt  }
0x7f: {  	_ =	shalt  }
0x80: {  	_ =	shalt  }
0x81: {  	_ =	shalt  }
0x82: {  	_ =	shalt  }
0x83: {  	_ =	shalt  }
0x84: {  	_ =	shalt  }
0x85: {  	_ =	shalt  }
0x86: {  	_ =	shalt  }
0x87: {  	_ =	shalt  }
.Lfunc_end0:
.L_simem_size_0:
called_computation_lowered:
.L_overlay_start_0:
0x88: {  	s2 =	sld [smem:$0x3FD9]  }
0x89: {  	s3 =	sld [smem:$0x3FFE];
	_ =	sdelay $0x1  }
0x8a: {  	s1 =	srdreg.scid  }
0x8b: {  	s0 =	sand.u32 $0x1, s1  }
0x8c: {  	s18 =	sshll.u32 s0, $0xA;
	s2 =	sadd.s32 s3, s2  }
0x8d: {  	s2 =	sadd.s32 s2, s18  }
0x8e: {  	[smem:$0x3FC6] =	sst s2  }
0x8f: {  	_ = 	snop  }
0x90: {  	s2 =	sld [smem:$0x3FC9]  }
0x91: {  	s19 =	sld [smem:$0x3FC8]  }
0x92: {  	s4 =	sld [smem:$0x3FD0];
	(tm) =	ssettm $0x1  }
0x93: {  	s5 =	sld [smem:$0x3FFB];
	_ =	sdelay $0x3  }
0x94: {  	_ =	strace s5  }
0x95: {  	s5 =	sld [smem:$0x3FFC];
	_ =	sdelay $0x3  }
0x96: {  	_ =	strace s5  }
0x97: {  	s5 =	sld [smem:$0x3FFD];
	_ =	sdelay $0x3  }
0x98: {  	_ =	strace s5  }
0x99: {  	_ =	strace $0x8FFFFFFF  }
0x9a: {  	s20 =	sld [smem:$0x3FDB];
	_ =	sdelay $0x1  }
0x9b: {  	s6 =	simm.s32 $_scs_section_size  }
0x9c: {  	s7 =	simm.s32 $_size__tile_overlayer_lowered;
	s8 =	simm.s32 $_tile_overlayer_lowered  }
0x9d: {  	s23 =	simm.s32 $0x1BFF;
	s22 =	sshll.u32 s8, $0x1;
	s5 =	sadd.s32 s6, s20  }
0x9e: {  	s9 =	simm.s32 $0x0;
	s21 =	sshll.u32 s7, $0x1;
	s7 =	sadd.s32 s22, s5  }
0x9f: {  	[timem:s9], [sflag:s23] =	dma.local [hbm:s7], s21  }
0xa0: {  	_ =	swait.ge [sflag:s23], s21  }
0xa1: {  	s6 =	ssub.s32 $0x0, s21;
	[sflag:s23] =	ssyncset.done $0x0  }
0xa2: {  	[sflag:s23] =	ssyncadd.s32 s6;
	_ =	sdelay $0x1  }
0xa3: {  	s24 =	simm.s32 $0x1B8B  }
0xa4: {  	_ =	swait.ge [sflag:s24], $0x1  }
0xa5: {  	[sflag:s24] =	ssyncset.done $0x0  }
0xa6: {  	s25 =	simm.s32 $0x1B8E;
	[sflag:s24] =	ssyncadd.s32 $0xFFFFFFFF  }
0xa7: {  	s26 =	simm.s32 $execute0_lowered;
	[smem:$0x3FD2] =	sst s25  }
0xa8: {  	s6 =	sshll.u32 s26, $0x1;
	_ =	strace $0x80000046;
	[dreg:$0x1] =	wrdreg $0xFFFFFFFF  }
0xa9: {  	s28 =	simm.s32 $_size_execute0_lowered;
	s5 =	sadd.s32 s5, s6;
	[dreg:$0x0] =	wrdreg $0x0  }
0xaa: {  	s6 =	sshll.u32 s28, $0x1;
	[dreg:$0x2] =	wrdreg s5  }
0xab: {  	[dreg:$0x3] =	wrdreg s6  }
0xac: {  	[dreg:$0x4] =	wrdreg $0xC0  }
0xad: {  	_ =	task [dreg:s9], $0x5FFFF  }
0xae: {  	[dreg:$0x1] =	wrdreg $0xFFFFFFFF  }
0xaf: {  	[dreg:$0x0] =	wrdreg $0x60  }
0xb0: {  	[dreg:$0x2] =	wrdreg s2  }
0xb1: {  	[dreg:$0x3] =	wrdreg s19  }
0xb2: {  	[dreg:$0x4] =	wrdreg s4  }
0xb3: {  	[dreg:$0x5] =	wrdreg $0x9  }
0xb4: {  	_ =	task.clear_ibuf [dreg:s9], $0x6FFFF;
	_ =	strace $0x90000046  }
0xb5: {  	s29 =	simm.s32 $0x9;
	_ =	strace $0x80000048  }
0xb6: {  	_ =	swait.ge [sflag:s29], $0x1  }
0xb7: {  	[sflag:s29] =	ssyncadd.s32 $0xFFFFFFFF  }
0xb8: {  	_ =	strace $0x90000048  }
0xb9: {  	_ =	sfence  }
0xba: {  	s30 =	sld [smem:$0x0];
	_ =	sdelay $0x2  }
0xbb: {  	s31 =	sshll.u32 s1, $0xD;
	s1 =	sshrl.u32 s1, $0x2  }
0xbc: {  	s3 =	sand.u32 $0x4000, s31;
	s1 =	sadd.s32 s1, s30  }
0xbd: {  	s0 =	sor.u32 s3, s0;
	s1 =	sshll.u32 s1, $0x11  }
0xbe: {  	s0 =	sor.u32 s1, s0  }
0xbf: {  	s0 =	sadd.s32 $0x8F2B, s0  }
0xc0: {  	[sflag:s0] =	ssyncadd.remote.s32 $0x1  }
0xc1: {  	_ =	sfence.sel $0xFFFF  }
0xc2: {  	[dreg:$0x0] =	wrdreg $0xFFFFFFFF;
	(pc) =	sbr.abs _section_cstart, $3  }
0xc3: {  	[dreg:$0x1] =	wrdreg $0xFFFFFFFF  }
0xc4: {  	_ =	task.clear_ibuf [dreg:s9], $0x2FFFF;
	_ =	strace $0x9FFFFFFF  }
0xc5: {  	(tm) =	ssettm $0x7FFFFFFF  }
tec
execute0_lowered:
.L_overlay_start_1:
0x0: {  	(tag) =	ssettag $0x1  }
0x1: {  	s1 =	srdreg.scid  }
0x2: {  	s0 =	rddreg [dreg:$0x0];
	s2 =	stileid.u32;
	s1 =	sand.u32 $0x1, s1  }
0x3: {  	s4 =	rddreg [dreg:$0x1];
	s3 =	sshll.u32 s2, $0xF;
	s5 =	sshll.u32 s1, $0xE  }
0x4: {  	s2 =	rddreg [dreg:$0x2];
	s6 =	sor.u32 s5, s3  }
0x5: {  	s7 =	ssub.s32 $0x2, s1;
	s1 =	simm.s32 $0x0;
	s5 =	sor.u32 $0x80000, s6  }
0x6: {  	[smem:$0x7FF] =	sst s1;
	s26 =	sor.u32 $0x100000, s6;
	s25 =	sadd.s32 s0, s5  }
0x7: {  	s8 =	sor.u32 $0x800, s6;
	s10 =	sadd.s32 s0, s26;
	[dreg:$0x4] =	wrdreg s25  }
0x8: {  	s9 =	sor.u32 $0x180000, s6;
	s11 =	sadd.s32 s4, s8;
	[dreg:$0x5] =	wrdreg s10  }
0x9: {  	s12 =	sadd.s32 s0, s9;
	[dreg:$0x6] =	wrdreg s11  }
0xa: {  	s24 =	sshrl.u32 s7, $0x1;
	s13 =	sadd.s32 s0, s8;
	[dreg:$0x7] =	wrdreg s12  }
0xb: {  	s14 =	sor.u32 $0x80800, s6;
	s5 =	sadd.s32 s2, s5;
	[dreg:$0x8] =	wrdreg s13  }
0xc: {  	s3 =	ssub.s32 s7, s24;
	s15 =	sadd.s32 s0, s14;
	[dreg:$0x9] =	wrdreg s5  }
0xd: {  	s16 =	sor.u32 $0x100800, s6;
	s7 =	sadd.s32 s2, s26;
	[dreg:$0xa] =	wrdreg s15  }
0xe: {  	s17 =	sadd.s32 s0, s16;
	[dreg:$0xb] =	wrdreg s7  }
0xf: {  	s18 =	sor.u32 $0x1000, s6;
	s9 =	sadd.s32 s2, s9;
	[dreg:$0xc] =	wrdreg s17  }
0x10: {  	s19 =	sadd.s32 s4, s18;
	[dreg:$0xd] =	wrdreg s9  }
0x11: {  	s8 =	sadd.s32 s2, s8;
	[dreg:$0xe] =	wrdreg s19  }
0x12: {  	s21 =	sadd.s32 s0, s18;
	[dreg:$0x10] =	wrdreg s8  }
0x13: {  	s24 =	sadd.s32 s2, s18;
	[dreg:$0x11] =	wrdreg s21  }
0x14: {  	s5 =	sadd.s32 s2, s14;
	[dreg:$0x15] =	wrdreg s24  }
0x15: {  	s22 =	sor.u32 $0x81000, s6;
	s7 =	sadd.s32 s2, s16;
	[dreg:$0x12] =	wrdreg s5  }
0x16: {  	s26 =	sor.u32 $0x101000, s6;
	s25 =	sadd.s32 s0, s22;
	[dreg:$0x13] =	wrdreg s7  }
0x17: {  	s11 =	sor.u32 $0x180800, s6;
	s8 =	sadd.s32 s0, s26;
	[dreg:$0x16] =	wrdreg s25  }
0x18: {  	s20 =	sadd.s32 s0, s11;
	[dreg:$0x18] =	wrdreg s8  }
0x19: {  	s23 =	sadd.s32 s2, s11;
	[dreg:$0xf] =	wrdreg s20  }
0x1a: {  	s5 =	sadd.s32 s2, s22;
	[dreg:$0x14] =	wrdreg s23  }
0x1b: {  	s9 =	sor.u32 $0x181000, s6;
	s7 =	sadd.s32 s2, s26;
	[dreg:$0x17] =	wrdreg s5  }
0x1c: {  	s10 =	sor.u32 $0x1800, s6;
	s11 =	sadd.s32 s0, s9;
	[dreg:$0x19] =	wrdreg s7  }
0x1d: {  	s12 =	sadd.s32 s4, s10;
	[dreg:$0x1a] =	wrdreg s11  }
0x1e: {  	s13 =	sadd.s32 s0, s10;
	[dreg:$0x1c] =	wrdreg s12  }
0x1f: {  	s15 =	sor.u32 $0x81800, s6;
	s14 =	sadd.s32 s2, s10;
	[dreg:$0x1d] =	wrdreg s13  }
0x20: {  	s16 =	sor.u32 $0x101800, s6;
	s17 =	sadd.s32 s0, s15;
	[dreg:$0x1e] =	wrdreg s14  }
0x21: {  	s18 =	sadd.s32 s0, s16;
	[dreg:$0x1f] =	wrdreg s17  }
0x22: {  	s21 =	sor.u32 $0x181800, s6;
	s19 =	sadd.s32 s2, s16;
	[smem:$0x7D3] =	sst s18  }
0x23: {  	s22 =	sadd.s32 s0, s21;
	[smem:$0x7D4] =	sst s19  }
0x24: {  	s5 =	sadd.s32 s2, s9;
	[smem:$0x7D5] =	sst s22  }
0x25: {  	s25 =	sor.u32 $0x82000, s6;
	s7 =	sadd.s32 s2, s21;
	[dreg:$0x1b] =	wrdreg s5  }
0x26: {  	s8 =	sor.u32 $0x102000, s6;
	s26 =	sadd.s32 s0, s25;
	[smem:$0x7D6] =	sst s7  }
0x27: {  	s10 =	sor.u32 $0x182000, s6;
	s9 =	sadd.s32 s0, s8;
	[smem:$0x7DA] =	sst s26  }
0x28: {  	s11 =	sadd.s32 s0, s10;
	[smem:$0x7DC] =	sst s9  }
0x29: {  	s22 =	sadd.s32 s4, s6;
	[smem:$0x7DE] =	sst s11  }
0x2a: {  	s20 =	sor.u32 $0x2000, s6;
	s5 =	sadd.s32 s2, s15;
	[smem:$0x7E9] =	sst s22  }
0x2b: {  	s23 =	sadd.s32 s4, s20;
	[smem:$0x7D2] =	sst s5  }
0x2c: {  	s12 =	sor.u32 $0x2800, s6;
	s24 =	sadd.s32 s0, s20;
	[smem:$0x7D7] =	sst s23  }
0x2d: {  	s13 =	sadd.s32 s4, s12;
	[smem:$0x7D8] =	sst s24  }
0x2e: {  	s17 =	sor.u32 $0x102800, s6;
	s14 =	sadd.s32 s0, s12;
	[smem:$0x7E0] =	sst s13  }
0x2f: {  	s19 =	sor.u32 $0x182800, s6;
	s18 =	sadd.s32 s0, s17;
	[smem:$0x7E1] =	sst s14  }
0x30: {  	s21 =	sadd.s32 s2, s19;
	[smem:$0x7E5] =	sst s18  }
0x31: {  	s15 =	sor.u32 $0x82800, s6;
	s5 =	sadd.s32 s2, s20;
	[smem:$0x7E8] =	sst s21  }
0x32: {  	s16 =	sadd.s32 s0, s15;
	[smem:$0x7D9] =	sst s5  }
0x33: {  	s7 =	sadd.s32 s2, s15;
	[smem:$0x7E3] =	sst s16  }
0x34: {  	s11 =	sor.u32 $0x103000, s6;
	s20 =	sadd.s32 s0, s19;
	[smem:$0x7E4] =	sst s7  }
0x35: {  	s13 =	sadd.s32 s0, s11;
	[smem:$0x7E7] =	sst s20  }
0x36: {  	s18 =	sadd.s32 s2, s6;
	[smem:$0x7F0] =	sst s13  }
0x37: {  	s23 =	sor.u32 $0x3000, s6;
	s5 =	sadd.s32 s2, s25;
	[smem:$0x7F5] =	sst s18  }
0x38: {  	s24 =	sor.u32 $0x3800, s6;
	s25 =	sadd.s32 s4, s23;
	[smem:$0x7DB] =	sst s5  }
0x39: {  	s4 =	sadd.s32 s4, s24;
	[smem:$0x7EA] =	sst s25  }
0x3a: {  	s9 =	sadd.s32 s0, s23;
	[smem:$0x7EB] =	sst s4  }
0x3b: {  	s16 =	sadd.s32 s0, s6;
	[smem:$0x7EC] =	sst s9  }
0x3c: {  	s19 =	sor.u32 $0x103800, s6;
	s20 =	sadd.s32 s0, s24;
	[smem:$0x7F4] =	sst s16  }
0x3d: {  	s28 =	simm.s32 $0x6;
	s22 =	sadd.s32 s0, s19;
	[smem:$0x7F6] =	sst s20  }
0x3e: {  	s26 =	sor.u32 $0x83000, s6;
	s5 =	sadd.s32 s2, s8;
	[smem:$0x7F8] =	sst s22  }
0x3f: {  	s29 =	simm.s32 $0x2;
	s4 =	sadd.s32 s2, s26;
	[smem:$0x7DD] =	sst s5  }
0x40: {  	s30 =	simm.s32 $0xA;
	s25 =	sadd.s32 s2, s19;
	[smem:$0x7EF] =	sst s4  }
0x41: {  	s31 =	simm.s32 $0x7;
	s5 =	sadd.s32 s2, s10;
	[smem:$0x7FC] =	sst s25  }
0x42: {  	s18 =	simm.s32 $0x1;
	s10 =	sadd.s32 s0, s26;
	[smem:$0x7DF] =	sst s5  }
0x43: {  	s16 =	simm.s32 $0xC000;
	s4 =	sadd.s32 s2, s11;
	[smem:$0x7EE] =	sst s10  }
0x44: {  	s19 =	simm.s32 $0x4000;
	s5 =	sadd.s32 s2, s12;
	[smem:$0x7F1] =	sst s4  }
0x45: {  	s12 =	sor.u32 $0x183000, s6;
	[smem:$0x7E2] =	sst s5;
	s5 =	sadd.s32 s2, s17  }
0x46: {  	s20 =	simm.s32 $0x14000;
	s14 =	sadd.s32 s0, s12;
	[smem:$0x7E6] =	sst s5  }
0x47: {  	s22 =	simm.s32 $0x18000;
	s15 =	sadd.s32 s2, s12;
	[smem:$0x7F2] =	sst s14  }
0x48: {  	s17 =	sor.u32 $0x83800, s6;
	s5 =	sadd.s32 s2, s23;
	[smem:$0x7F3] =	sst s15  }
0x49: {  	s6 =	sor.u32 $0x183800, s6;
	s21 =	sadd.s32 s0, s17;
	[smem:$0x7ED] =	sst s5  }
0x4a: {  	s25 =	simm.s32 $0x5;
	s0 =	sadd.s32 s0, s6;
	[smem:$0x7F7] =	sst s21  }
0x4b: {  	s23 =	sadd.s32 s2, s24;
	s24 =	sadd.s32 s2, s17;
	[smem:$0x7F9] =	sst s0  }
0x4c: {  	s26 =	sadd.s32 s2, s6;
	s14 =	smax.u32 s3, $0x1;
	[smem:$0x7FA] =	sst s23  }
0x4d: {  	s15 =	simm.s32 $0x8000;
	s17 =	simm.s32 $0x10000;
	[smem:$0x7FB] =	sst s24  }
0x4e: {  	s2 =	simm.s32 $0xC;
	s3 =	simm.s32 $0x0;
	[smem:$0x7FD] =	sst s26  }
0x4f: {  	s21 =	simm.s32 $0x3;
	s23 =	simm.s32 $0x4;
	s24 =	simm.s32 $0x8  }
0x50: {  	s26 =	simm.s32 $0x9;
	s0 =	simm.s32 $0xB;
	_ =	strace $0x80000047  }
.LBB2_1:
0x51: {  	s4 =	sld [smem:$0x7E9];
	_ =	sdelay $0x1  }
0x52: {  	s6 =	sld [smem:$0x7F4]  }
0x53: {  	[tilespmem:s1], [sflag:$0x1] =	stream.linear.gather [hbm4b:s4+s1], $0x4000, $0x38;
	[tilespmem:$0x1C000] =	vst v63  }
0x54: {  	_ = 	snop  }
0x55: {  	[tilespmem:s15], [sflag:$0x3] =	stream.linear.gather [hbm4b:s6+s1], $0x4000, $0x38;
	[tilespmem:$0x1C000] =	vst v63  }
0x56: {  	s7 =	rddreg [dreg:$0x4]  }
0x57: {  	[tilespmem:s16], [sflag:$0x4] =	stream.linear.gather [hbm4b:s7+s1], $0x4000, $0x38;
	[tilespmem:$0x1C000] =	vst v63  }
0x58: {  	s8 =	rddreg [dreg:$0x5]  }
0x59: {  	[tilespmem:s17], [sflag:$0x5] =	stream.linear.gather [hbm4b:s8+s1], $0x4000, $0x38;
	[tilespmem:$0x1C000] =	vst v63  }
0x5a: {  	_ =	swait.ge [sflag:s18], $0x4000  }
0x5b: {  	[sflag:s18] =	ssyncset.done $0x0  }
0x5c: {  	s11 =	simm.s32 $0x0;
	s9 =	rddreg [dreg:$0x6];
	[sflag:s18] =	ssyncadd.s32 $0xFFFFC000  }
0x5d: {  	[tilespmem:s19], [sflag:$0x2] =	stream.linear.gather [hbm4b:s9+s1], $0x4000, $0x38;
	[tilespmem:$0x1C000] =	vst v63  }
0x5e: {  	s5 =	sand.u32 $0x2000, s11;
	s6 =	sand.u32 $0x1C00, s1;
	s10 =	rddreg [dreg:$0x7]  }
0x5f: {  	[tilespmem:s20], [sflag:$0x6] =	stream.linear.gather [hbm4b:s10+s1], $0x4000, $0x38;
	[tilespmem:$0x1C000] =	vst v63  }
0x60: {  	s12 =	sand.u32 $0x380, s1;
	s5 =	sor.u32 s5, s6;
	_ =	swait.ge [sflag:s21], $0x4000  }
0x61: {  	s4 =	sand.u32 $0x40, s11;
	s5 =	sor.u32 s12, s5;
	[sflag:s21] =	ssyncset.done $0x0  }
0x62: {  	s7 =	sor.u32 s4, s5;
	[sflag:s21] =	ssyncadd.s32 $0xFFFFC000  }
0x63: {  	v1 =	vld [tilespmem:s7+$0x30]  }
0x64: {  	v2 =	vld [tilespmem:s7+$0x0]  }
0x65: {  	v3 =	vld [tilespmem:s7+$0x10]  }
0x66: {  	s6 =	simm.s32 $0x8;
	s4 =	simm.s32 $0x40;
	s5 =	simm.s32 $0x200  }
0x67: {  	s8 =	sand.u32 $0x2000, s4;
	s9 =	sand.u32 $0x1C00, s5;
	s10 =	sor.u32 $0x8030, s7;
	v0 =	vld [tilespmem:s7+$0x20]  }
0x68: {  	s11 =	sor.u32 $0x8000, s7;
	s8 =	sor.u32 s8, s9;
	s9 =	sand.u32 $0x380, s6;
	[tilespmem:s10+$0x0] =	vst.add.f32.msk $0xffff, v1  }
0x69: {  	s12 =	sor.u32 $0x8010, s7;
	s13 =	sand.u32 $0x40, s4;
	s8 =	sor.u32 s9, s8;
	[tilespmem:s11+$0x0] =	vst.add.f32.msk $0xffff, v2  }
0x6a: {  	s10 =	sor.u32 s13, s8;
	[tilespmem:s12+$0x0] =	vst.add.f32.msk $0xffff, v3  }
0x6b: {  	v1 =	vld [tilespmem:s10+$0x30]  }
0x6c: {  	s11 =	sor.u32 $0x8020, s7;
	v2 =	vld [tilespmem:s10+$0x0]  }
0x6d: {  	s9 =	sor.u32 $0x8000, s10;
	s7 =	sor.u32 $0x8010, s10;
	s8 =	sor.u32 $0x8020, s10;
	v3 =	vld [tilespmem:s10+$0x10]  }
.LBB2_2:
0x6e: {  	s4 =	sadd.s32 $0x40, s4;
	v4 =	vld [tilespmem:s10+$0x20];
	s5 =	sadd.s32 $0x200, s5;
	s6 =	sadd.s32 $0x8, s6  }
0x6f: {  	s10 =	sor.u32 $0x8030, s10;
	s12 =	sand.u32 $0x2000, s4;
	s13 =	sand.u32 $0x1C00, s5;
	[tilespmem:s11+$0x0] =	vst.add.f32.msk $0xffff, v0  }
0x70: {  	p0 =	slt.u32 s4, $0x3FC0;
	s11 =	sor.u32 s12, s13;
	s12 =	sand.u32 $0x380, s6;
	[tilespmem:s10+$0x0] =	vst.add.f32.msk $0xffff, v1  }
.Ltmp0:
0x71: {  	s10 =	sand.u32 $0x40, s4;
	s11 =	sor.u32 s12, s11;
	[tilespmem:s9+$0x0] =	vst.add.f32.msk $0xffff, v2;
	(pc) =	sbr.rel @p0 .LBB2_2-.Ltmp0, $4  }
0x72: {  	s10 =	sor.u32 s10, s11;
	[tilespmem:s7+$0x0] =	vst.add.f32.msk $0xffff, v3;
	s11 =	smov.u32 s8  }
0x73: {  	s9 =	sor.u32 $0x8000, s10;
	s7 =	sor.u32 $0x8010, s10;
	s8 =	sor.u32 $0x8020, s10;
	v1 =	vld [tilespmem:s10+$0x30];
	v0 =	vmov v4  }
0x74: {  	v2 =	vld [tilespmem:s10+$0x0]  }
0x75: {  	v3 =	vld [tilespmem:s10+$0x10]  }
0x76: {  	v4 =	vld [tilespmem:s10+$0x20]  }
0x77: {  	s4 =	sor.u32 $0x8030, s10;
	[tilespmem:s11+$0x0] =	vst.add.f32.msk $0xffff, v0  }
0x78: {  	[tilespmem:s4+$0x0] =	vst.add.f32.msk $0xffff, v1  }
0x79: {  	[tilespmem:s9+$0x0] =	vst.add.f32.msk $0xffff, v2  }
0x7a: {  	[tilespmem:s7+$0x0] =	vst.add.f32.msk $0xffff, v3  }
0x7b: {  	[tilespmem:s8+$0x0] =	vst.add.f32.msk $0xffff, v4  }
0x7c: {  	s5 =	sld [smem:$0x7F5];
	_ =	sdelay $0x1  }
0x7d: {  	s11 =	simm.s32 $0x0;
	s13 =	simm.s32 $0x0  }
0x7e: {  	[hbm4b:s5+s11] =	stream.linear.scatter [tilespmem:s15], [sflag:$0x8], $0x4000, $0x38;
	[tilespmem:$0x1C000] =	vst v63  }
0x7f: {  	s6 =	sand.u32 $0x2000, s13;
	s8 =	sand.u32 $0x1C00, s11;
	s12 =	rddreg [dreg:$0x8]  }
0x80: {  	[tilespmem:s22], [sflag:$0x7] =	stream.linear.gather [hbm4b:s12+s11], $0x4000, $0x38;
	[tilespmem:$0x1C000] =	vst v63  }
0x81: {  	s4 =	sand.u32 $0x380, s11;
	s6 =	sor.u32 s6, s8;
	_ =	swait.ge [sflag:s23], $0x4000  }
0x82: {  	s4 =	sor.u32 s4, s6;
	s5 =	sand.u32 $0x40, s13;
	[sflag:s23] =	ssyncset.done $0x0  }
0x83: {  	s7 =	sor.u32 s5, s4;
	[sflag:s23] =	ssyncadd.s32 $0xFFFFC000  }
0x84: {  	v1 =	vld [tilespmem:s7+$0x30]  }
0x85: {  	v2 =	vld [tilespmem:s7+$0x0]  }
0x86: {  	s4 =	simm.s32 $0x40;
	s5 =	simm.s32 $0x200  }
0x87: {  	s6 =	simm.s32 $0x8;
	s9 =	sand.u32 $0x2000, s4;
	s10 =	sand.u32 $0x1C00, s5;
	v3 =	vld [tilespmem:s7+$0x10]  }
0x88: {  	s12 =	sor.u32 $0xC030, s7;
	s8 =	sor.u32 s9, s10;
	s9 =	sand.u32 $0x380, s6;
	v0 =	vld [tilespmem:s7+$0x20]  }
0x89: {  	s11 =	sor.u32 $0xC000, s7;
	s13 =	sand.u32 $0x40, s4;
	s8 =	sor.u32 s9, s8;
	[tilespmem:s12+$0x0] =	vst.add.f32.msk $0xffff, v1  }
0x8a: {  	s10 =	sor.u32 s13, s8;
	[tilespmem:s11+$0x0] =	vst.add.f32.msk $0xffff, v2  }
0x8b: {  	v1 =	vld [tilespmem:s10+$0x30]  }
0x8c: {  	s12 =	sor.u32 $0xC010, s7;
	v2 =	vld [tilespmem:s10+$0x0]  }
0x8d: {  	s9 =	sor.u32 $0xC000, s10;
	[tilespmem:s12+$0x0] =	vst.add.f32.msk $0xffff, v3  }
0x8e: {  	s8 =	sor.u32 $0xC020, s10;
	s11 =	sor.u32 $0xC020, s7;
	s7 =	sor.u32 $0xC010, s10;
	v3 =	vld [tilespmem:s10+$0x10]  }
.LBB2_4:
0x8f: {  	s4 =	sadd.s32 $0x40, s4;
	v4 =	vld [tilespmem:s10+$0x20];
	s5 =	sadd.s32 $0x200, s5;
	s6 =	sadd.s32 $0x8, s6  }
0x90: {  	s10 =	sor.u32 $0xC030, s10;
	s12 =	sand.u32 $0x2000, s4;
	s13 =	sand.u32 $0x1C00, s5;
	[tilespmem:s11+$0x0] =	vst.add.f32.msk $0xffff, v0  }
0x91: {  	p0 =	slt.u32 s4, $0x3FC0;
	s11 =	sor.u32 s12, s13;
	s12 =	sand.u32 $0x380, s6;
	[tilespmem:s10+$0x0] =	vst.add.f32.msk $0xffff, v1  }
.Ltmp1:
0x92: {  	s10 =	sand.u32 $0x40, s4;
	s11 =	sor.u32 s12, s11;
	[tilespmem:s9+$0x0] =	vst.add.f32.msk $0xffff, v2;
	(pc) =	sbr.rel @p0 .LBB2_4-.Ltmp1, $4  }
0x93: {  	s10 =	sor.u32 s10, s11;
	[tilespmem:s7+$0x0] =	vst.add.f32.msk $0xffff, v3;
	s11 =	smov.u32 s8  }
0x94: {  	s9 =	sor.u32 $0xC000, s10;
	s7 =	sor.u32 $0xC010, s10;
	s8 =	sor.u32 $0xC020, s10;
	v1 =	vld [tilespmem:s10+$0x30];
	v0 =	vmov v4  }
0x95: {  	v2 =	vld [tilespmem:s10+$0x0]  }
0x96: {  	v3 =	vld [tilespmem:s10+$0x10]  }
0x97: {  	v4 =	vld [tilespmem:s10+$0x20]  }
0x98: {  	s4 =	sor.u32 $0xC030, s10;
	[tilespmem:s11+$0x0] =	vst.add.f32.msk $0xffff, v0  }
0x99: {  	[tilespmem:s4+$0x0] =	vst.add.f32.msk $0xffff, v1  }
0x9a: {  	[tilespmem:s9+$0x0] =	vst.add.f32.msk $0xffff, v2  }
0x9b: {  	[tilespmem:s7+$0x0] =	vst.add.f32.msk $0xffff, v3  }
0x9c: {  	[tilespmem:s8+$0x0] =	vst.add.f32.msk $0xffff, v4  }
0x9d: {  	s11 =	simm.s32 $0x0;
	s5 =	rddreg [dreg:$0x9]  }
0x9e: {  	[hbm4b:s5+s11] =	stream.linear.scatter [tilespmem:s16], [sflag:$0x9], $0x4000, $0x38;
	[tilespmem:$0x1C000] =	vst v63  }
0x9f: {  	s13 =	simm.s32 $0x0;
	_ =	swait.ge [sflag:s24], $0x4000  }
0xa0: {  	s6 =	sand.u32 $0x2000, s13;
	[sflag:s24] =	ssyncset.done $0x0  }
0xa1: {  	s8 =	sand.u32 $0x1C00, s11;
	s12 =	rddreg [dreg:$0xa];
	[sflag:s24] =	ssyncadd.s32 $0xFFFFC000  }
0xa2: {  	[tilespmem:s15], [sflag:$0x3] =	stream.linear.gather [hbm4b:s12+s11], $0x4000, $0x38;
	[tilespmem:$0x1C000] =	vst v63  }
0xa3: {  	s4 =	sand.u32 $0x380, s11;
	s6 =	sor.u32 s6, s8;
	_ =	swait.ge [sflag:s25], $0x4000  }
0xa4: {  	s5 =	sand.u32 $0x40, s13;
	s4 =	sor.u32 s4, s6;
	[sflag:s25] =	ssyncset.done $0x0  }
0xa5: {  	s7 =	sor.u32 s5, s4;
	[sflag:s25] =	ssyncadd.s32 $0xFFFFC000  }
0xa6: {  	v1 =	vld [tilespmem:s7+$0x30]  }
0xa7: {  	v2 =	vld [tilespmem:s7+$0x0]  }
0xa8: {  	s4 =	simm.s32 $0x40;
	s5 =	simm.s32 $0x200  }
0xa9: {  	s6 =	simm.s32 $0x8;
	s9 =	sand.u32 $0x2000, s4;
	s10 =	sand.u32 $0x1C00, s5;
	v3 =	vld [tilespmem:s7+$0x10]  }
0xaa: {  	s8 =	sor.u32 s9, s10;
	s9 =	sand.u32 $0x380, s6;
	s12 =	sor.u32 $0x10030, s7;
	v0 =	vld [tilespmem:s7+$0x20]  }
0xab: {  	s13 =	sand.u32 $0x40, s4;
	s11 =	sor.u32 $0x10000, s7;
	s8 =	sor.u32 s9, s8;
	[tilespmem:s12+$0x0] =	vst.add.f32.msk $0xffff, v1  }
0xac: {  	s10 =	sor.u32 s13, s8;
	[tilespmem:s11+$0x0] =	vst.add.f32.msk $0xffff, v2  }
0xad: {  	v1 =	vld [tilespmem:s10+$0x30]  }
0xae: {  	s12 =	sor.u32 $0x10010, s7;
	v2 =	vld [tilespmem:s10+$0x0]  }
0xaf: {  	s9 =	sor.u32 $0x10000, s10;
	[tilespmem:s12+$0x0] =	vst.add.f32.msk $0xffff, v3  }
0xb0: {  	s8 =	sor.u32 $0x10020, s10;
	s11 =	sor.u32 $0x10020, s7;
	s7 =	sor.u32 $0x10010, s10;
	v3 =	vld [tilespmem:s10+$0x10]  }
.LBB2_6:
0xb1: {  	s4 =	sadd.s32 $0x40, s4;
	v4 =	vld [tilespmem:s10+$0x20];
	s5 =	sadd.s32 $0x200, s5;
	s6 =	sadd.s32 $0x8, s6  }
0xb2: {  	s10 =	sor.u32 $0x10030, s10;
	s12 =	sand.u32 $0x2000, s4;
	s13 =	sand.u32 $0x1C00, s5;
	[tilespmem:s11+$0x0] =	vst.add.f32.msk $0xffff, v0  }
0xb3: {  	p0 =	slt.u32 s4, $0x3FC0;
	s11 =	sor.u32 s12, s13;
	s12 =	sand.u32 $0x380, s6;
	[tilespmem:s10+$0x0] =	vst.add.f32.msk $0xffff, v1  }
.Ltmp2:
0xb4: {  	s10 =	sand.u32 $0x40, s4;
	s11 =	sor.u32 s12, s11;
	[tilespmem:s9+$0x0] =	vst.add.f32.msk $0xffff, v2;
	(pc) =	sbr.rel @p0 .LBB2_6-.Ltmp2, $4  }
0xb5: {  	s10 =	sor.u32 s10, s11;
	[tilespmem:s7+$0x0] =	vst.add.f32.msk $0xffff, v3;
	s11 =	smov.u32 s8  }
0xb6: {  	s9 =	sor.u32 $0x10000, s10;
	s7 =	sor.u32 $0x10010, s10;
	s8 =	sor.u32 $0x10020, s10;
	v1 =	vld [tilespmem:s10+$0x30];
	v0 =	vmov v4  }
0xb7: {  	v2 =	vld [tilespmem:s10+$0x0]  }
0xb8: {  	v3 =	vld [tilespmem:s10+$0x10]  }
0xb9: {  	v4 =	vld [tilespmem:s10+$0x20]  }
0xba: {  	s4 =	sor.u32 $0x10030, s10;
	[tilespmem:s11+$0x0] =	vst.add.f32.msk $0xffff, v0  }
0xbb: {  	[tilespmem:s4+$0x0] =	vst.add.f32.msk $0xffff, v1  }
0xbc: {  	[tilespmem:s9+$0x0] =	vst.add.f32.msk $0xffff, v2  }
0xbd: {  	[tilespmem:s7+$0x0] =	vst.add.f32.msk $0xffff, v3  }
0xbe: {  	[tilespmem:s8+$0x0] =	vst.add.f32.msk $0xffff, v4  }
0xbf: {  	s11 =	simm.s32 $0x0;
	s5 =	rddreg [dreg:$0xb]  }
0xc0: {  	[hbm4b:s5+s11] =	stream.linear.scatter [tilespmem:s17], [sflag:$0xA], $0x4000, $0x38;
	[tilespmem:$0x1C000] =	vst v63  }
0xc1: {  	s13 =	simm.s32 $0x0;
	_ =	swait.ge [sflag:s26], $0x4000  }
0xc2: {  	s6 =	sand.u32 $0x2000, s13;
	[sflag:s26] =	ssyncset.done $0x0  }
0xc3: {  	s8 =	sand.u32 $0x1C00, s11;
	s12 =	rddreg [dreg:$0xc];
	[sflag:s26] =	ssyncadd.s32 $0xFFFFC000  }
0xc4: {  	[tilespmem:s16], [sflag:$0x4] =	stream.linear.gather [hbm4b:s12+s11], $0x4000, $0x38;
	[tilespmem:$0x1C000] =	vst v63  }
0xc5: {  	s4 =	sand.u32 $0x380, s11;
	s6 =	sor.u32 s6, s8;
	_ =	swait.ge [sflag:s28], $0x4000  }
0xc6: {  	s5 =	sand.u32 $0x40, s13;
	s4 =	sor.u32 s4, s6;
	[sflag:s28] =	ssyncset.done $0x0  }
0xc7: {  	s7 =	sor.u32 s5, s4;
	[sflag:s28] =	ssyncadd.s32 $0xFFFFC000  }
0xc8: {  	v1 =	vld [tilespmem:s7+$0x30]  }
0xc9: {  	v2 =	vld [tilespmem:s7+$0x0]  }
0xca: {  	s4 =	simm.s32 $0x40;
	s5 =	simm.s32 $0x200  }
0xcb: {  	s6 =	simm.s32 $0x8;
	s9 =	sand.u32 $0x2000, s4;
	s10 =	sand.u32 $0x1C00, s5;
	v3 =	vld [tilespmem:s7+$0x10]  }
0xcc: {  	s8 =	sor.u32 s9, s10;
	s9 =	sand.u32 $0x380, s6;
	s12 =	sor.u32 $0x14030, s7;
	v0 =	vld [tilespmem:s7+$0x20]  }
0xcd: {  	s13 =	sand.u32 $0x40, s4;
	s11 =	sor.u32 $0x14000, s7;
	s8 =	sor.u32 s9, s8;
	[tilespmem:s12+$0x0] =	vst.add.f32.msk $0xffff, v1  }
0xce: {  	s10 =	sor.u32 s13, s8;
	[tilespmem:s11+$0x0] =	vst.add.f32.msk $0xffff, v2  }
0xcf: {  	v1 =	vld [tilespmem:s10+$0x30]  }
0xd0: {  	s12 =	sor.u32 $0x14010, s7;
	v2 =	vld [tilespmem:s10+$0x0]  }
0xd1: {  	s9 =	sor.u32 $0x14000, s10;
	[tilespmem:s12+$0x0] =	vst.add.f32.msk $0xffff, v3  }
0xd2: {  	s8 =	sor.u32 $0x14020, s10;
	s11 =	sor.u32 $0x14020, s7;
	s7 =	sor.u32 $0x14010, s10;
	v3 =	vld [tilespmem:s10+$0x10]  }
.LBB2_8:
0xd3: {  	s4 =	sadd.s32 $0x40, s4;
	v4 =	vld [tilespmem:s10+$0x20];
	s5 =	sadd.s32 $0x200, s5;
	s6 =	sadd.s32 $0x8, s6  }
0xd4: {  	s10 =	sor.u32 $0x14030, s10;
	s12 =	sand.u32 $0x2000, s4;
	s13 =	sand.u32 $0x1C00, s5;
	[tilespmem:s11+$0x0] =	vst.add.f32.msk $0xffff, v0  }
0xd5: {  	p0 =	slt.u32 s4, $0x3FC0;
	s11 =	sor.u32 s12, s13;
	s12 =	sand.u32 $0x380, s6;
	[tilespmem:s10+$0x0] =	vst.add.f32.msk $0xffff, v1  }
.Ltmp3:
0xd6: {  	s10 =	sand.u32 $0x40, s4;
	s11 =	sor.u32 s12, s11;
	[tilespmem:s9+$0x0] =	vst.add.f32.msk $0xffff, v2;
	(pc) =	sbr.rel @p0 .LBB2_8-.Ltmp3, $4  }
0xd7: {  	s10 =	sor.u32 s10, s11;
	[tilespmem:s7+$0x0] =	vst.add.f32.msk $0xffff, v3;
	s11 =	smov.u32 s8  }
0xd8: {  	s9 =	sor.u32 $0x14000, s10;
	s7 =	sor.u32 $0x14010, s10;
	s8 =	sor.u32 $0x14020, s10;
	v1 =	vld [tilespmem:s10+$0x30];
	v0 =	vmov v4  }
0xd9: {  	v2 =	vld [tilespmem:s10+$0x0]  }
0xda: {  	v3 =	vld [tilespmem:s10+$0x10]  }
0xdb: {  	v4 =	vld [tilespmem:s10+$0x20]  }
0xdc: {  	s4 =	sor.u32 $0x14030, s10;
	[tilespmem:s11+$0x0] =	vst.add.f32.msk $0xffff, v0  }
0xdd: {  	[tilespmem:s4+$0x0] =	vst.add.f32.msk $0xffff, v1  }
0xde: {  	[tilespmem:s9+$0x0] =	vst.add.f32.msk $0xffff, v2  }
0xdf: {  	[tilespmem:s7+$0x0] =	vst.add.f32.msk $0xffff, v3  }
0xe0: {  	[tilespmem:s8+$0x0] =	vst.add.f32.msk $0xffff, v4  }
0xe1: {  	s10 =	simm.s32 $0x0;
	s5 =	rddreg [dreg:$0xd]  }
0xe2: {  	[hbm4b:s5+s10] =	stream.linear.scatter [tilespmem:s20], [sflag:$0xB], $0x4000, $0x38;
	[tilespmem:$0x1C000] =	vst v63  }
0xe3: {  	_ =	swait.ge [sflag:s29], $0x4000  }
0xe4: {  	[sflag:s29] =	ssyncset.done $0x0  }
0xe5: {  	s11 =	rddreg [dreg:$0xe];
	[sflag:s29] =	ssyncadd.s32 $0xFFFFC000  }
0xe6: {  	[tilespmem:s10], [sflag:$0x1] =	stream.linear.gather [hbm4b:s11+s10], $0x4000, $0x38;
	[tilespmem:$0x1C000] =	vst v63  }
0xe7: {  	s13 =	simm.s32 $0x0;
	_ =	swait.ge [sflag:s30], $0x4000  }
0xe8: {  	s6 =	sand.u32 $0x2000, s13;
	[sflag:s30] =	ssyncset.done $0x0  }
0xe9: {  	s8 =	sand.u32 $0x1C00, s10;
	s12 =	rddreg [dreg:$0xf];
	[sflag:s30] =	ssyncadd.s32 $0xFFFFC000  }
0xea: {  	[tilespmem:s17], [sflag:$0x5] =	stream.linear.gather [hbm4b:s12+s10], $0x4000, $0x38;
	[tilespmem:$0x1C000] =	vst v63  }
0xeb: {  	s4 =	sand.u32 $0x380, s10;
	s6 =	sor.u32 s6, s8;
	_ =	swait.ge [sflag:s31], $0x4000  }
0xec: {  	s5 =	sand.u32 $0x40, s13;
	s4 =	sor.u32 s4, s6;
	[sflag:s31] =	ssyncset.done $0x0  }
0xed: {  	s7 =	sor.u32 s5, s4;
	[sflag:s31] =	ssyncadd.s32 $0xFFFFC000  }
0xee: {  	v1 =	vld [tilespmem:s7+$0x4030]  }
0xef: {  	v2 =	vld [tilespmem:s7+$0x4000]  }
0xf0: {  	s4 =	simm.s32 $0x40;
	s5 =	simm.s32 $0x200  }
0xf1: {  	s6 =	simm.s32 $0x8;
	s9 =	sand.u32 $0x2000, s4;
	s10 =	sand.u32 $0x1C00, s5;
	v3 =	vld [tilespmem:s7+$0x4010]  }
0xf2: {  	s12 =	sor.u32 $0x18030, s7;
	s8 =	sor.u32 s9, s10;
	s9 =	sand.u32 $0x380, s6;
	v0 =	vld [tilespmem:s7+$0x4020]  }
0xf3: {  	s13 =	sand.u32 $0x40, s4;
	s11 =	sor.u32 $0x18000, s7;
	s8 =	sor.u32 s9, s8;
	[tilespmem:s12+$0x0] =	vst.add.f32.msk $0xffff, v1  }
0xf4: {  	s10 =	sor.u32 s13, s8;
	[tilespmem:s11+$0x0] =	vst.add.f32.msk $0xffff, v2  }
0xf5: {  	v1 =	vld [tilespmem:s10+$0x4030]  }
0xf6: {  	s12 =	sor.u32 $0x18010, s7;
	v2 =	vld [tilespmem:s10+$0x4000]  }
0xf7: {  	s9 =	sor.u32 $0x18000, s10;
	[tilespmem:s12+$0x0] =	vst.add.f32.msk $0xffff, v3  }
0xf8: {  	s8 =	sor.u32 $0x18020, s10;
	s11 =	sor.u32 $0x18020, s7;
	s7 =	sor.u32 $0x18010, s10;
	v3 =	vld [tilespmem:s10+$0x4010]  }
.LBB2_10:
0xf9: {  	s4 =	sadd.s32 $0x40, s4;
	v4 =	vld [tilespmem:s10+$0x4020];
	s5 =	sadd.s32 $0x200, s5;
	s6 =	sadd.s32 $0x8, s6  }
0xfa: {  	s10 =	sor.u32 $0x18030, s10;
	s12 =	sand.u32 $0x2000, s4;
	s13 =	sand.u32 $0x1C00, s5;
	[tilespmem:s11+$0x0] =	vst.add.f32.msk $0xffff, v0  }
0xfb: {  	p0 =	slt.u32 s4, $0x3FC0;
	s11 =	sor.u32 s12, s13;
	s12 =	sand.u32 $0x380, s6;
	[tilespmem:s10+$0x0] =	vst.add.f32.msk $0xffff, v1  }
.Ltmp4:
0xfc: {  	s10 =	sand.u32 $0x40, s4;
	s11 =	sor.u32 s12, s11;
	[tilespmem:s9+$0x0] =	vst.add.f32.msk $0xffff, v2;
	(pc) =	sbr.rel @p0 .LBB2_10-.Ltmp4, $4  }
0xfd: {  	s10 =	sor.u32 s10, s11;
	[tilespmem:s7+$0x0] =	vst.add.f32.msk $0xffff, v3;
	s11 =	smov.u32 s8  }
0xfe: {  	s9 =	sor.u32 $0x18000, s10;
	s7 =	sor.u32 $0x18010, s10;
	s8 =	sor.u32 $0x18020, s10;
	v1 =	vld [tilespmem:s10+$0x4030];
	v0 =	vmov v4  }
0xff: {  	v2 =	vld [tilespmem:s10+$0x4000]  }
0x100: {  	v3 =	vld [tilespmem:s10+$0x4010]  }
0x101: {  	v4 =	vld [tilespmem:s10+$0x4020]  }
0x102: {  	s4 =	sor.u32 $0x18030, s10;
	[tilespmem:s11+$0x0] =	vst.add.f32.msk $0xffff, v0  }
0x103: {  	[tilespmem:s4+$0x0] =	vst.add.f32.msk $0xffff, v1  }
0x104: {  	[tilespmem:s9+$0x0] =	vst.add.f32.msk $0xffff, v2  }
0x105: {  	[tilespmem:s7+$0x0] =	vst.add.f32.msk $0xffff, v3  }
0x106: {  	[tilespmem:s8+$0x0] =	vst.add.f32.msk $0xffff, v4  }
0x107: {  	s11 =	simm.s32 $0x0;
	s5 =	rddreg [dreg:$0x10]  }
0x108: {  	[hbm4b:s5+s11] =	stream.linear.scatter [tilespmem:s22], [sflag:$0xC], $0x4000, $0x38;
	[tilespmem:$0x1C000] =	vst v63  }
0x109: {  	s13 =	simm.s32 $0x0;
	_ =	swait.ge [sflag:s0], $0x4000  }
0x10a: {  	s6 =	sand.u32 $0x2000, s13;
	[sflag:s0] =	ssyncset.done $0x0  }
0x10b: {  	s8 =	sand.u32 $0x1C00, s11;
	s12 =	rddreg [dreg:$0x11];
	[sflag:s0] =	ssyncadd.s32 $0xFFFFC000  }
0x10c: {  	[tilespmem:s20], [sflag:$0x6] =	stream.linear.gather [hbm4b:s12+s11], $0x4000, $0x38;
	[tilespmem:$0x1C000] =	vst v63  }
0x10d: {  	s4 =	sand.u32 $0x380, s11;
	s6 =	sor.u32 s6, s8;
	_ =	swait.ge [sflag:s21], $0x4000  }
0x10e: {  	s5 =	sand.u32 $0x40, s13;
	s4 =	sor.u32 s4, s6;
	[sflag:s21] =	ssyncset.done $0x0  }
0x10f: {  	s7 =	sor.u32 s5, s4;
	[sflag:s21] =	ssyncadd.s32 $0xFFFFC000  }
0x110: {  	v1 =	vld [tilespmem:s7+$0x4030]  }
0x111: {  	v2 =	vld [tilespmem:s7+$0x4000]  }
0x112: {  	s4 =	simm.s32 $0x40;
	s5 =	simm.s32 $0x200  }
0x113: {  	s6 =	simm.s32 $0x8;
	s9 =	sand.u32 $0x2000, s4;
	s10 =	sand.u32 $0x1C00, s5;
	v3 =	vld [tilespmem:s7+$0x4010]  }
0x114: {  	s8 =	sor.u32 s9, s10;
	s9 =	sand.u32 $0x380, s6;
	s12 =	sor.u32 $0x8030, s7;
	v0 =	vld [tilespmem:s7+$0x4020]  }
0x115: {  	s13 =	sand.u32 $0x40, s4;
	s11 =	sor.u32 $0x8000, s7;
	s8 =	sor.u32 s9, s8;
	[tilespmem:s12+$0x0] =	vst.add.f32.msk $0xffff, v1  }
0x116: {  	s10 =	sor.u32 s13, s8;
	[tilespmem:s11+$0x0] =	vst.add.f32.msk $0xffff, v2  }
0x117: {  	v1 =	vld [tilespmem:s10+$0x4030]  }
0x118: {  	s12 =	sor.u32 $0x8010, s7;
	v2 =	vld [tilespmem:s10+$0x4000]  }
0x119: {  	s9 =	sor.u32 $0x8000, s10;
	[tilespmem:s12+$0x0] =	vst.add.f32.msk $0xffff, v3  }
0x11a: {  	s8 =	sor.u32 $0x8020, s10;
	s11 =	sor.u32 $0x8020, s7;
	s7 =	sor.u32 $0x8010, s10;
	v3 =	vld [tilespmem:s10+$0x4010]  }
.LBB2_12:
0x11b: {  	s4 =	sadd.s32 $0x40, s4;
	v4 =	vld [tilespmem:s10+$0x4020];
	s5 =	sadd.s32 $0x200, s5;
	s6 =	sadd.s32 $0x8, s6  }
0x11c: {  	s10 =	sor.u32 $0x8030, s10;
	s12 =	sand.u32 $0x2000, s4;
	s13 =	sand.u32 $0x1C00, s5;
	[tilespmem:s11+$0x0] =	vst.add.f32.msk $0xffff, v0  }
0x11d: {  	p0 =	slt.u32 s4, $0x3FC0;
	s11 =	sor.u32 s12, s13;
	s12 =	sand.u32 $0x380, s6;
	[tilespmem:s10+$0x0] =	vst.add.f32.msk $0xffff, v1  }
.Ltmp5:
0x11e: {  	s10 =	sand.u32 $0x40, s4;
	s11 =	sor.u32 s12, s11;
	[tilespmem:s9+$0x0] =	vst.add.f32.msk $0xffff, v2;
	(pc) =	sbr.rel @p0 .LBB2_12-.Ltmp5, $4  }
0x11f: {  	s10 =	sor.u32 s10, s11;
	[tilespmem:s7+$0x0] =	vst.add.f32.msk $0xffff, v3;
	s11 =	smov.u32 s8  }
0x120: {  	s9 =	sor.u32 $0x8000, s10;
	s7 =	sor.u32 $0x8010, s10;
	s8 =	sor.u32 $0x8020, s10;
	v1 =	vld [tilespmem:s10+$0x4030];
	v0 =	vmov v4  }
0x121: {  	v2 =	vld [tilespmem:s10+$0x4000]  }
0x122: {  	v3 =	vld [tilespmem:s10+$0x4010]  }
0x123: {  	v4 =	vld [tilespmem:s10+$0x4020]  }
0x124: {  	s4 =	sor.u32 $0x8030, s10;
	[tilespmem:s11+$0x0] =	vst.add.f32.msk $0xffff, v0  }
0x125: {  	[tilespmem:s4+$0x0] =	vst.add.f32.msk $0xffff, v1  }
0x126: {  	[tilespmem:s9+$0x0] =	vst.add.f32.msk $0xffff, v2  }
0x127: {  	[tilespmem:s7+$0x0] =	vst.add.f32.msk $0xffff, v3  }
0x128: {  	[tilespmem:s8+$0x0] =	vst.add.f32.msk $0xffff, v4  }
0x129: {  	s11 =	simm.s32 $0x0;
	s5 =	rddreg [dreg:$0x12]  }
0x12a: {  	[hbm4b:s5+s11] =	stream.linear.scatter [tilespmem:s15], [sflag:$0x8], $0x4000, $0x38;
	[tilespmem:$0x1C000] =	vst v63  }
0x12b: {  	s13 =	simm.s32 $0x0;
	_ =	swait.ge [sflag:s2], $0x4000  }
0x12c: {  	s6 =	sand.u32 $0x2000, s13;
	[sflag:s2] =	ssyncset.done $0x0  }
0x12d: {  	s8 =	sand.u32 $0x1C00, s11;
	s12 =	rddreg [dreg:$0x16];
	[sflag:s2] =	ssyncadd.s32 $0xFFFFC000  }
0x12e: {  	[tilespmem:s22], [sflag:$0x7] =	stream.linear.gather [hbm4b:s12+s11], $0x4000, $0x38;
	[tilespmem:$0x1C000] =	vst v63  }
0x12f: {  	s4 =	sand.u32 $0x380, s11;
	s6 =	sor.u32 s6, s8;
	_ =	swait.ge [sflag:s23], $0x4000  }
0x130: {  	s5 =	sand.u32 $0x40, s13;
	s4 =	sor.u32 s4, s6;
	[sflag:s23] =	ssyncset.done $0x0  }
0x131: {  	s7 =	sor.u32 s5, s4;
	[sflag:s23] =	ssyncadd.s32 $0xFFFFC000  }
0x132: {  	v1 =	vld [tilespmem:s7+$0x4030]  }
0x133: {  	v2 =	vld [tilespmem:s7+$0x4000]  }
0x134: {  	s4 =	simm.s32 $0x40;
	s5 =	simm.s32 $0x200  }
0x135: {  	s6 =	simm.s32 $0x8;
	s9 =	sand.u32 $0x2000, s4;
	s10 =	sand.u32 $0x1C00, s5;
	v3 =	vld [tilespmem:s7+$0x4010]  }
0x136: {  	s8 =	sor.u32 s9, s10;
	s9 =	sand.u32 $0x380, s6;
	s12 =	sor.u32 $0xC030, s7;
	v0 =	vld [tilespmem:s7+$0x4020]  }
0x137: {  	s13 =	sand.u32 $0x40, s4;
	s11 =	sor.u32 $0xC000, s7;
	s8 =	sor.u32 s9, s8;
	[tilespmem:s12+$0x0] =	vst.add.f32.msk $0xffff, v1  }
0x138: {  	s10 =	sor.u32 s13, s8;
	[tilespmem:s11+$0x0] =	vst.add.f32.msk $0xffff, v2  }
0x139: {  	v1 =	vld [tilespmem:s10+$0x4030]  }
0x13a: {  	s12 =	sor.u32 $0xC010, s7;
	v2 =	vld [tilespmem:s10+$0x4000]  }
0x13b: {  	s9 =	sor.u32 $0xC000, s10;
	[tilespmem:s12+$0x0] =	vst.add.f32.msk $0xffff, v3  }
0x13c: {  	s8 =	sor.u32 $0xC020, s10;
	s11 =	sor.u32 $0xC020, s7;
	s7 =	sor.u32 $0xC010, s10;
	v3 =	vld [tilespmem:s10+$0x4010]  }
.LBB2_14:
0x13d: {  	s4 =	sadd.s32 $0x40, s4;
	v4 =	vld [tilespmem:s10+$0x4020];
	s5 =	sadd.s32 $0x200, s5;
	s6 =	sadd.s32 $0x8, s6  }
0x13e: {  	s10 =	sor.u32 $0xC030, s10;
	s12 =	sand.u32 $0x2000, s4;
	s13 =	sand.u32 $0x1C00, s5;
	[tilespmem:s11+$0x0] =	vst.add.f32.msk $0xffff, v0  }
0x13f: {  	p0 =	slt.u32 s4, $0x3FC0;
	s11 =	sor.u32 s12, s13;
	s12 =	sand.u32 $0x380, s6;
	[tilespmem:s10+$0x0] =	vst.add.f32.msk $0xffff, v1  }
.Ltmp6:
0x140: {  	s10 =	sand.u32 $0x40, s4;
	s11 =	sor.u32 s12, s11;
	[tilespmem:s9+$0x0] =	vst.add.f32.msk $0xffff, v2;
	(pc) =	sbr.rel @p0 .LBB2_14-.Ltmp6, $4  }
0x141: {  	s10 =	sor.u32 s10, s11;
	[tilespmem:s7+$0x0] =	vst.add.f32.msk $0xffff, v3;
	s11 =	smov.u32 s8  }
0x142: {  	s9 =	sor.u32 $0xC000, s10;
	s7 =	sor.u32 $0xC010, s10;
	s8 =	sor.u32 $0xC020, s10;
	v1 =	vld [tilespmem:s10+$0x4030];
	v0 =	vmov v4  }
0x143: {  	v2 =	vld [tilespmem:s10+$0x4000]  }
0x144: {  	v3 =	vld [tilespmem:s10+$0x4010]  }
0x145: {  	v4 =	vld [tilespmem:s10+$0x4020]  }
0x146: {  	s4 =	sor.u32 $0xC030, s10;
	[tilespmem:s11+$0x0] =	vst.add.f32.msk $0xffff, v0  }
0x147: {  	[tilespmem:s4+$0x0] =	vst.add.f32.msk $0xffff, v1  }
0x148: {  	[tilespmem:s9+$0x0] =	vst.add.f32.msk $0xffff, v2  }
0x149: {  	[tilespmem:s7+$0x0] =	vst.add.f32.msk $0xffff, v3  }
0x14a: {  	[tilespmem:s8+$0x0] =	vst.add.f32.msk $0xffff, v4  }
0x14b: {  	s11 =	simm.s32 $0x0;
	s5 =	rddreg [dreg:$0x13]  }
0x14c: {  	[hbm4b:s5+s11] =	stream.linear.scatter [tilespmem:s16], [sflag:$0x9], $0x4000, $0x38;
	[tilespmem:$0x1C000] =	vst v63  }
0x14d: {  	s13 =	simm.s32 $0x0;
	_ =	swait.ge [sflag:s24], $0x4000  }
0x14e: {  	s6 =	sand.u32 $0x2000, s13;
	[sflag:s24] =	ssyncset.done $0x0  }
0x14f: {  	s8 =	sand.u32 $0x1C00, s11;
	s12 =	rddreg [dreg:$0x18];
	[sflag:s24] =	ssyncadd.s32 $0xFFFFC000  }
0x150: {  	[tilespmem:s15], [sflag:$0x3] =	stream.linear.gather [hbm4b:s12+s11], $0x4000, $0x38;
	[tilespmem:$0x1C000] =	vst v63  }
0x151: {  	s4 =	sand.u32 $0x380, s11;
	s6 =	sor.u32 s6, s8;
	_ =	swait.ge [sflag:s25], $0x4000  }
0x152: {  	s5 =	sand.u32 $0x40, s13;
	s4 =	sor.u32 s4, s6;
	[sflag:s25] =	ssyncset.done $0x0  }
0x153: {  	s7 =	sor.u32 s5, s4;
	[sflag:s25] =	ssyncadd.s32 $0xFFFFC000  }
0x154: {  	v1 =	vld [tilespmem:s7+$0x4030]  }
0x155: {  	v2 =	vld [tilespmem:s7+$0x4000]  }
0x156: {  	s4 =	simm.s32 $0x40;
	s5 =	simm.s32 $0x200  }
0x157: {  	s6 =	simm.s32 $0x8;
	s9 =	sand.u32 $0x2000, s4;
	s10 =	sand.u32 $0x1C00, s5;
	v3 =	vld [tilespmem:s7+$0x4010]  }
0x158: {  	s8 =	sor.u32 s9, s10;
	s9 =	sand.u32 $0x380, s6;
	s12 =	sor.u32 $0x10030, s7;
	v0 =	vld [tilespmem:s7+$0x4020]  }
0x159: {  	s13 =	sand.u32 $0x40, s4;
	s11 =	sor.u32 $0x10000, s7;
	s8 =	sor.u32 s9, s8;
	[tilespmem:s12+$0x0] =	vst.add.f32.msk $0xffff, v1  }
0x15a: {  	s10 =	sor.u32 s13, s8;
	[tilespmem:s11+$0x0] =	vst.add.f32.msk $0xffff, v2  }
0x15b: {  	v1 =	vld [tilespmem:s10+$0x4030]  }
0x15c: {  	s12 =	sor.u32 $0x10010, s7;
	v2 =	vld [tilespmem:s10+$0x4000]  }
0x15d: {  	s9 =	sor.u32 $0x10000, s10;
	[tilespmem:s12+$0x0] =	vst.add.f32.msk $0xffff, v3  }
0x15e: {  	s8 =	sor.u32 $0x10020, s10;
	s11 =	sor.u32 $0x10020, s7;
	s7 =	sor.u32 $0x10010, s10;
	v3 =	vld [tilespmem:s10+$0x4010]  }
.LBB2_16:
0x15f: {  	s4 =	sadd.s32 $0x40, s4;
	v4 =	vld [tilespmem:s10+$0x4020];
	s5 =	sadd.s32 $0x200, s5;
	s6 =	sadd.s32 $0x8, s6  }
0x160: {  	s10 =	sor.u32 $0x10030, s10;
	s12 =	sand.u32 $0x2000, s4;
	s13 =	sand.u32 $0x1C00, s5;
	[tilespmem:s11+$0x0] =	vst.add.f32.msk $0xffff, v0  }
0x161: {  	p0 =	slt.u32 s4, $0x3FC0;
	s11 =	sor.u32 s12, s13;
	s12 =	sand.u32 $0x380, s6;
	[tilespmem:s10+$0x0] =	vst.add.f32.msk $0xffff, v1  }
.Ltmp7:
0x162: {  	s10 =	sand.u32 $0x40, s4;
	s11 =	sor.u32 s12, s11;
	[tilespmem:s9+$0x0] =	vst.add.f32.msk $0xffff, v2;
	(pc) =	sbr.rel @p0 .LBB2_16-.Ltmp7, $4  }
0x163: {  	s10 =	sor.u32 s10, s11;
	[tilespmem:s7+$0x0] =	vst.add.f32.msk $0xffff, v3;
	s11 =	smov.u32 s8  }
0x164: {  	s9 =	sor.u32 $0x10000, s10;
	s7 =	sor.u32 $0x10010, s10;
	s8 =	sor.u32 $0x10020, s10;
	v1 =	vld [tilespmem:s10+$0x4030];
	v0 =	vmov v4  }
0x165: {  	v2 =	vld [tilespmem:s10+$0x4000]  }
0x166: {  	v3 =	vld [tilespmem:s10+$0x4010]  }
0x167: {  	v4 =	vld [tilespmem:s10+$0x4020]  }
0x168: {  	s4 =	sor.u32 $0x10030, s10;
	[tilespmem:s11+$0x0] =	vst.add.f32.msk $0xffff, v0  }
0x169: {  	[tilespmem:s4+$0x0] =	vst.add.f32.msk $0xffff, v1  }
0x16a: {  	[tilespmem:s9+$0x0] =	vst.add.f32.msk $0xffff, v2  }
0x16b: {  	[tilespmem:s7+$0x0] =	vst.add.f32.msk $0xffff, v3  }
0x16c: {  	[tilespmem:s8+$0x0] =	vst.add.f32.msk $0xffff, v4  }
0x16d: {  	s10 =	simm.s32 $0x0;
	s5 =	rddreg [dreg:$0x14]  }
0x16e: {  	[hbm4b:s5+s10] =	stream.linear.scatter [tilespmem:s17], [sflag:$0xA], $0x4000, $0x38;
	[tilespmem:$0x1C000] =	vst v63  }
0x16f: {  	_ =	swait.ge [sflag:s18], $0x4000  }
0x170: {  	[sflag:s18] =	ssyncset.done $0x0  }
0x171: {  	s11 =	rddreg [dreg:$0x1c];
	[sflag:s18] =	ssyncadd.s32 $0xFFFFC000  }
0x172: {  	[tilespmem:s19], [sflag:$0x2] =	stream.linear.gather [hbm4b:s11+s10], $0x4000, $0x38;
	[tilespmem:$0x1C000] =	vst v63  }
0x173: {  	s13 =	simm.s32 $0x0;
	_ =	swait.ge [sflag:s26], $0x4000  }
0x174: {  	s6 =	sand.u32 $0x2000, s13;
	[sflag:s26] =	ssyncset.done $0x0  }
0x175: {  	s8 =	sand.u32 $0x1C00, s10;
	s12 =	rddreg [dreg:$0x1a];
	[sflag:s26] =	ssyncadd.s32 $0xFFFFC000  }
0x176: {  	[tilespmem:s16], [sflag:$0x4] =	stream.linear.gather [hbm4b:s12+s10], $0x4000, $0x38;
	[tilespmem:$0x1C000] =	vst v63  }
0x177: {  	s4 =	sand.u32 $0x380, s10;
	s6 =	sor.u32 s6, s8;
	_ =	swait.ge [sflag:s28], $0x4000  }
0x178: {  	s5 =	sand.u32 $0x40, s13;
	s4 =	sor.u32 s4, s6;
	[sflag:s28] =	ssyncset.done $0x0  }
0x179: {  	s7 =	sor.u32 s5, s4;
	[sflag:s28] =	ssyncadd.s32 $0xFFFFC000  }
0x17a: {  	v1 =	vld [tilespmem:s7+$0x30]  }
0x17b: {  	v2 =	vld [tilespmem:s7+$0x0]  }
0x17c: {  	s4 =	simm.s32 $0x40;
	s5 =	simm.s32 $0x200  }
0x17d: {  	s6 =	simm.s32 $0x8;
	s9 =	sand.u32 $0x2000, s4;
	s10 =	sand.u32 $0x1C00, s5;
	v3 =	vld [tilespmem:s7+$0x10]  }
0x17e: {  	s12 =	sor.u32 $0x14030, s7;
	s8 =	sor.u32 s9, s10;
	s9 =	sand.u32 $0x380, s6;
	v0 =	vld [tilespmem:s7+$0x20]  }
0x17f: {  	s13 =	sand.u32 $0x40, s4;
	s11 =	sor.u32 $0x14000, s7;
	s8 =	sor.u32 s9, s8;
	[tilespmem:s12+$0x0] =	vst.add.f32.msk $0xffff, v1  }
0x180: {  	s10 =	sor.u32 s13, s8;
	[tilespmem:s11+$0x0] =	vst.add.f32.msk $0xffff, v2  }
0x181: {  	v1 =	vld [tilespmem:s10+$0x30]  }
0x182: {  	s12 =	sor.u32 $0x14010, s7;
	v2 =	vld [tilespmem:s10+$0x0]  }
0x183: {  	s9 =	sor.u32 $0x14000, s10;
	[tilespmem:s12+$0x0] =	vst.add.f32.msk $0xffff, v3  }
0x184: {  	s8 =	sor.u32 $0x14020, s10;
	s11 =	sor.u32 $0x14020, s7;
	s7 =	sor.u32 $0x14010, s10;
	v3 =	vld [tilespmem:s10+$0x10]  }
.LBB2_18:
0x185: {  	s4 =	sadd.s32 $0x40, s4;
	v4 =	vld [tilespmem:s10+$0x20];
	s5 =	sadd.s32 $0x200, s5;
	s6 =	sadd.s32 $0x8, s6  }
0x186: {  	s10 =	sor.u32 $0x14030, s10;
	s12 =	sand.u32 $0x2000, s4;
	s13 =	sand.u32 $0x1C00, s5;
	[tilespmem:s11+$0x0] =	vst.add.f32.msk $0xffff, v0  }
0x187: {  	p0 =	slt.u32 s4, $0x3FC0;
	s11 =	sor.u32 s12, s13;
	s12 =	sand.u32 $0x380, s6;
	[tilespmem:s10+$0x0] =	vst.add.f32.msk $0xffff, v1  }
.Ltmp8:
0x188: {  	s10 =	sand.u32 $0x40, s4;
	s11 =	sor.u32 s12, s11;
	[tilespmem:s9+$0x0] =	vst.add.f32.msk $0xffff, v2;
	(pc) =	sbr.rel @p0 .LBB2_18-.Ltmp8, $4  }
0x189: {  	s10 =	sor.u32 s10, s11;
	[tilespmem:s7+$0x0] =	vst.add.f32.msk $0xffff, v3;
	s11 =	smov.u32 s8  }
0x18a: {  	s9 =	sor.u32 $0x14000, s10;
	s7 =	sor.u32 $0x14010, s10;
	s8 =	sor.u32 $0x14020, s10;
	v1 =	vld [tilespmem:s10+$0x30];
	v0 =	vmov v4  }
0x18b: {  	v2 =	vld [tilespmem:s10+$0x0]  }
0x18c: {  	v3 =	vld [tilespmem:s10+$0x10]  }
0x18d: {  	v4 =	vld [tilespmem:s10+$0x20]  }
0x18e: {  	s4 =	sor.u32 $0x14030, s10;
	[tilespmem:s11+$0x0] =	vst.add.f32.msk $0xffff, v0  }
0x18f: {  	[tilespmem:s4+$0x0] =	vst.add.f32.msk $0xffff, v1  }
0x190: {  	[tilespmem:s9+$0x0] =	vst.add.f32.msk $0xffff, v2  }
0x191: {  	[tilespmem:s7+$0x0] =	vst.add.f32.msk $0xffff, v3  }
0x192: {  	[tilespmem:s8+$0x0] =	vst.add.f32.msk $0xffff, v4  }
0x193: {  	s11 =	simm.s32 $0x0;
	s5 =	rddreg [dreg:$0x15]  }
0x194: {  	[hbm4b:s5+s11] =	stream.linear.scatter [tilespmem:s20], [sflag:$0xB], $0x4000, $0x38;
	[tilespmem:$0x1C000] =	vst v63  }
0x195: {  	s13 =	simm.s32 $0x0;
	_ =	swait.ge [sflag:s30], $0x4000  }
0x196: {  	s6 =	sand.u32 $0x2000, s13;
	[sflag:s30] =	ssyncset.done $0x0  }
0x197: {  	s8 =	sand.u32 $0x1C00, s11;
	s12 =	rddreg [dreg:$0x1d];
	[sflag:s30] =	ssyncadd.s32 $0xFFFFC000  }
0x198: {  	[tilespmem:s17], [sflag:$0x5] =	stream.linear.gather [hbm4b:s12+s11], $0x4000, $0x38;
	[tilespmem:$0x1C000] =	vst v63  }
0x199: {  	s4 =	sand.u32 $0x380, s11;
	s6 =	sor.u32 s6, s8;
	_ =	swait.ge [sflag:s31], $0x4000  }
0x19a: {  	s5 =	sand.u32 $0x40, s13;
	s4 =	sor.u32 s4, s6;
	[sflag:s31] =	ssyncset.done $0x0  }
0x19b: {  	s7 =	sor.u32 s5, s4;
	[sflag:s31] =	ssyncadd.s32 $0xFFFFC000  }
0x19c: {  	v1 =	vld [tilespmem:s7+$0x30]  }
0x19d: {  	v2 =	vld [tilespmem:s7+$0x0]  }
0x19e: {  	s4 =	simm.s32 $0x40;
	s5 =	simm.s32 $0x200  }
0x19f: {  	s6 =	simm.s32 $0x8;
	s9 =	sand.u32 $0x2000, s4;
	s10 =	sand.u32 $0x1C00, s5;
	v3 =	vld [tilespmem:s7+$0x10]  }
0x1a0: {  	s8 =	sor.u32 s9, s10;
	s9 =	sand.u32 $0x380, s6;
	s12 =	sor.u32 $0x18030, s7;
	v0 =	vld [tilespmem:s7+$0x20]  }
0x1a1: {  	s13 =	sand.u32 $0x40, s4;
	s11 =	sor.u32 $0x18000, s7;
	s8 =	sor.u32 s9, s8;
	[tilespmem:s12+$0x0] =	vst.add.f32.msk $0xffff, v1  }
0x1a2: {  	s10 =	sor.u32 s13, s8;
	[tilespmem:s11+$0x0] =	vst.add.f32.msk $0xffff, v2  }
0x1a3: {  	v1 =	vld [tilespmem:s10+$0x30]  }
0x1a4: {  	s12 =	sor.u32 $0x18010, s7;
	v2 =	vld [tilespmem:s10+$0x0]  }
0x1a5: {  	s9 =	sor.u32 $0x18000, s10;
	[tilespmem:s12+$0x0] =	vst.add.f32.msk $0xffff, v3  }
0x1a6: {  	s8 =	sor.u32 $0x18020, s10;
	s11 =	sor.u32 $0x18020, s7;
	s7 =	sor.u32 $0x18010, s10;
	v3 =	vld [tilespmem:s10+$0x10]  }
.LBB2_20:
0x1a7: {  	s4 =	sadd.s32 $0x40, s4;
	v4 =	vld [tilespmem:s10+$0x20];
	s5 =	sadd.s32 $0x200, s5;
	s6 =	sadd.s32 $0x8, s6  }
0x1a8: {  	s10 =	sor.u32 $0x18030, s10;
	s12 =	sand.u32 $0x2000, s4;
	s13 =	sand.u32 $0x1C00, s5;
	[tilespmem:s11+$0x0] =	vst.add.f32.msk $0xffff, v0  }
0x1a9: {  	p0 =	slt.u32 s4, $0x3FC0;
	s11 =	sor.u32 s12, s13;
	s12 =	sand.u32 $0x380, s6;
	[tilespmem:s10+$0x0] =	vst.add.f32.msk $0xffff, v1  }
.Ltmp9:
0x1aa: {  	s10 =	sand.u32 $0x40, s4;
	s11 =	sor.u32 s12, s11;
	[tilespmem:s9+$0x0] =	vst.add.f32.msk $0xffff, v2;
	(pc) =	sbr.rel @p0 .LBB2_20-.Ltmp9, $4  }
0x1ab: {  	s10 =	sor.u32 s10, s11;
	[tilespmem:s7+$0x0] =	vst.add.f32.msk $0xffff, v3;
	s11 =	smov.u32 s8  }
0x1ac: {  	s9 =	sor.u32 $0x18000, s10;
	s7 =	sor.u32 $0x18010, s10;
	s8 =	sor.u32 $0x18020, s10;
	v1 =	vld [tilespmem:s10+$0x30];
	v0 =	vmov v4  }
0x1ad: {  	v2 =	vld [tilespmem:s10+$0x0]  }
0x1ae: {  	v3 =	vld [tilespmem:s10+$0x10]  }
0x1af: {  	v4 =	vld [tilespmem:s10+$0x20]  }
0x1b0: {  	s4 =	sor.u32 $0x18030, s10;
	[tilespmem:s11+$0x0] =	vst.add.f32.msk $0xffff, v0  }
0x1b1: {  	[tilespmem:s4+$0x0] =	vst.add.f32.msk $0xffff, v1  }
0x1b2: {  	[tilespmem:s9+$0x0] =	vst.add.f32.msk $0xffff, v2  }
0x1b3: {  	[tilespmem:s7+$0x0] =	vst.add.f32.msk $0xffff, v3  }
0x1b4: {  	[tilespmem:s8+$0x0] =	vst.add.f32.msk $0xffff, v4  }
0x1b5: {  	s11 =	simm.s32 $0x0;
	s5 =	rddreg [dreg:$0x17]  }
0x1b6: {  	[hbm4b:s5+s11] =	stream.linear.scatter [tilespmem:s22], [sflag:$0xC], $0x4000, $0x38;
	[tilespmem:$0x1C000] =	vst v63  }
0x1b7: {  	s13 =	simm.s32 $0x0;
	_ =	swait.ge [sflag:s0], $0x4000  }
0x1b8: {  	s6 =	sand.u32 $0x2000, s13;
	[sflag:s0] =	ssyncset.done $0x0  }
0x1b9: {  	s8 =	sand.u32 $0x1C00, s11;
	s12 =	rddreg [dreg:$0x1f];
	[sflag:s0] =	ssyncadd.s32 $0xFFFFC000  }
0x1ba: {  	[tilespmem:s20], [sflag:$0x6] =	stream.linear.gather [hbm4b:s12+s11], $0x4000, $0x38;
	[tilespmem:$0x1C000] =	vst v63  }
0x1bb: {  	s4 =	sand.u32 $0x380, s11;
	s6 =	sor.u32 s6, s8;
	_ =	swait.ge [sflag:s21], $0x4000  }
0x1bc: {  	s5 =	sand.u32 $0x40, s13;
	s4 =	sor.u32 s4, s6;
	[sflag:s21] =	ssyncset.done $0x0  }
0x1bd: {  	s7 =	sor.u32 s5, s4;
	[sflag:s21] =	ssyncadd.s32 $0xFFFFC000  }
0x1be: {  	v1 =	vld [tilespmem:s7+$0x30]  }
0x1bf: {  	v2 =	vld [tilespmem:s7+$0x0]  }
0x1c0: {  	s4 =	simm.s32 $0x40;
	s5 =	simm.s32 $0x200  }
0x1c1: {  	s6 =	simm.s32 $0x8;
	s9 =	sand.u32 $0x2000, s4;
	s10 =	sand.u32 $0x1C00, s5;
	v3 =	vld [tilespmem:s7+$0x10]  }
0x1c2: {  	s8 =	sor.u32 s9, s10;
	s9 =	sand.u32 $0x380, s6;
	s12 =	sor.u32 $0x8030, s7;
	v0 =	vld [tilespmem:s7+$0x20]  }
0x1c3: {  	s13 =	sand.u32 $0x40, s4;
	s11 =	sor.u32 $0x8000, s7;
	s8 =	sor.u32 s9, s8;
	[tilespmem:s12+$0x0] =	vst.add.f32.msk $0xffff, v1  }
0x1c4: {  	s10 =	sor.u32 s13, s8;
	[tilespmem:s11+$0x0] =	vst.add.f32.msk $0xffff, v2  }
0x1c5: {  	v1 =	vld [tilespmem:s10+$0x30]  }
0x1c6: {  	s12 =	sor.u32 $0x8010, s7;
	v2 =	vld [tilespmem:s10+$0x0]  }
0x1c7: {  	s9 =	sor.u32 $0x8000, s10;
	[tilespmem:s12+$0x0] =	vst.add.f32.msk $0xffff, v3  }
0x1c8: {  	s8 =	sor.u32 $0x8020, s10;
	s11 =	sor.u32 $0x8020, s7;
	s7 =	sor.u32 $0x8010, s10;
	v3 =	vld [tilespmem:s10+$0x10]  }
.LBB2_22:
0x1c9: {  	s4 =	sadd.s32 $0x40, s4;
	v4 =	vld [tilespmem:s10+$0x20];
	s5 =	sadd.s32 $0x200, s5;
	s6 =	sadd.s32 $0x8, s6  }
0x1ca: {  	s10 =	sor.u32 $0x8030, s10;
	s12 =	sand.u32 $0x2000, s4;
	s13 =	sand.u32 $0x1C00, s5;
	[tilespmem:s11+$0x0] =	vst.add.f32.msk $0xffff, v0  }
0x1cb: {  	p0 =	slt.u32 s4, $0x3FC0;
	s11 =	sor.u32 s12, s13;
	s12 =	sand.u32 $0x380, s6;
	[tilespmem:s10+$0x0] =	vst.add.f32.msk $0xffff, v1  }
.Ltmp10:
0x1cc: {  	s10 =	sand.u32 $0x40, s4;
	s11 =	sor.u32 s12, s11;
	[tilespmem:s9+$0x0] =	vst.add.f32.msk $0xffff, v2;
	(pc) =	sbr.rel @p0 .LBB2_22-.Ltmp10, $4  }
0x1cd: {  	s10 =	sor.u32 s10, s11;
	[tilespmem:s7+$0x0] =	vst.add.f32.msk $0xffff, v3;
	s11 =	smov.u32 s8  }
0x1ce: {  	s9 =	sor.u32 $0x8000, s10;
	s7 =	sor.u32 $0x8010, s10;
	s8 =	sor.u32 $0x8020, s10;
	v1 =	vld [tilespmem:s10+$0x30];
	v0 =	vmov v4  }
0x1cf: {  	v2 =	vld [tilespmem:s10+$0x0]  }
0x1d0: {  	v3 =	vld [tilespmem:s10+$0x10]  }
0x1d1: {  	v4 =	vld [tilespmem:s10+$0x20]  }
0x1d2: {  	s4 =	sor.u32 $0x8030, s10;
	[tilespmem:s11+$0x0] =	vst.add.f32.msk $0xffff, v0  }
0x1d3: {  	[tilespmem:s4+$0x0] =	vst.add.f32.msk $0xffff, v1  }
0x1d4: {  	[tilespmem:s9+$0x0] =	vst.add.f32.msk $0xffff, v2  }
0x1d5: {  	[tilespmem:s7+$0x0] =	vst.add.f32.msk $0xffff, v3  }
0x1d6: {  	[tilespmem:s8+$0x0] =	vst.add.f32.msk $0xffff, v4  }
0x1d7: {  	s11 =	simm.s32 $0x0;
	s5 =	rddreg [dreg:$0x19]  }
0x1d8: {  	[hbm4b:s5+s11] =	stream.linear.scatter [tilespmem:s15], [sflag:$0x8], $0x4000, $0x38;
	[tilespmem:$0x1C000] =	vst v63  }
0x1d9: {  	_ =	swait.ge [sflag:s2], $0x4000  }
0x1da: {  	s12 =	sld [smem:$0x7D3]  }
0x1db: {  	s13 =	simm.s32 $0x0;
	[sflag:s2] =	ssyncset.done $0x0  }
0x1dc: {  	s6 =	sand.u32 $0x2000, s13;
	s8 =	sand.u32 $0x1C00, s11;
	[sflag:s2] =	ssyncadd.s32 $0xFFFFC000  }
0x1dd: {  	[tilespmem:s22], [sflag:$0x7] =	stream.linear.gather [hbm4b:s12+s11], $0x4000, $0x38;
	[tilespmem:$0x1C000] =	vst v63  }
0x1de: {  	s4 =	sand.u32 $0x380, s11;
	s6 =	sor.u32 s6, s8;
	_ =	swait.ge [sflag:s23], $0x4000  }
0x1df: {  	s5 =	sand.u32 $0x40, s13;
	s4 =	sor.u32 s4, s6;
	[sflag:s23] =	ssyncset.done $0x0  }
0x1e0: {  	s7 =	sor.u32 s5, s4;
	[sflag:s23] =	ssyncadd.s32 $0xFFFFC000  }
0x1e1: {  	v1 =	vld [tilespmem:s7+$0x30]  }
0x1e2: {  	v2 =	vld [tilespmem:s7+$0x0]  }
0x1e3: {  	s4 =	simm.s32 $0x40;
	s5 =	simm.s32 $0x200  }
0x1e4: {  	s6 =	simm.s32 $0x8;
	s9 =	sand.u32 $0x2000, s4;
	s10 =	sand.u32 $0x1C00, s5;
	v3 =	vld [tilespmem:s7+$0x10]  }
0x1e5: {  	s8 =	sor.u32 s9, s10;
	s9 =	sand.u32 $0x380, s6;
	s12 =	sor.u32 $0xC030, s7;
	v0 =	vld [tilespmem:s7+$0x20]  }
0x1e6: {  	s13 =	sand.u32 $0x40, s4;
	s8 =	sor.u32 s9, s8;
	s11 =	sor.u32 $0xC000, s7;
	[tilespmem:s12+$0x0] =	vst.add.f32.msk $0xffff, v1  }
0x1e7: {  	s10 =	sor.u32 s13, s8;
	[tilespmem:s11+$0x0] =	vst.add.f32.msk $0xffff, v2  }
0x1e8: {  	v1 =	vld [tilespmem:s10+$0x30]  }
0x1e9: {  	s12 =	sor.u32 $0xC010, s7;
	v2 =	vld [tilespmem:s10+$0x0]  }
0x1ea: {  	s9 =	sor.u32 $0xC000, s10;
	[tilespmem:s12+$0x0] =	vst.add.f32.msk $0xffff, v3  }
0x1eb: {  	s8 =	sor.u32 $0xC020, s10;
	s11 =	sor.u32 $0xC020, s7;
	s7 =	sor.u32 $0xC010, s10;
	v3 =	vld [tilespmem:s10+$0x10]  }
.LBB2_24:
0x1ec: {  	s4 =	sadd.s32 $0x40, s4;
	v4 =	vld [tilespmem:s10+$0x20];
	s5 =	sadd.s32 $0x200, s5;
	s6 =	sadd.s32 $0x8, s6  }
0x1ed: {  	s10 =	sor.u32 $0xC030, s10;
	s12 =	sand.u32 $0x2000, s4;
	s13 =	sand.u32 $0x1C00, s5;
	[tilespmem:s11+$0x0] =	vst.add.f32.msk $0xffff, v0  }
0x1ee: {  	p0 =	slt.u32 s4, $0x3FC0;
	s11 =	sor.u32 s12, s13;
	s12 =	sand.u32 $0x380, s6;
	[tilespmem:s10+$0x0] =	vst.add.f32.msk $0xffff, v1  }
.Ltmp11:
0x1ef: {  	s10 =	sand.u32 $0x40, s4;
	s11 =	sor.u32 s12, s11;
	[tilespmem:s9+$0x0] =	vst.add.f32.msk $0xffff, v2;
	(pc) =	sbr.rel @p0 .LBB2_24-.Ltmp11, $4  }
0x1f0: {  	s10 =	sor.u32 s10, s11;
	[tilespmem:s7+$0x0] =	vst.add.f32.msk $0xffff, v3;
	s11 =	smov.u32 s8  }
0x1f1: {  	s9 =	sor.u32 $0xC000, s10;
	s7 =	sor.u32 $0xC010, s10;
	s8 =	sor.u32 $0xC020, s10;
	v1 =	vld [tilespmem:s10+$0x30];
	v0 =	vmov v4  }
0x1f2: {  	v2 =	vld [tilespmem:s10+$0x0]  }
0x1f3: {  	v3 =	vld [tilespmem:s10+$0x10]  }
0x1f4: {  	v4 =	vld [tilespmem:s10+$0x20]  }
0x1f5: {  	s4 =	sor.u32 $0xC030, s10;
	[tilespmem:s11+$0x0] =	vst.add.f32.msk $0xffff, v0  }
0x1f6: {  	[tilespmem:s4+$0x0] =	vst.add.f32.msk $0xffff, v1  }
0x1f7: {  	[tilespmem:s9+$0x0] =	vst.add.f32.msk $0xffff, v2  }
0x1f8: {  	[tilespmem:s7+$0x0] =	vst.add.f32.msk $0xffff, v3  }
0x1f9: {  	[tilespmem:s8+$0x0] =	vst.add.f32.msk $0xffff, v4  }
0x1fa: {  	s10 =	simm.s32 $0x0;
	s5 =	rddreg [dreg:$0x1b]  }
0x1fb: {  	[hbm4b:s5+s10] =	stream.linear.scatter [tilespmem:s16], [sflag:$0x9], $0x4000, $0x38;
	[tilespmem:$0x1C000] =	vst v63  }
0x1fc: {  	_ =	swait.ge [sflag:s29], $0x4000  }
0x1fd: {  	s11 =	sld [smem:$0x7D7]  }
0x1fe: {  	[sflag:s29] =	ssyncset.done $0x0  }
0x1ff: {  	[sflag:s29] =	ssyncadd.s32 $0xFFFFC000  }
0x200: {  	[tilespmem:s10], [sflag:$0x1] =	stream.linear.gather [hbm4b:s11+s10], $0x4000, $0x38;
	[tilespmem:$0x1C000] =	vst v63  }
0x201: {  	_ =	swait.ge [sflag:s24], $0x4000  }
0x202: {  	s12 =	sld [smem:$0x7D5]  }
0x203: {  	s13 =	simm.s32 $0x0;
	[sflag:s24] =	ssyncset.done $0x0  }
0x204: {  	s6 =	sand.u32 $0x2000, s13;
	s8 =	sand.u32 $0x1C00, s10;
	[sflag:s24] =	ssyncadd.s32 $0xFFFFC000  }
0x205: {  	[tilespmem:s15], [sflag:$0x3] =	stream.linear.gather [hbm4b:s12+s10], $0x4000, $0x38;
	[tilespmem:$0x1C000] =	vst v63  }
0x206: {  	s4 =	sand.u32 $0x380, s10;
	s6 =	sor.u32 s6, s8;
	_ =	swait.ge [sflag:s25], $0x4000  }
0x207: {  	s5 =	sand.u32 $0x40, s13;
	s4 =	sor.u32 s4, s6;
	[sflag:s25] =	ssyncset.done $0x0  }
0x208: {  	s7 =	sor.u32 s5, s4;
	[sflag:s25] =	ssyncadd.s32 $0xFFFFC000  }
0x209: {  	v1 =	vld [tilespmem:s7+$0x4030]  }
0x20a: {  	v2 =	vld [tilespmem:s7+$0x4000]  }
0x20b: {  	s4 =	simm.s32 $0x40;
	s5 =	simm.s32 $0x200  }
0x20c: {  	s6 =	simm.s32 $0x8;
	s9 =	sand.u32 $0x2000, s4;
	s10 =	sand.u32 $0x1C00, s5;
	v3 =	vld [tilespmem:s7+$0x4010]  }
0x20d: {  	s12 =	sor.u32 $0x10030, s7;
	s8 =	sor.u32 s9, s10;
	s9 =	sand.u32 $0x380, s6;
	v0 =	vld [tilespmem:s7+$0x4020]  }
0x20e: {  	s13 =	sand.u32 $0x40, s4;
	s11 =	sor.u32 $0x10000, s7;
	s8 =	sor.u32 s9, s8;
	[tilespmem:s12+$0x0] =	vst.add.f32.msk $0xffff, v1  }
0x20f: {  	s10 =	sor.u32 s13, s8;
	[tilespmem:s11+$0x0] =	vst.add.f32.msk $0xffff, v2  }
0x210: {  	v1 =	vld [tilespmem:s10+$0x4030]  }
0x211: {  	s12 =	sor.u32 $0x10010, s7;
	v2 =	vld [tilespmem:s10+$0x4000]  }
0x212: {  	s9 =	sor.u32 $0x10000, s10;
	[tilespmem:s12+$0x0] =	vst.add.f32.msk $0xffff, v3  }
0x213: {  	s8 =	sor.u32 $0x10020, s10;
	s11 =	sor.u32 $0x10020, s7;
	s7 =	sor.u32 $0x10010, s10;
	v3 =	vld [tilespmem:s10+$0x4010]  }
.LBB2_26:
0x214: {  	s4 =	sadd.s32 $0x40, s4;
	v4 =	vld [tilespmem:s10+$0x4020];
	s5 =	sadd.s32 $0x200, s5;
	s6 =	sadd.s32 $0x8, s6  }
0x215: {  	s10 =	sor.u32 $0x10030, s10;
	s12 =	sand.u32 $0x2000, s4;
	s13 =	sand.u32 $0x1C00, s5;
	[tilespmem:s11+$0x0] =	vst.add.f32.msk $0xffff, v0  }
0x216: {  	p0 =	slt.u32 s4, $0x3FC0;
	s11 =	sor.u32 s12, s13;
	s12 =	sand.u32 $0x380, s6;
	[tilespmem:s10+$0x0] =	vst.add.f32.msk $0xffff, v1  }
.Ltmp12:
0x217: {  	s10 =	sand.u32 $0x40, s4;
	s11 =	sor.u32 s12, s11;
	[tilespmem:s9+$0x0] =	vst.add.f32.msk $0xffff, v2;
	(pc) =	sbr.rel @p0 .LBB2_26-.Ltmp12, $4  }
0x218: {  	s10 =	sor.u32 s10, s11;
	[tilespmem:s7+$0x0] =	vst.add.f32.msk $0xffff, v3;
	s11 =	smov.u32 s8  }
0x219: {  	s9 =	sor.u32 $0x10000, s10;
	s7 =	sor.u32 $0x10010, s10;
	s8 =	sor.u32 $0x10020, s10;
	v1 =	vld [tilespmem:s10+$0x4030];
	v0 =	vmov v4  }
0x21a: {  	v2 =	vld [tilespmem:s10+$0x4000]  }
0x21b: {  	v3 =	vld [tilespmem:s10+$0x4010]  }
0x21c: {  	v4 =	vld [tilespmem:s10+$0x4020]  }
0x21d: {  	s4 =	sor.u32 $0x10030, s10;
	[tilespmem:s11+$0x0] =	vst.add.f32.msk $0xffff, v0  }
0x21e: {  	[tilespmem:s4+$0x0] =	vst.add.f32.msk $0xffff, v1  }
0x21f: {  	[tilespmem:s9+$0x0] =	vst.add.f32.msk $0xffff, v2  }
0x220: {  	[tilespmem:s7+$0x0] =	vst.add.f32.msk $0xffff, v3  }
0x221: {  	[tilespmem:s8+$0x0] =	vst.add.f32.msk $0xffff, v4  }
0x222: {  	s11 =	simm.s32 $0x0;
	s5 =	rddreg [dreg:$0x1e]  }
0x223: {  	[hbm4b:s5+s11] =	stream.linear.scatter [tilespmem:s17], [sflag:$0xA], $0x4000, $0x38;
	[tilespmem:$0x1C000] =	vst v63  }
0x224: {  	_ =	swait.ge [sflag:s26], $0x4000  }
0x225: {  	s12 =	sld [smem:$0x7D8]  }
0x226: {  	s13 =	simm.s32 $0x0;
	[sflag:s26] =	ssyncset.done $0x0  }
0x227: {  	s6 =	sand.u32 $0x2000, s13;
	s8 =	sand.u32 $0x1C00, s11;
	[sflag:s26] =	ssyncadd.s32 $0xFFFFC000  }
0x228: {  	[tilespmem:s16], [sflag:$0x4] =	stream.linear.gather [hbm4b:s12+s11], $0x4000, $0x38;
	[tilespmem:$0x1C000] =	vst v63  }
0x229: {  	s4 =	sand.u32 $0x380, s11;
	s6 =	sor.u32 s6, s8;
	_ =	swait.ge [sflag:s28], $0x4000  }
0x22a: {  	s5 =	sand.u32 $0x40, s13;
	s4 =	sor.u32 s4, s6;
	[sflag:s28] =	ssyncset.done $0x0  }
0x22b: {  	s7 =	sor.u32 s5, s4;
	[sflag:s28] =	ssyncadd.s32 $0xFFFFC000  }
0x22c: {  	v1 =	vld [tilespmem:s7+$0x4030]  }
0x22d: {  	v2 =	vld [tilespmem:s7+$0x4000]  }
0x22e: {  	s4 =	simm.s32 $0x40;
	s5 =	simm.s32 $0x200  }
0x22f: {  	s6 =	simm.s32 $0x8;
	s9 =	sand.u32 $0x2000, s4;
	s10 =	sand.u32 $0x1C00, s5;
	v3 =	vld [tilespmem:s7+$0x4010]  }
0x230: {  	s8 =	sor.u32 s9, s10;
	s9 =	sand.u32 $0x380, s6;
	s12 =	sor.u32 $0x14030, s7;
	v0 =	vld [tilespmem:s7+$0x4020]  }
0x231: {  	s13 =	sand.u32 $0x40, s4;
	s8 =	sor.u32 s9, s8;
	s11 =	sor.u32 $0x14000, s7;
	[tilespmem:s12+$0x0] =	vst.add.f32.msk $0xffff, v1  }
0x232: {  	s10 =	sor.u32 s13, s8;
	[tilespmem:s11+$0x0] =	vst.add.f32.msk $0xffff, v2  }
0x233: {  	v1 =	vld [tilespmem:s10+$0x4030]  }
0x234: {  	s12 =	sor.u32 $0x14010, s7;
	v2 =	vld [tilespmem:s10+$0x4000]  }
0x235: {  	s9 =	sor.u32 $0x14000, s10;
	[tilespmem:s12+$0x0] =	vst.add.f32.msk $0xffff, v3  }
0x236: {  	s8 =	sor.u32 $0x14020, s10;
	s11 =	sor.u32 $0x14020, s7;
	s7 =	sor.u32 $0x14010, s10;
	v3 =	vld [tilespmem:s10+$0x4010]  }
.LBB2_28:
0x237: {  	s4 =	sadd.s32 $0x40, s4;
	v4 =	vld [tilespmem:s10+$0x4020];
	s5 =	sadd.s32 $0x200, s5;
	s6 =	sadd.s32 $0x8, s6  }
0x238: {  	s10 =	sor.u32 $0x14030, s10;
	s12 =	sand.u32 $0x2000, s4;
	s13 =	sand.u32 $0x1C00, s5;
	[tilespmem:s11+$0x0] =	vst.add.f32.msk $0xffff, v0  }
0x239: {  	p0 =	slt.u32 s4, $0x3FC0;
	s11 =	sor.u32 s12, s13;
	s12 =	sand.u32 $0x380, s6;
	[tilespmem:s10+$0x0] =	vst.add.f32.msk $0xffff, v1  }
.Ltmp13:
0x23a: {  	s10 =	sand.u32 $0x40, s4;
	s11 =	sor.u32 s12, s11;
	[tilespmem:s9+$0x0] =	vst.add.f32.msk $0xffff, v2;
	(pc) =	sbr.rel @p0 .LBB2_28-.Ltmp13, $4  }
0x23b: {  	s10 =	sor.u32 s10, s11;
	[tilespmem:s7+$0x0] =	vst.add.f32.msk $0xffff, v3;
	s11 =	smov.u32 s8  }
0x23c: {  	s9 =	sor.u32 $0x14000, s10;
	s7 =	sor.u32 $0x14010, s10;
	s8 =	sor.u32 $0x14020, s10;
	v1 =	vld [tilespmem:s10+$0x4030];
	v0 =	vmov v4  }
0x23d: {  	v2 =	vld [tilespmem:s10+$0x4000]  }
0x23e: {  	v3 =	vld [tilespmem:s10+$0x4010]  }
0x23f: {  	v4 =	vld [tilespmem:s10+$0x4020]  }
0x240: {  	s4 =	sor.u32 $0x14030, s10;
	[tilespmem:s11+$0x0] =	vst.add.f32.msk $0xffff, v0  }
0x241: {  	[tilespmem:s4+$0x0] =	vst.add.f32.msk $0xffff, v1  }
0x242: {  	[tilespmem:s9+$0x0] =	vst.add.f32.msk $0xffff, v2  }
0x243: {  	[tilespmem:s7+$0x0] =	vst.add.f32.msk $0xffff, v3  }
0x244: {  	[tilespmem:s8+$0x0] =	vst.add.f32.msk $0xffff, v4  }
0x245: {  	s5 =	sld [smem:$0x7D2];
	_ =	sdelay $0x1  }
0x246: {  	s11 =	simm.s32 $0x0  }
0x247: {  	[hbm4b:s5+s11] =	stream.linear.scatter [tilespmem:s20], [sflag:$0xB], $0x4000, $0x38;
	[tilespmem:$0x1C000] =	vst v63  }
0x248: {  	_ =	swait.ge [sflag:s30], $0x4000  }
0x249: {  	s12 =	sld [smem:$0x7DA]  }
0x24a: {  	s13 =	simm.s32 $0x0;
	[sflag:s30] =	ssyncset.done $0x0  }
0x24b: {  	s6 =	sand.u32 $0x2000, s13;
	s8 =	sand.u32 $0x1C00, s11;
	[sflag:s30] =	ssyncadd.s32 $0xFFFFC000  }
0x24c: {  	[tilespmem:s17], [sflag:$0x5] =	stream.linear.gather [hbm4b:s12+s11], $0x4000, $0x38;
	[tilespmem:$0x1C000] =	vst v63  }
0x24d: {  	s4 =	sand.u32 $0x380, s11;
	s6 =	sor.u32 s6, s8;
	_ =	swait.ge [sflag:s31], $0x4000  }
0x24e: {  	s4 =	sor.u32 s4, s6;
	s5 =	sand.u32 $0x40, s13;
	[sflag:s31] =	ssyncset.done $0x0  }
0x24f: {  	s7 =	sor.u32 s5, s4;
	[sflag:s31] =	ssyncadd.s32 $0xFFFFC000  }
0x250: {  	v1 =	vld [tilespmem:s7+$0x4030]  }
0x251: {  	v2 =	vld [tilespmem:s7+$0x4000]  }
0x252: {  	s4 =	simm.s32 $0x40;
	s5 =	simm.s32 $0x200  }
0x253: {  	s6 =	simm.s32 $0x8;
	s9 =	sand.u32 $0x2000, s4;
	s10 =	sand.u32 $0x1C00, s5;
	v3 =	vld [tilespmem:s7+$0x4010]  }
0x254: {  	s8 =	sor.u32 s9, s10;
	s9 =	sand.u32 $0x380, s6;
	s12 =	sor.u32 $0x18030, s7;
	v0 =	vld [tilespmem:s7+$0x4020]  }
0x255: {  	s13 =	sand.u32 $0x40, s4;
	s8 =	sor.u32 s9, s8;
	s11 =	sor.u32 $0x18000, s7;
	[tilespmem:s12+$0x0] =	vst.add.f32.msk $0xffff, v1  }
0x256: {  	s10 =	sor.u32 s13, s8;
	[tilespmem:s11+$0x0] =	vst.add.f32.msk $0xffff, v2  }
0x257: {  	v1 =	vld [tilespmem:s10+$0x4030]  }
0x258: {  	s12 =	sor.u32 $0x18010, s7;
	v2 =	vld [tilespmem:s10+$0x4000]  }
0x259: {  	s9 =	sor.u32 $0x18000, s10;
	[tilespmem:s12+$0x0] =	vst.add.f32.msk $0xffff, v3  }
0x25a: {  	s8 =	sor.u32 $0x18020, s10;
	s11 =	sor.u32 $0x18020, s7;
	s7 =	sor.u32 $0x18010, s10;
	v3 =	vld [tilespmem:s10+$0x4010]  }
.LBB2_30:
0x25b: {  	s4 =	sadd.s32 $0x40, s4;
	v4 =	vld [tilespmem:s10+$0x4020];
	s5 =	sadd.s32 $0x200, s5;
	s6 =	sadd.s32 $0x8, s6  }
0x25c: {  	s10 =	sor.u32 $0x18030, s10;
	s12 =	sand.u32 $0x2000, s4;
	s13 =	sand.u32 $0x1C00, s5;
	[tilespmem:s11+$0x0] =	vst.add.f32.msk $0xffff, v0  }
0x25d: {  	p0 =	slt.u32 s4, $0x3FC0;
	s11 =	sor.u32 s12, s13;
	s12 =	sand.u32 $0x380, s6;
	[tilespmem:s10+$0x0] =	vst.add.f32.msk $0xffff, v1  }
.Ltmp14:
0x25e: {  	s10 =	sand.u32 $0x40, s4;
	s11 =	sor.u32 s12, s11;
	[tilespmem:s9+$0x0] =	vst.add.f32.msk $0xffff, v2;
	(pc) =	sbr.rel @p0 .LBB2_30-.Ltmp14, $4  }
0x25f: {  	s10 =	sor.u32 s10, s11;
	[tilespmem:s7+$0x0] =	vst.add.f32.msk $0xffff, v3;
	s11 =	smov.u32 s8  }
0x260: {  	s9 =	sor.u32 $0x18000, s10;
	s7 =	sor.u32 $0x18010, s10;
	s8 =	sor.u32 $0x18020, s10;
	v1 =	vld [tilespmem:s10+$0x4030];
	v0 =	vmov v4  }
0x261: {  	v2 =	vld [tilespmem:s10+$0x4000]  }
0x262: {  	v3 =	vld [tilespmem:s10+$0x4010]  }
0x263: {  	v4 =	vld [tilespmem:s10+$0x4020]  }
0x264: {  	s4 =	sor.u32 $0x18030, s10;
	[tilespmem:s11+$0x0] =	vst.add.f32.msk $0xffff, v0  }
0x265: {  	[tilespmem:s4+$0x0] =	vst.add.f32.msk $0xffff, v1  }
0x266: {  	[tilespmem:s9+$0x0] =	vst.add.f32.msk $0xffff, v2  }
0x267: {  	[tilespmem:s7+$0x0] =	vst.add.f32.msk $0xffff, v3  }
0x268: {  	[tilespmem:s8+$0x0] =	vst.add.f32.msk $0xffff, v4  }
0x269: {  	s5 =	sld [smem:$0x7D4];
	_ =	sdelay $0x1  }
0x26a: {  	s11 =	simm.s32 $0x0  }
0x26b: {  	[hbm4b:s5+s11] =	stream.linear.scatter [tilespmem:s22], [sflag:$0xC], $0x4000, $0x38;
	[tilespmem:$0x1C000] =	vst v63  }
0x26c: {  	_ =	swait.ge [sflag:s0], $0x4000  }
0x26d: {  	s12 =	sld [smem:$0x7DC]  }
0x26e: {  	s13 =	simm.s32 $0x0;
	[sflag:s0] =	ssyncset.done $0x0  }
0x26f: {  	s6 =	sand.u32 $0x2000, s13;
	s8 =	sand.u32 $0x1C00, s11;
	[sflag:s0] =	ssyncadd.s32 $0xFFFFC000  }
0x270: {  	[tilespmem:s20], [sflag:$0x6] =	stream.linear.gather [hbm4b:s12+s11], $0x4000, $0x38;
	[tilespmem:$0x1C000] =	vst v63  }
0x271: {  	s4 =	sand.u32 $0x380, s11;
	s6 =	sor.u32 s6, s8;
	_ =	swait.ge [sflag:s21], $0x4000  }
0x272: {  	s4 =	sor.u32 s4, s6;
	s5 =	sand.u32 $0x40, s13;
	[sflag:s21] =	ssyncset.done $0x0  }
0x273: {  	s7 =	sor.u32 s5, s4;
	[sflag:s21] =	ssyncadd.s32 $0xFFFFC000  }
0x274: {  	v1 =	vld [tilespmem:s7+$0x4030]  }
0x275: {  	v2 =	vld [tilespmem:s7+$0x4000]  }
0x276: {  	s4 =	simm.s32 $0x40;
	s5 =	simm.s32 $0x200  }
0x277: {  	s6 =	simm.s32 $0x8;
	s9 =	sand.u32 $0x2000, s4;
	s10 =	sand.u32 $0x1C00, s5;
	v3 =	vld [tilespmem:s7+$0x4010]  }
0x278: {  	s8 =	sor.u32 s9, s10;
	s9 =	sand.u32 $0x380, s6;
	s12 =	sor.u32 $0x8030, s7;
	v0 =	vld [tilespmem:s7+$0x4020]  }
0x279: {  	s13 =	sand.u32 $0x40, s4;
	s8 =	sor.u32 s9, s8;
	s11 =	sor.u32 $0x8000, s7;
	[tilespmem:s12+$0x0] =	vst.add.f32.msk $0xffff, v1  }
0x27a: {  	s10 =	sor.u32 s13, s8;
	[tilespmem:s11+$0x0] =	vst.add.f32.msk $0xffff, v2  }
0x27b: {  	v1 =	vld [tilespmem:s10+$0x4030]  }
0x27c: {  	s12 =	sor.u32 $0x8010, s7;
	v2 =	vld [tilespmem:s10+$0x4000]  }
0x27d: {  	s9 =	sor.u32 $0x8000, s10;
	[tilespmem:s12+$0x0] =	vst.add.f32.msk $0xffff, v3  }
0x27e: {  	s8 =	sor.u32 $0x8020, s10;
	s11 =	sor.u32 $0x8020, s7;
	s7 =	sor.u32 $0x8010, s10;
	v3 =	vld [tilespmem:s10+$0x4010]  }
.LBB2_32:
0x27f: {  	s4 =	sadd.s32 $0x40, s4;
	v4 =	vld [tilespmem:s10+$0x4020];
	s5 =	sadd.s32 $0x200, s5;
	s6 =	sadd.s32 $0x8, s6  }
0x280: {  	s10 =	sor.u32 $0x8030, s10;
	s12 =	sand.u32 $0x2000, s4;
	s13 =	sand.u32 $0x1C00, s5;
	[tilespmem:s11+$0x0] =	vst.add.f32.msk $0xffff, v0  }
0x281: {  	p0 =	slt.u32 s4, $0x3FC0;
	s11 =	sor.u32 s12, s13;
	s12 =	sand.u32 $0x380, s6;
	[tilespmem:s10+$0x0] =	vst.add.f32.msk $0xffff, v1  }
.Ltmp15:
0x282: {  	s10 =	sand.u32 $0x40, s4;
	s11 =	sor.u32 s12, s11;
	[tilespmem:s9+$0x0] =	vst.add.f32.msk $0xffff, v2;
	(pc) =	sbr.rel @p0 .LBB2_32-.Ltmp15, $4  }
0x283: {  	s10 =	sor.u32 s10, s11;
	[tilespmem:s7+$0x0] =	vst.add.f32.msk $0xffff, v3;
	s11 =	smov.u32 s8  }
0x284: {  	s9 =	sor.u32 $0x8000, s10;
	s7 =	sor.u32 $0x8010, s10;
	s8 =	sor.u32 $0x8020, s10;
	v1 =	vld [tilespmem:s10+$0x4030];
	v0 =	vmov v4  }
0x285: {  	v2 =	vld [tilespmem:s10+$0x4000]  }
0x286: {  	v3 =	vld [tilespmem:s10+$0x4010]  }
0x287: {  	v4 =	vld [tilespmem:s10+$0x4020]  }
0x288: {  	s4 =	sor.u32 $0x8030, s10;
	[tilespmem:s11+$0x0] =	vst.add.f32.msk $0xffff, v0  }
0x289: {  	[tilespmem:s4+$0x0] =	vst.add.f32.msk $0xffff, v1  }
0x28a: {  	[tilespmem:s9+$0x0] =	vst.add.f32.msk $0xffff, v2  }
0x28b: {  	[tilespmem:s7+$0x0] =	vst.add.f32.msk $0xffff, v3  }
0x28c: {  	[tilespmem:s8+$0x0] =	vst.add.f32.msk $0xffff, v4  }
0x28d: {  	s5 =	sld [smem:$0x7D6];
	_ =	sdelay $0x1  }
0x28e: {  	s10 =	simm.s32 $0x0  }
0x28f: {  	[hbm4b:s5+s10] =	stream.linear.scatter [tilespmem:s15], [sflag:$0x8], $0x4000, $0x38;
	[tilespmem:$0x1C000] =	vst v63  }
0x290: {  	_ =	swait.ge [sflag:s18], $0x4000  }
0x291: {  	s11 =	sld [smem:$0x7E0]  }
0x292: {  	[sflag:s18] =	ssyncset.done $0x0  }
0x293: {  	[sflag:s18] =	ssyncadd.s32 $0xFFFFC000  }
0x294: {  	[tilespmem:s19], [sflag:$0x2] =	stream.linear.gather [hbm4b:s11+s10], $0x4000, $0x38;
	[tilespmem:$0x1C000] =	vst v63  }
0x295: {  	_ =	swait.ge [sflag:s2], $0x4000  }
0x296: {  	s12 =	sld [smem:$0x7DE]  }
0x297: {  	s13 =	simm.s32 $0x0;
	[sflag:s2] =	ssyncset.done $0x0  }
0x298: {  	s6 =	sand.u32 $0x2000, s13;
	s8 =	sand.u32 $0x1C00, s10;
	[sflag:s2] =	ssyncadd.s32 $0xFFFFC000  }
0x299: {  	[tilespmem:s22], [sflag:$0x7] =	stream.linear.gather [hbm4b:s12+s10], $0x4000, $0x38;
	[tilespmem:$0x1C000] =	vst v63  }
0x29a: {  	s4 =	sand.u32 $0x380, s10;
	s6 =	sor.u32 s6, s8;
	_ =	swait.ge [sflag:s23], $0x4000  }
0x29b: {  	s4 =	sor.u32 s4, s6;
	s5 =	sand.u32 $0x40, s13;
	[sflag:s23] =	ssyncset.done $0x0  }
0x29c: {  	s7 =	sor.u32 s5, s4;
	[sflag:s23] =	ssyncadd.s32 $0xFFFFC000  }
0x29d: {  	v1 =	vld [tilespmem:s7+$0x30]  }
0x29e: {  	v2 =	vld [tilespmem:s7+$0x0]  }
0x29f: {  	s4 =	simm.s32 $0x40;
	s5 =	simm.s32 $0x200  }
0x2a0: {  	s6 =	simm.s32 $0x8;
	s9 =	sand.u32 $0x2000, s4;
	s10 =	sand.u32 $0x1C00, s5;
	v3 =	vld [tilespmem:s7+$0x10]  }
0x2a1: {  	s12 =	sor.u32 $0xC030, s7;
	s8 =	sor.u32 s9, s10;
	s9 =	sand.u32 $0x380, s6;
	v0 =	vld [tilespmem:s7+$0x20]  }
0x2a2: {  	s13 =	sand.u32 $0x40, s4;
	s11 =	sor.u32 $0xC000, s7;
	s8 =	sor.u32 s9, s8;
	[tilespmem:s12+$0x0] =	vst.add.f32.msk $0xffff, v1  }
0x2a3: {  	s10 =	sor.u32 s13, s8;
	[tilespmem:s11+$0x0] =	vst.add.f32.msk $0xffff, v2  }
0x2a4: {  	v1 =	vld [tilespmem:s10+$0x30]  }
0x2a5: {  	s12 =	sor.u32 $0xC010, s7;
	v2 =	vld [tilespmem:s10+$0x0]  }
0x2a6: {  	s9 =	sor.u32 $0xC000, s10;
	[tilespmem:s12+$0x0] =	vst.add.f32.msk $0xffff, v3  }
0x2a7: {  	s8 =	sor.u32 $0xC020, s10;
	s11 =	sor.u32 $0xC020, s7;
	s7 =	sor.u32 $0xC010, s10;
	v3 =	vld [tilespmem:s10+$0x10]  }
.LBB2_34:
0x2a8: {  	s4 =	sadd.s32 $0x40, s4;
	v4 =	vld [tilespmem:s10+$0x20];
	s5 =	sadd.s32 $0x200, s5;
	s6 =	sadd.s32 $0x8, s6  }
0x2a9: {  	s10 =	sor.u32 $0xC030, s10;
	s12 =	sand.u32 $0x2000, s4;
	s13 =	sand.u32 $0x1C00, s5;
	[tilespmem:s11+$0x0] =	vst.add.f32.msk $0xffff, v0  }
0x2aa: {  	p0 =	slt.u32 s4, $0x3FC0;
	s11 =	sor.u32 s12, s13;
	s12 =	sand.u32 $0x380, s6;
	[tilespmem:s10+$0x0] =	vst.add.f32.msk $0xffff, v1  }
.Ltmp16:
0x2ab: {  	s10 =	sand.u32 $0x40, s4;
	s11 =	sor.u32 s12, s11;
	[tilespmem:s9+$0x0] =	vst.add.f32.msk $0xffff, v2;
	(pc) =	sbr.rel @p0 .LBB2_34-.Ltmp16, $4  }
0x2ac: {  	s10 =	sor.u32 s10, s11;
	[tilespmem:s7+$0x0] =	vst.add.f32.msk $0xffff, v3;
	s11 =	smov.u32 s8  }
0x2ad: {  	s9 =	sor.u32 $0xC000, s10;
	s7 =	sor.u32 $0xC010, s10;
	s8 =	sor.u32 $0xC020, s10;
	v1 =	vld [tilespmem:s10+$0x30];
	v0 =	vmov v4  }
0x2ae: {  	v2 =	vld [tilespmem:s10+$0x0]  }
0x2af: {  	v3 =	vld [tilespmem:s10+$0x10]  }
0x2b0: {  	v4 =	vld [tilespmem:s10+$0x20]  }
0x2b1: {  	s4 =	sor.u32 $0xC030, s10;
	[tilespmem:s11+$0x0] =	vst.add.f32.msk $0xffff, v0  }
0x2b2: {  	[tilespmem:s4+$0x0] =	vst.add.f32.msk $0xffff, v1  }
0x2b3: {  	[tilespmem:s9+$0x0] =	vst.add.f32.msk $0xffff, v2  }
0x2b4: {  	[tilespmem:s7+$0x0] =	vst.add.f32.msk $0xffff, v3  }
0x2b5: {  	[tilespmem:s8+$0x0] =	vst.add.f32.msk $0xffff, v4  }
0x2b6: {  	s5 =	sld [smem:$0x7D9];
	_ =	sdelay $0x1  }
0x2b7: {  	s11 =	simm.s32 $0x0  }
0x2b8: {  	[hbm4b:s5+s11] =	stream.linear.scatter [tilespmem:s16], [sflag:$0x9], $0x4000, $0x38;
	[tilespmem:$0x1C000] =	vst v63  }
0x2b9: {  	_ =	swait.ge [sflag:s24], $0x4000  }
0x2ba: {  	s12 =	sld [smem:$0x7E1]  }
0x2bb: {  	s13 =	simm.s32 $0x0;
	[sflag:s24] =	ssyncset.done $0x0  }
0x2bc: {  	s6 =	sand.u32 $0x2000, s13;
	s8 =	sand.u32 $0x1C00, s11;
	[sflag:s24] =	ssyncadd.s32 $0xFFFFC000  }
0x2bd: {  	[tilespmem:s15], [sflag:$0x3] =	stream.linear.gather [hbm4b:s12+s11], $0x4000, $0x38;
	[tilespmem:$0x1C000] =	vst v63  }
0x2be: {  	s4 =	sand.u32 $0x380, s11;
	s6 =	sor.u32 s6, s8;
	_ =	swait.ge [sflag:s25], $0x4000  }
0x2bf: {  	s4 =	sor.u32 s4, s6;
	s5 =	sand.u32 $0x40, s13;
	[sflag:s25] =	ssyncset.done $0x0  }
0x2c0: {  	s7 =	sor.u32 s5, s4;
	[sflag:s25] =	ssyncadd.s32 $0xFFFFC000  }
0x2c1: {  	v1 =	vld [tilespmem:s7+$0x30]  }
0x2c2: {  	v2 =	vld [tilespmem:s7+$0x0]  }
0x2c3: {  	s4 =	simm.s32 $0x40;
	s5 =	simm.s32 $0x200  }
0x2c4: {  	s6 =	simm.s32 $0x8;
	s9 =	sand.u32 $0x2000, s4;
	s10 =	sand.u32 $0x1C00, s5;
	v3 =	vld [tilespmem:s7+$0x10]  }
0x2c5: {  	s8 =	sor.u32 s9, s10;
	s9 =	sand.u32 $0x380, s6;
	s12 =	sor.u32 $0x10030, s7;
	v0 =	vld [tilespmem:s7+$0x20]  }
0x2c6: {  	s13 =	sand.u32 $0x40, s4;
	s8 =	sor.u32 s9, s8;
	s11 =	sor.u32 $0x10000, s7;
	[tilespmem:s12+$0x0] =	vst.add.f32.msk $0xffff, v1  }
0x2c7: {  	s10 =	sor.u32 s13, s8;
	[tilespmem:s11+$0x0] =	vst.add.f32.msk $0xffff, v2  }
0x2c8: {  	v1 =	vld [tilespmem:s10+$0x30]  }
0x2c9: {  	s12 =	sor.u32 $0x10010, s7;
	v2 =	vld [tilespmem:s10+$0x0]  }
0x2ca: {  	s9 =	sor.u32 $0x10000, s10;
	[tilespmem:s12+$0x0] =	vst.add.f32.msk $0xffff, v3  }
0x2cb: {  	s8 =	sor.u32 $0x10020, s10;
	s11 =	sor.u32 $0x10020, s7;
	s7 =	sor.u32 $0x10010, s10;
	v3 =	vld [tilespmem:s10+$0x10]  }
.LBB2_36:
0x2cc: {  	s4 =	sadd.s32 $0x40, s4;
	v4 =	vld [tilespmem:s10+$0x20];
	s5 =	sadd.s32 $0x200, s5;
	s6 =	sadd.s32 $0x8, s6  }
0x2cd: {  	s10 =	sor.u32 $0x10030, s10;
	s12 =	sand.u32 $0x2000, s4;
	s13 =	sand.u32 $0x1C00, s5;
	[tilespmem:s11+$0x0] =	vst.add.f32.msk $0xffff, v0  }
0x2ce: {  	p0 =	slt.u32 s4, $0x3FC0;
	s11 =	sor.u32 s12, s13;
	s12 =	sand.u32 $0x380, s6;
	[tilespmem:s10+$0x0] =	vst.add.f32.msk $0xffff, v1  }
.Ltmp17:
0x2cf: {  	s10 =	sand.u32 $0x40, s4;
	s11 =	sor.u32 s12, s11;
	[tilespmem:s9+$0x0] =	vst.add.f32.msk $0xffff, v2;
	(pc) =	sbr.rel @p0 .LBB2_36-.Ltmp17, $4  }
0x2d0: {  	s10 =	sor.u32 s10, s11;
	[tilespmem:s7+$0x0] =	vst.add.f32.msk $0xffff, v3;
	s11 =	smov.u32 s8  }
0x2d1: {  	s9 =	sor.u32 $0x10000, s10;
	s7 =	sor.u32 $0x10010, s10;
	s8 =	sor.u32 $0x10020, s10;
	v1 =	vld [tilespmem:s10+$0x30];
	v0 =	vmov v4  }
0x2d2: {  	v2 =	vld [tilespmem:s10+$0x0]  }
0x2d3: {  	v3 =	vld [tilespmem:s10+$0x10]  }
0x2d4: {  	v4 =	vld [tilespmem:s10+$0x20]  }
0x2d5: {  	s4 =	sor.u32 $0x10030, s10;
	[tilespmem:s11+$0x0] =	vst.add.f32.msk $0xffff, v0  }
0x2d6: {  	[tilespmem:s4+$0x0] =	vst.add.f32.msk $0xffff, v1  }
0x2d7: {  	[tilespmem:s9+$0x0] =	vst.add.f32.msk $0xffff, v2  }
0x2d8: {  	[tilespmem:s7+$0x0] =	vst.add.f32.msk $0xffff, v3  }
0x2d9: {  	[tilespmem:s8+$0x0] =	vst.add.f32.msk $0xffff, v4  }
0x2da: {  	s5 =	sld [smem:$0x7DB];
	_ =	sdelay $0x1  }
0x2db: {  	s11 =	simm.s32 $0x0  }
0x2dc: {  	[hbm4b:s5+s11] =	stream.linear.scatter [tilespmem:s17], [sflag:$0xA], $0x4000, $0x38;
	[tilespmem:$0x1C000] =	vst v63  }
0x2dd: {  	_ =	swait.ge [sflag:s26], $0x4000  }
0x2de: {  	s12 =	sld [smem:$0x7E3]  }
0x2df: {  	s13 =	simm.s32 $0x0;
	[sflag:s26] =	ssyncset.done $0x0  }
0x2e0: {  	s6 =	sand.u32 $0x2000, s13;
	s8 =	sand.u32 $0x1C00, s11;
	[sflag:s26] =	ssyncadd.s32 $0xFFFFC000  }
0x2e1: {  	[tilespmem:s16], [sflag:$0x4] =	stream.linear.gather [hbm4b:s12+s11], $0x4000, $0x38;
	[tilespmem:$0x1C000] =	vst v63  }
0x2e2: {  	s4 =	sand.u32 $0x380, s11;
	s6 =	sor.u32 s6, s8;
	_ =	swait.ge [sflag:s28], $0x4000  }
0x2e3: {  	s4 =	sor.u32 s4, s6;
	s5 =	sand.u32 $0x40, s13;
	[sflag:s28] =	ssyncset.done $0x0  }
0x2e4: {  	s7 =	sor.u32 s5, s4;
	[sflag:s28] =	ssyncadd.s32 $0xFFFFC000  }
0x2e5: {  	v1 =	vld [tilespmem:s7+$0x30]  }
0x2e6: {  	v2 =	vld [tilespmem:s7+$0x0]  }
0x2e7: {  	s4 =	simm.s32 $0x40;
	s5 =	simm.s32 $0x200  }
0x2e8: {  	s6 =	simm.s32 $0x8;
	s9 =	sand.u32 $0x2000, s4;
	s10 =	sand.u32 $0x1C00, s5;
	v3 =	vld [tilespmem:s7+$0x10]  }
0x2e9: {  	s8 =	sor.u32 s9, s10;
	s9 =	sand.u32 $0x380, s6;
	s12 =	sor.u32 $0x14030, s7;
	v0 =	vld [tilespmem:s7+$0x20]  }
0x2ea: {  	s13 =	sand.u32 $0x40, s4;
	s8 =	sor.u32 s9, s8;
	s11 =	sor.u32 $0x14000, s7;
	[tilespmem:s12+$0x0] =	vst.add.f32.msk $0xffff, v1  }
0x2eb: {  	s10 =	sor.u32 s13, s8;
	[tilespmem:s11+$0x0] =	vst.add.f32.msk $0xffff, v2  }
0x2ec: {  	v1 =	vld [tilespmem:s10+$0x30]  }
0x2ed: {  	s12 =	sor.u32 $0x14010, s7;
	v2 =	vld [tilespmem:s10+$0x0]  }
0x2ee: {  	s9 =	sor.u32 $0x14000, s10;
	[tilespmem:s12+$0x0] =	vst.add.f32.msk $0xffff, v3  }
0x2ef: {  	s8 =	sor.u32 $0x14020, s10;
	s11 =	sor.u32 $0x14020, s7;
	s7 =	sor.u32 $0x14010, s10;
	v3 =	vld [tilespmem:s10+$0x10]  }
.LBB2_38:
0x2f0: {  	s4 =	sadd.s32 $0x40, s4;
	v4 =	vld [tilespmem:s10+$0x20];
	s5 =	sadd.s32 $0x200, s5;
	s6 =	sadd.s32 $0x8, s6  }
0x2f1: {  	s10 =	sor.u32 $0x14030, s10;
	s12 =	sand.u32 $0x2000, s4;
	s13 =	sand.u32 $0x1C00, s5;
	[tilespmem:s11+$0x0] =	vst.add.f32.msk $0xffff, v0  }
0x2f2: {  	p0 =	slt.u32 s4, $0x3FC0;
	s11 =	sor.u32 s12, s13;
	s12 =	sand.u32 $0x380, s6;
	[tilespmem:s10+$0x0] =	vst.add.f32.msk $0xffff, v1  }
.Ltmp18:
0x2f3: {  	s10 =	sand.u32 $0x40, s4;
	s11 =	sor.u32 s12, s11;
	[tilespmem:s9+$0x0] =	vst.add.f32.msk $0xffff, v2;
	(pc) =	sbr.rel @p0 .LBB2_38-.Ltmp18, $4  }
0x2f4: {  	s10 =	sor.u32 s10, s11;
	[tilespmem:s7+$0x0] =	vst.add.f32.msk $0xffff, v3;
	s11 =	smov.u32 s8  }
0x2f5: {  	s9 =	sor.u32 $0x14000, s10;
	s7 =	sor.u32 $0x14010, s10;
	s8 =	sor.u32 $0x14020, s10;
	v1 =	vld [tilespmem:s10+$0x30];
	v0 =	vmov v4  }
0x2f6: {  	v2 =	vld [tilespmem:s10+$0x0]  }
0x2f7: {  	v3 =	vld [tilespmem:s10+$0x10]  }
0x2f8: {  	v4 =	vld [tilespmem:s10+$0x20]  }
0x2f9: {  	s4 =	sor.u32 $0x14030, s10;
	[tilespmem:s11+$0x0] =	vst.add.f32.msk $0xffff, v0  }
0x2fa: {  	[tilespmem:s4+$0x0] =	vst.add.f32.msk $0xffff, v1  }
0x2fb: {  	[tilespmem:s9+$0x0] =	vst.add.f32.msk $0xffff, v2  }
0x2fc: {  	[tilespmem:s7+$0x0] =	vst.add.f32.msk $0xffff, v3  }
0x2fd: {  	[tilespmem:s8+$0x0] =	vst.add.f32.msk $0xffff, v4  }
0x2fe: {  	s5 =	sld [smem:$0x7DD];
	_ =	sdelay $0x1  }
0x2ff: {  	s11 =	simm.s32 $0x0  }
0x300: {  	[hbm4b:s5+s11] =	stream.linear.scatter [tilespmem:s20], [sflag:$0xB], $0x4000, $0x38;
	[tilespmem:$0x1C000] =	vst v63  }
0x301: {  	_ =	swait.ge [sflag:s30], $0x4000  }
0x302: {  	s12 =	sld [smem:$0x7E5]  }
0x303: {  	s13 =	simm.s32 $0x0;
	[sflag:s30] =	ssyncset.done $0x0  }
0x304: {  	s6 =	sand.u32 $0x2000, s13;
	s8 =	sand.u32 $0x1C00, s11;
	[sflag:s30] =	ssyncadd.s32 $0xFFFFC000  }
0x305: {  	[tilespmem:s17], [sflag:$0x5] =	stream.linear.gather [hbm4b:s12+s11], $0x4000, $0x38;
	[tilespmem:$0x1C000] =	vst v63  }
0x306: {  	s4 =	sand.u32 $0x380, s11;
	s6 =	sor.u32 s6, s8;
	_ =	swait.ge [sflag:s31], $0x4000  }
0x307: {  	s4 =	sor.u32 s4, s6;
	s5 =	sand.u32 $0x40, s13;
	[sflag:s31] =	ssyncset.done $0x0  }
0x308: {  	s7 =	sor.u32 s5, s4;
	[sflag:s31] =	ssyncadd.s32 $0xFFFFC000  }
0x309: {  	v1 =	vld [tilespmem:s7+$0x30]  }
0x30a: {  	v2 =	vld [tilespmem:s7+$0x0]  }
0x30b: {  	s4 =	simm.s32 $0x40;
	s5 =	simm.s32 $0x200  }
0x30c: {  	s6 =	simm.s32 $0x8;
	s9 =	sand.u32 $0x2000, s4;
	s10 =	sand.u32 $0x1C00, s5;
	v3 =	vld [tilespmem:s7+$0x10]  }
0x30d: {  	s8 =	sor.u32 s9, s10;
	s9 =	sand.u32 $0x380, s6;
	s12 =	sor.u32 $0x18030, s7;
	v0 =	vld [tilespmem:s7+$0x20]  }
0x30e: {  	s13 =	sand.u32 $0x40, s4;
	s8 =	sor.u32 s9, s8;
	s11 =	sor.u32 $0x18000, s7;
	[tilespmem:s12+$0x0] =	vst.add.f32.msk $0xffff, v1  }
0x30f: {  	s10 =	sor.u32 s13, s8;
	[tilespmem:s11+$0x0] =	vst.add.f32.msk $0xffff, v2  }
0x310: {  	v1 =	vld [tilespmem:s10+$0x30]  }
0x311: {  	s12 =	sor.u32 $0x18010, s7;
	v2 =	vld [tilespmem:s10+$0x0]  }
0x312: {  	s9 =	sor.u32 $0x18000, s10;
	[tilespmem:s12+$0x0] =	vst.add.f32.msk $0xffff, v3  }
0x313: {  	s8 =	sor.u32 $0x18020, s10;
	s11 =	sor.u32 $0x18020, s7;
	s7 =	sor.u32 $0x18010, s10;
	v3 =	vld [tilespmem:s10+$0x10]  }
.LBB2_40:
0x314: {  	s4 =	sadd.s32 $0x40, s4;
	v4 =	vld [tilespmem:s10+$0x20];
	s5 =	sadd.s32 $0x200, s5;
	s6 =	sadd.s32 $0x8, s6  }
0x315: {  	s10 =	sor.u32 $0x18030, s10;
	s12 =	sand.u32 $0x2000, s4;
	s13 =	sand.u32 $0x1C00, s5;
	[tilespmem:s11+$0x0] =	vst.add.f32.msk $0xffff, v0  }
0x316: {  	p0 =	slt.u32 s4, $0x3FC0;
	s11 =	sor.u32 s12, s13;
	s12 =	sand.u32 $0x380, s6;
	[tilespmem:s10+$0x0] =	vst.add.f32.msk $0xffff, v1  }
.Ltmp19:
0x317: {  	s10 =	sand.u32 $0x40, s4;
	s11 =	sor.u32 s12, s11;
	[tilespmem:s9+$0x0] =	vst.add.f32.msk $0xffff, v2;
	(pc) =	sbr.rel @p0 .LBB2_40-.Ltmp19, $4  }
0x318: {  	s10 =	sor.u32 s10, s11;
	[tilespmem:s7+$0x0] =	vst.add.f32.msk $0xffff, v3;
	s11 =	smov.u32 s8  }
0x319: {  	s9 =	sor.u32 $0x18000, s10;
	s7 =	sor.u32 $0x18010, s10;
	s8 =	sor.u32 $0x18020, s10;
	v1 =	vld [tilespmem:s10+$0x30];
	v0 =	vmov v4  }
0x31a: {  	v2 =	vld [tilespmem:s10+$0x0]  }
0x31b: {  	v3 =	vld [tilespmem:s10+$0x10]  }
0x31c: {  	v4 =	vld [tilespmem:s10+$0x20]  }
0x31d: {  	s4 =	sor.u32 $0x18030, s10;
	[tilespmem:s11+$0x0] =	vst.add.f32.msk $0xffff, v0  }
0x31e: {  	[tilespmem:s4+$0x0] =	vst.add.f32.msk $0xffff, v1  }
0x31f: {  	[tilespmem:s9+$0x0] =	vst.add.f32.msk $0xffff, v2  }
0x320: {  	[tilespmem:s7+$0x0] =	vst.add.f32.msk $0xffff, v3  }
0x321: {  	[tilespmem:s8+$0x0] =	vst.add.f32.msk $0xffff, v4  }
0x322: {  	s5 =	sld [smem:$0x7DF];
	_ =	sdelay $0x1  }
0x323: {  	s10 =	simm.s32 $0x0  }
0x324: {  	[hbm4b:s5+s10] =	stream.linear.scatter [tilespmem:s22], [sflag:$0xC], $0x4000, $0x38;
	[tilespmem:$0x1C000] =	vst v63  }
0x325: {  	_ =	swait.ge [sflag:s29], $0x4000  }
0x326: {  	s11 =	sld [smem:$0x7EA]  }
0x327: {  	[sflag:s29] =	ssyncset.done $0x0  }
0x328: {  	[sflag:s29] =	ssyncadd.s32 $0xFFFFC000  }
0x329: {  	[tilespmem:s10], [sflag:$0x1] =	stream.linear.gather [hbm4b:s11+s10], $0x4000, $0x38;
	[tilespmem:$0x1C000] =	vst v63  }
0x32a: {  	_ =	swait.ge [sflag:s0], $0x4000  }
0x32b: {  	s12 =	sld [smem:$0x7E7]  }
0x32c: {  	s13 =	simm.s32 $0x0;
	[sflag:s0] =	ssyncset.done $0x0  }
0x32d: {  	s6 =	sand.u32 $0x2000, s13;
	s8 =	sand.u32 $0x1C00, s10;
	[sflag:s0] =	ssyncadd.s32 $0xFFFFC000  }
0x32e: {  	[tilespmem:s20], [sflag:$0x6] =	stream.linear.gather [hbm4b:s12+s10], $0x4000, $0x38;
	[tilespmem:$0x1C000] =	vst v63  }
0x32f: {  	s4 =	sand.u32 $0x380, s10;
	s6 =	sor.u32 s6, s8;
	_ =	swait.ge [sflag:s21], $0x4000  }
0x330: {  	s4 =	sor.u32 s4, s6;
	s5 =	sand.u32 $0x40, s13;
	[sflag:s21] =	ssyncset.done $0x0  }
0x331: {  	s7 =	sor.u32 s5, s4;
	[sflag:s21] =	ssyncadd.s32 $0xFFFFC000  }
0x332: {  	v1 =	vld [tilespmem:s7+$0x4030]  }
0x333: {  	v2 =	vld [tilespmem:s7+$0x4000]  }
0x334: {  	s4 =	simm.s32 $0x40;
	s5 =	simm.s32 $0x200  }
0x335: {  	s6 =	simm.s32 $0x8;
	s9 =	sand.u32 $0x2000, s4;
	s10 =	sand.u32 $0x1C00, s5;
	v3 =	vld [tilespmem:s7+$0x4010]  }
0x336: {  	s12 =	sor.u32 $0x8030, s7;
	s8 =	sor.u32 s9, s10;
	s9 =	sand.u32 $0x380, s6;
	v0 =	vld [tilespmem:s7+$0x4020]  }
0x337: {  	s13 =	sand.u32 $0x40, s4;
	s11 =	sor.u32 $0x8000, s7;
	s8 =	sor.u32 s9, s8;
	[tilespmem:s12+$0x0] =	vst.add.f32.msk $0xffff, v1  }
0x338: {  	s10 =	sor.u32 s13, s8;
	[tilespmem:s11+$0x0] =	vst.add.f32.msk $0xffff, v2  }
0x339: {  	v1 =	vld [tilespmem:s10+$0x4030]  }
0x33a: {  	s12 =	sor.u32 $0x8010, s7;
	v2 =	vld [tilespmem:s10+$0x4000]  }
0x33b: {  	s9 =	sor.u32 $0x8000, s10;
	[tilespmem:s12+$0x0] =	vst.add.f32.msk $0xffff, v3  }
0x33c: {  	s8 =	sor.u32 $0x8020, s10;
	s11 =	sor.u32 $0x8020, s7;
	s7 =	sor.u32 $0x8010, s10;
	v3 =	vld [tilespmem:s10+$0x4010]  }
.LBB2_42:
0x33d: {  	s4 =	sadd.s32 $0x40, s4;
	v4 =	vld [tilespmem:s10+$0x4020];
	s5 =	sadd.s32 $0x200, s5;
	s6 =	sadd.s32 $0x8, s6  }
0x33e: {  	s10 =	sor.u32 $0x8030, s10;
	s12 =	sand.u32 $0x2000, s4;
	s13 =	sand.u32 $0x1C00, s5;
	[tilespmem:s11+$0x0] =	vst.add.f32.msk $0xffff, v0  }
0x33f: {  	p0 =	slt.u32 s4, $0x3FC0;
	s11 =	sor.u32 s12, s13;
	s12 =	sand.u32 $0x380, s6;
	[tilespmem:s10+$0x0] =	vst.add.f32.msk $0xffff, v1  }
.Ltmp20:
0x340: {  	s10 =	sand.u32 $0x40, s4;
	s11 =	sor.u32 s12, s11;
	[tilespmem:s9+$0x0] =	vst.add.f32.msk $0xffff, v2;
	(pc) =	sbr.rel @p0 .LBB2_42-.Ltmp20, $4  }
0x341: {  	s10 =	sor.u32 s10, s11;
	[tilespmem:s7+$0x0] =	vst.add.f32.msk $0xffff, v3;
	s11 =	smov.u32 s8  }
0x342: {  	s9 =	sor.u32 $0x8000, s10;
	s7 =	sor.u32 $0x8010, s10;
	s8 =	sor.u32 $0x8020, s10;
	v1 =	vld [tilespmem:s10+$0x4030];
	v0 =	vmov v4  }
0x343: {  	v2 =	vld [tilespmem:s10+$0x4000]  }
0x344: {  	v3 =	vld [tilespmem:s10+$0x4010]  }
0x345: {  	v4 =	vld [tilespmem:s10+$0x4020]  }
0x346: {  	s4 =	sor.u32 $0x8030, s10;
	[tilespmem:s11+$0x0] =	vst.add.f32.msk $0xffff, v0  }
0x347: {  	[tilespmem:s4+$0x0] =	vst.add.f32.msk $0xffff, v1  }
0x348: {  	[tilespmem:s9+$0x0] =	vst.add.f32.msk $0xffff, v2  }
0x349: {  	[tilespmem:s7+$0x0] =	vst.add.f32.msk $0xffff, v3  }
0x34a: {  	[tilespmem:s8+$0x0] =	vst.add.f32.msk $0xffff, v4  }
0x34b: {  	s5 =	sld [smem:$0x7E2];
	_ =	sdelay $0x1  }
0x34c: {  	s11 =	simm.s32 $0x0  }
0x34d: {  	[hbm4b:s5+s11] =	stream.linear.scatter [tilespmem:s15], [sflag:$0x8], $0x4000, $0x38;
	[tilespmem:$0x1C000] =	vst v63  }
0x34e: {  	_ =	swait.ge [sflag:s2], $0x4000  }
0x34f: {  	s12 =	sld [smem:$0x7EC]  }
0x350: {  	s13 =	simm.s32 $0x0;
	[sflag:s2] =	ssyncset.done $0x0  }
0x351: {  	s6 =	sand.u32 $0x2000, s13;
	s8 =	sand.u32 $0x1C00, s11;
	[sflag:s2] =	ssyncadd.s32 $0xFFFFC000  }
0x352: {  	[tilespmem:s22], [sflag:$0x7] =	stream.linear.gather [hbm4b:s12+s11], $0x4000, $0x38;
	[tilespmem:$0x1C000] =	vst v63  }
0x353: {  	s4 =	sand.u32 $0x380, s11;
	s6 =	sor.u32 s6, s8;
	_ =	swait.ge [sflag:s23], $0x4000  }
0x354: {  	s4 =	sor.u32 s4, s6;
	s5 =	sand.u32 $0x40, s13;
	[sflag:s23] =	ssyncset.done $0x0  }
0x355: {  	s7 =	sor.u32 s5, s4;
	[sflag:s23] =	ssyncadd.s32 $0xFFFFC000  }
0x356: {  	v1 =	vld [tilespmem:s7+$0x4030]  }
0x357: {  	v2 =	vld [tilespmem:s7+$0x4000]  }
0x358: {  	s4 =	simm.s32 $0x40;
	s5 =	simm.s32 $0x200  }
0x359: {  	s6 =	simm.s32 $0x8;
	s9 =	sand.u32 $0x2000, s4;
	s10 =	sand.u32 $0x1C00, s5;
	v3 =	vld [tilespmem:s7+$0x4010]  }
0x35a: {  	s8 =	sor.u32 s9, s10;
	s9 =	sand.u32 $0x380, s6;
	s12 =	sor.u32 $0xC030, s7;
	v0 =	vld [tilespmem:s7+$0x4020]  }
0x35b: {  	s13 =	sand.u32 $0x40, s4;
	s8 =	sor.u32 s9, s8;
	s11 =	sor.u32 $0xC000, s7;
	[tilespmem:s12+$0x0] =	vst.add.f32.msk $0xffff, v1  }
0x35c: {  	s10 =	sor.u32 s13, s8;
	[tilespmem:s11+$0x0] =	vst.add.f32.msk $0xffff, v2  }
0x35d: {  	v1 =	vld [tilespmem:s10+$0x4030]  }
0x35e: {  	s12 =	sor.u32 $0xC010, s7;
	v2 =	vld [tilespmem:s10+$0x4000]  }
0x35f: {  	s9 =	sor.u32 $0xC000, s10;
	[tilespmem:s12+$0x0] =	vst.add.f32.msk $0xffff, v3  }
0x360: {  	s8 =	sor.u32 $0xC020, s10;
	s11 =	sor.u32 $0xC020, s7;
	s7 =	sor.u32 $0xC010, s10;
	v3 =	vld [tilespmem:s10+$0x4010]  }
.LBB2_44:
0x361: {  	s4 =	sadd.s32 $0x40, s4;
	v4 =	vld [tilespmem:s10+$0x4020];
	s5 =	sadd.s32 $0x200, s5;
	s6 =	sadd.s32 $0x8, s6  }
0x362: {  	s10 =	sor.u32 $0xC030, s10;
	s12 =	sand.u32 $0x2000, s4;
	s13 =	sand.u32 $0x1C00, s5;
	[tilespmem:s11+$0x0] =	vst.add.f32.msk $0xffff, v0  }
0x363: {  	p0 =	slt.u32 s4, $0x3FC0;
	s11 =	sor.u32 s12, s13;
	s12 =	sand.u32 $0x380, s6;
	[tilespmem:s10+$0x0] =	vst.add.f32.msk $0xffff, v1  }
.Ltmp21:
0x364: {  	s10 =	sand.u32 $0x40, s4;
	s11 =	sor.u32 s12, s11;
	[tilespmem:s9+$0x0] =	vst.add.f32.msk $0xffff, v2;
	(pc) =	sbr.rel @p0 .LBB2_44-.Ltmp21, $4  }
0x365: {  	s10 =	sor.u32 s10, s11;
	[tilespmem:s7+$0x0] =	vst.add.f32.msk $0xffff, v3;
	s11 =	smov.u32 s8  }
0x366: {  	s9 =	sor.u32 $0xC000, s10;
	s7 =	sor.u32 $0xC010, s10;
	s8 =	sor.u32 $0xC020, s10;
	v1 =	vld [tilespmem:s10+$0x4030];
	v0 =	vmov v4  }
0x367: {  	v2 =	vld [tilespmem:s10+$0x4000]  }
0x368: {  	v3 =	vld [tilespmem:s10+$0x4010]  }
0x369: {  	v4 =	vld [tilespmem:s10+$0x4020]  }
0x36a: {  	s4 =	sor.u32 $0xC030, s10;
	[tilespmem:s11+$0x0] =	vst.add.f32.msk $0xffff, v0  }
0x36b: {  	[tilespmem:s4+$0x0] =	vst.add.f32.msk $0xffff, v1  }
0x36c: {  	[tilespmem:s9+$0x0] =	vst.add.f32.msk $0xffff, v2  }
0x36d: {  	[tilespmem:s7+$0x0] =	vst.add.f32.msk $0xffff, v3  }
0x36e: {  	[tilespmem:s8+$0x0] =	vst.add.f32.msk $0xffff, v4  }
0x36f: {  	s5 =	sld [smem:$0x7E4];
	_ =	sdelay $0x1  }
0x370: {  	s11 =	simm.s32 $0x0  }
0x371: {  	[hbm4b:s5+s11] =	stream.linear.scatter [tilespmem:s16], [sflag:$0x9], $0x4000, $0x38;
	[tilespmem:$0x1C000] =	vst v63  }
0x372: {  	_ =	swait.ge [sflag:s24], $0x4000  }
0x373: {  	s12 =	sld [smem:$0x7EE]  }
0x374: {  	s13 =	simm.s32 $0x0;
	[sflag:s24] =	ssyncset.done $0x0  }
0x375: {  	s6 =	sand.u32 $0x2000, s13;
	s8 =	sand.u32 $0x1C00, s11;
	[sflag:s24] =	ssyncadd.s32 $0xFFFFC000  }
0x376: {  	[tilespmem:s15], [sflag:$0x3] =	stream.linear.gather [hbm4b:s12+s11], $0x4000, $0x38;
	[tilespmem:$0x1C000] =	vst v63  }
0x377: {  	s4 =	sand.u32 $0x380, s11;
	s6 =	sor.u32 s6, s8;
	_ =	swait.ge [sflag:s25], $0x4000  }
0x378: {  	s4 =	sor.u32 s4, s6;
	s5 =	sand.u32 $0x40, s13;
	[sflag:s25] =	ssyncset.done $0x0  }
0x379: {  	s7 =	sor.u32 s5, s4;
	[sflag:s25] =	ssyncadd.s32 $0xFFFFC000  }
0x37a: {  	v1 =	vld [tilespmem:s7+$0x4030]  }
0x37b: {  	v2 =	vld [tilespmem:s7+$0x4000]  }
0x37c: {  	s4 =	simm.s32 $0x40;
	s5 =	simm.s32 $0x200  }
0x37d: {  	s6 =	simm.s32 $0x8;
	s9 =	sand.u32 $0x2000, s4;
	s10 =	sand.u32 $0x1C00, s5;
	v3 =	vld [tilespmem:s7+$0x4010]  }
0x37e: {  	s8 =	sor.u32 s9, s10;
	s9 =	sand.u32 $0x380, s6;
	s12 =	sor.u32 $0x10030, s7;
	v0 =	vld [tilespmem:s7+$0x4020]  }
0x37f: {  	s13 =	sand.u32 $0x40, s4;
	s8 =	sor.u32 s9, s8;
	s11 =	sor.u32 $0x10000, s7;
	[tilespmem:s12+$0x0] =	vst.add.f32.msk $0xffff, v1  }
0x380: {  	s10 =	sor.u32 s13, s8;
	[tilespmem:s11+$0x0] =	vst.add.f32.msk $0xffff, v2  }
0x381: {  	v1 =	vld [tilespmem:s10+$0x4030]  }
0x382: {  	s12 =	sor.u32 $0x10010, s7;
	v2 =	vld [tilespmem:s10+$0x4000]  }
0x383: {  	s9 =	sor.u32 $0x10000, s10;
	[tilespmem:s12+$0x0] =	vst.add.f32.msk $0xffff, v3  }
0x384: {  	s8 =	sor.u32 $0x10020, s10;
	s11 =	sor.u32 $0x10020, s7;
	s7 =	sor.u32 $0x10010, s10;
	v3 =	vld [tilespmem:s10+$0x4010]  }
.LBB2_46:
0x385: {  	s4 =	sadd.s32 $0x40, s4;
	v4 =	vld [tilespmem:s10+$0x4020];
	s5 =	sadd.s32 $0x200, s5;
	s6 =	sadd.s32 $0x8, s6  }
0x386: {  	s10 =	sor.u32 $0x10030, s10;
	s12 =	sand.u32 $0x2000, s4;
	s13 =	sand.u32 $0x1C00, s5;
	[tilespmem:s11+$0x0] =	vst.add.f32.msk $0xffff, v0  }
0x387: {  	p0 =	slt.u32 s4, $0x3FC0;
	s11 =	sor.u32 s12, s13;
	s12 =	sand.u32 $0x380, s6;
	[tilespmem:s10+$0x0] =	vst.add.f32.msk $0xffff, v1  }
.Ltmp22:
0x388: {  	s10 =	sand.u32 $0x40, s4;
	s11 =	sor.u32 s12, s11;
	[tilespmem:s9+$0x0] =	vst.add.f32.msk $0xffff, v2;
	(pc) =	sbr.rel @p0 .LBB2_46-.Ltmp22, $4  }
0x389: {  	s10 =	sor.u32 s10, s11;
	[tilespmem:s7+$0x0] =	vst.add.f32.msk $0xffff, v3;
	s11 =	smov.u32 s8  }
0x38a: {  	s9 =	sor.u32 $0x10000, s10;
	s7 =	sor.u32 $0x10010, s10;
	s8 =	sor.u32 $0x10020, s10;
	v1 =	vld [tilespmem:s10+$0x4030];
	v0 =	vmov v4  }
0x38b: {  	v2 =	vld [tilespmem:s10+$0x4000]  }
0x38c: {  	v3 =	vld [tilespmem:s10+$0x4010]  }
0x38d: {  	v4 =	vld [tilespmem:s10+$0x4020]  }
0x38e: {  	s4 =	sor.u32 $0x10030, s10;
	[tilespmem:s11+$0x0] =	vst.add.f32.msk $0xffff, v0  }
0x38f: {  	[tilespmem:s4+$0x0] =	vst.add.f32.msk $0xffff, v1  }
0x390: {  	[tilespmem:s9+$0x0] =	vst.add.f32.msk $0xffff, v2  }
0x391: {  	[tilespmem:s7+$0x0] =	vst.add.f32.msk $0xffff, v3  }
0x392: {  	[tilespmem:s8+$0x0] =	vst.add.f32.msk $0xffff, v4  }
0x393: {  	s5 =	sld [smem:$0x7E6];
	_ =	sdelay $0x1  }
0x394: {  	s11 =	simm.s32 $0x0  }
0x395: {  	[hbm4b:s5+s11] =	stream.linear.scatter [tilespmem:s17], [sflag:$0xA], $0x4000, $0x38;
	[tilespmem:$0x1C000] =	vst v63  }
0x396: {  	_ =	swait.ge [sflag:s26], $0x4000  }
0x397: {  	s12 =	sld [smem:$0x7F0]  }
0x398: {  	s13 =	simm.s32 $0x0;
	[sflag:s26] =	ssyncset.done $0x0  }
0x399: {  	s6 =	sand.u32 $0x2000, s13;
	s8 =	sand.u32 $0x1C00, s11;
	[sflag:s26] =	ssyncadd.s32 $0xFFFFC000  }
0x39a: {  	[tilespmem:s16], [sflag:$0x4] =	stream.linear.gather [hbm4b:s12+s11], $0x4000, $0x38;
	[tilespmem:$0x1C000] =	vst v63  }
0x39b: {  	s4 =	sand.u32 $0x380, s11;
	s6 =	sor.u32 s6, s8;
	_ =	swait.ge [sflag:s28], $0x4000  }
0x39c: {  	s4 =	sor.u32 s4, s6;
	s5 =	sand.u32 $0x40, s13;
	[sflag:s28] =	ssyncset.done $0x0  }
0x39d: {  	s7 =	sor.u32 s5, s4;
	[sflag:s28] =	ssyncadd.s32 $0xFFFFC000  }
0x39e: {  	v1 =	vld [tilespmem:s7+$0x4030]  }
0x39f: {  	v2 =	vld [tilespmem:s7+$0x4000]  }
0x3a0: {  	s4 =	simm.s32 $0x40;
	s5 =	simm.s32 $0x200  }
0x3a1: {  	s6 =	simm.s32 $0x8;
	s9 =	sand.u32 $0x2000, s4;
	s10 =	sand.u32 $0x1C00, s5;
	v3 =	vld [tilespmem:s7+$0x4010]  }
0x3a2: {  	s8 =	sor.u32 s9, s10;
	s9 =	sand.u32 $0x380, s6;
	s12 =	sor.u32 $0x14030, s7;
	v0 =	vld [tilespmem:s7+$0x4020]  }
0x3a3: {  	s13 =	sand.u32 $0x40, s4;
	s8 =	sor.u32 s9, s8;
	s11 =	sor.u32 $0x14000, s7;
	[tilespmem:s12+$0x0] =	vst.add.f32.msk $0xffff, v1  }
0x3a4: {  	s10 =	sor.u32 s13, s8;
	[tilespmem:s11+$0x0] =	vst.add.f32.msk $0xffff, v2  }
0x3a5: {  	v1 =	vld [tilespmem:s10+$0x4030]  }
0x3a6: {  	s12 =	sor.u32 $0x14010, s7;
	v2 =	vld [tilespmem:s10+$0x4000]  }
0x3a7: {  	s9 =	sor.u32 $0x14000, s10;
	[tilespmem:s12+$0x0] =	vst.add.f32.msk $0xffff, v3  }
0x3a8: {  	s8 =	sor.u32 $0x14020, s10;
	s11 =	sor.u32 $0x14020, s7;
	s7 =	sor.u32 $0x14010, s10;
	v3 =	vld [tilespmem:s10+$0x4010]  }
.LBB2_48:
0x3a9: {  	s4 =	sadd.s32 $0x40, s4;
	v4 =	vld [tilespmem:s10+$0x4020];
	s5 =	sadd.s32 $0x200, s5;
	s6 =	sadd.s32 $0x8, s6  }
0x3aa: {  	s10 =	sor.u32 $0x14030, s10;
	s12 =	sand.u32 $0x2000, s4;
	s13 =	sand.u32 $0x1C00, s5;
	[tilespmem:s11+$0x0] =	vst.add.f32.msk $0xffff, v0  }
0x3ab: {  	p0 =	slt.u32 s4, $0x3FC0;
	s11 =	sor.u32 s12, s13;
	s12 =	sand.u32 $0x380, s6;
	[tilespmem:s10+$0x0] =	vst.add.f32.msk $0xffff, v1  }
.Ltmp23:
0x3ac: {  	s10 =	sand.u32 $0x40, s4;
	s11 =	sor.u32 s12, s11;
	[tilespmem:s9+$0x0] =	vst.add.f32.msk $0xffff, v2;
	(pc) =	sbr.rel @p0 .LBB2_48-.Ltmp23, $4  }
0x3ad: {  	s10 =	sor.u32 s10, s11;
	[tilespmem:s7+$0x0] =	vst.add.f32.msk $0xffff, v3;
	s11 =	smov.u32 s8  }
0x3ae: {  	s9 =	sor.u32 $0x14000, s10;
	s7 =	sor.u32 $0x14010, s10;
	s8 =	sor.u32 $0x14020, s10;
	v1 =	vld [tilespmem:s10+$0x4030];
	v0 =	vmov v4  }
0x3af: {  	v2 =	vld [tilespmem:s10+$0x4000]  }
0x3b0: {  	v3 =	vld [tilespmem:s10+$0x4010]  }
0x3b1: {  	v4 =	vld [tilespmem:s10+$0x4020]  }
0x3b2: {  	s4 =	sor.u32 $0x14030, s10;
	[tilespmem:s11+$0x0] =	vst.add.f32.msk $0xffff, v0  }
0x3b3: {  	[tilespmem:s4+$0x0] =	vst.add.f32.msk $0xffff, v1  }
0x3b4: {  	[tilespmem:s9+$0x0] =	vst.add.f32.msk $0xffff, v2  }
0x3b5: {  	[tilespmem:s7+$0x0] =	vst.add.f32.msk $0xffff, v3  }
0x3b6: {  	[tilespmem:s8+$0x0] =	vst.add.f32.msk $0xffff, v4  }
0x3b7: {  	s5 =	sld [smem:$0x7E8];
	_ =	sdelay $0x1  }
0x3b8: {  	s10 =	simm.s32 $0x0  }
0x3b9: {  	[hbm4b:s5+s10] =	stream.linear.scatter [tilespmem:s20], [sflag:$0xB], $0x4000, $0x38;
	[tilespmem:$0x1C000] =	vst v63  }
0x3ba: {  	_ =	swait.ge [sflag:s18], $0x4000  }
0x3bb: {  	s11 =	sld [smem:$0x7EB]  }
0x3bc: {  	[sflag:s18] =	ssyncset.done $0x0  }
0x3bd: {  	[sflag:s18] =	ssyncadd.s32 $0xFFFFC000  }
0x3be: {  	[tilespmem:s19], [sflag:$0x2] =	stream.linear.gather [hbm4b:s11+s10], $0x4000, $0x38;
	[tilespmem:$0x1C000] =	vst v63  }
0x3bf: {  	_ =	swait.ge [sflag:s30], $0x4000  }
0x3c0: {  	s12 =	sld [smem:$0x7F2]  }
0x3c1: {  	s13 =	simm.s32 $0x0;
	[sflag:s30] =	ssyncset.done $0x0  }
0x3c2: {  	s6 =	sand.u32 $0x2000, s13;
	s8 =	sand.u32 $0x1C00, s10;
	[sflag:s30] =	ssyncadd.s32 $0xFFFFC000  }
0x3c3: {  	[tilespmem:s17], [sflag:$0x5] =	stream.linear.gather [hbm4b:s12+s10], $0x4000, $0x38;
	[tilespmem:$0x1C000] =	vst v63  }
0x3c4: {  	s4 =	sand.u32 $0x380, s10;
	s6 =	sor.u32 s6, s8;
	_ =	swait.ge [sflag:s31], $0x4000  }
0x3c5: {  	s4 =	sor.u32 s4, s6;
	s5 =	sand.u32 $0x40, s13;
	[sflag:s31] =	ssyncset.done $0x0  }
0x3c6: {  	s7 =	sor.u32 s5, s4;
	[sflag:s31] =	ssyncadd.s32 $0xFFFFC000  }
0x3c7: {  	v1 =	vld [tilespmem:s7+$0x30]  }
0x3c8: {  	v2 =	vld [tilespmem:s7+$0x0]  }
0x3c9: {  	s4 =	simm.s32 $0x40;
	s5 =	simm.s32 $0x200  }
0x3ca: {  	s6 =	simm.s32 $0x8;
	s9 =	sand.u32 $0x2000, s4;
	s10 =	sand.u32 $0x1C00, s5;
	v3 =	vld [tilespmem:s7+$0x10]  }
0x3cb: {  	s12 =	sor.u32 $0x18030, s7;
	s8 =	sor.u32 s9, s10;
	s9 =	sand.u32 $0x380, s6;
	v0 =	vld [tilespmem:s7+$0x20]  }
0x3cc: {  	s13 =	sand.u32 $0x40, s4;
	s11 =	sor.u32 $0x18000, s7;
	s8 =	sor.u32 s9, s8;
	[tilespmem:s12+$0x0] =	vst.add.f32.msk $0xffff, v1  }
0x3cd: {  	s10 =	sor.u32 s13, s8;
	[tilespmem:s11+$0x0] =	vst.add.f32.msk $0xffff, v2  }
0x3ce: {  	v1 =	vld [tilespmem:s10+$0x30]  }
0x3cf: {  	s12 =	sor.u32 $0x18010, s7;
	v2 =	vld [tilespmem:s10+$0x0]  }
0x3d0: {  	s9 =	sor.u32 $0x18000, s10;
	[tilespmem:s12+$0x0] =	vst.add.f32.msk $0xffff, v3  }
0x3d1: {  	s8 =	sor.u32 $0x18020, s10;
	s11 =	sor.u32 $0x18020, s7;
	s7 =	sor.u32 $0x18010, s10;
	v3 =	vld [tilespmem:s10+$0x10]  }
.LBB2_50:
0x3d2: {  	s4 =	sadd.s32 $0x40, s4;
	v4 =	vld [tilespmem:s10+$0x20];
	s5 =	sadd.s32 $0x200, s5;
	s6 =	sadd.s32 $0x8, s6  }
0x3d3: {  	s10 =	sor.u32 $0x18030, s10;
	s12 =	sand.u32 $0x2000, s4;
	s13 =	sand.u32 $0x1C00, s5;
	[tilespmem:s11+$0x0] =	vst.add.f32.msk $0xffff, v0  }
0x3d4: {  	p0 =	slt.u32 s4, $0x3FC0;
	s11 =	sor.u32 s12, s13;
	s12 =	sand.u32 $0x380, s6;
	[tilespmem:s10+$0x0] =	vst.add.f32.msk $0xffff, v1  }
.Ltmp24:
0x3d5: {  	s10 =	sand.u32 $0x40, s4;
	s11 =	sor.u32 s12, s11;
	[tilespmem:s9+$0x0] =	vst.add.f32.msk $0xffff, v2;
	(pc) =	sbr.rel @p0 .LBB2_50-.Ltmp24, $4  }
0x3d6: {  	s10 =	sor.u32 s10, s11;
	[tilespmem:s7+$0x0] =	vst.add.f32.msk $0xffff, v3;
	s11 =	smov.u32 s8  }
0x3d7: {  	s9 =	sor.u32 $0x18000, s10;
	s7 =	sor.u32 $0x18010, s10;
	s8 =	sor.u32 $0x18020, s10;
	v1 =	vld [tilespmem:s10+$0x30];
	v0 =	vmov v4  }
0x3d8: {  	v2 =	vld [tilespmem:s10+$0x0]  }
0x3d9: {  	v3 =	vld [tilespmem:s10+$0x10]  }
0x3da: {  	v4 =	vld [tilespmem:s10+$0x20]  }
0x3db: {  	s4 =	sor.u32 $0x18030, s10;
	[tilespmem:s11+$0x0] =	vst.add.f32.msk $0xffff, v0  }
0x3dc: {  	[tilespmem:s4+$0x0] =	vst.add.f32.msk $0xffff, v1  }
0x3dd: {  	[tilespmem:s9+$0x0] =	vst.add.f32.msk $0xffff, v2  }
0x3de: {  	[tilespmem:s7+$0x0] =	vst.add.f32.msk $0xffff, v3  }
0x3df: {  	[tilespmem:s8+$0x0] =	vst.add.f32.msk $0xffff, v4  }
0x3e0: {  	s5 =	sld [smem:$0x7ED];
	_ =	sdelay $0x1  }
0x3e1: {  	s11 =	simm.s32 $0x0  }
0x3e2: {  	[hbm4b:s5+s11] =	stream.linear.scatter [tilespmem:s22], [sflag:$0xC], $0x4000, $0x38;
	[tilespmem:$0x1C000] =	vst v63  }
0x3e3: {  	_ =	swait.ge [sflag:s0], $0x4000  }
0x3e4: {  	s12 =	sld [smem:$0x7F6]  }
0x3e5: {  	s13 =	simm.s32 $0x0;
	[sflag:s0] =	ssyncset.done $0x0  }
0x3e6: {  	s6 =	sand.u32 $0x2000, s13;
	s8 =	sand.u32 $0x1C00, s11;
	[sflag:s0] =	ssyncadd.s32 $0xFFFFC000  }
0x3e7: {  	[tilespmem:s20], [sflag:$0x6] =	stream.linear.gather [hbm4b:s12+s11], $0x4000, $0x38;
	[tilespmem:$0x1C000] =	vst v63  }
0x3e8: {  	s4 =	sand.u32 $0x380, s11;
	s6 =	sor.u32 s6, s8;
	_ =	swait.ge [sflag:s21], $0x4000  }
0x3e9: {  	s4 =	sor.u32 s4, s6;
	s5 =	sand.u32 $0x40, s13;
	[sflag:s21] =	ssyncset.done $0x0  }
0x3ea: {  	s7 =	sor.u32 s5, s4;
	[sflag:s21] =	ssyncadd.s32 $0xFFFFC000  }
0x3eb: {  	v1 =	vld [tilespmem:s7+$0x30]  }
0x3ec: {  	v2 =	vld [tilespmem:s7+$0x0]  }
0x3ed: {  	s4 =	simm.s32 $0x40;
	s5 =	simm.s32 $0x200  }
0x3ee: {  	s6 =	simm.s32 $0x8;
	s9 =	sand.u32 $0x2000, s4;
	s10 =	sand.u32 $0x1C00, s5;
	v3 =	vld [tilespmem:s7+$0x10]  }
0x3ef: {  	s8 =	sor.u32 s9, s10;
	s9 =	sand.u32 $0x380, s6;
	s12 =	sor.u32 $0x8030, s7;
	v0 =	vld [tilespmem:s7+$0x20]  }
0x3f0: {  	s13 =	sand.u32 $0x40, s4;
	s8 =	sor.u32 s9, s8;
	s11 =	sor.u32 $0x8000, s7;
	[tilespmem:s12+$0x0] =	vst.add.f32.msk $0xffff, v1  }
0x3f1: {  	s10 =	sor.u32 s13, s8;
	[tilespmem:s11+$0x0] =	vst.add.f32.msk $0xffff, v2  }
0x3f2: {  	v1 =	vld [tilespmem:s10+$0x30]  }
0x3f3: {  	s12 =	sor.u32 $0x8010, s7;
	v2 =	vld [tilespmem:s10+$0x0]  }
0x3f4: {  	s9 =	sor.u32 $0x8000, s10;
	[tilespmem:s12+$0x0] =	vst.add.f32.msk $0xffff, v3  }
0x3f5: {  	s8 =	sor.u32 $0x8020, s10;
	s11 =	sor.u32 $0x8020, s7;
	s7 =	sor.u32 $0x8010, s10;
	v3 =	vld [tilespmem:s10+$0x10]  }
.LBB2_52:
0x3f6: {  	s4 =	sadd.s32 $0x40, s4;
	v4 =	vld [tilespmem:s10+$0x20];
	s5 =	sadd.s32 $0x200, s5;
	s6 =	sadd.s32 $0x8, s6  }
0x3f7: {  	s10 =	sor.u32 $0x8030, s10;
	s12 =	sand.u32 $0x2000, s4;
	s13 =	sand.u32 $0x1C00, s5;
	[tilespmem:s11+$0x0] =	vst.add.f32.msk $0xffff, v0  }
0x3f8: {  	p0 =	slt.u32 s4, $0x3FC0;
	s11 =	sor.u32 s12, s13;
	s12 =	sand.u32 $0x380, s6;
	[tilespmem:s10+$0x0] =	vst.add.f32.msk $0xffff, v1  }
.Ltmp25:
0x3f9: {  	s10 =	sand.u32 $0x40, s4;
	s11 =	sor.u32 s12, s11;
	[tilespmem:s9+$0x0] =	vst.add.f32.msk $0xffff, v2;
	(pc) =	sbr.rel @p0 .LBB2_52-.Ltmp25, $4  }
0x3fa: {  	s10 =	sor.u32 s10, s11;
	[tilespmem:s7+$0x0] =	vst.add.f32.msk $0xffff, v3;
	s11 =	smov.u32 s8  }
0x3fb: {  	s9 =	sor.u32 $0x8000, s10;
	s7 =	sor.u32 $0x8010, s10;
	s8 =	sor.u32 $0x8020, s10;
	v1 =	vld [tilespmem:s10+$0x30];
	v0 =	vmov v4  }
0x3fc: {  	v2 =	vld [tilespmem:s10+$0x0]  }
0x3fd: {  	v3 =	vld [tilespmem:s10+$0x10]  }
0x3fe: {  	v4 =	vld [tilespmem:s10+$0x20]  }
0x3ff: {  	s4 =	sor.u32 $0x8030, s10;
	[tilespmem:s11+$0x0] =	vst.add.f32.msk $0xffff, v0  }
0x400: {  	[tilespmem:s4+$0x0] =	vst.add.f32.msk $0xffff, v1  }
0x401: {  	[tilespmem:s9+$0x0] =	vst.add.f32.msk $0xffff, v2  }
0x402: {  	[tilespmem:s7+$0x0] =	vst.add.f32.msk $0xffff, v3  }
0x403: {  	[tilespmem:s8+$0x0] =	vst.add.f32.msk $0xffff, v4  }
0x404: {  	s5 =	sld [smem:$0x7EF];
	_ =	sdelay $0x1  }
0x405: {  	s11 =	simm.s32 $0x0  }
0x406: {  	[hbm4b:s5+s11] =	stream.linear.scatter [tilespmem:s15], [sflag:$0x8], $0x4000, $0x38;
	[tilespmem:$0x1C000] =	vst v63  }
0x407: {  	_ =	swait.ge [sflag:s2], $0x4000  }
0x408: {  	s12 =	sld [smem:$0x7F7]  }
0x409: {  	s13 =	simm.s32 $0x0;
	[sflag:s2] =	ssyncset.done $0x0  }
0x40a: {  	s6 =	sand.u32 $0x2000, s13;
	s8 =	sand.u32 $0x1C00, s11;
	[sflag:s2] =	ssyncadd.s32 $0xFFFFC000  }
0x40b: {  	[tilespmem:s22], [sflag:$0x7] =	stream.linear.gather [hbm4b:s12+s11], $0x4000, $0x38;
	[tilespmem:$0x1C000] =	vst v63  }
0x40c: {  	s4 =	sand.u32 $0x380, s11;
	s6 =	sor.u32 s6, s8;
	_ =	swait.ge [sflag:s23], $0x4000  }
0x40d: {  	s4 =	sor.u32 s4, s6;
	s5 =	sand.u32 $0x40, s13;
	[sflag:s23] =	ssyncset.done $0x0  }
0x40e: {  	s7 =	sor.u32 s5, s4;
	[sflag:s23] =	ssyncadd.s32 $0xFFFFC000  }
0x40f: {  	v1 =	vld [tilespmem:s7+$0x30]  }
0x410: {  	v2 =	vld [tilespmem:s7+$0x0]  }
0x411: {  	s4 =	simm.s32 $0x40;
	s5 =	simm.s32 $0x200  }
0x412: {  	s6 =	simm.s32 $0x8;
	s9 =	sand.u32 $0x2000, s4;
	s10 =	sand.u32 $0x1C00, s5;
	v3 =	vld [tilespmem:s7+$0x10]  }
0x413: {  	s8 =	sor.u32 s9, s10;
	s9 =	sand.u32 $0x380, s6;
	s12 =	sor.u32 $0xC030, s7;
	v0 =	vld [tilespmem:s7+$0x20]  }
0x414: {  	s13 =	sand.u32 $0x40, s4;
	s8 =	sor.u32 s9, s8;
	s11 =	sor.u32 $0xC000, s7;
	[tilespmem:s12+$0x0] =	vst.add.f32.msk $0xffff, v1  }
0x415: {  	s10 =	sor.u32 s13, s8;
	[tilespmem:s11+$0x0] =	vst.add.f32.msk $0xffff, v2  }
0x416: {  	v1 =	vld [tilespmem:s10+$0x30]  }
0x417: {  	s12 =	sor.u32 $0xC010, s7;
	v2 =	vld [tilespmem:s10+$0x0]  }
0x418: {  	s9 =	sor.u32 $0xC000, s10;
	[tilespmem:s12+$0x0] =	vst.add.f32.msk $0xffff, v3  }
0x419: {  	s8 =	sor.u32 $0xC020, s10;
	s11 =	sor.u32 $0xC020, s7;
	s7 =	sor.u32 $0xC010, s10;
	v3 =	vld [tilespmem:s10+$0x10]  }
.LBB2_54:
0x41a: {  	s4 =	sadd.s32 $0x40, s4;
	v4 =	vld [tilespmem:s10+$0x20];
	s5 =	sadd.s32 $0x200, s5;
	s6 =	sadd.s32 $0x8, s6  }
0x41b: {  	s10 =	sor.u32 $0xC030, s10;
	s12 =	sand.u32 $0x2000, s4;
	s13 =	sand.u32 $0x1C00, s5;
	[tilespmem:s11+$0x0] =	vst.add.f32.msk $0xffff, v0  }
0x41c: {  	p0 =	slt.u32 s4, $0x3FC0;
	s11 =	sor.u32 s12, s13;
	s12 =	sand.u32 $0x380, s6;
	[tilespmem:s10+$0x0] =	vst.add.f32.msk $0xffff, v1  }
.Ltmp26:
0x41d: {  	s10 =	sand.u32 $0x40, s4;
	s11 =	sor.u32 s12, s11;
	[tilespmem:s9+$0x0] =	vst.add.f32.msk $0xffff, v2;
	(pc) =	sbr.rel @p0 .LBB2_54-.Ltmp26, $4  }
0x41e: {  	s10 =	sor.u32 s10, s11;
	[tilespmem:s7+$0x0] =	vst.add.f32.msk $0xffff, v3;
	s11 =	smov.u32 s8  }
0x41f: {  	s9 =	sor.u32 $0xC000, s10;
	s7 =	sor.u32 $0xC010, s10;
	s8 =	sor.u32 $0xC020, s10;
	v1 =	vld [tilespmem:s10+$0x30];
	v0 =	vmov v4  }
0x420: {  	v2 =	vld [tilespmem:s10+$0x0]  }
0x421: {  	v3 =	vld [tilespmem:s10+$0x10]  }
0x422: {  	v4 =	vld [tilespmem:s10+$0x20]  }
0x423: {  	s4 =	sor.u32 $0xC030, s10;
	[tilespmem:s11+$0x0] =	vst.add.f32.msk $0xffff, v0  }
0x424: {  	[tilespmem:s4+$0x0] =	vst.add.f32.msk $0xffff, v1  }
0x425: {  	[tilespmem:s9+$0x0] =	vst.add.f32.msk $0xffff, v2  }
0x426: {  	[tilespmem:s7+$0x0] =	vst.add.f32.msk $0xffff, v3  }
0x427: {  	[tilespmem:s8+$0x0] =	vst.add.f32.msk $0xffff, v4  }
0x428: {  	s5 =	sld [smem:$0x7F1];
	_ =	sdelay $0x1  }
0x429: {  	s11 =	simm.s32 $0x0  }
0x42a: {  	[hbm4b:s5+s11] =	stream.linear.scatter [tilespmem:s16], [sflag:$0x9], $0x4000, $0x38;
	[tilespmem:$0x1C000] =	vst v63  }
0x42b: {  	_ =	swait.ge [sflag:s24], $0x4000  }
0x42c: {  	s12 =	sld [smem:$0x7F8]  }
0x42d: {  	s13 =	simm.s32 $0x0;
	[sflag:s24] =	ssyncset.done $0x0  }
0x42e: {  	s6 =	sand.u32 $0x2000, s13;
	s8 =	sand.u32 $0x1C00, s11;
	[sflag:s24] =	ssyncadd.s32 $0xFFFFC000  }
0x42f: {  	[tilespmem:s15], [sflag:$0x3] =	stream.linear.gather [hbm4b:s12+s11], $0x4000, $0x38;
	[tilespmem:$0x1C000] =	vst v63  }
0x430: {  	s4 =	sand.u32 $0x380, s11;
	s6 =	sor.u32 s6, s8;
	_ =	swait.ge [sflag:s25], $0x4000  }
0x431: {  	s4 =	sor.u32 s4, s6;
	s5 =	sand.u32 $0x40, s13;
	[sflag:s25] =	ssyncset.done $0x0  }
0x432: {  	s7 =	sor.u32 s5, s4;
	[sflag:s25] =	ssyncadd.s32 $0xFFFFC000  }
0x433: {  	v1 =	vld [tilespmem:s7+$0x30]  }
0x434: {  	v2 =	vld [tilespmem:s7+$0x0]  }
0x435: {  	s4 =	simm.s32 $0x40;
	s5 =	simm.s32 $0x200  }
0x436: {  	s6 =	simm.s32 $0x8;
	s9 =	sand.u32 $0x2000, s4;
	s10 =	sand.u32 $0x1C00, s5;
	v3 =	vld [tilespmem:s7+$0x10]  }
0x437: {  	s8 =	sor.u32 s9, s10;
	s9 =	sand.u32 $0x380, s6;
	s12 =	sor.u32 $0x10030, s7;
	v0 =	vld [tilespmem:s7+$0x20]  }
0x438: {  	s13 =	sand.u32 $0x40, s4;
	s8 =	sor.u32 s9, s8;
	s11 =	sor.u32 $0x10000, s7;
	[tilespmem:s12+$0x0] =	vst.add.f32.msk $0xffff, v1  }
0x439: {  	s10 =	sor.u32 s13, s8;
	[tilespmem:s11+$0x0] =	vst.add.f32.msk $0xffff, v2  }
0x43a: {  	v1 =	vld [tilespmem:s10+$0x30]  }
0x43b: {  	s12 =	sor.u32 $0x10010, s7;
	v2 =	vld [tilespmem:s10+$0x0]  }
0x43c: {  	s9 =	sor.u32 $0x10000, s10;
	[tilespmem:s12+$0x0] =	vst.add.f32.msk $0xffff, v3  }
0x43d: {  	s8 =	sor.u32 $0x10020, s10;
	s11 =	sor.u32 $0x10020, s7;
	s7 =	sor.u32 $0x10010, s10;
	v3 =	vld [tilespmem:s10+$0x10]  }
.LBB2_56:
0x43e: {  	s4 =	sadd.s32 $0x40, s4;
	v4 =	vld [tilespmem:s10+$0x20];
	s5 =	sadd.s32 $0x200, s5;
	s6 =	sadd.s32 $0x8, s6  }
0x43f: {  	s10 =	sor.u32 $0x10030, s10;
	s12 =	sand.u32 $0x2000, s4;
	s13 =	sand.u32 $0x1C00, s5;
	[tilespmem:s11+$0x0] =	vst.add.f32.msk $0xffff, v0  }
0x440: {  	p0 =	slt.u32 s4, $0x3FC0;
	s11 =	sor.u32 s12, s13;
	s12 =	sand.u32 $0x380, s6;
	[tilespmem:s10+$0x0] =	vst.add.f32.msk $0xffff, v1  }
.Ltmp27:
0x441: {  	s10 =	sand.u32 $0x40, s4;
	s11 =	sor.u32 s12, s11;
	[tilespmem:s9+$0x0] =	vst.add.f32.msk $0xffff, v2;
	(pc) =	sbr.rel @p0 .LBB2_56-.Ltmp27, $4  }
0x442: {  	s10 =	sor.u32 s10, s11;
	[tilespmem:s7+$0x0] =	vst.add.f32.msk $0xffff, v3;
	s11 =	smov.u32 s8  }
0x443: {  	s9 =	sor.u32 $0x10000, s10;
	s7 =	sor.u32 $0x10010, s10;
	s8 =	sor.u32 $0x10020, s10;
	v1 =	vld [tilespmem:s10+$0x30];
	v0 =	vmov v4  }
0x444: {  	v2 =	vld [tilespmem:s10+$0x0]  }
0x445: {  	v3 =	vld [tilespmem:s10+$0x10]  }
0x446: {  	v4 =	vld [tilespmem:s10+$0x20]  }
0x447: {  	s4 =	sor.u32 $0x10030, s10;
	[tilespmem:s11+$0x0] =	vst.add.f32.msk $0xffff, v0  }
0x448: {  	[tilespmem:s4+$0x0] =	vst.add.f32.msk $0xffff, v1  }
0x449: {  	[tilespmem:s9+$0x0] =	vst.add.f32.msk $0xffff, v2  }
0x44a: {  	[tilespmem:s7+$0x0] =	vst.add.f32.msk $0xffff, v3  }
0x44b: {  	[tilespmem:s8+$0x0] =	vst.add.f32.msk $0xffff, v4  }
0x44c: {  	s5 =	sld [smem:$0x7F3];
	_ =	sdelay $0x1  }
0x44d: {  	s11 =	simm.s32 $0x0  }
0x44e: {  	[hbm4b:s5+s11] =	stream.linear.scatter [tilespmem:s17], [sflag:$0xA], $0x4000, $0x38;
	[tilespmem:$0x1C000] =	vst v63  }
0x44f: {  	_ =	swait.ge [sflag:s29], $0x4000  }
0x450: {  	[sflag:s29] =	ssyncset.done $0x0  }
0x451: {  	[sflag:s29] =	ssyncadd.s32 $0xFFFFC000  }
0x452: {  	_ =	swait.ge [sflag:s26], $0x4000  }
0x453: {  	s12 =	sld [smem:$0x7F9]  }
0x454: {  	s13 =	simm.s32 $0x0;
	[sflag:s26] =	ssyncset.done $0x0  }
0x455: {  	s6 =	sand.u32 $0x2000, s13;
	s8 =	sand.u32 $0x1C00, s11;
	[sflag:s26] =	ssyncadd.s32 $0xFFFFC000  }
0x456: {  	[tilespmem:s16], [sflag:$0x4] =	stream.linear.gather [hbm4b:s12+s11], $0x4000, $0x38;
	[tilespmem:$0x1C000] =	vst v63  }
0x457: {  	s4 =	sand.u32 $0x380, s11;
	s6 =	sor.u32 s6, s8;
	_ =	swait.ge [sflag:s28], $0x4000  }
0x458: {  	s4 =	sor.u32 s4, s6;
	s5 =	sand.u32 $0x40, s13;
	[sflag:s28] =	ssyncset.done $0x0  }
0x459: {  	s7 =	sor.u32 s5, s4;
	[sflag:s28] =	ssyncadd.s32 $0xFFFFC000  }
0x45a: {  	v1 =	vld [tilespmem:s7+$0x4030]  }
0x45b: {  	v2 =	vld [tilespmem:s7+$0x4000]  }
0x45c: {  	s4 =	simm.s32 $0x40;
	s5 =	simm.s32 $0x200  }
0x45d: {  	s6 =	simm.s32 $0x8;
	s9 =	sand.u32 $0x2000, s4;
	s10 =	sand.u32 $0x1C00, s5;
	v3 =	vld [tilespmem:s7+$0x4010]  }
0x45e: {  	s8 =	sor.u32 s9, s10;
	s9 =	sand.u32 $0x380, s6;
	s12 =	sor.u32 $0x14030, s7;
	v0 =	vld [tilespmem:s7+$0x4020]  }
0x45f: {  	s13 =	sand.u32 $0x40, s4;
	s8 =	sor.u32 s9, s8;
	s11 =	sor.u32 $0x14000, s7;
	[tilespmem:s12+$0x0] =	vst.add.f32.msk $0xffff, v1  }
0x460: {  	s10 =	sor.u32 s13, s8;
	[tilespmem:s11+$0x0] =	vst.add.f32.msk $0xffff, v2  }
0x461: {  	v1 =	vld [tilespmem:s10+$0x4030]  }
0x462: {  	s12 =	sor.u32 $0x14010, s7;
	v2 =	vld [tilespmem:s10+$0x4000]  }
0x463: {  	s9 =	sor.u32 $0x14000, s10;
	[tilespmem:s12+$0x0] =	vst.add.f32.msk $0xffff, v3  }
0x464: {  	s8 =	sor.u32 $0x14020, s10;
	s11 =	sor.u32 $0x14020, s7;
	s7 =	sor.u32 $0x14010, s10;
	v3 =	vld [tilespmem:s10+$0x4010]  }
.LBB2_58:
0x465: {  	s4 =	sadd.s32 $0x40, s4;
	v4 =	vld [tilespmem:s10+$0x4020];
	s5 =	sadd.s32 $0x200, s5;
	s6 =	sadd.s32 $0x8, s6  }
0x466: {  	s10 =	sor.u32 $0x14030, s10;
	s12 =	sand.u32 $0x2000, s4;
	s13 =	sand.u32 $0x1C00, s5;
	[tilespmem:s11+$0x0] =	vst.add.f32.msk $0xffff, v0  }
0x467: {  	p0 =	slt.u32 s4, $0x3FC0;
	s11 =	sor.u32 s12, s13;
	s12 =	sand.u32 $0x380, s6;
	[tilespmem:s10+$0x0] =	vst.add.f32.msk $0xffff, v1  }
.Ltmp28:
0x468: {  	s10 =	sand.u32 $0x40, s4;
	s11 =	sor.u32 s12, s11;
	[tilespmem:s9+$0x0] =	vst.add.f32.msk $0xffff, v2;
	(pc) =	sbr.rel @p0 .LBB2_58-.Ltmp28, $4  }
0x469: {  	s10 =	sor.u32 s10, s11;
	[tilespmem:s7+$0x0] =	vst.add.f32.msk $0xffff, v3;
	s11 =	smov.u32 s8  }
0x46a: {  	s9 =	sor.u32 $0x14000, s10;
	s7 =	sor.u32 $0x14010, s10;
	s8 =	sor.u32 $0x14020, s10;
	v1 =	vld [tilespmem:s10+$0x4030];
	v0 =	vmov v4  }
0x46b: {  	v2 =	vld [tilespmem:s10+$0x4000]  }
0x46c: {  	v3 =	vld [tilespmem:s10+$0x4010]  }
0x46d: {  	v4 =	vld [tilespmem:s10+$0x4020]  }
0x46e: {  	s4 =	sor.u32 $0x14030, s10;
	[tilespmem:s11+$0x0] =	vst.add.f32.msk $0xffff, v0  }
0x46f: {  	[tilespmem:s4+$0x0] =	vst.add.f32.msk $0xffff, v1  }
0x470: {  	[tilespmem:s9+$0x0] =	vst.add.f32.msk $0xffff, v2  }
0x471: {  	[tilespmem:s7+$0x0] =	vst.add.f32.msk $0xffff, v3  }
0x472: {  	[tilespmem:s8+$0x0] =	vst.add.f32.msk $0xffff, v4  }
0x473: {  	s5 =	sld [smem:$0x7FA]  }
0x474: {  	s12 =	simm.s32 $0x0;
	s13 =	simm.s32 $0x0  }
0x475: {  	s6 =	sand.u32 $0x2000, s13;
	s8 =	sand.u32 $0x1C00, s12  }
0x476: {  	[hbm4b:s5+s12] =	stream.linear.scatter [tilespmem:s20], [sflag:$0xB], $0x4000, $0x38;
	[tilespmem:$0x1C000] =	vst v63  }
0x477: {  	s4 =	sand.u32 $0x380, s12;
	s6 =	sor.u32 s6, s8;
	_ =	swait.ge [sflag:s31], $0x4000  }
0x478: {  	s4 =	sor.u32 s4, s6;
	s5 =	sand.u32 $0x40, s13;
	[sflag:s31] =	ssyncset.done $0x0  }
0x479: {  	s7 =	sor.u32 s5, s4;
	[sflag:s31] =	ssyncadd.s32 $0xFFFFC000  }
0x47a: {  	v1 =	vld [tilespmem:s7+$0x4030]  }
0x47b: {  	v2 =	vld [tilespmem:s7+$0x4000]  }
0x47c: {  	s4 =	simm.s32 $0x40;
	s5 =	simm.s32 $0x200  }
0x47d: {  	s6 =	simm.s32 $0x8;
	s9 =	sand.u32 $0x2000, s4;
	s10 =	sand.u32 $0x1C00, s5;
	v3 =	vld [tilespmem:s7+$0x4010]  }
0x47e: {  	s12 =	sor.u32 $0x18030, s7;
	s8 =	sor.u32 s9, s10;
	s9 =	sand.u32 $0x380, s6;
	v0 =	vld [tilespmem:s7+$0x4020]  }
0x47f: {  	s11 =	sor.u32 $0x18000, s7;
	s13 =	sand.u32 $0x40, s4;
	s8 =	sor.u32 s9, s8;
	[tilespmem:s12+$0x0] =	vst.add.f32.msk $0xffff, v1  }
0x480: {  	s10 =	sor.u32 s13, s8;
	[tilespmem:s11+$0x0] =	vst.add.f32.msk $0xffff, v2  }
0x481: {  	v1 =	vld [tilespmem:s10+$0x4030]  }
0x482: {  	s12 =	sor.u32 $0x18010, s7;
	v2 =	vld [tilespmem:s10+$0x4000]  }
0x483: {  	s9 =	sor.u32 $0x18000, s10;
	[tilespmem:s12+$0x0] =	vst.add.f32.msk $0xffff, v3  }
0x484: {  	s8 =	sor.u32 $0x18020, s10;
	s11 =	sor.u32 $0x18020, s7;
	s7 =	sor.u32 $0x18010, s10;
	v3 =	vld [tilespmem:s10+$0x4010]  }
.LBB2_60:
0x485: {  	s4 =	sadd.s32 $0x40, s4;
	v4 =	vld [tilespmem:s10+$0x4020];
	s5 =	sadd.s32 $0x200, s5;
	s6 =	sadd.s32 $0x8, s6  }
0x486: {  	s10 =	sor.u32 $0x18030, s10;
	s12 =	sand.u32 $0x2000, s4;
	s13 =	sand.u32 $0x1C00, s5;
	[tilespmem:s11+$0x0] =	vst.add.f32.msk $0xffff, v0  }
0x487: {  	p0 =	slt.u32 s4, $0x3FC0;
	s11 =	sor.u32 s12, s13;
	s12 =	sand.u32 $0x380, s6;
	[tilespmem:s10+$0x0] =	vst.add.f32.msk $0xffff, v1  }
.Ltmp29:
0x488: {  	s10 =	sand.u32 $0x40, s4;
	s11 =	sor.u32 s12, s11;
	[tilespmem:s9+$0x0] =	vst.add.f32.msk $0xffff, v2;
	(pc) =	sbr.rel @p0 .LBB2_60-.Ltmp29, $4  }
0x489: {  	s10 =	sor.u32 s10, s11;
	[tilespmem:s7+$0x0] =	vst.add.f32.msk $0xffff, v3;
	s11 =	smov.u32 s8  }
0x48a: {  	s9 =	sor.u32 $0x18000, s10;
	s7 =	sor.u32 $0x18010, s10;
	s8 =	sor.u32 $0x18020, s10;
	v1 =	vld [tilespmem:s10+$0x4030];
	v0 =	vmov v4  }
0x48b: {  	v2 =	vld [tilespmem:s10+$0x4000]  }
0x48c: {  	v3 =	vld [tilespmem:s10+$0x4010]  }
0x48d: {  	v4 =	vld [tilespmem:s10+$0x4020]  }
0x48e: {  	s4 =	sor.u32 $0x18030, s10;
	[tilespmem:s11+$0x0] =	vst.add.f32.msk $0xffff, v0  }
0x48f: {  	[tilespmem:s4+$0x0] =	vst.add.f32.msk $0xffff, v1  }
0x490: {  	[tilespmem:s9+$0x0] =	vst.add.f32.msk $0xffff, v2  }
0x491: {  	[tilespmem:s7+$0x0] =	vst.add.f32.msk $0xffff, v3  }
0x492: {  	[tilespmem:s8+$0x0] =	vst.add.f32.msk $0xffff, v4  }
0x493: {  	s5 =	sld [smem:$0x7FB]  }
0x494: {  	s12 =	simm.s32 $0x0;
	s13 =	simm.s32 $0x0  }
0x495: {  	s6 =	sand.u32 $0x2000, s13;
	s8 =	sand.u32 $0x1C00, s12  }
0x496: {  	[hbm4b:s5+s12] =	stream.linear.scatter [tilespmem:s22], [sflag:$0xC], $0x4000, $0x38;
	[tilespmem:$0x1C000] =	vst v63  }
0x497: {  	s4 =	sand.u32 $0x380, s12;
	s6 =	sor.u32 s6, s8;
	_ =	swait.ge [sflag:s21], $0x4000  }
0x498: {  	s4 =	sor.u32 s4, s6;
	s5 =	sand.u32 $0x40, s13;
	[sflag:s21] =	ssyncset.done $0x0  }
0x499: {  	s7 =	sor.u32 s5, s4;
	[sflag:s21] =	ssyncadd.s32 $0xFFFFC000  }
0x49a: {  	v1 =	vld [tilespmem:s7+$0x4030]  }
0x49b: {  	v2 =	vld [tilespmem:s7+$0x4000]  }
0x49c: {  	s4 =	simm.s32 $0x40;
	s5 =	simm.s32 $0x200  }
0x49d: {  	s6 =	simm.s32 $0x8;
	s9 =	sand.u32 $0x2000, s4;
	s10 =	sand.u32 $0x1C00, s5;
	v3 =	vld [tilespmem:s7+$0x4010]  }
0x49e: {  	s12 =	sor.u32 $0x8030, s7;
	s8 =	sor.u32 s9, s10;
	s9 =	sand.u32 $0x380, s6;
	v0 =	vld [tilespmem:s7+$0x4020]  }
0x49f: {  	s11 =	sor.u32 $0x8000, s7;
	s13 =	sand.u32 $0x40, s4;
	s8 =	sor.u32 s9, s8;
	[tilespmem:s12+$0x0] =	vst.add.f32.msk $0xffff, v1  }
0x4a0: {  	s10 =	sor.u32 s13, s8;
	[tilespmem:s11+$0x0] =	vst.add.f32.msk $0xffff, v2  }
0x4a1: {  	v1 =	vld [tilespmem:s10+$0x4030]  }
0x4a2: {  	s12 =	sor.u32 $0x8010, s7;
	v2 =	vld [tilespmem:s10+$0x4000]  }
0x4a3: {  	s9 =	sor.u32 $0x8000, s10;
	[tilespmem:s12+$0x0] =	vst.add.f32.msk $0xffff, v3  }
0x4a4: {  	s8 =	sor.u32 $0x8020, s10;
	s11 =	sor.u32 $0x8020, s7;
	s7 =	sor.u32 $0x8010, s10;
	v3 =	vld [tilespmem:s10+$0x4010]  }
.LBB2_62:
0x4a5: {  	s4 =	sadd.s32 $0x40, s4;
	v4 =	vld [tilespmem:s10+$0x4020];
	s5 =	sadd.s32 $0x200, s5;
	s6 =	sadd.s32 $0x8, s6  }
0x4a6: {  	s10 =	sor.u32 $0x8030, s10;
	s12 =	sand.u32 $0x2000, s4;
	s13 =	sand.u32 $0x1C00, s5;
	[tilespmem:s11+$0x0] =	vst.add.f32.msk $0xffff, v0  }
0x4a7: {  	p0 =	slt.u32 s4, $0x3FC0;
	s11 =	sor.u32 s12, s13;
	s12 =	sand.u32 $0x380, s6;
	[tilespmem:s10+$0x0] =	vst.add.f32.msk $0xffff, v1  }
.Ltmp30:
0x4a8: {  	s10 =	sand.u32 $0x40, s4;
	s11 =	sor.u32 s12, s11;
	[tilespmem:s9+$0x0] =	vst.add.f32.msk $0xffff, v2;
	(pc) =	sbr.rel @p0 .LBB2_62-.Ltmp30, $4  }
0x4a9: {  	s10 =	sor.u32 s10, s11;
	[tilespmem:s7+$0x0] =	vst.add.f32.msk $0xffff, v3;
	s11 =	smov.u32 s8  }
0x4aa: {  	s9 =	sor.u32 $0x8000, s10;
	s7 =	sor.u32 $0x8010, s10;
	s8 =	sor.u32 $0x8020, s10;
	v1 =	vld [tilespmem:s10+$0x4030];
	v0 =	vmov v4  }
0x4ab: {  	v2 =	vld [tilespmem:s10+$0x4000]  }
0x4ac: {  	v3 =	vld [tilespmem:s10+$0x4010]  }
0x4ad: {  	v4 =	vld [tilespmem:s10+$0x4020]  }
0x4ae: {  	s4 =	sor.u32 $0x8030, s10;
	[tilespmem:s11+$0x0] =	vst.add.f32.msk $0xffff, v0  }
0x4af: {  	[tilespmem:s4+$0x0] =	vst.add.f32.msk $0xffff, v1  }
0x4b0: {  	[tilespmem:s9+$0x0] =	vst.add.f32.msk $0xffff, v2  }
0x4b1: {  	[tilespmem:s7+$0x0] =	vst.add.f32.msk $0xffff, v3  }
0x4b2: {  	[tilespmem:s8+$0x0] =	vst.add.f32.msk $0xffff, v4  }
0x4b3: {  	s5 =	sld [smem:$0x7FC]  }
0x4b4: {  	s12 =	simm.s32 $0x0;
	s13 =	simm.s32 $0x0  }
0x4b5: {  	s6 =	sand.u32 $0x2000, s13;
	s8 =	sand.u32 $0x1C00, s12  }
0x4b6: {  	[hbm4b:s5+s12] =	stream.linear.scatter [tilespmem:s15], [sflag:$0x8], $0x4000, $0x38;
	[tilespmem:$0x1C000] =	vst v63  }
0x4b7: {  	s4 =	sand.u32 $0x380, s12;
	s6 =	sor.u32 s6, s8;
	_ =	swait.ge [sflag:s23], $0x4000  }
0x4b8: {  	s4 =	sor.u32 s4, s6;
	s5 =	sand.u32 $0x40, s13;
	[sflag:s23] =	ssyncset.done $0x0  }
0x4b9: {  	s7 =	sor.u32 s5, s4;
	[sflag:s23] =	ssyncadd.s32 $0xFFFFC000  }
0x4ba: {  	v1 =	vld [tilespmem:s7+$0x4030]  }
0x4bb: {  	v2 =	vld [tilespmem:s7+$0x4000]  }
0x4bc: {  	s4 =	simm.s32 $0x40;
	s5 =	simm.s32 $0x200  }
0x4bd: {  	s6 =	simm.s32 $0x8;
	s9 =	sand.u32 $0x2000, s4;
	s10 =	sand.u32 $0x1C00, s5;
	v3 =	vld [tilespmem:s7+$0x4010]  }
0x4be: {  	s12 =	sor.u32 $0xC030, s7;
	s8 =	sor.u32 s9, s10;
	s9 =	sand.u32 $0x380, s6;
	v0 =	vld [tilespmem:s7+$0x4020]  }
0x4bf: {  	s11 =	sor.u32 $0xC000, s7;
	s13 =	sand.u32 $0x40, s4;
	s8 =	sor.u32 s9, s8;
	[tilespmem:s12+$0x0] =	vst.add.f32.msk $0xffff, v1  }
0x4c0: {  	s10 =	sor.u32 s13, s8;
	[tilespmem:s11+$0x0] =	vst.add.f32.msk $0xffff, v2  }
0x4c1: {  	v1 =	vld [tilespmem:s10+$0x4030]  }
0x4c2: {  	s12 =	sor.u32 $0xC010, s7;
	v2 =	vld [tilespmem:s10+$0x4000]  }
0x4c3: {  	s9 =	sor.u32 $0xC000, s10;
	[tilespmem:s12+$0x0] =	vst.add.f32.msk $0xffff, v3  }
0x4c4: {  	s8 =	sor.u32 $0xC020, s10;
	s11 =	sor.u32 $0xC020, s7;
	s7 =	sor.u32 $0xC010, s10;
	v3 =	vld [tilespmem:s10+$0x4010]  }
.LBB2_64:
0x4c5: {  	s4 =	sadd.s32 $0x40, s4;
	v4 =	vld [tilespmem:s10+$0x4020];
	s5 =	sadd.s32 $0x200, s5;
	s6 =	sadd.s32 $0x8, s6  }
0x4c6: {  	s10 =	sor.u32 $0xC030, s10;
	s12 =	sand.u32 $0x2000, s4;
	s13 =	sand.u32 $0x1C00, s5;
	[tilespmem:s11+$0x0] =	vst.add.f32.msk $0xffff, v0  }
0x4c7: {  	p0 =	slt.u32 s4, $0x3FC0;
	s11 =	sor.u32 s12, s13;
	s12 =	sand.u32 $0x380, s6;
	[tilespmem:s10+$0x0] =	vst.add.f32.msk $0xffff, v1  }
.Ltmp31:
0x4c8: {  	s10 =	sand.u32 $0x40, s4;
	s11 =	sor.u32 s12, s11;
	[tilespmem:s9+$0x0] =	vst.add.f32.msk $0xffff, v2;
	(pc) =	sbr.rel @p0 .LBB2_64-.Ltmp31, $4  }
0x4c9: {  	s10 =	sor.u32 s10, s11;
	[tilespmem:s7+$0x0] =	vst.add.f32.msk $0xffff, v3;
	s11 =	smov.u32 s8  }
0x4ca: {  	s9 =	sor.u32 $0xC000, s10;
	s7 =	sor.u32 $0xC010, s10;
	s8 =	sor.u32 $0xC020, s10;
	v1 =	vld [tilespmem:s10+$0x4030];
	v0 =	vmov v4  }
0x4cb: {  	v2 =	vld [tilespmem:s10+$0x4000]  }
0x4cc: {  	v3 =	vld [tilespmem:s10+$0x4010]  }
0x4cd: {  	v4 =	vld [tilespmem:s10+$0x4020]  }
0x4ce: {  	s4 =	sor.u32 $0xC030, s10;
	[tilespmem:s11+$0x0] =	vst.add.f32.msk $0xffff, v0  }
0x4cf: {  	[tilespmem:s4+$0x0] =	vst.add.f32.msk $0xffff, v1  }
0x4d0: {  	[tilespmem:s9+$0x0] =	vst.add.f32.msk $0xffff, v2  }
0x4d1: {  	[tilespmem:s7+$0x0] =	vst.add.f32.msk $0xffff, v3  }
0x4d2: {  	[tilespmem:s8+$0x0] =	vst.add.f32.msk $0xffff, v4  }
0x4d3: {  	s4 =	sld [smem:$0x7FD];
	_ =	sdelay $0x2  }
0x4d4: {  	[hbm4b:s4+s1] =	stream.linear.scatter [tilespmem:s16], [sflag:$0x9], $0x4000, $0x38;
	[tilespmem:$0x1C000] =	vst v63  }
0x4d5: {  	_ =	swait.ge [sflag:s30], $0x4000  }
0x4d6: {  	[sflag:s30] =	ssyncset.done $0x0  }
0x4d7: {  	[sflag:s30] =	ssyncadd.s32 $0xFFFFC000  }
0x4d8: {  	_ =	swait.ge [sflag:s0], $0x4000  }
0x4d9: {  	[sflag:s0] =	ssyncset.done $0x0  }
0x4da: {  	[sflag:s0] =	ssyncadd.s32 $0xFFFFC000  }
0x4db: {  	_ =	swait.ge [sflag:s2], $0x4000  }
0x4dc: {  	[sflag:s2] =	ssyncset.done $0x0  }
0x4dd: {  	s3 =	sadd.s32 $0x1, s3;
	[sflag:s2] =	ssyncadd.s32 $0xFFFFC000  }
0x4de: {  	p0 =	sne.s32 s3, s14;
	_ =	swait.ge [sflag:s24], $0x4000  }
.Ltmp32:
0x4df: {  	[sflag:s24] =	ssyncset.done $0x0;
	(pc) =	sbr.rel @p0 .LBB2_1-.Ltmp32, $4  }
0x4e0: {  	[sflag:s24] =	ssyncadd.s32 $0xFFFFC000  }
0x4e1: {  	_ =	swait.ge [sflag:s26], $0x4000  }
0x4e2: {  	[sflag:s26] =	ssyncset.done $0x0  }
0x4e3: {  	[sflag:s26] =	ssyncadd.s32 $0xFFFFC000  }
0x4e4: {  	_ =	sfence.sel $0x180000  }
0x4e5: {  	[bflag:$0x0] =	sbarrier.arrive $0xFFFF  }
0x4e6: {  	_ =	strace $0x90000047  }
0x4e7: {  	s0 =	stileid.u32;
	[bflag:$0x2] =	sbarrier.arrive $0xFFFF  }
0x4e8: {  	p0 =	sne.s32 s0, $0x0;
	s0 =	rddreg [dreg:$0x3]  }
0x4e9: {  	s0 =	sadd.s32 @!p0 $0x100000, s0  }
0x4ea: {  	[sflag:s0] =	ssyncadd.tile.s32 @!p0 $0x1;
	_ =	shalt  }
.Lfunc_end2:
_tile_overlayer_lowered:
.L_overlay_start_2:
0x4eb: {  	(tag) =	ssettag $0x2  }
0x4ec: {  	s0 =	rddreg [dreg:$0x0];
	s2 =	stileid.u32  }
0x4ed: {  	s1 =	rddreg [dreg:$0x1];
	p0 =	sne.s32 s2, $0x0  }
0x4ee: {  	s3 =	rddreg [dreg:$0x2];
	[bflag:$0x3] =	sbarrier.arrive $0xFFFF;
	s2 =	simm.s32 @!p0 $0x1C0D  }
0x4ef: {  	[timem:s3], [sflag:s2] =	dma.local @!p0 [hbm:s0], s1  }
0x4f0: {  	s0 =	simm.s32 @!p0 $0xD  }
0x4f1: {  	_ =	swait.ge @!p0 [sflag:s0], s1  }
0x4f2: {  	s1 =	ssub.s32 @!p0 $0x0, s1;
	[sflag:s0] =	ssyncset.done @!p0 $0x0  }
0x4f3: {  	[sflag:s0] =	ssyncadd.s32 @!p0 s1  }
0x4f4: {  	[bflag:$0x3] =	sbarrier.arrive $0xFFFF  }
0x4f5: {  	_ =	shalt  }

</sc_bundles>
